<compile_context>
chip_gen: v7x
topology: tpu7x:2x2x1
jax: 0.10.2.dev20260603
libtpu: 0.0.44.dev20260713+nightly
codegen_flags: <defaults>
</compile_context>

<pallas_src>
import functools

import jax
import jax.numpy as jnp
from jax import lax
from jax.experimental import pallas as pl
from jax.experimental.pallas import tpu as pltpu
from jax.experimental.pallas import tpu_sc as plsc

N_NODES = 10000
N_EDGES = 320000
D = 128

NC = 2
NS = 16
NPW = N_NODES // NS
E_HALF = N_EDGES // NC

CHUNK = 4000
NCHUNK = E_HALF // CHUNK
GROUP = 16

_NEG_INF = float("-inf")


def _sc_agg_kernel(h_hbm, src_hbm, dst_hbm, out_hbm,
                   dstv, srcv, hit_src, hit_dst, rows_v, agg, sem):
    c = lax.axis_index("c")
    s = lax.axis_index("s")
    lo = s * NPW
    hi = lo + NPW
    ebase = c * E_HALF

    iota = lax.iota(jnp.int32, 16)
    neg = jnp.full((16,), _NEG_INF, jnp.float32)

    def init_body(i, _):
        agg[pl.ds(i * 16, 16)] = neg
        return 0

    lax.fori_loop(0, (NPW * D) // 16, init_body, 0)

    def chunk_body(ci, _):
        base = ebase + ci * CHUNK
        pltpu.sync_copy(dst_hbm.at[pl.ds(base, CHUNK)], dstv)
        pltpu.sync_copy(src_hbm.at[pl.ds(base, CHUNK)], srcv)

        def scan_body(i, cnt_v):
            d = dstv[pl.ds(i * 16, 16)]
            sv = srcv[pl.ds(i * 16, 16)]
            m = (d >= lo) & (d < hi)
            mi = jnp.where(m, jnp.int32(1), jnp.int32(0))
            pos = cnt_v + plsc.cumsum(mi) - mi
            plsc.store_scatter(hit_src, [pos], sv, mask=m)
            plsc.store_scatter(hit_dst, [pos], d - lo, mask=m)
            return cnt_v + plsc.all_reduce_population_count(m)

        cnt_v = lax.fori_loop(0, CHUNK // 16, scan_body,
                              jnp.zeros((16,), jnp.int32))
        cnt = cnt_v[0]

        ngroups = (cnt + (GROUP - 1)) // GROUP

        def group_body(g, _):
            gbase = g * GROUP
            idx = hit_src[pl.ds(gbase, GROUP)]
            idx = jnp.minimum(jnp.maximum(idx, 0), N_NODES - 1)
            pltpu.async_copy(h_hbm.at[idx], rows_v, sem).wait()
            dl = hit_dst[pl.ds(gbase, GROUP)]
            jmax = cnt - gbase

            for j in range(GROUP):
                @pl.when(j < jmax)
                def _merge(j=j):
                    d_s = dl[j]
                    off = d_s * D
                    for k in range(D // 16):
                        r = rows_v[j, pl.ds(k * 16, 16)]
                        a = agg[pl.ds(off + k * 16, 16)]
                        agg[pl.ds(off + k * 16, 16)] = jnp.maximum(a, r)

            return 0

        lax.fori_loop(0, ngroups, group_body, 0)
        return 0

    lax.fori_loop(0, NCHUNK, chunk_body, 0)

    pltpu.sync_copy(agg, out_hbm.at[pl.ds((c * N_NODES + lo) * D, NPW * D)])


@jax.jit
def _sc_agg(h, src, dst):
    mesh = plsc.VectorSubcoreMesh(core_axis_name="c", subcore_axis_name="s")
    f = functools.partial(
        pl.kernel,
        mesh=mesh,
        compiler_params=pltpu.CompilerParams(needs_layout_passes=False),
        out_type=jax.ShapeDtypeStruct((NC * N_NODES * D,), jnp.float32),
        scratch_types=[
            pltpu.VMEM((CHUNK,), jnp.int32),
            pltpu.VMEM((CHUNK,), jnp.int32),
            pltpu.VMEM((CHUNK + 16,), jnp.int32),
            pltpu.VMEM((CHUNK + 16,), jnp.int32),
            pltpu.VMEM((GROUP, D), jnp.float32),
            pltpu.VMEM((NPW * D,), jnp.float32),
            pltpu.SemaphoreType.DMA,
        ],
    )(_sc_agg_kernel)
    return f(h, src, dst)


ROWS_BLK = 400


def _tc_tail_kernel(h_ref, a0_ref, a1_ref, wt_ref, b_ref, g_ref, be_ref,
                    o_ref):
    ag = jnp.maximum(a0_ref[...], a1_ref[...])
    ag = jnp.where(ag == _NEG_INF, jnp.float32(0.0), ag)
    rst = h_ref[...] + ag
    x = jnp.dot(rst, wt_ref[...], preferred_element_type=jnp.float32)
    x = x + b_ref[...]
    x = jnp.maximum(x, jnp.float32(0.0))
    mean = jnp.mean(x, axis=1, keepdims=True)
    xc = x - mean
    var = jnp.mean(xc * xc, axis=1, keepdims=True)
    inv = lax.rsqrt(var + jnp.float32(1e-5))
    o_ref[...] = xc * inv * g_ref[...] + be_ref[...]


@jax.jit
def _tc_tail(h, a0, a1, wt, b2, g2, be2):
    grid = N_NODES // ROWS_BLK
    blk = pl.BlockSpec((ROWS_BLK, D), lambda i: (i, 0))
    full = pl.BlockSpec((D, D), lambda i: (0, 0))
    row = pl.BlockSpec((1, D), lambda i: (0, 0))
    return pl.pallas_call(
        _tc_tail_kernel,
        grid=(grid,),
        in_specs=[blk, blk, blk, full, row, row, row],
        out_specs=blk,
        out_shape=jax.ShapeDtypeStruct((N_NODES, D), jnp.float32),
    )(h, a0, a1, wt, b2, g2, be2)


def kernel(h, edge_index, W, b, ln_gamma, ln_beta):
    src = edge_index[0]
    dst = edge_index[1]
    aggs = _sc_agg(h, src, dst).reshape(NC, N_NODES, D)
    return _tc_tail(h, aggs[0], aggs[1], W.T, b.reshape(1, D),
                    ln_gamma.reshape(1, D), ln_beta.reshape(1, D))

# --- scband reference (transcript-rebuilt; emitter-appended) ---
"""Pipeline reference for scband-gin-layer-13271448945162 (READ-ONLY COPY).

The authoritative reference and input builder live on the scoring server;
editing this copy changes nothing except your own understanding.
"""

import jax, jax.numpy as jnp
import numpy as np

N_NODES = 10000
N_EDGES = 320000
D_FEAT = 128
D_HID = 128

def setup_inputs(seed: int = 0) -> dict:
    key = jax.random.key(seed)
    k1, k2, k3, k4 = jax.random.split(key, 4)
    h = jax.random.normal(k1, (N_NODES, D_FEAT), dtype=jnp.float32)
    edge_index = jax.random.randint(k2, (2, N_EDGES), 0, N_NODES, dtype=jnp.int32)
    # Linear(nfeat, nhid) parameters
    W = jax.random.normal(k3, (D_HID, D_FEAT), dtype=jnp.float32) * (1.0 / np.sqrt(D_FEAT))
    b = jnp.zeros((D_HID,), dtype=jnp.float32)
    # LayerNorm(nhid) parameters
    ln_gamma = jnp.ones((D_HID,), dtype=jnp.float32)
    ln_beta = jnp.zeros((D_HID,), dtype=jnp.float32)
    return {"h": h, "edge_index": edge_index, "W": W, "b": b, "ln_gamma": ln_gamma, "ln_beta": ln_beta}


def reference(h, edge_index, W, b, ln_gamma, ln_beta):
    # DGL GINConv with aggregator_type='max', init_eps=0, learn_eps=False,
    # apply_func = Linear(nfeat, nhid), activation = relu; followed by LayerNorm.
    n = h.shape[0]
    src = edge_index[0]
    dst = edge_index[1]
    msgs = jnp.take(h, src, axis=0)                      # gather source features along edges
    agg = jax.ops.segment_max(msgs, dst, num_segments=n)  # max-aggregate into dst nodes
    # nodes with no incoming edges get -inf from segment_max; DGL yields 0 there
    agg = jnp.where(jnp.isfinite(agg), agg, 0.0)
    eps = 0.0
    rst = (1.0 + eps) * h + agg
    x = rst @ W.T + b
    x = jax.nn.relu(x)
    # LayerNorm over last dim, eps=1e-5
    mean = jnp.mean(x, axis=-1, keepdims=True)
    var = jnp.mean((x - mean) ** 2, axis=-1, keepdims=True)
    y = (x - mean) / jnp.sqrt(var + 1e-5) * ln_gamma + ln_beta
    return y

if __name__ == "__main__":
    import jax
    _d = setup_inputs()
    print(jax.jit(kernel)(*tuple(_d.values())))

</pallas_src>

<mosaic_0001>
#map = affine_map<(d0, d1) -> (0, 0)>
#map1 = affine_map<(d0, d1) -> (0)>
module attributes {stable_mosaic.version = 14 : i64} {
  func.func @_sc_agg_kernel(%arg0: i32, %arg1: i32, %arg2: memref<10000x128xf32, #tpu.memory_space<hbm>>, %arg3: memref<320000xi32, #tpu.memory_space<hbm>>, %arg4: memref<320000xi32, #tpu.memory_space<hbm>>, %arg5: memref<2560000xf32, #tpu.memory_space<hbm>>, %arg6: memref<4000xi32, #tpu.memory_space<vmem>>, %arg7: memref<4000xi32, #tpu.memory_space<vmem>>, %arg8: memref<4016xi32, #tpu.memory_space<vmem>>, %arg9: memref<4016xi32, #tpu.memory_space<vmem>>, %arg10: memref<16x128xf32, #tpu.memory_space<vmem>>, %arg11: memref<80000xf32, #tpu.memory_space<vmem>>, %arg12: memref<!tpu.dma_semaphore, #tpu.memory_space<semaphore_mem>>) attributes {dimension_semantics = [#tpu.dimension_semantics<core_parallel>, #tpu.dimension_semantics<subcore_parallel>], iteration_bounds = array<i64: 2, 16>, scalar_prefetch = 0 : i64, scratch_operands = 7 : i64, tpu.core_type = #tpu.core_type<sc_vector_subcore>, window_params = [{transform_indices = #map}, {transform_indices = #map1}, {transform_indices = #map1}, {transform_indices = #map1}]} {
    %mul3A = arith.constant 625 : i32
    %mul3A_0 = arith.muli %arg1, %mul3A : i32
    %add3A = arith.constant 625 : i32
    %add3A_1 = arith.addi %mul3A_0, %add3A : i32
    %mul3A_2 = arith.constant 160000 : i32
    %mul3A_3 = arith.muli %arg0, %mul3A_2 : i32
    %iota3A = tpu.iota {dimensions = array<i32: 0>} : vector<16xi32>
    %broadcast_in_dim3A = arith.constant 0xFF800000 : f32
    %broadcast_in_dim3A_4 = vector.broadcast %broadcast_in_dim3A : f32 to vector<16xf32>
    %scan3A = arith.constant 0 : i32
    %scan3A_5 = arith.constant 0 : i32
    %scan3A_6 = arith.constant 5000 : i32
    %scan3A_7 = arith.addi %scan3A_5, %scan3A_6 : i32
    %scan3A_8 = arith.constant 1 : i32
    %scan3A_9 = scf.for %scan3A_23 = %scan3A_5 to %scan3A_7 step %scan3A_8 iter_args(%scan3A_24 = %scan3A) -> (i32)  : i32 {
      %mul3A_25 = arith.constant 16 : i32
      %mul3A_26 = arith.muli %scan3A_23, %mul3A_25 : i32
      %swap3A = arith.index_cast %mul3A_26 : i32 to index
      %swap3A_27 = tpu.vector_load %arg11[%swap3A] {strides = array<i32>} : memref<80000xf32, #tpu.memory_space<vmem>>, vector<16xf32>,
      tpu.vector_store %arg11[%swap3A], %broadcast_in_dim3A_4 {strides = array<i32>} : memref<80000xf32, #tpu.memory_space<vmem>>, vector<16xf32>,
      %scan3A_28 = arith.constant 0 : i32
      scf.yield %scan3A_28 : i32
    }
    %scan3A_10 = arith.constant 5000 : i32
    %scan3A_11 = arith.constant 0 : i32
    %scan3A_12 = arith.constant 0 : i32
    %scan3A_13 = arith.constant 40 : i32
    %scan3A_14 = arith.addi %scan3A_12, %scan3A_13 : i32
    %scan3A_15 = arith.constant 1 : i32
    %scan3A_16 = scf.for %scan3A_23 = %scan3A_12 to %scan3A_14 step %scan3A_15 iter_args(%scan3A_24 = %scan3A_11) -> (i32)  : i32 {
      %mul3A_25 = arith.constant 4000 : i32
      %mul3A_26 = arith.muli %scan3A_23, %mul3A_25 : i32
      %add3A_27 = arith.addi %mul3A_3, %mul3A_26 : i32
      "tpu.region"() ({
        %run_scoped3A = tpu.sem_alloc : memref<!tpu.dma_semaphore, #tpu.memory_space<semaphore_mem>>
        %dma_start3A = tpu.memref_slice %arg4[%add3A_27] : memref<320000xi32, #tpu.memory_space<hbm>> -> memref<4000xi32, #tpu.memory_space<hbm>>
        %dma_start3A_66 = tpu.memref_slice %arg4[%add3A_27] : memref<320000xi32, #tpu.memory_space<hbm>> -> memref<4000xi32, #tpu.memory_space<hbm>>
        tpu.enqueue_dma source(%dma_start3A_66 : memref<4000xi32, #tpu.memory_space<hbm>>) target(%arg6 : memref<4000xi32, #tpu.memory_space<vmem>>) target_semaphore(%run_scoped3A : memref<!tpu.dma_semaphore, #tpu.memory_space<semaphore_mem>>)
        %dma_wait3A = tpu.memref_slice %arg4[%add3A_27] : memref<320000xi32, #tpu.memory_space<hbm>> -> memref<4000xi32, #tpu.memory_space<hbm>>
        %dma_wait3A_67 = tpu.memref_slice %arg4[%add3A_27] : memref<320000xi32, #tpu.memory_space<hbm>> -> memref<4000xi32, #tpu.memory_space<hbm>>
        tpu.wait_dma2 semaphore(%run_scoped3A : memref<!tpu.dma_semaphore, #tpu.memory_space<semaphore_mem>>) src(%dma_wait3A_67 : memref<4000xi32, #tpu.memory_space<hbm>>) dst(%arg6 : memref<4000xi32, #tpu.memory_space<vmem>>)
        tpu.yield
      }) : () -> ()
      "tpu.region"() ({
        %run_scoped3A = tpu.sem_alloc : memref<!tpu.dma_semaphore, #tpu.memory_space<semaphore_mem>>
        %dma_start3A = tpu.memref_slice %arg3[%add3A_27] : memref<320000xi32, #tpu.memory_space<hbm>> -> memref<4000xi32, #tpu.memory_space<hbm>>
        %dma_start3A_66 = tpu.memref_slice %arg3[%add3A_27] : memref<320000xi32, #tpu.memory_space<hbm>> -> memref<4000xi32, #tpu.memory_space<hbm>>
        tpu.enqueue_dma source(%dma_start3A_66 : memref<4000xi32, #tpu.memory_space<hbm>>) target(%arg7 : memref<4000xi32, #tpu.memory_space<vmem>>) target_semaphore(%run_scoped3A : memref<!tpu.dma_semaphore, #tpu.memory_space<semaphore_mem>>)
        %dma_wait3A = tpu.memref_slice %arg3[%add3A_27] : memref<320000xi32, #tpu.memory_space<hbm>> -> memref<4000xi32, #tpu.memory_space<hbm>>
        %dma_wait3A_67 = tpu.memref_slice %arg3[%add3A_27] : memref<320000xi32, #tpu.memory_space<hbm>> -> memref<4000xi32, #tpu.memory_space<hbm>>
        tpu.wait_dma2 semaphore(%run_scoped3A : memref<!tpu.dma_semaphore, #tpu.memory_space<semaphore_mem>>) src(%dma_wait3A_67 : memref<4000xi32, #tpu.memory_space<hbm>>) dst(%arg7 : memref<4000xi32, #tpu.memory_space<vmem>>)
        tpu.yield
      }) : () -> ()
      %broadcast_in_dim3A_28 = arith.constant 0 : i32
      %broadcast_in_dim3A_29 = vector.broadcast %broadcast_in_dim3A_28 : i32 to vector<16xi32>
      %scan3A_30 = arith.constant 0 : i32
      %scan3A_31 = arith.constant 250 : i32
      %scan3A_32 = arith.addi %scan3A_30, %scan3A_31 : i32
      %scan3A_33 = arith.constant 1 : i32
      %scan3A_34 = scf.for %scan3A_66 = %scan3A_30 to %scan3A_32 step %scan3A_33 iter_args(%scan3A_67 = %broadcast_in_dim3A_29) -> (vector<16xi32>)  : i32 {
        %mul3A_68 = arith.constant 16 : i32
        %mul3A_69 = arith.muli %scan3A_66, %mul3A_68 : i32
        %get3A = arith.index_cast %mul3A_69 : i32 to index
        %get3A_70 = tpu.vector_load %arg6[%get3A] {strides = array<i32>} : memref<4000xi32, #tpu.memory_space<vmem>>, vector<16xi32>,
        %mul3A_71 = arith.constant 16 : i32
        %mul3A_72 = arith.muli %scan3A_66, %mul3A_71 : i32
        %get3A_73 = arith.index_cast %mul3A_72 : i32 to index
        %get3A_74 = tpu.vector_load %arg7[%get3A_73] {strides = array<i32>} : memref<4000xi32, #tpu.memory_space<vmem>>, vector<16xi32>,
        %ge3A = vector.broadcast %mul3A_0 : i32 to vector<16xi32>
        %ge3A_75 = arith.cmpi sge, %get3A_70, %ge3A : vector<16xi32>
        %lt3A = vector.broadcast %add3A_1 : i32 to vector<16xi32>
        %lt3A_76 = arith.cmpi slt, %get3A_70, %lt3A : vector<16xi32>
        %and3A_77 = arith.andi %ge3A_75, %lt3A_76 : vector<16xi1>
        %jit3A_78 = arith.constant 1 : i32
        %jit3A_79 = arith.constant 0 : i32
        %broadcast_in_dim3A_80 = vector.broadcast %jit3A_78 : i32 to vector<16xi32>
        %broadcast_in_dim3A_81 = vector.broadcast %jit3A_79 : i32 to vector<16xi32>
        %select_n3A_82 = arith.select %and3A_77, %broadcast_in_dim3A_80, %broadcast_in_dim3A_81 : vector<16xi1>, vector<16xi32>
        %broadcast_in_dim3A_83 = arith.constant true
        %broadcast_in_dim3A_84 = vector.broadcast %broadcast_in_dim3A_83 : i1 to vector<16xi1>
        %masked_cumsum3A = tpu.scan <sum>, %select_n3A_82 masked %broadcast_in_dim3A_84 : vector<16xi32>, vector<16xi1> -> vector<16xi32>
        %add3A_85 = arith.addi %scan3A_67, %masked_cumsum3A : vector<16xi32>
        %sub3A_86 = arith.subi %add3A_85, %select_n3A_82 : vector<16xi32>
        tpu.vector_store_idx %arg8[%sub3A_86], %get3A_74 masked %and3A_77 : memref<4016xi32, #tpu.memory_space<vmem>>[vector<16xi32>], vector<16xi32>, vector<16xi1>
        %sub3A_87 = vector.broadcast %mul3A_0 : i32 to vector<16xi32>
        %sub3A_88 = arith.subi %get3A_70, %sub3A_87 : vector<16xi32>
        tpu.vector_store_idx %arg9[%sub3A_86], %sub3A_88 masked %and3A_77 : memref<4016xi32, #tpu.memory_space<vmem>>[vector<16xi32>], vector<16xi32>, vector<16xi1>
        %all_reduce_population_count3A = tpu.all_reduce %and3A_77 {dim = 0 : i64, kind = #tpu.reduction_kind<sum>} : vector<16xi1> -> vector<16xi32>
        %add3A_89 = arith.addi %scan3A_67, %all_reduce_population_count3A : vector<16xi32>
        scf.yield %add3A_89 : vector<16xi32>
      }
      %scan3A_35 = arith.constant 250 : i32
      %slice3A = vector.extract_strided_slice %scan3A_34 {offsets = [0], sizes = [1], strides = [1]} : vector<16xi32> to vector<1xi32>
      %squeeze3A = vector.extract %slice3A[0] : i32 from vector<1xi32>
      %add3A_36 = arith.constant 15 : i32
      %add3A_37 = arith.addi %squeeze3A, %add3A_36 : i32
      %jit3A = arith.constant 16 : i32
      %div3A = arith.divsi %add3A_37, %jit3A : i32
      %sign3A = arith.constant 0 : i32
      %sign3A_38 = arith.cmpi sgt, %add3A_37, %sign3A : i32
      %sign3A_39 = arith.extui %sign3A_38 : i1 to i32
      %sign3A_40 = arith.constant 0 : i32
      %sign3A_41 = arith.cmpi slt, %add3A_37, %sign3A_40 : i32
      %sign3A_42 = arith.extui %sign3A_41 : i1 to i32
      %sign3A_43 = arith.subi %sign3A_39, %sign3A_42 : i32
      %sign3A_44 = arith.constant 0 : i32
      %sign3A_45 = arith.cmpi sgt, %jit3A, %sign3A_44 : i32
      %sign3A_46 = arith.extui %sign3A_45 : i1 to i32
      %sign3A_47 = arith.constant 0 : i32
      %sign3A_48 = arith.cmpi slt, %jit3A, %sign3A_47 : i32
      %sign3A_49 = arith.extui %sign3A_48 : i1 to i32
      %sign3A_50 = arith.subi %sign3A_46, %sign3A_49 : i32
      %ne3A = arith.cmpi ne, %sign3A_43, %sign3A_50 : i32
      %rem3A = arith.remsi %add3A_37, %jit3A : i32
      %ne3A_51 = arith.constant 0 : i32
      %ne3A_52 = arith.cmpi ne, %rem3A, %ne3A_51 : i32
      %and3A = arith.andi %ne3A, %ne3A_52 : i1
      %sub3A = arith.constant 1 : i32
      %sub3A_53 = arith.subi %div3A, %sub3A : i32
      %select_n3A = arith.select %and3A, %sub3A_53, %div3A : i32
      %while3A = arith.constant 0 : i32
      %while3A_54 = arith.constant 0 : i32
      %while3A_55 = arith.subi %select_n3A, %while3A : i32
      %while3A_56 = arith.addi %while3A, %while3A_55 : i32
      %while3A_57 = arith.constant 1 : i32
      %while3A_58 = arith.divsi %while3A_55, %while3A_57 : i32
      %while3A_59 = arith.muli %while3A_58, %while3A_57 : i32
      %while3A_60 = arith.addi %while3A, %while3A_59 : i32
      %while3A_61 = arith.constant 1 : i32
      %while3A_62 = scf.for %while3A_66 = %while3A to %while3A_60 step %while3A_61 iter_args(%while3A_67 = %while3A_54) -> (i32)  : i32 {
        %mul3A_68 = arith.constant 16 : i32
        %mul3A_69 = arith.muli %while3A_66, %mul3A_68 : i32
        %get3A = arith.index_cast %mul3A_69 : i32 to index
        %get3A_70 = tpu.vector_load %arg8[%get3A] {strides = array<i32>} : memref<4016xi32, #tpu.memory_space<vmem>>, vector<16xi32>,
        %max3A = arith.constant 0 : i32
        %max3A_71 = vector.broadcast %max3A : i32 to vector<16xi32>
        %max3A_72 = arith.maxsi %get3A_70, %max3A_71 : vector<16xi32>
        %min3A = arith.constant 9999 : i32
        %min3A_73 = vector.broadcast %min3A : i32 to vector<16xi32>
        %min3A_74 = arith.minsi %max3A_72, %min3A_73 : vector<16xi32>
        %dma_start3A = arith.constant 0 : i32
        %dma_start3A_75 = arith.constant 0 : i32
        %dma_start3A_76 = tpu.memref_slice %arg2[%dma_start3A, %dma_start3A_75] : memref<10000x128xf32, #tpu.memory_space<hbm>> -> memref<10000x128xf32, #tpu.memory_space<hbm>>
        tpu.enqueue_indirect_dma source(%dma_start3A_76 : memref<10000x128xf32, #tpu.memory_space<hbm>>) target(%arg10 : memref<16x128xf32, #tpu.memory_space<vmem>>) offsets(%min3A_74 : vector<16xi32>) semaphore(%arg12 : memref<!tpu.dma_semaphore, #tpu.memory_space<semaphore_mem>>)
        %dma_wait3A = arith.constant 0 : i32
        %dma_wait3A_77 = arith.constant 0 : i32
        %dma_wait3A_78 = tpu.memref_slice %arg2[%dma_wait3A, %dma_wait3A_77] : memref<10000x128xf32, #tpu.memory_space<hbm>> -> memref<10000x128xf32, #tpu.memory_space<hbm>>
        tpu.wait_indirect_dma semaphore(%arg12 : memref<!tpu.dma_semaphore, #tpu.memory_space<semaphore_mem>>) src(%dma_wait3A_78 : memref<10000x128xf32, #tpu.memory_space<hbm>>) dst(%arg10 : memref<16x128xf32, #tpu.memory_space<vmem>>)
        %get3A_79 = arith.index_cast %mul3A_69 : i32 to index
        %get3A_80 = tpu.vector_load %arg9[%get3A_79] {strides = array<i32>} : memref<4016xi32, #tpu.memory_space<vmem>>, vector<16xi32>,
        %sub3A_81 = arith.subi %squeeze3A, %mul3A_69 : i32
        %gt3A = arith.constant 0 : i32
        %gt3A_82 = arith.cmpi sgt, %sub3A_81, %gt3A : i32
        %convert_element_type3A = arith.extui %gt3A_82 : i1 to i32
        %cond3A = arith.constant 0 : i32
        %cond3A_83 = arith.cmpi ne, %convert_element_type3A, %cond3A : i32
        scf.if %cond3A_83 {
          %slice3A_160 = vector.extract_strided_slice %get3A_80 {offsets = [0], sizes = [1], strides = [1]} : vector<16xi32> to vector<1xi32>
          %squeeze3A_161 = vector.extract %slice3A_160[0] : i32 from vector<1xi32>
          %mul3A_162 = arith.constant 128 : i32
          %mul3A_163 = arith.muli %squeeze3A_161, %mul3A_162 : i32
          %get3A_164 = arith.constant 0 : i32
          %get3A_165 = arith.index_cast %get3A_164 : i32 to index
          %get3A_166 = arith.constant 0 : index
          %get3A_167 = tpu.vector_load %arg10[%get3A_165, %get3A_166] {strides = array<i32>} : memref<16x128xf32, #tpu.memory_space<vmem>>, vector<16xf32>,
          %add3A_168 = arith.constant 0 : i32
          %add3A_169 = arith.addi %mul3A_163, %add3A_168 : i32
          %get3A_170 = arith.index_cast %add3A_169 : i32 to index
          %get3A_171 = tpu.vector_load %arg11[%get3A_170] {strides = array<i32>} : memref<80000xf32, #tpu.memory_space<vmem>>, vector<16xf32>,
          %max3A_172 = arith.maximumf %get3A_171, %get3A_167 : vector<16xf32>
          %add3A_173 = arith.constant 0 : i32
          %add3A_174 = arith.addi %mul3A_163, %add3A_173 : i32
          %swap3A = arith.index_cast %add3A_174 : i32 to index
          %swap3A_175 = tpu.vector_load %arg11[%swap3A] {strides = array<i32>} : memref<80000xf32, #tpu.memory_space<vmem>>, vector<16xf32>,
          tpu.vector_store %arg11[%swap3A], %max3A_172 {strides = array<i32>} : memref<80000xf32, #tpu.memory_space<vmem>>, vector<16xf32>,
          %get3A_176 = arith.constant 0 : i32
          %get3A_177 = arith.index_cast %get3A_176 : i32 to index
          %get3A_178 = arith.constant 16 : index
          %get3A_179 = tpu.vector_load %arg10[%get3A_177, %get3A_178] {strides = array<i32>} : memref<16x128xf32, #tpu.memory_space<vmem>>, vector<16xf32>,
          %add3A_180 = arith.constant 16 : i32
          %add3A_181 = arith.addi %mul3A_163, %add3A_180 : i32
          %get3A_182 = arith.index_cast %add3A_181 : i32 to index
          %get3A_183 = tpu.vector_load %arg11[%get3A_182] {strides = array<i32>} : memref<80000xf32, #tpu.memory_space<vmem>>, vector<16xf32>,
          %max3A_184 = arith.maximumf %get3A_183, %get3A_179 : vector<16xf32>
          %add3A_185 = arith.constant 16 : i32
          %add3A_186 = arith.addi %mul3A_163, %add3A_185 : i32
          %swap3A_187 = arith.index_cast %add3A_186 : i32 to index
          %swap3A_188 = tpu.vector_load %arg11[%swap3A_187] {strides = array<i32>} : memref<80000xf32, #tpu.memory_space<vmem>>, vector<16xf32>,
          tpu.vector_store %arg11[%swap3A_187], %max3A_184 {strides = array<i32>} : memref<80000xf32, #tpu.memory_space<vmem>>, vector<16xf32>,
          %get3A_189 = arith.constant 0 : i32
          %get3A_190 = arith.index_cast %get3A_189 : i32 to index
          %get3A_191 = arith.constant 32 : index
          %get3A_192 = tpu.vector_load %arg10[%get3A_190, %get3A_191] {strides = array<i32>} : memref<16x128xf32, #tpu.memory_space<vmem>>, vector<16xf32>,
          %add3A_193 = arith.constant 32 : i32
          %add3A_194 = arith.addi %mul3A_163, %add3A_193 : i32
          %get3A_195 = arith.index_cast %add3A_194 : i32 to index
          %get3A_196 = tpu.vector_load %arg11[%get3A_195] {strides = array<i32>} : memref<80000xf32, #tpu.memory_space<vmem>>, vector<16xf32>,
          %max3A_197 = arith.maximumf %get3A_196, %get3A_192 : vector<16xf32>
          %add3A_198 = arith.constant 32 : i32
          %add3A_199 = arith.addi %mul3A_163, %add3A_198 : i32
          %swap3A_200 = arith.index_cast %add3A_199 : i32 to index
          %swap3A_201 = tpu.vector_load %arg11[%swap3A_200] {strides = array<i32>} : memref<80000xf32, #tpu.memory_space<vmem>>, vector<16xf32>,
          tpu.vector_store %arg11[%swap3A_200], %max3A_197 {strides = array<i32>} : memref<80000xf32, #tpu.memory_space<vmem>>, vector<16xf32>,
          %get3A_202 = arith.constant 0 : i32
          %get3A_203 = arith.index_cast %get3A_202 : i32 to index
          %get3A_204 = arith.constant 48 : index
          %get3A_205 = tpu.vector_load %arg10[%get3A_203, %get3A_204] {strides = array<i32>} : memref<16x128xf32, #tpu.memory_space<vmem>>, vector<16xf32>,
          %add3A_206 = arith.constant 48 : i32
          %add3A_207 = arith.addi %mul3A_163, %add3A_206 : i32
          %get3A_208 = arith.index_cast %add3A_207 : i32 to index
          %get3A_209 = tpu.vector_load %arg11[%get3A_208] {strides = array<i32>} : memref<80000xf32, #tpu.memory_space<vmem>>, vector<16xf32>,
          %max3A_210 = arith.maximumf %get3A_209, %get3A_205 : vector<16xf32>
          %add3A_211 = arith.constant 48 : i32
          %add3A_212 = arith.addi %mul3A_163, %add3A_211 : i32
          %swap3A_213 = arith.index_cast %add3A_212 : i32 to index
          %swap3A_214 = tpu.vector_load %arg11[%swap3A_213] {strides = array<i32>} : memref<80000xf32, #tpu.memory_space<vmem>>, vector<16xf32>,
          tpu.vector_store %arg11[%swap3A_213], %max3A_210 {strides = array<i32>} : memref<80000xf32, #tpu.memory_space<vmem>>, vector<16xf32>,
          %get3A_215 = arith.constant 0 : i32
          %get3A_216 = arith.index_cast %get3A_215 : i32 to index
          %get3A_217 = arith.constant 64 : index
          %get3A_218 = tpu.vector_load %arg10[%get3A_216, %get3A_217] {strides = array<i32>} : memref<16x128xf32, #tpu.memory_space<vmem>>, vector<16xf32>,
          %add3A_219 = arith.constant 64 : i32
          %add3A_220 = arith.addi %mul3A_163, %add3A_219 : i32
          %get3A_221 = arith.index_cast %add3A_220 : i32 to index
          %get3A_222 = tpu.vector_load %arg11[%get3A_221] {strides = array<i32>} : memref<80000xf32, #tpu.memory_space<vmem>>, vector<16xf32>,
          %max3A_223 = arith.maximumf %get3A_222, %get3A_218 : vector<16xf32>
          %add3A_224 = arith.constant 64 : i32
          %add3A_225 = arith.addi %mul3A_163, %add3A_224 : i32
          %swap3A_226 = arith.index_cast %add3A_225 : i32 to index
          %swap3A_227 = tpu.vector_load %arg11[%swap3A_226] {strides = array<i32>} : memref<80000xf32, #tpu.memory_space<vmem>>, vector<16xf32>,
          tpu.vector_store %arg11[%swap3A_226], %max3A_223 {strides = array<i32>} : memref<80000xf32, #tpu.memory_space<vmem>>, vector<16xf32>,
          %get3A_228 = arith.constant 0 : i32
          %get3A_229 = arith.index_cast %get3A_228 : i32 to index
          %get3A_230 = arith.constant 80 : index
          %get3A_231 = tpu.vector_load %arg10[%get3A_229, %get3A_230] {strides = array<i32>} : memref<16x128xf32, #tpu.memory_space<vmem>>, vector<16xf32>,
          %add3A_232 = arith.constant 80 : i32
          %add3A_233 = arith.addi %mul3A_163, %add3A_232 : i32
          %get3A_234 = arith.index_cast %add3A_233 : i32 to index
          %get3A_235 = tpu.vector_load %arg11[%get3A_234] {strides = array<i32>} : memref<80000xf32, #tpu.memory_space<vmem>>, vector<16xf32>,
          %max3A_236 = arith.maximumf %get3A_235, %get3A_231 : vector<16xf32>
          %add3A_237 = arith.constant 80 : i32
          %add3A_238 = arith.addi %mul3A_163, %add3A_237 : i32
          %swap3A_239 = arith.index_cast %add3A_238 : i32 to index
          %swap3A_240 = tpu.vector_load %arg11[%swap3A_239] {strides = array<i32>} : memref<80000xf32, #tpu.memory_space<vmem>>, vector<16xf32>,
          tpu.vector_store %arg11[%swap3A_239], %max3A_236 {strides = array<i32>} : memref<80000xf32, #tpu.memory_space<vmem>>, vector<16xf32>,
          %get3A_241 = arith.constant 0 : i32
          %get3A_242 = arith.index_cast %get3A_241 : i32 to index
          %get3A_243 = arith.constant 96 : index
          %get3A_244 = tpu.vector_load %arg10[%get3A_242, %get3A_243] {strides = array<i32>} : memref<16x128xf32, #tpu.memory_space<vmem>>, vector<16xf32>,
          %add3A_245 = arith.constant 96 : i32
          %add3A_246 = arith.addi %mul3A_163, %add3A_245 : i32
          %get3A_247 = arith.index_cast %add3A_246 : i32 to index
          %get3A_248 = tpu.vector_load %arg11[%get3A_247] {strides = array<i32>} : memref<80000xf32, #tpu.memory_space<vmem>>, vector<16xf32>,
          %max3A_249 = arith.maximumf %get3A_248, %get3A_244 : vector<16xf32>
          %add3A_250 = arith.constant 96 : i32
          %add3A_251 = arith.addi %mul3A_163, %add3A_250 : i32
          %swap3A_252 = arith.index_cast %add3A_251 : i32 to index
          %swap3A_253 = tpu.vector_load %arg11[%swap3A_252] {strides = array<i32>} : memref<80000xf32, #tpu.memory_space<vmem>>, vector<16xf32>,
          tpu.vector_store %arg11[%swap3A_252], %max3A_249 {strides = array<i32>} : memref<80000xf32, #tpu.memory_space<vmem>>, vector<16xf32>,
          %get3A_254 = arith.constant 0 : i32
          %get3A_255 = arith.index_cast %get3A_254 : i32 to index
          %get3A_256 = arith.constant 112 : index
          %get3A_257 = tpu.vector_load %arg10[%get3A_255, %get3A_256] {strides = array<i32>} : memref<16x128xf32, #tpu.memory_space<vmem>>, vector<16xf32>,
          %add3A_258 = arith.constant 112 : i32
          %add3A_259 = arith.addi %mul3A_163, %add3A_258 : i32
          %get3A_260 = arith.index_cast %add3A_259 : i32 to index
          %get3A_261 = tpu.vector_load %arg11[%get3A_260] {strides = array<i32>} : memref<80000xf32, #tpu.memory_space<vmem>>, vector<16xf32>,
          %max3A_262 = arith.maximumf %get3A_261, %get3A_257 : vector<16xf32>
          %add3A_263 = arith.constant 112 : i32
          %add3A_264 = arith.addi %mul3A_163, %add3A_263 : i32
          %swap3A_265 = arith.index_cast %add3A_264 : i32 to index
          %swap3A_266 = tpu.vector_load %arg11[%swap3A_265] {strides = array<i32>} : memref<80000xf32, #tpu.memory_space<vmem>>, vector<16xf32>,
          tpu.vector_store %arg11[%swap3A_265], %max3A_262 {strides = array<i32>} : memref<80000xf32, #tpu.memory_space<vmem>>, vector<16xf32>,
        } else {
        }
        %gt3A_84 = arith.constant 1 : i32
        %gt3A_85 = arith.cmpi sgt, %sub3A_81, %gt3A_84 : i32
        %convert_element_type3A_86 = arith.extui %gt3A_85 : i1 to i32
        %cond3A_87 = arith.constant 0 : i32
        %cond3A_88 = arith.cmpi ne, %convert_element_type3A_86, %cond3A_87 : i32
        scf.if %cond3A_88 {
          %slice3A_160 = vector.extract_strided_slice %get3A_80 {offsets = [1], sizes = [1], strides = [1]} : vector<16xi32> to vector<1xi32>
          %squeeze3A_161 = vector.extract %slice3A_160[0] : i32 from vector<1xi32>
          %mul3A_162 = arith.constant 128 : i32
          %mul3A_163 = arith.muli %squeeze3A_161, %mul3A_162 : i32
          %get3A_164 = arith.constant 1 : i32
          %get3A_165 = arith.index_cast %get3A_164 : i32 to index
          %get3A_166 = arith.constant 0 : index
          %get3A_167 = tpu.vector_load %arg10[%get3A_165, %get3A_166] {strides = array<i32>} : memref<16x128xf32, #tpu.memory_space<vmem>>, vector<16xf32>,
          %add3A_168 = arith.constant 0 : i32
          %add3A_169 = arith.addi %mul3A_163, %add3A_168 : i32
          %get3A_170 = arith.index_cast %add3A_169 : i32 to index
          %get3A_171 = tpu.vector_load %arg11[%get3A_170] {strides = array<i32>} : memref<80000xf32, #tpu.memory_space<vmem>>, vector<16xf32>,
          %max3A_172 = arith.maximumf %get3A_171, %get3A_167 : vector<16xf32>
          %add3A_173 = arith.constant 0 : i32
          %add3A_174 = arith.addi %mul3A_163, %add3A_173 : i32
          %swap3A = arith.index_cast %add3A_174 : i32 to index
          %swap3A_175 = tpu.vector_load %arg11[%swap3A] {strides = array<i32>} : memref<80000xf32, #tpu.memory_space<vmem>>, vector<16xf32>,
          tpu.vector_store %arg11[%swap3A], %max3A_172 {strides = array<i32>} : memref<80000xf32, #tpu.memory_space<vmem>>, vector<16xf32>,
          %get3A_176 = arith.constant 1 : i32
          %get3A_177 = arith.index_cast %get3A_176 : i32 to index
          %get3A_178 = arith.constant 16 : index
          %get3A_179 = tpu.vector_load %arg10[%get3A_177, %get3A_178] {strides = array<i32>} : memref<16x128xf32, #tpu.memory_space<vmem>>, vector<16xf32>,
          %add3A_180 = arith.constant 16 : i32
          %add3A_181 = arith.addi %mul3A_163, %add3A_180 : i32
          %get3A_182 = arith.index_cast %add3A_181 : i32 to index
          %get3A_183 = tpu.vector_load %arg11[%get3A_182] {strides = array<i32>} : memref<80000xf32, #tpu.memory_space<vmem>>, vector<16xf32>,
          %max3A_184 = arith.maximumf %get3A_183, %get3A_179 : vector<16xf32>
          %add3A_185 = arith.constant 16 : i32
          %add3A_186 = arith.addi %mul3A_163, %add3A_185 : i32
          %swap3A_187 = arith.index_cast %add3A_186 : i32 to index
          %swap3A_188 = tpu.vector_load %arg11[%swap3A_187] {strides = array<i32>} : memref<80000xf32, #tpu.memory_space<vmem>>, vector<16xf32>,
          tpu.vector_store %arg11[%swap3A_187], %max3A_184 {strides = array<i32>} : memref<80000xf32, #tpu.memory_space<vmem>>, vector<16xf32>,
          %get3A_189 = arith.constant 1 : i32
          %get3A_190 = arith.index_cast %get3A_189 : i32 to index
          %get3A_191 = arith.constant 32 : index
          %get3A_192 = tpu.vector_load %arg10[%get3A_190, %get3A_191] {strides = array<i32>} : memref<16x128xf32, #tpu.memory_space<vmem>>, vector<16xf32>,
          %add3A_193 = arith.constant 32 : i32
          %add3A_194 = arith.addi %mul3A_163, %add3A_193 : i32
          %get3A_195 = arith.index_cast %add3A_194 : i32 to index
          %get3A_196 = tpu.vector_load %arg11[%get3A_195] {strides = array<i32>} : memref<80000xf32, #tpu.memory_space<vmem>>, vector<16xf32>,
          %max3A_197 = arith.maximumf %get3A_196, %get3A_192 : vector<16xf32>
          %add3A_198 = arith.constant 32 : i32
          %add3A_199 = arith.addi %mul3A_163, %add3A_198 : i32
          %swap3A_200 = arith.index_cast %add3A_199 : i32 to index
          %swap3A_201 = tpu.vector_load %arg11[%swap3A_200] {strides = array<i32>} : memref<80000xf32, #tpu.memory_space<vmem>>, vector<16xf32>,
          tpu.vector_store %arg11[%swap3A_200], %max3A_197 {strides = array<i32>} : memref<80000xf32, #tpu.memory_space<vmem>>, vector<16xf32>,
          %get3A_202 = arith.constant 1 : i32
          %get3A_203 = arith.index_cast %get3A_202 : i32 to index
          %get3A_204 = arith.constant 48 : index
          %get3A_205 = tpu.vector_load %arg10[%get3A_203, %get3A_204] {strides = array<i32>} : memref<16x128xf32, #tpu.memory_space<vmem>>, vector<16xf32>,
          %add3A_206 = arith.constant 48 : i32
          %add3A_207 = arith.addi %mul3A_163, %add3A_206 : i32
          %get3A_208 = arith.index_cast %add3A_207 : i32 to index
          %get3A_209 = tpu.vector_load %arg11[%get3A_208] {strides = array<i32>} : memref<80000xf32, #tpu.memory_space<vmem>>, vector<16xf32>,
          %max3A_210 = arith.maximumf %get3A_209, %get3A_205 : vector<16xf32>
          %add3A_211 = arith.constant 48 : i32
          %add3A_212 = arith.addi %mul3A_163, %add3A_211 : i32
          %swap3A_213 = arith.index_cast %add3A_212 : i32 to index
          %swap3A_214 = tpu.vector_load %arg11[%swap3A_213] {strides = array<i32>} : memref<80000xf32, #tpu.memory_space<vmem>>, vector<16xf32>,
          tpu.vector_store %arg11[%swap3A_213], %max3A_210 {strides = array<i32>} : memref<80000xf32, #tpu.memory_space<vmem>>, vector<16xf32>,
          %get3A_215 = arith.constant 1 : i32
          %get3A_216 = arith.index_cast %get3A_215 : i32 to index
          %get3A_217 = arith.constant 64 : index
          %get3A_218 = tpu.vector_load %arg10[%get3A_216, %get3A_217] {strides = array<i32>} : memref<16x128xf32, #tpu.memory_space<vmem>>, vector<16xf32>,
          %add3A_219 = arith.constant 64 : i32
          %add3A_220 = arith.addi %mul3A_163, %add3A_219 : i32
          %get3A_221 = arith.index_cast %add3A_220 : i32 to index
          %get3A_222 = tpu.vector_load %arg11[%get3A_221] {strides = array<i32>} : memref<80000xf32, #tpu.memory_space<vmem>>, vector<16xf32>,
          %max3A_223 = arith.maximumf %get3A_222, %get3A_218 : vector<16xf32>
          %add3A_224 = arith.constant 64 : i32
          %add3A_225 = arith.addi %mul3A_163, %add3A_224 : i32
          %swap3A_226 = arith.index_cast %add3A_225 : i32 to index
          %swap3A_227 = tpu.vector_load %arg11[%swap3A_226] {strides = array<i32>} : memref<80000xf32, #tpu.memory_space<vmem>>, vector<16xf32>,
          tpu.vector_store %arg11[%swap3A_226], %max3A_223 {strides = array<i32>} : memref<80000xf32, #tpu.memory_space<vmem>>, vector<16xf32>,
          %get3A_228 = arith.constant 1 : i32
          %get3A_229 = arith.index_cast %get3A_228 : i32 to index
          %get3A_230 = arith.constant 80 : index
          %get3A_231 = tpu.vector_load %arg10[%get3A_229, %get3A_230] {strides = array<i32>} : memref<16x128xf32, #tpu.memory_space<vmem>>, vector<16xf32>,
          %add3A_232 = arith.constant 80 : i32
          %add3A_233 = arith.addi %mul3A_163, %add3A_232 : i32
          %get3A_234 = arith.index_cast %add3A_233 : i32 to index
          %get3A_235 = tpu.vector_load %arg11[%get3A_234] {strides = array<i32>} : memref<80000xf32, #tpu.memory_space<vmem>>, vector<16xf32>,
          %max3A_236 = arith.maximumf %get3A_235, %get3A_231 : vector<16xf32>
          %add3A_237 = arith.constant 80 : i32
          %add3A_238 = arith.addi %mul3A_163, %add3A_237 : i32
          %swap3A_239 = arith.index_cast %add3A_238 : i32 to index
          %swap3A_240 = tpu.vector_load %arg11[%swap3A_239] {strides = array<i32>} : memref<80000xf32, #tpu.memory_space<vmem>>, vector<16xf32>,
          tpu.vector_store %arg11[%swap3A_239], %max3A_236 {strides = array<i32>} : memref<80000xf32, #tpu.memory_space<vmem>>, vector<16xf32>,
          %get3A_241 = arith.constant 1 : i32
          %get3A_242 = arith.index_cast %get3A_241 : i32 to index
          %get3A_243 = arith.constant 96 : index
          %get3A_244 = tpu.vector_load %arg10[%get3A_242, %get3A_243] {strides = array<i32>} : memref<16x128xf32, #tpu.memory_space<vmem>>, vector<16xf32>,
          %add3A_245 = arith.constant 96 : i32
          %add3A_246 = arith.addi %mul3A_163, %add3A_245 : i32
          %get3A_247 = arith.index_cast %add3A_246 : i32 to index
          %get3A_248 = tpu.vector_load %arg11[%get3A_247] {strides = array<i32>} : memref<80000xf32, #tpu.memory_space<vmem>>, vector<16xf32>,
          %max3A_249 = arith.maximumf %get3A_248, %get3A_244 : vector<16xf32>
          %add3A_250 = arith.constant 96 : i32
          %add3A_251 = arith.addi %mul3A_163, %add3A_250 : i32
          %swap3A_252 = arith.index_cast %add3A_251 : i32 to index
          %swap3A_253 = tpu.vector_load %arg11[%swap3A_252] {strides = array<i32>} : memref<80000xf32, #tpu.memory_space<vmem>>, vector<16xf32>,
          tpu.vector_store %arg11[%swap3A_252], %max3A_249 {strides = array<i32>} : memref<80000xf32, #tpu.memory_space<vmem>>, vector<16xf32>,
          %get3A_254 = arith.constant 1 : i32
          %get3A_255 = arith.index_cast %get3A_254 : i32 to index
          %get3A_256 = arith.constant 112 : index
          %get3A_257 = tpu.vector_load %arg10[%get3A_255, %get3A_256] {strides = array<i32>} : memref<16x128xf32, #tpu.memory_space<vmem>>, vector<16xf32>,
          %add3A_258 = arith.constant 112 : i32
          %add3A_259 = arith.addi %mul3A_163, %add3A_258 : i32
          %get3A_260 = arith.index_cast %add3A_259 : i32 to index
          %get3A_261 = tpu.vector_load %arg11[%get3A_260] {strides = array<i32>} : memref<80000xf32, #tpu.memory_space<vmem>>, vector<16xf32>,
          %max3A_262 = arith.maximumf %get3A_261, %get3A_257 : vector<16xf32>
          %add3A_263 = arith.constant 112 : i32
          %add3A_264 = arith.addi %mul3A_163, %add3A_263 : i32
          %swap3A_265 = arith.index_cast %add3A_264 : i32 to index
          %swap3A_266 = tpu.vector_load %arg11[%swap3A_265] {strides = array<i32>} : memref<80000xf32, #tpu.memory_space<vmem>>, vector<16xf32>,
          tpu.vector_store %arg11[%swap3A_265], %max3A_262 {strides = array<i32>} : memref<80000xf32, #tpu.memory_space<vmem>>, vector<16xf32>,
        } else {
        }
        %gt3A_89 = arith.constant 2 : i32
        %gt3A_90 = arith.cmpi sgt, %sub3A_81, %gt3A_89 : i32
        %convert_element_type3A_91 = arith.extui %gt3A_90 : i1 to i32
        %cond3A_92 = arith.constant 0 : i32
        %cond3A_93 = arith.cmpi ne, %convert_element_type3A_91, %cond3A_92 : i32
        scf.if %cond3A_93 {
          %slice3A_160 = vector.extract_strided_slice %get3A_80 {offsets = [2], sizes = [1], strides = [1]} : vector<16xi32> to vector<1xi32>
          %squeeze3A_161 = vector.extract %slice3A_160[0] : i32 from vector<1xi32>
          %mul3A_162 = arith.constant 128 : i32
          %mul3A_163 = arith.muli %squeeze3A_161, %mul3A_162 : i32
          %get3A_164 = arith.constant 2 : i32
          %get3A_165 = arith.index_cast %get3A_164 : i32 to index
          %get3A_166 = arith.constant 0 : index
          %get3A_167 = tpu.vector_load %arg10[%get3A_165, %get3A_166] {strides = array<i32>} : memref<16x128xf32, #tpu.memory_space<vmem>>, vector<16xf32>,
          %add3A_168 = arith.constant 0 : i32
          %add3A_169 = arith.addi %mul3A_163, %add3A_168 : i32
          %get3A_170 = arith.index_cast %add3A_169 : i32 to index
          %get3A_171 = tpu.vector_load %arg11[%get3A_170] {strides = array<i32>} : memref<80000xf32, #tpu.memory_space<vmem>>, vector<16xf32>,
          %max3A_172 = arith.maximumf %get3A_171, %get3A_167 : vector<16xf32>
          %add3A_173 = arith.constant 0 : i32
          %add3A_174 = arith.addi %mul3A_163, %add3A_173 : i32
          %swap3A = arith.index_cast %add3A_174 : i32 to index
          %swap3A_175 = tpu.vector_load %arg11[%swap3A] {strides = array<i32>} : memref<80000xf32, #tpu.memory_space<vmem>>, vector<16xf32>,
          tpu.vector_store %arg11[%swap3A], %max3A_172 {strides = array<i32>} : memref<80000xf32, #tpu.memory_space<vmem>>, vector<16xf32>,
          %get3A_176 = arith.constant 2 : i32
          %get3A_177 = arith.index_cast %get3A_176 : i32 to index
          %get3A_178 = arith.constant 16 : index
          %get3A_179 = tpu.vector_load %arg10[%get3A_177, %get3A_178] {strides = array<i32>} : memref<16x128xf32, #tpu.memory_space<vmem>>, vector<16xf32>,
          %add3A_180 = arith.constant 16 : i32
          %add3A_181 = arith.addi %mul3A_163, %add3A_180 : i32
          %get3A_182 = arith.index_cast %add3A_181 : i32 to index
          %get3A_183 = tpu.vector_load %arg11[%get3A_182] {strides = array<i32>} : memref<80000xf32, #tpu.memory_space<vmem>>, vector<16xf32>,
          %max3A_184 = arith.maximumf %get3A_183, %get3A_179 : vector<16xf32>
          %add3A_185 = arith.constant 16 : i32
          %add3A_186 = arith.addi %mul3A_163, %add3A_185 : i32
          %swap3A_187 = arith.index_cast %add3A_186 : i32 to index
          %swap3A_188 = tpu.vector_load %arg11[%swap3A_187] {strides = array<i32>} : memref<80000xf32, #tpu.memory_space<vmem>>, vector<16xf32>,
          tpu.vector_store %arg11[%swap3A_187], %max3A_184 {strides = array<i32>} : memref<80000xf32, #tpu.memory_space<vmem>>, vector<16xf32>,
          %get3A_189 = arith.constant 2 : i32
          %get3A_190 = arith.index_cast %get3A_189 : i32 to index
          %get3A_191 = arith.constant 32 : index
          %get3A_192 = tpu.vector_load %arg10[%get3A_190, %get3A_191] {strides = array<i32>} : memref<16x128xf32, #tpu.memory_space<vmem>>, vector<16xf32>,
          %add3A_193 = arith.constant 32 : i32
          %add3A_194 = arith.addi %mul3A_163, %add3A_193 : i32
          %get3A_195 = arith.index_cast %add3A_194 : i32 to index
          %get3A_196 = tpu.vector_load %arg11[%get3A_195] {strides = array<i32>} : memref<80000xf32, #tpu.memory_space<vmem>>, vector<16xf32>,
          %max3A_197 = arith.maximumf %get3A_196, %get3A_192 : vector<16xf32>
          %add3A_198 = arith.constant 32 : i32
          %add3A_199 = arith.addi %mul3A_163, %add3A_198 : i32
          %swap3A_200 = arith.index_cast %add3A_199 : i32 to index
          %swap3A_201 = tpu.vector_load %arg11[%swap3A_200] {strides = array<i32>} : memref<80000xf32, #tpu.memory_space<vmem>>, vector<16xf32>,
          tpu.vector_store %arg11[%swap3A_200], %max3A_197 {strides = array<i32>} : memref<80000xf32, #tpu.memory_space<vmem>>, vector<16xf32>,
          %get3A_202 = arith.constant 2 : i32
          %get3A_203 = arith.index_cast %get3A_202 : i32 to index
          %get3A_204 = arith.constant 48 : index
          %get3A_205 = tpu.vector_load %arg10[%get3A_203, %get3A_204] {strides = array<i32>} : memref<16x128xf32, #tpu.memory_space<vmem>>, vector<16xf32>,
          %add3A_206 = arith.constant 48 : i32
          %add3A_207 = arith.addi %mul3A_163, %add3A_206 : i32
          %get3A_208 = arith.index_cast %add3A_207 : i32 to index
          %get3A_209 = tpu.vector_load %arg11[%get3A_208] {strides = array<i32>} : memref<80000xf32, #tpu.memory_space<vmem>>, vector<16xf32>,
          %max3A_210 = arith.maximumf %get3A_209, %get3A_205 : vector<16xf32>
          %add3A_211 = arith.constant 48 : i32
          %add3A_212 = arith.addi %mul3A_163, %add3A_211 : i32
          %swap3A_213 = arith.index_cast %add3A_212 : i32 to index
          %swap3A_214 = tpu.vector_load %arg11[%swap3A_213] {strides = array<i32>} : memref<80000xf32, #tpu.memory_space<vmem>>, vector<16xf32>,
          tpu.vector_store %arg11[%swap3A_213], %max3A_210 {strides = array<i32>} : memref<80000xf32, #tpu.memory_space<vmem>>, vector<16xf32>,
          %get3A_215 = arith.constant 2 : i32
          %get3A_216 = arith.index_cast %get3A_215 : i32 to index
          %get3A_217 = arith.constant 64 : index
          %get3A_218 = tpu.vector_load %arg10[%get3A_216, %get3A_217] {strides = array<i32>} : memref<16x128xf32, #tpu.memory_space<vmem>>, vector<16xf32>,
          %add3A_219 = arith.constant 64 : i32
          %add3A_220 = arith.addi %mul3A_163, %add3A_219 : i32
          %get3A_221 = arith.index_cast %add3A_220 : i32 to index
          %get3A_222 = tpu.vector_load %arg11[%get3A_221] {strides = array<i32>} : memref<80000xf32, #tpu.memory_space<vmem>>, vector<16xf32>,
          %max3A_223 = arith.maximumf %get3A_222, %get3A_218 : vector<16xf32>
          %add3A_224 = arith.constant 64 : i32
          %add3A_225 = arith.addi %mul3A_163, %add3A_224 : i32
          %swap3A_226 = arith.index_cast %add3A_225 : i32 to index
          %swap3A_227 = tpu.vector_load %arg11[%swap3A_226] {strides = array<i32>} : memref<80000xf32, #tpu.memory_space<vmem>>, vector<16xf32>,
          tpu.vector_store %arg11[%swap3A_226], %max3A_223 {strides = array<i32>} : memref<80000xf32, #tpu.memory_space<vmem>>, vector<16xf32>,
          %get3A_228 = arith.constant 2 : i32
          %get3A_229 = arith.index_cast %get3A_228 : i32 to index
          %get3A_230 = arith.constant 80 : index
          %get3A_231 = tpu.vector_load %arg10[%get3A_229, %get3A_230] {strides = array<i32>} : memref<16x128xf32, #tpu.memory_space<vmem>>, vector<16xf32>,
          %add3A_232 = arith.constant 80 : i32
          %add3A_233 = arith.addi %mul3A_163, %add3A_232 : i32
          %get3A_234 = arith.index_cast %add3A_233 : i32 to index
          %get3A_235 = tpu.vector_load %arg11[%get3A_234] {strides = array<i32>} : memref<80000xf32, #tpu.memory_space<vmem>>, vector<16xf32>,
          %max3A_236 = arith.maximumf %get3A_235, %get3A_231 : vector<16xf32>
          %add3A_237 = arith.constant 80 : i32
          %add3A_238 = arith.addi %mul3A_163, %add3A_237 : i32
          %swap3A_239 = arith.index_cast %add3A_238 : i32 to index
          %swap3A_240 = tpu.vector_load %arg11[%swap3A_239] {strides = array<i32>} : memref<80000xf32, #tpu.memory_space<vmem>>, vector<16xf32>,
          tpu.vector_store %arg11[%swap3A_239], %max3A_236 {strides = array<i32>} : memref<80000xf32, #tpu.memory_space<vmem>>, vector<16xf32>,
          %get3A_241 = arith.constant 2 : i32
          %get3A_242 = arith.index_cast %get3A_241 : i32 to index
          %get3A_243 = arith.constant 96 : index
          %get3A_244 = tpu.vector_load %arg10[%get3A_242, %get3A_243] {strides = array<i32>} : memref<16x128xf32, #tpu.memory_space<vmem>>, vector<16xf32>,
          %add3A_245 = arith.constant 96 : i32
          %add3A_246 = arith.addi %mul3A_163, %add3A_245 : i32
          %get3A_247 = arith.index_cast %add3A_246 : i32 to index
          %get3A_248 = tpu.vector_load %arg11[%get3A_247] {strides = array<i32>} : memref<80000xf32, #tpu.memory_space<vmem>>, vector<16xf32>,
          %max3A_249 = arith.maximumf %get3A_248, %get3A_244 : vector<16xf32>
          %add3A_250 = arith.constant 96 : i32
          %add3A_251 = arith.addi %mul3A_163, %add3A_250 : i32
          %swap3A_252 = arith.index_cast %add3A_251 : i32 to index
          %swap3A_253 = tpu.vector_load %arg11[%swap3A_252] {strides = array<i32>} : memref<80000xf32, #tpu.memory_space<vmem>>, vector<16xf32>,
          tpu.vector_store %arg11[%swap3A_252], %max3A_249 {strides = array<i32>} : memref<80000xf32, #tpu.memory_space<vmem>>, vector<16xf32>,
          %get3A_254 = arith.constant 2 : i32
          %get3A_255 = arith.index_cast %get3A_254 : i32 to index
          %get3A_256 = arith.constant 112 : index
          %get3A_257 = tpu.vector_load %arg10[%get3A_255, %get3A_256] {strides = array<i32>} : memref<16x128xf32, #tpu.memory_space<vmem>>, vector<16xf32>,
          %add3A_258 = arith.constant 112 : i32
          %add3A_259 = arith.addi %mul3A_163, %add3A_258 : i32
          %get3A_260 = arith.index_cast %add3A_259 : i32 to index
          %get3A_261 = tpu.vector_load %arg11[%get3A_260] {strides = array<i32>} : memref<80000xf32, #tpu.memory_space<vmem>>, vector<16xf32>,
          %max3A_262 = arith.maximumf %get3A_261, %get3A_257 : vector<16xf32>
          %add3A_263 = arith.constant 112 : i32
          %add3A_264 = arith.addi %mul3A_163, %add3A_263 : i32
          %swap3A_265 = arith.index_cast %add3A_264 : i32 to index
          %swap3A_266 = tpu.vector_load %arg11[%swap3A_265] {strides = array<i32>} : memref<80000xf32, #tpu.memory_space<vmem>>, vector<16xf32>,
          tpu.vector_store %arg11[%swap3A_265], %max3A_262 {strides = array<i32>} : memref<80000xf32, #tpu.memory_space<vmem>>, vector<16xf32>,
        } else {
        }
        %gt3A_94 = arith.constant 3 : i32
        %gt3A_95 = arith.cmpi sgt, %sub3A_81, %gt3A_94 : i32
        %convert_element_type3A_96 = arith.extui %gt3A_95 : i1 to i32
        %cond3A_97 = arith.constant 0 : i32
        %cond3A_98 = arith.cmpi ne, %convert_element_type3A_96, %cond3A_97 : i32
        scf.if %cond3A_98 {
          %slice3A_160 = vector.extract_strided_slice %get3A_80 {offsets = [3], sizes = [1], strides = [1]} : vector<16xi32> to vector<1xi32>
          %squeeze3A_161 = vector.extract %slice3A_160[0] : i32 from vector<1xi32>
          %mul3A_162 = arith.constant 128 : i32
          %mul3A_163 = arith.muli %squeeze3A_161, %mul3A_162 : i32
          %get3A_164 = arith.constant 3 : i32
          %get3A_165 = arith.index_cast %get3A_164 : i32 to index
          %get3A_166 = arith.constant 0 : index
          %get3A_167 = tpu.vector_load %arg10[%get3A_165, %get3A_166] {strides = array<i32>} : memref<16x128xf32, #tpu.memory_space<vmem>>, vector<16xf32>,
          %add3A_168 = arith.constant 0 : i32
          %add3A_169 = arith.addi %mul3A_163, %add3A_168 : i32
          %get3A_170 = arith.index_cast %add3A_169 : i32 to index
          %get3A_171 = tpu.vector_load %arg11[%get3A_170] {strides = array<i32>} : memref<80000xf32, #tpu.memory_space<vmem>>, vector<16xf32>,
          %max3A_172 = arith.maximumf %get3A_171, %get3A_167 : vector<16xf32>
          %add3A_173 = arith.constant 0 : i32
          %add3A_174 = arith.addi %mul3A_163, %add3A_173 : i32
          %swap3A = arith.index_cast %add3A_174 : i32 to index
          %swap3A_175 = tpu.vector_load %arg11[%swap3A] {strides = array<i32>} : memref<80000xf32, #tpu.memory_space<vmem>>, vector<16xf32>,
          tpu.vector_store %arg11[%swap3A], %max3A_172 {strides = array<i32>} : memref<80000xf32, #tpu.memory_space<vmem>>, vector<16xf32>,
          %get3A_176 = arith.constant 3 : i32
          %get3A_177 = arith.index_cast %get3A_176 : i32 to index
          %get3A_178 = arith.constant 16 : index
          %get3A_179 = tpu.vector_load %arg10[%get3A_177, %get3A_178] {strides = array<i32>} : memref<16x128xf32, #tpu.memory_space<vmem>>, vector<16xf32>,
          %add3A_180 = arith.constant 16 : i32
          %add3A_181 = arith.addi %mul3A_163, %add3A_180 : i32
          %get3A_182 = arith.index_cast %add3A_181 : i32 to index
          %get3A_183 = tpu.vector_load %arg11[%get3A_182] {strides = array<i32>} : memref<80000xf32, #tpu.memory_space<vmem>>, vector<16xf32>,
          %max3A_184 = arith.maximumf %get3A_183, %get3A_179 : vector<16xf32>
          %add3A_185 = arith.constant 16 : i32
          %add3A_186 = arith.addi %mul3A_163, %add3A_185 : i32
          %swap3A_187 = arith.index_cast %add3A_186 : i32 to index
          %swap3A_188 = tpu.vector_load %arg11[%swap3A_187] {strides = array<i32>} : memref<80000xf32, #tpu.memory_space<vmem>>, vector<16xf32>,
          tpu.vector_store %arg11[%swap3A_187], %max3A_184 {strides = array<i32>} : memref<80000xf32, #tpu.memory_space<vmem>>, vector<16xf32>,
          %get3A_189 = arith.constant 3 : i32
          %get3A_190 = arith.index_cast %get3A_189 : i32 to index
          %get3A_191 = arith.constant 32 : index
          %get3A_192 = tpu.vector_load %arg10[%get3A_190, %get3A_191] {strides = array<i32>} : memref<16x128xf32, #tpu.memory_space<vmem>>, vector<16xf32>,
          %add3A_193 = arith.constant 32 : i32
          %add3A_194 = arith.addi %mul3A_163, %add3A_193 : i32
          %get3A_195 = arith.index_cast %add3A_194 : i32 to index
          %get3A_196 = tpu.vector_load %arg11[%get3A_195] {strides = array<i32>} : memref<80000xf32, #tpu.memory_space<vmem>>, vector<16xf32>,
          %max3A_197 = arith.maximumf %get3A_196, %get3A_192 : vector<16xf32>
          %add3A_198 = arith.constant 32 : i32
          %add3A_199 = arith.addi %mul3A_163, %add3A_198 : i32
          %swap3A_200 = arith.index_cast %add3A_199 : i32 to index
          %swap3A_201 = tpu.vector_load %arg11[%swap3A_200] {strides = array<i32>} : memref<80000xf32, #tpu.memory_space<vmem>>, vector<16xf32>,
          tpu.vector_store %arg11[%swap3A_200], %max3A_197 {strides = array<i32>} : memref<80000xf32, #tpu.memory_space<vmem>>, vector<16xf32>,
          %get3A_202 = arith.constant 3 : i32
          %get3A_203 = arith.index_cast %get3A_202 : i32 to index
          %get3A_204 = arith.constant 48 : index
          %get3A_205 = tpu.vector_load %arg10[%get3A_203, %get3A_204] {strides = array<i32>} : memref<16x128xf32, #tpu.memory_space<vmem>>, vector<16xf32>,
          %add3A_206 = arith.constant 48 : i32
          %add3A_207 = arith.addi %mul3A_163, %add3A_206 : i32
          %get3A_208 = arith.index_cast %add3A_207 : i32 to index
          %get3A_209 = tpu.vector_load %arg11[%get3A_208] {strides = array<i32>} : memref<80000xf32, #tpu.memory_space<vmem>>, vector<16xf32>,
          %max3A_210 = arith.maximumf %get3A_209, %get3A_205 : vector<16xf32>
          %add3A_211 = arith.constant 48 : i32
          %add3A_212 = arith.addi %mul3A_163, %add3A_211 : i32
          %swap3A_213 = arith.index_cast %add3A_212 : i32 to index
          %swap3A_214 = tpu.vector_load %arg11[%swap3A_213] {strides = array<i32>} : memref<80000xf32, #tpu.memory_space<vmem>>, vector<16xf32>,
          tpu.vector_store %arg11[%swap3A_213], %max3A_210 {strides = array<i32>} : memref<80000xf32, #tpu.memory_space<vmem>>, vector<16xf32>,
          %get3A_215 = arith.constant 3 : i32
          %get3A_216 = arith.index_cast %get3A_215 : i32 to index
          %get3A_217 = arith.constant 64 : index
          %get3A_218 = tpu.vector_load %arg10[%get3A_216, %get3A_217] {strides = array<i32>} : memref<16x128xf32, #tpu.memory_space<vmem>>, vector<16xf32>,
          %add3A_219 = arith.constant 64 : i32
          %add3A_220 = arith.addi %mul3A_163, %add3A_219 : i32
          %get3A_221 = arith.index_cast %add3A_220 : i32 to index
          %get3A_222 = tpu.vector_load %arg11[%get3A_221] {strides = array<i32>} : memref<80000xf32, #tpu.memory_space<vmem>>, vector<16xf32>,
          %max3A_223 = arith.maximumf %get3A_222, %get3A_218 : vector<16xf32>
          %add3A_224 = arith.constant 64 : i32
          %add3A_225 = arith.addi %mul3A_163, %add3A_224 : i32
          %swap3A_226 = arith.index_cast %add3A_225 : i32 to index
          %swap3A_227 = tpu.vector_load %arg11[%swap3A_226] {strides = array<i32>} : memref<80000xf32, #tpu.memory_space<vmem>>, vector<16xf32>,
          tpu.vector_store %arg11[%swap3A_226], %max3A_223 {strides = array<i32>} : memref<80000xf32, #tpu.memory_space<vmem>>, vector<16xf32>,
          %get3A_228 = arith.constant 3 : i32
          %get3A_229 = arith.index_cast %get3A_228 : i32 to index
          %get3A_230 = arith.constant 80 : index
          %get3A_231 = tpu.vector_load %arg10[%get3A_229, %get3A_230] {strides = array<i32>} : memref<16x128xf32, #tpu.memory_space<vmem>>, vector<16xf32>,
          %add3A_232 = arith.constant 80 : i32
          %add3A_233 = arith.addi %mul3A_163, %add3A_232 : i32
          %get3A_234 = arith.index_cast %add3A_233 : i32 to index
          %get3A_235 = tpu.vector_load %arg11[%get3A_234] {strides = array<i32>} : memref<80000xf32, #tpu.memory_space<vmem>>, vector<16xf32>,
          %max3A_236 = arith.maximumf %get3A_235, %get3A_231 : vector<16xf32>
          %add3A_237 = arith.constant 80 : i32
          %add3A_238 = arith.addi %mul3A_163, %add3A_237 : i32
          %swap3A_239 = arith.index_cast %add3A_238 : i32 to index
          %swap3A_240 = tpu.vector_load %arg11[%swap3A_239] {strides = array<i32>} : memref<80000xf32, #tpu.memory_space<vmem>>, vector<16xf32>,
          tpu.vector_store %arg11[%swap3A_239], %max3A_236 {strides = array<i32>} : memref<80000xf32, #tpu.memory_space<vmem>>, vector<16xf32>,
          %get3A_241 = arith.constant 3 : i32
          %get3A_242 = arith.index_cast %get3A_241 : i32 to index
          %get3A_243 = arith.constant 96 : index
          %get3A_244 = tpu.vector_load %arg10[%get3A_242, %get3A_243] {strides = array<i32>} : memref<16x128xf32, #tpu.memory_space<vmem>>, vector<16xf32>,
          %add3A_245 = arith.constant 96 : i32
          %add3A_246 = arith.addi %mul3A_163, %add3A_245 : i32
          %get3A_247 = arith.index_cast %add3A_246 : i32 to index
          %get3A_248 = tpu.vector_load %arg11[%get3A_247] {strides = array<i32>} : memref<80000xf32, #tpu.memory_space<vmem>>, vector<16xf32>,
          %max3A_249 = arith.maximumf %get3A_248, %get3A_244 : vector<16xf32>
          %add3A_250 = arith.constant 96 : i32
          %add3A_251 = arith.addi %mul3A_163, %add3A_250 : i32
          %swap3A_252 = arith.index_cast %add3A_251 : i32 to index
          %swap3A_253 = tpu.vector_load %arg11[%swap3A_252] {strides = array<i32>} : memref<80000xf32, #tpu.memory_space<vmem>>, vector<16xf32>,
          tpu.vector_store %arg11[%swap3A_252], %max3A_249 {strides = array<i32>} : memref<80000xf32, #tpu.memory_space<vmem>>, vector<16xf32>,
          %get3A_254 = arith.constant 3 : i32
          %get3A_255 = arith.index_cast %get3A_254 : i32 to index
          %get3A_256 = arith.constant 112 : index
          %get3A_257 = tpu.vector_load %arg10[%get3A_255, %get3A_256] {strides = array<i32>} : memref<16x128xf32, #tpu.memory_space<vmem>>, vector<16xf32>,
          %add3A_258 = arith.constant 112 : i32
          %add3A_259 = arith.addi %mul3A_163, %add3A_258 : i32
          %get3A_260 = arith.index_cast %add3A_259 : i32 to index
          %get3A_261 = tpu.vector_load %arg11[%get3A_260] {strides = array<i32>} : memref<80000xf32, #tpu.memory_space<vmem>>, vector<16xf32>,
          %max3A_262 = arith.maximumf %get3A_261, %get3A_257 : vector<16xf32>
          %add3A_263 = arith.constant 112 : i32
          %add3A_264 = arith.addi %mul3A_163, %add3A_263 : i32
          %swap3A_265 = arith.index_cast %add3A_264 : i32 to index
          %swap3A_266 = tpu.vector_load %arg11[%swap3A_265] {strides = array<i32>} : memref<80000xf32, #tpu.memory_space<vmem>>, vector<16xf32>,
          tpu.vector_store %arg11[%swap3A_265], %max3A_262 {strides = array<i32>} : memref<80000xf32, #tpu.memory_space<vmem>>, vector<16xf32>,
        } else {
        }
        %gt3A_99 = arith.constant 4 : i32
        %gt3A_100 = arith.cmpi sgt, %sub3A_81, %gt3A_99 : i32
        %convert_element_type3A_101 = arith.extui %gt3A_100 : i1 to i32
        %cond3A_102 = arith.constant 0 : i32
        %cond3A_103 = arith.cmpi ne, %convert_element_type3A_101, %cond3A_102 : i32
        scf.if %cond3A_103 {
          %slice3A_160 = vector.extract_strided_slice %get3A_80 {offsets = [4], sizes = [1], strides = [1]} : vector<16xi32> to vector<1xi32>
          %squeeze3A_161 = vector.extract %slice3A_160[0] : i32 from vector<1xi32>
          %mul3A_162 = arith.constant 128 : i32
          %mul3A_163 = arith.muli %squeeze3A_161, %mul3A_162 : i32
          %get3A_164 = arith.constant 4 : i32
          %get3A_165 = arith.index_cast %get3A_164 : i32 to index
          %get3A_166 = arith.constant 0 : index
          %get3A_167 = tpu.vector_load %arg10[%get3A_165, %get3A_166] {strides = array<i32>} : memref<16x128xf32, #tpu.memory_space<vmem>>, vector<16xf32>,
          %add3A_168 = arith.constant 0 : i32
          %add3A_169 = arith.addi %mul3A_163, %add3A_168 : i32
          %get3A_170 = arith.index_cast %add3A_169 : i32 to index
          %get3A_171 = tpu.vector_load %arg11[%get3A_170] {strides = array<i32>} : memref<80000xf32, #tpu.memory_space<vmem>>, vector<16xf32>,
          %max3A_172 = arith.maximumf %get3A_171, %get3A_167 : vector<16xf32>
          %add3A_173 = arith.constant 0 : i32
          %add3A_174 = arith.addi %mul3A_163, %add3A_173 : i32
          %swap3A = arith.index_cast %add3A_174 : i32 to index
          %swap3A_175 = tpu.vector_load %arg11[%swap3A] {strides = array<i32>} : memref<80000xf32, #tpu.memory_space<vmem>>, vector<16xf32>,
          tpu.vector_store %arg11[%swap3A], %max3A_172 {strides = array<i32>} : memref<80000xf32, #tpu.memory_space<vmem>>, vector<16xf32>,
          %get3A_176 = arith.constant 4 : i32
          %get3A_177 = arith.index_cast %get3A_176 : i32 to index
          %get3A_178 = arith.constant 16 : index
          %get3A_179 = tpu.vector_load %arg10[%get3A_177, %get3A_178] {strides = array<i32>} : memref<16x128xf32, #tpu.memory_space<vmem>>, vector<16xf32>,
          %add3A_180 = arith.constant 16 : i32
          %add3A_181 = arith.addi %mul3A_163, %add3A_180 : i32
          %get3A_182 = arith.index_cast %add3A_181 : i32 to index
          %get3A_183 = tpu.vector_load %arg11[%get3A_182] {strides = array<i32>} : memref<80000xf32, #tpu.memory_space<vmem>>, vector<16xf32>,
          %max3A_184 = arith.maximumf %get3A_183, %get3A_179 : vector<16xf32>
          %add3A_185 = arith.constant 16 : i32
          %add3A_186 = arith.addi %mul3A_163, %add3A_185 : i32
          %swap3A_187 = arith.index_cast %add3A_186 : i32 to index
          %swap3A_188 = tpu.vector_load %arg11[%swap3A_187] {strides = array<i32>} : memref<80000xf32, #tpu.memory_space<vmem>>, vector<16xf32>,
          tpu.vector_store %arg11[%swap3A_187], %max3A_184 {strides = array<i32>} : memref<80000xf32, #tpu.memory_space<vmem>>, vector<16xf32>,
          %get3A_189 = arith.constant 4 : i32
          %get3A_190 = arith.index_cast %get3A_189 : i32 to index
          %get3A_191 = arith.constant 32 : index
          %get3A_192 = tpu.vector_load %arg10[%get3A_190, %get3A_191] {strides = array<i32>} : memref<16x128xf32, #tpu.memory_space<vmem>>, vector<16xf32>,
          %add3A_193 = arith.constant 32 : i32
          %add3A_194 = arith.addi %mul3A_163, %add3A_193 : i32
          %get3A_195 = arith.index_cast %add3A_194 : i32 to index
          %get3A_196 = tpu.vector_load %arg11[%get3A_195] {strides = array<i32>} : memref<80000xf32, #tpu.memory_space<vmem>>, vector<16xf32>,
          %max3A_197 = arith.maximumf %get3A_196, %get3A_192 : vector<16xf32>
          %add3A_198 = arith.constant 32 : i32
          %add3A_199 = arith.addi %mul3A_163, %add3A_198 : i32
          %swap3A_200 = arith.index_cast %add3A_199 : i32 to index
          %swap3A_201 = tpu.vector_load %arg11[%swap3A_200] {strides = array<i32>} : memref<80000xf32, #tpu.memory_space<vmem>>, vector<16xf32>,
          tpu.vector_store %arg11[%swap3A_200], %max3A_197 {strides = array<i32>} : memref<80000xf32, #tpu.memory_space<vmem>>, vector<16xf32>,
          %get3A_202 = arith.constant 4 : i32
          %get3A_203 = arith.index_cast %get3A_202 : i32 to index
          %get3A_204 = arith.constant 48 : index
          %get3A_205 = tpu.vector_load %arg10[%get3A_203, %get3A_204] {strides = array<i32>} : memref<16x128xf32, #tpu.memory_space<vmem>>, vector<16xf32>,
          %add3A_206 = arith.constant 48 : i32
          %add3A_207 = arith.addi %mul3A_163, %add3A_206 : i32
          %get3A_208 = arith.index_cast %add3A_207 : i32 to index
          %get3A_209 = tpu.vector_load %arg11[%get3A_208] {strides = array<i32>} : memref<80000xf32, #tpu.memory_space<vmem>>, vector<16xf32>,
          %max3A_210 = arith.maximumf %get3A_209, %get3A_205 : vector<16xf32>
          %add3A_211 = arith.constant 48 : i32
          %add3A_212 = arith.addi %mul3A_163, %add3A_211 : i32
          %swap3A_213 = arith.index_cast %add3A_212 : i32 to index
          %swap3A_214 = tpu.vector_load %arg11[%swap3A_213] {strides = array<i32>} : memref<80000xf32, #tpu.memory_space<vmem>>, vector<16xf32>,
          tpu.vector_store %arg11[%swap3A_213], %max3A_210 {strides = array<i32>} : memref<80000xf32, #tpu.memory_space<vmem>>, vector<16xf32>,
          %get3A_215 = arith.constant 4 : i32
          %get3A_216 = arith.index_cast %get3A_215 : i32 to index
          %get3A_217 = arith.constant 64 : index
          %get3A_218 = tpu.vector_load %arg10[%get3A_216, %get3A_217] {strides = array<i32>} : memref<16x128xf32, #tpu.memory_space<vmem>>, vector<16xf32>,
          %add3A_219 = arith.constant 64 : i32
          %add3A_220 = arith.addi %mul3A_163, %add3A_219 : i32
          %get3A_221 = arith.index_cast %add3A_220 : i32 to index
          %get3A_222 = tpu.vector_load %arg11[%get3A_221] {strides = array<i32>} : memref<80000xf32, #tpu.memory_space<vmem>>, vector<16xf32>,
          %max3A_223 = arith.maximumf %get3A_222, %get3A_218 : vector<16xf32>
          %add3A_224 = arith.constant 64 : i32
          %add3A_225 = arith.addi %mul3A_163, %add3A_224 : i32
          %swap3A_226 = arith.index_cast %add3A_225 : i32 to index
          %swap3A_227 = tpu.vector_load %arg11[%swap3A_226] {strides = array<i32>} : memref<80000xf32, #tpu.memory_space<vmem>>, vector<16xf32>,
          tpu.vector_store %arg11[%swap3A_226], %max3A_223 {strides = array<i32>} : memref<80000xf32, #tpu.memory_space<vmem>>, vector<16xf32>,
          %get3A_228 = arith.constant 4 : i32
          %get3A_229 = arith.index_cast %get3A_228 : i32 to index
          %get3A_230 = arith.constant 80 : index
          %get3A_231 = tpu.vector_load %arg10[%get3A_229, %get3A_230] {strides = array<i32>} : memref<16x128xf32, #tpu.memory_space<vmem>>, vector<16xf32>,
          %add3A_232 = arith.constant 80 : i32
          %add3A_233 = arith.addi %mul3A_163, %add3A_232 : i32
          %get3A_234 = arith.index_cast %add3A_233 : i32 to index
          %get3A_235 = tpu.vector_load %arg11[%get3A_234] {strides = array<i32>} : memref<80000xf32, #tpu.memory_space<vmem>>, vector<16xf32>,
          %max3A_236 = arith.maximumf %get3A_235, %get3A_231 : vector<16xf32>
          %add3A_237 = arith.constant 80 : i32
          %add3A_238 = arith.addi %mul3A_163, %add3A_237 : i32
          %swap3A_239 = arith.index_cast %add3A_238 : i32 to index
          %swap3A_240 = tpu.vector_load %arg11[%swap3A_239] {strides = array<i32>} : memref<80000xf32, #tpu.memory_space<vmem>>, vector<16xf32>,
          tpu.vector_store %arg11[%swap3A_239], %max3A_236 {strides = array<i32>} : memref<80000xf32, #tpu.memory_space<vmem>>, vector<16xf32>,
          %get3A_241 = arith.constant 4 : i32
          %get3A_242 = arith.index_cast %get3A_241 : i32 to index
          %get3A_243 = arith.constant 96 : index
          %get3A_244 = tpu.vector_load %arg10[%get3A_242, %get3A_243] {strides = array<i32>} : memref<16x128xf32, #tpu.memory_space<vmem>>, vector<16xf32>,
          %add3A_245 = arith.constant 96 : i32
          %add3A_246 = arith.addi %mul3A_163, %add3A_245 : i32
          %get3A_247 = arith.index_cast %add3A_246 : i32 to index
          %get3A_248 = tpu.vector_load %arg11[%get3A_247] {strides = array<i32>} : memref<80000xf32, #tpu.memory_space<vmem>>, vector<16xf32>,
          %max3A_249 = arith.maximumf %get3A_248, %get3A_244 : vector<16xf32>
          %add3A_250 = arith.constant 96 : i32
          %add3A_251 = arith.addi %mul3A_163, %add3A_250 : i32
          %swap3A_252 = arith.index_cast %add3A_251 : i32 to index
          %swap3A_253 = tpu.vector_load %arg11[%swap3A_252] {strides = array<i32>} : memref<80000xf32, #tpu.memory_space<vmem>>, vector<16xf32>,
          tpu.vector_store %arg11[%swap3A_252], %max3A_249 {strides = array<i32>} : memref<80000xf32, #tpu.memory_space<vmem>>, vector<16xf32>,
          %get3A_254 = arith.constant 4 : i32
          %get3A_255 = arith.index_cast %get3A_254 : i32 to index
          %get3A_256 = arith.constant 112 : index
          %get3A_257 = tpu.vector_load %arg10[%get3A_255, %get3A_256] {strides = array<i32>} : memref<16x128xf32, #tpu.memory_space<vmem>>, vector<16xf32>,
          %add3A_258 = arith.constant 112 : i32
          %add3A_259 = arith.addi %mul3A_163, %add3A_258 : i32
          %get3A_260 = arith.index_cast %add3A_259 : i32 to index
          %get3A_261 = tpu.vector_load %arg11[%get3A_260] {strides = array<i32>} : memref<80000xf32, #tpu.memory_space<vmem>>, vector<16xf32>,
          %max3A_262 = arith.maximumf %get3A_261, %get3A_257 : vector<16xf32>
          %add3A_263 = arith.constant 112 : i32
          %add3A_264 = arith.addi %mul3A_163, %add3A_263 : i32
          %swap3A_265 = arith.index_cast %add3A_264 : i32 to index
          %swap3A_266 = tpu.vector_load %arg11[%swap3A_265] {strides = array<i32>} : memref<80000xf32, #tpu.memory_space<vmem>>, vector<16xf32>,
          tpu.vector_store %arg11[%swap3A_265], %max3A_262 {strides = array<i32>} : memref<80000xf32, #tpu.memory_space<vmem>>, vector<16xf32>,
        } else {
        }
        %gt3A_104 = arith.constant 5 : i32
        %gt3A_105 = arith.cmpi sgt, %sub3A_81, %gt3A_104 : i32
        %convert_element_type3A_106 = arith.extui %gt3A_105 : i1 to i32
        %cond3A_107 = arith.constant 0 : i32
        %cond3A_108 = arith.cmpi ne, %convert_element_type3A_106, %cond3A_107 : i32
        scf.if %cond3A_108 {
          %slice3A_160 = vector.extract_strided_slice %get3A_80 {offsets = [5], sizes = [1], strides = [1]} : vector<16xi32> to vector<1xi32>
          %squeeze3A_161 = vector.extract %slice3A_160[0] : i32 from vector<1xi32>
          %mul3A_162 = arith.constant 128 : i32
          %mul3A_163 = arith.muli %squeeze3A_161, %mul3A_162 : i32
          %get3A_164 = arith.constant 5 : i32
          %get3A_165 = arith.index_cast %get3A_164 : i32 to index
          %get3A_166 = arith.constant 0 : index
          %get3A_167 = tpu.vector_load %arg10[%get3A_165, %get3A_166] {strides = array<i32>} : memref<16x128xf32, #tpu.memory_space<vmem>>, vector<16xf32>,
          %add3A_168 = arith.constant 0 : i32
          %add3A_169 = arith.addi %mul3A_163, %add3A_168 : i32
          %get3A_170 = arith.index_cast %add3A_169 : i32 to index
          %get3A_171 = tpu.vector_load %arg11[%get3A_170] {strides = array<i32>} : memref<80000xf32, #tpu.memory_space<vmem>>, vector<16xf32>,
          %max3A_172 = arith.maximumf %get3A_171, %get3A_167 : vector<16xf32>
          %add3A_173 = arith.constant 0 : i32
          %add3A_174 = arith.addi %mul3A_163, %add3A_173 : i32
          %swap3A = arith.index_cast %add3A_174 : i32 to index
          %swap3A_175 = tpu.vector_load %arg11[%swap3A] {strides = array<i32>} : memref<80000xf32, #tpu.memory_space<vmem>>, vector<16xf32>,
          tpu.vector_store %arg11[%swap3A], %max3A_172 {strides = array<i32>} : memref<80000xf32, #tpu.memory_space<vmem>>, vector<16xf32>,
          %get3A_176 = arith.constant 5 : i32
          %get3A_177 = arith.index_cast %get3A_176 : i32 to index
          %get3A_178 = arith.constant 16 : index
          %get3A_179 = tpu.vector_load %arg10[%get3A_177, %get3A_178] {strides = array<i32>} : memref<16x128xf32, #tpu.memory_space<vmem>>, vector<16xf32>,
          %add3A_180 = arith.constant 16 : i32
          %add3A_181 = arith.addi %mul3A_163, %add3A_180 : i32
          %get3A_182 = arith.index_cast %add3A_181 : i32 to index
          %get3A_183 = tpu.vector_load %arg11[%get3A_182] {strides = array<i32>} : memref<80000xf32, #tpu.memory_space<vmem>>, vector<16xf32>,
          %max3A_184 = arith.maximumf %get3A_183, %get3A_179 : vector<16xf32>
          %add3A_185 = arith.constant 16 : i32
          %add3A_186 = arith.addi %mul3A_163, %add3A_185 : i32
          %swap3A_187 = arith.index_cast %add3A_186 : i32 to index
          %swap3A_188 = tpu.vector_load %arg11[%swap3A_187] {strides = array<i32>} : memref<80000xf32, #tpu.memory_space<vmem>>, vector<16xf32>,
          tpu.vector_store %arg11[%swap3A_187], %max3A_184 {strides = array<i32>} : memref<80000xf32, #tpu.memory_space<vmem>>, vector<16xf32>,
          %get3A_189 = arith.constant 5 : i32
          %get3A_190 = arith.index_cast %get3A_189 : i32 to index
          %get3A_191 = arith.constant 32 : index
          %get3A_192 = tpu.vector_load %arg10[%get3A_190, %get3A_191] {strides = array<i32>} : memref<16x128xf32, #tpu.memory_space<vmem>>, vector<16xf32>,
          %add3A_193 = arith.constant 32 : i32
          %add3A_194 = arith.addi %mul3A_163, %add3A_193 : i32
          %get3A_195 = arith.index_cast %add3A_194 : i32 to index
          %get3A_196 = tpu.vector_load %arg11[%get3A_195] {strides = array<i32>} : memref<80000xf32, #tpu.memory_space<vmem>>, vector<16xf32>,
          %max3A_197 = arith.maximumf %get3A_196, %get3A_192 : vector<16xf32>
          %add3A_198 = arith.constant 32 : i32
          %add3A_199 = arith.addi %mul3A_163, %add3A_198 : i32
          %swap3A_200 = arith.index_cast %add3A_199 : i32 to index
          %swap3A_201 = tpu.vector_load %arg11[%swap3A_200] {strides = array<i32>} : memref<80000xf32, #tpu.memory_space<vmem>>, vector<16xf32>,
          tpu.vector_store %arg11[%swap3A_200], %max3A_197 {strides = array<i32>} : memref<80000xf32, #tpu.memory_space<vmem>>, vector<16xf32>,
          %get3A_202 = arith.constant 5 : i32
          %get3A_203 = arith.index_cast %get3A_202 : i32 to index
          %get3A_204 = arith.constant 48 : index
          %get3A_205 = tpu.vector_load %arg10[%get3A_203, %get3A_204] {strides = array<i32>} : memref<16x128xf32, #tpu.memory_space<vmem>>, vector<16xf32>,
          %add3A_206 = arith.constant 48 : i32
          %add3A_207 = arith.addi %mul3A_163, %add3A_206 : i32
          %get3A_208 = arith.index_cast %add3A_207 : i32 to index
          %get3A_209 = tpu.vector_load %arg11[%get3A_208] {strides = array<i32>} : memref<80000xf32, #tpu.memory_space<vmem>>, vector<16xf32>,
          %max3A_210 = arith.maximumf %get3A_209, %get3A_205 : vector<16xf32>
          %add3A_211 = arith.constant 48 : i32
          %add3A_212 = arith.addi %mul3A_163, %add3A_211 : i32
          %swap3A_213 = arith.index_cast %add3A_212 : i32 to index
          %swap3A_214 = tpu.vector_load %arg11[%swap3A_213] {strides = array<i32>} : memref<80000xf32, #tpu.memory_space<vmem>>, vector<16xf32>,
          tpu.vector_store %arg11[%swap3A_213], %max3A_210 {strides = array<i32>} : memref<80000xf32, #tpu.memory_space<vmem>>, vector<16xf32>,
          %get3A_215 = arith.constant 5 : i32
          %get3A_216 = arith.index_cast %get3A_215 : i32 to index
          %get3A_217 = arith.constant 64 : index
          %get3A_218 = tpu.vector_load %arg10[%get3A_216, %get3A_217] {strides = array<i32>} : memref<16x128xf32, #tpu.memory_space<vmem>>, vector<16xf32>,
          %add3A_219 = arith.constant 64 : i32
          %add3A_220 = arith.addi %mul3A_163, %add3A_219 : i32
          %get3A_221 = arith.index_cast %add3A_220 : i32 to index
          %get3A_222 = tpu.vector_load %arg11[%get3A_221] {strides = array<i32>} : memref<80000xf32, #tpu.memory_space<vmem>>, vector<16xf32>,
          %max3A_223 = arith.maximumf %get3A_222, %get3A_218 : vector<16xf32>
          %add3A_224 = arith.constant 64 : i32
          %add3A_225 = arith.addi %mul3A_163, %add3A_224 : i32
          %swap3A_226 = arith.index_cast %add3A_225 : i32 to index
          %swap3A_227 = tpu.vector_load %arg11[%swap3A_226] {strides = array<i32>} : memref<80000xf32, #tpu.memory_space<vmem>>, vector<16xf32>,
          tpu.vector_store %arg11[%swap3A_226], %max3A_223 {strides = array<i32>} : memref<80000xf32, #tpu.memory_space<vmem>>, vector<16xf32>,
          %get3A_228 = arith.constant 5 : i32
          %get3A_229 = arith.index_cast %get3A_228 : i32 to index
          %get3A_230 = arith.constant 80 : index
          %get3A_231 = tpu.vector_load %arg10[%get3A_229, %get3A_230] {strides = array<i32>} : memref<16x128xf32, #tpu.memory_space<vmem>>, vector<16xf32>,
          %add3A_232 = arith.constant 80 : i32
          %add3A_233 = arith.addi %mul3A_163, %add3A_232 : i32
          %get3A_234 = arith.index_cast %add3A_233 : i32 to index
          %get3A_235 = tpu.vector_load %arg11[%get3A_234] {strides = array<i32>} : memref<80000xf32, #tpu.memory_space<vmem>>, vector<16xf32>,
          %max3A_236 = arith.maximumf %get3A_235, %get3A_231 : vector<16xf32>
          %add3A_237 = arith.constant 80 : i32
          %add3A_238 = arith.addi %mul3A_163, %add3A_237 : i32
          %swap3A_239 = arith.index_cast %add3A_238 : i32 to index
          %swap3A_240 = tpu.vector_load %arg11[%swap3A_239] {strides = array<i32>} : memref<80000xf32, #tpu.memory_space<vmem>>, vector<16xf32>,
          tpu.vector_store %arg11[%swap3A_239], %max3A_236 {strides = array<i32>} : memref<80000xf32, #tpu.memory_space<vmem>>, vector<16xf32>,
          %get3A_241 = arith.constant 5 : i32
          %get3A_242 = arith.index_cast %get3A_241 : i32 to index
          %get3A_243 = arith.constant 96 : index
          %get3A_244 = tpu.vector_load %arg10[%get3A_242, %get3A_243] {strides = array<i32>} : memref<16x128xf32, #tpu.memory_space<vmem>>, vector<16xf32>,
          %add3A_245 = arith.constant 96 : i32
          %add3A_246 = arith.addi %mul3A_163, %add3A_245 : i32
          %get3A_247 = arith.index_cast %add3A_246 : i32 to index
          %get3A_248 = tpu.vector_load %arg11[%get3A_247] {strides = array<i32>} : memref<80000xf32, #tpu.memory_space<vmem>>, vector<16xf32>,
          %max3A_249 = arith.maximumf %get3A_248, %get3A_244 : vector<16xf32>
          %add3A_250 = arith.constant 96 : i32
          %add3A_251 = arith.addi %mul3A_163, %add3A_250 : i32
          %swap3A_252 = arith.index_cast %add3A_251 : i32 to index
          %swap3A_253 = tpu.vector_load %arg11[%swap3A_252] {strides = array<i32>} : memref<80000xf32, #tpu.memory_space<vmem>>, vector<16xf32>,
          tpu.vector_store %arg11[%swap3A_252], %max3A_249 {strides = array<i32>} : memref<80000xf32, #tpu.memory_space<vmem>>, vector<16xf32>,
          %get3A_254 = arith.constant 5 : i32
          %get3A_255 = arith.index_cast %get3A_254 : i32 to index
          %get3A_256 = arith.constant 112 : index
          %get3A_257 = tpu.vector_load %arg10[%get3A_255, %get3A_256] {strides = array<i32>} : memref<16x128xf32, #tpu.memory_space<vmem>>, vector<16xf32>,
          %add3A_258 = arith.constant 112 : i32
          %add3A_259 = arith.addi %mul3A_163, %add3A_258 : i32
          %get3A_260 = arith.index_cast %add3A_259 : i32 to index
          %get3A_261 = tpu.vector_load %arg11[%get3A_260] {strides = array<i32>} : memref<80000xf32, #tpu.memory_space<vmem>>, vector<16xf32>,
          %max3A_262 = arith.maximumf %get3A_261, %get3A_257 : vector<16xf32>
          %add3A_263 = arith.constant 112 : i32
          %add3A_264 = arith.addi %mul3A_163, %add3A_263 : i32
          %swap3A_265 = arith.index_cast %add3A_264 : i32 to index
          %swap3A_266 = tpu.vector_load %arg11[%swap3A_265] {strides = array<i32>} : memref<80000xf32, #tpu.memory_space<vmem>>, vector<16xf32>,
          tpu.vector_store %arg11[%swap3A_265], %max3A_262 {strides = array<i32>} : memref<80000xf32, #tpu.memory_space<vmem>>, vector<16xf32>,
        } else {
        }
        %gt3A_109 = arith.constant 6 : i32
        %gt3A_110 = arith.cmpi sgt, %sub3A_81, %gt3A_109 : i32
        %convert_element_type3A_111 = arith.extui %gt3A_110 : i1 to i32
        %cond3A_112 = arith.constant 0 : i32
        %cond3A_113 = arith.cmpi ne, %convert_element_type3A_111, %cond3A_112 : i32
        scf.if %cond3A_113 {
          %slice3A_160 = vector.extract_strided_slice %get3A_80 {offsets = [6], sizes = [1], strides = [1]} : vector<16xi32> to vector<1xi32>
          %squeeze3A_161 = vector.extract %slice3A_160[0] : i32 from vector<1xi32>
          %mul3A_162 = arith.constant 128 : i32
          %mul3A_163 = arith.muli %squeeze3A_161, %mul3A_162 : i32
          %get3A_164 = arith.constant 6 : i32
          %get3A_165 = arith.index_cast %get3A_164 : i32 to index
          %get3A_166 = arith.constant 0 : index
          %get3A_167 = tpu.vector_load %arg10[%get3A_165, %get3A_166] {strides = array<i32>} : memref<16x128xf32, #tpu.memory_space<vmem>>, vector<16xf32>,
          %add3A_168 = arith.constant 0 : i32
          %add3A_169 = arith.addi %mul3A_163, %add3A_168 : i32
          %get3A_170 = arith.index_cast %add3A_169 : i32 to index
          %get3A_171 = tpu.vector_load %arg11[%get3A_170] {strides = array<i32>} : memref<80000xf32, #tpu.memory_space<vmem>>, vector<16xf32>,
          %max3A_172 = arith.maximumf %get3A_171, %get3A_167 : vector<16xf32>
          %add3A_173 = arith.constant 0 : i32
          %add3A_174 = arith.addi %mul3A_163, %add3A_173 : i32
          %swap3A = arith.index_cast %add3A_174 : i32 to index
          %swap3A_175 = tpu.vector_load %arg11[%swap3A] {strides = array<i32>} : memref<80000xf32, #tpu.memory_space<vmem>>, vector<16xf32>,
          tpu.vector_store %arg11[%swap3A], %max3A_172 {strides = array<i32>} : memref<80000xf32, #tpu.memory_space<vmem>>, vector<16xf32>,
          %get3A_176 = arith.constant 6 : i32
          %get3A_177 = arith.index_cast %get3A_176 : i32 to index
          %get3A_178 = arith.constant 16 : index
          %get3A_179 = tpu.vector_load %arg10[%get3A_177, %get3A_178] {strides = array<i32>} : memref<16x128xf32, #tpu.memory_space<vmem>>, vector<16xf32>,
          %add3A_180 = arith.constant 16 : i32
          %add3A_181 = arith.addi %mul3A_163, %add3A_180 : i32
          %get3A_182 = arith.index_cast %add3A_181 : i32 to index
          %get3A_183 = tpu.vector_load %arg11[%get3A_182] {strides = array<i32>} : memref<80000xf32, #tpu.memory_space<vmem>>, vector<16xf32>,
          %max3A_184 = arith.maximumf %get3A_183, %get3A_179 : vector<16xf32>
          %add3A_185 = arith.constant 16 : i32
          %add3A_186 = arith.addi %mul3A_163, %add3A_185 : i32
          %swap3A_187 = arith.index_cast %add3A_186 : i32 to index
          %swap3A_188 = tpu.vector_load %arg11[%swap3A_187] {strides = array<i32>} : memref<80000xf32, #tpu.memory_space<vmem>>, vector<16xf32>,
          tpu.vector_store %arg11[%swap3A_187], %max3A_184 {strides = array<i32>} : memref<80000xf32, #tpu.memory_space<vmem>>, vector<16xf32>,
          %get3A_189 = arith.constant 6 : i32
          %get3A_190 = arith.index_cast %get3A_189 : i32 to index
          %get3A_191 = arith.constant 32 : index
          %get3A_192 = tpu.vector_load %arg10[%get3A_190, %get3A_191] {strides = array<i32>} : memref<16x128xf32, #tpu.memory_space<vmem>>, vector<16xf32>,
          %add3A_193 = arith.constant 32 : i32
          %add3A_194 = arith.addi %mul3A_163, %add3A_193 : i32
          %get3A_195 = arith.index_cast %add3A_194 : i32 to index
          %get3A_196 = tpu.vector_load %arg11[%get3A_195] {strides = array<i32>} : memref<80000xf32, #tpu.memory_space<vmem>>, vector<16xf32>,
          %max3A_197 = arith.maximumf %get3A_196, %get3A_192 : vector<16xf32>
          %add3A_198 = arith.constant 32 : i32
          %add3A_199 = arith.addi %mul3A_163, %add3A_198 : i32
          %swap3A_200 = arith.index_cast %add3A_199 : i32 to index
          %swap3A_201 = tpu.vector_load %arg11[%swap3A_200] {strides = array<i32>} : memref<80000xf32, #tpu.memory_space<vmem>>, vector<16xf32>,
          tpu.vector_store %arg11[%swap3A_200], %max3A_197 {strides = array<i32>} : memref<80000xf32, #tpu.memory_space<vmem>>, vector<16xf32>,
          %get3A_202 = arith.constant 6 : i32
          %get3A_203 = arith.index_cast %get3A_202 : i32 to index
          %get3A_204 = arith.constant 48 : index
          %get3A_205 = tpu.vector_load %arg10[%get3A_203, %get3A_204] {strides = array<i32>} : memref<16x128xf32, #tpu.memory_space<vmem>>, vector<16xf32>,
          %add3A_206 = arith.constant 48 : i32
          %add3A_207 = arith.addi %mul3A_163, %add3A_206 : i32
          %get3A_208 = arith.index_cast %add3A_207 : i32 to index
          %get3A_209 = tpu.vector_load %arg11[%get3A_208] {strides = array<i32>} : memref<80000xf32, #tpu.memory_space<vmem>>, vector<16xf32>,
          %max3A_210 = arith.maximumf %get3A_209, %get3A_205 : vector<16xf32>
          %add3A_211 = arith.constant 48 : i32
          %add3A_212 = arith.addi %mul3A_163, %add3A_211 : i32
          %swap3A_213 = arith.index_cast %add3A_212 : i32 to index
          %swap3A_214 = tpu.vector_load %arg11[%swap3A_213] {strides = array<i32>} : memref<80000xf32, #tpu.memory_space<vmem>>, vector<16xf32>,
          tpu.vector_store %arg11[%swap3A_213], %max3A_210 {strides = array<i32>} : memref<80000xf32, #tpu.memory_space<vmem>>, vector<16xf32>,
          %get3A_215 = arith.constant 6 : i32
          %get3A_216 = arith.index_cast %get3A_215 : i32 to index
          %get3A_217 = arith.constant 64 : index
          %get3A_218 = tpu.vector_load %arg10[%get3A_216, %get3A_217] {strides = array<i32>} : memref<16x128xf32, #tpu.memory_space<vmem>>, vector<16xf32>,
          %add3A_219 = arith.constant 64 : i32
          %add3A_220 = arith.addi %mul3A_163, %add3A_219 : i32
          %get3A_221 = arith.index_cast %add3A_220 : i32 to index
          %get3A_222 = tpu.vector_load %arg11[%get3A_221] {strides = array<i32>} : memref<80000xf32, #tpu.memory_space<vmem>>, vector<16xf32>,
          %max3A_223 = arith.maximumf %get3A_222, %get3A_218 : vector<16xf32>
          %add3A_224 = arith.constant 64 : i32
          %add3A_225 = arith.addi %mul3A_163, %add3A_224 : i32
          %swap3A_226 = arith.index_cast %add3A_225 : i32 to index
          %swap3A_227 = tpu.vector_load %arg11[%swap3A_226] {strides = array<i32>} : memref<80000xf32, #tpu.memory_space<vmem>>, vector<16xf32>,
          tpu.vector_store %arg11[%swap3A_226], %max3A_223 {strides = array<i32>} : memref<80000xf32, #tpu.memory_space<vmem>>, vector<16xf32>,
          %get3A_228 = arith.constant 6 : i32
          %get3A_229 = arith.index_cast %get3A_228 : i32 to index
          %get3A_230 = arith.constant 80 : index
          %get3A_231 = tpu.vector_load %arg10[%get3A_229, %get3A_230] {strides = array<i32>} : memref<16x128xf32, #tpu.memory_space<vmem>>, vector<16xf32>,
          %add3A_232 = arith.constant 80 : i32
          %add3A_233 = arith.addi %mul3A_163, %add3A_232 : i32
          %get3A_234 = arith.index_cast %add3A_233 : i32 to index
          %get3A_235 = tpu.vector_load %arg11[%get3A_234] {strides = array<i32>} : memref<80000xf32, #tpu.memory_space<vmem>>, vector<16xf32>,
          %max3A_236 = arith.maximumf %get3A_235, %get3A_231 : vector<16xf32>
          %add3A_237 = arith.constant 80 : i32
          %add3A_238 = arith.addi %mul3A_163, %add3A_237 : i32
          %swap3A_239 = arith.index_cast %add3A_238 : i32 to index
          %swap3A_240 = tpu.vector_load %arg11[%swap3A_239] {strides = array<i32>} : memref<80000xf32, #tpu.memory_space<vmem>>, vector<16xf32>,
          tpu.vector_store %arg11[%swap3A_239], %max3A_236 {strides = array<i32>} : memref<80000xf32, #tpu.memory_space<vmem>>, vector<16xf32>,
          %get3A_241 = arith.constant 6 : i32
          %get3A_242 = arith.index_cast %get3A_241 : i32 to index
          %get3A_243 = arith.constant 96 : index
          %get3A_244 = tpu.vector_load %arg10[%get3A_242, %get3A_243] {strides = array<i32>} : memref<16x128xf32, #tpu.memory_space<vmem>>, vector<16xf32>,
          %add3A_245 = arith.constant 96 : i32
          %add3A_246 = arith.addi %mul3A_163, %add3A_245 : i32
          %get3A_247 = arith.index_cast %add3A_246 : i32 to index
          %get3A_248 = tpu.vector_load %arg11[%get3A_247] {strides = array<i32>} : memref<80000xf32, #tpu.memory_space<vmem>>, vector<16xf32>,
          %max3A_249 = arith.maximumf %get3A_248, %get3A_244 : vector<16xf32>
          %add3A_250 = arith.constant 96 : i32
          %add3A_251 = arith.addi %mul3A_163, %add3A_250 : i32
          %swap3A_252 = arith.index_cast %add3A_251 : i32 to index
          %swap3A_253 = tpu.vector_load %arg11[%swap3A_252] {strides = array<i32>} : memref<80000xf32, #tpu.memory_space<vmem>>, vector<16xf32>,
          tpu.vector_store %arg11[%swap3A_252], %max3A_249 {strides = array<i32>} : memref<80000xf32, #tpu.memory_space<vmem>>, vector<16xf32>,
          %get3A_254 = arith.constant 6 : i32
          %get3A_255 = arith.index_cast %get3A_254 : i32 to index
          %get3A_256 = arith.constant 112 : index
          %get3A_257 = tpu.vector_load %arg10[%get3A_255, %get3A_256] {strides = array<i32>} : memref<16x128xf32, #tpu.memory_space<vmem>>, vector<16xf32>,
          %add3A_258 = arith.constant 112 : i32
          %add3A_259 = arith.addi %mul3A_163, %add3A_258 : i32
          %get3A_260 = arith.index_cast %add3A_259 : i32 to index
          %get3A_261 = tpu.vector_load %arg11[%get3A_260] {strides = array<i32>} : memref<80000xf32, #tpu.memory_space<vmem>>, vector<16xf32>,
          %max3A_262 = arith.maximumf %get3A_261, %get3A_257 : vector<16xf32>
          %add3A_263 = arith.constant 112 : i32
          %add3A_264 = arith.addi %mul3A_163, %add3A_263 : i32
          %swap3A_265 = arith.index_cast %add3A_264 : i32 to index
          %swap3A_266 = tpu.vector_load %arg11[%swap3A_265] {strides = array<i32>} : memref<80000xf32, #tpu.memory_space<vmem>>, vector<16xf32>,
          tpu.vector_store %arg11[%swap3A_265], %max3A_262 {strides = array<i32>} : memref<80000xf32, #tpu.memory_space<vmem>>, vector<16xf32>,
        } else {
        }
        %gt3A_114 = arith.constant 7 : i32
        %gt3A_115 = arith.cmpi sgt, %sub3A_81, %gt3A_114 : i32
        %convert_element_type3A_116 = arith.extui %gt3A_115 : i1 to i32
        %cond3A_117 = arith.constant 0 : i32
        %cond3A_118 = arith.cmpi ne, %convert_element_type3A_116, %cond3A_117 : i32
        scf.if %cond3A_118 {
          %slice3A_160 = vector.extract_strided_slice %get3A_80 {offsets = [7], sizes = [1], strides = [1]} : vector<16xi32> to vector<1xi32>
          %squeeze3A_161 = vector.extract %slice3A_160[0] : i32 from vector<1xi32>
          %mul3A_162 = arith.constant 128 : i32
          %mul3A_163 = arith.muli %squeeze3A_161, %mul3A_162 : i32
          %get3A_164 = arith.constant 7 : i32
          %get3A_165 = arith.index_cast %get3A_164 : i32 to index
          %get3A_166 = arith.constant 0 : index
          %get3A_167 = tpu.vector_load %arg10[%get3A_165, %get3A_166] {strides = array<i32>} : memref<16x128xf32, #tpu.memory_space<vmem>>, vector<16xf32>,
          %add3A_168 = arith.constant 0 : i32
          %add3A_169 = arith.addi %mul3A_163, %add3A_168 : i32
          %get3A_170 = arith.index_cast %add3A_169 : i32 to index
          %get3A_171 = tpu.vector_load %arg11[%get3A_170] {strides = array<i32>} : memref<80000xf32, #tpu.memory_space<vmem>>, vector<16xf32>,
          %max3A_172 = arith.maximumf %get3A_171, %get3A_167 : vector<16xf32>
          %add3A_173 = arith.constant 0 : i32
          %add3A_174 = arith.addi %mul3A_163, %add3A_173 : i32
          %swap3A = arith.index_cast %add3A_174 : i32 to index
          %swap3A_175 = tpu.vector_load %arg11[%swap3A] {strides = array<i32>} : memref<80000xf32, #tpu.memory_space<vmem>>, vector<16xf32>,
          tpu.vector_store %arg11[%swap3A], %max3A_172 {strides = array<i32>} : memref<80000xf32, #tpu.memory_space<vmem>>, vector<16xf32>,
          %get3A_176 = arith.constant 7 : i32
          %get3A_177 = arith.index_cast %get3A_176 : i32 to index
          %get3A_178 = arith.constant 16 : index
          %get3A_179 = tpu.vector_load %arg10[%get3A_177, %get3A_178] {strides = array<i32>} : memref<16x128xf32, #tpu.memory_space<vmem>>, vector<16xf32>,
          %add3A_180 = arith.constant 16 : i32
          %add3A_181 = arith.addi %mul3A_163, %add3A_180 : i32
          %get3A_182 = arith.index_cast %add3A_181 : i32 to index
          %get3A_183 = tpu.vector_load %arg11[%get3A_182] {strides = array<i32>} : memref<80000xf32, #tpu.memory_space<vmem>>, vector<16xf32>,
          %max3A_184 = arith.maximumf %get3A_183, %get3A_179 : vector<16xf32>
          %add3A_185 = arith.constant 16 : i32
          %add3A_186 = arith.addi %mul3A_163, %add3A_185 : i32
          %swap3A_187 = arith.index_cast %add3A_186 : i32 to index
          %swap3A_188 = tpu.vector_load %arg11[%swap3A_187] {strides = array<i32>} : memref<80000xf32, #tpu.memory_space<vmem>>, vector<16xf32>,
          tpu.vector_store %arg11[%swap3A_187], %max3A_184 {strides = array<i32>} : memref<80000xf32, #tpu.memory_space<vmem>>, vector<16xf32>,
          %get3A_189 = arith.constant 7 : i32
          %get3A_190 = arith.index_cast %get3A_189 : i32 to index
          %get3A_191 = arith.constant 32 : index
          %get3A_192 = tpu.vector_load %arg10[%get3A_190, %get3A_191] {strides = array<i32>} : memref<16x128xf32, #tpu.memory_space<vmem>>, vector<16xf32>,
          %add3A_193 = arith.constant 32 : i32
          %add3A_194 = arith.addi %mul3A_163, %add3A_193 : i32
          %get3A_195 = arith.index_cast %add3A_194 : i32 to index
          %get3A_196 = tpu.vector_load %arg11[%get3A_195] {strides = array<i32>} : memref<80000xf32, #tpu.memory_space<vmem>>, vector<16xf32>,
          %max3A_197 = arith.maximumf %get3A_196, %get3A_192 : vector<16xf32>
          %add3A_198 = arith.constant 32 : i32
          %add3A_199 = arith.addi %mul3A_163, %add3A_198 : i32
          %swap3A_200 = arith.index_cast %add3A_199 : i32 to index
          %swap3A_201 = tpu.vector_load %arg11[%swap3A_200] {strides = array<i32>} : memref<80000xf32, #tpu.memory_space<vmem>>, vector<16xf32>,
          tpu.vector_store %arg11[%swap3A_200], %max3A_197 {strides = array<i32>} : memref<80000xf32, #tpu.memory_space<vmem>>, vector<16xf32>,
          %get3A_202 = arith.constant 7 : i32
          %get3A_203 = arith.index_cast %get3A_202 : i32 to index
          %get3A_204 = arith.constant 48 : index
          %get3A_205 = tpu.vector_load %arg10[%get3A_203, %get3A_204] {strides = array<i32>} : memref<16x128xf32, #tpu.memory_space<vmem>>, vector<16xf32>,
          %add3A_206 = arith.constant 48 : i32
          %add3A_207 = arith.addi %mul3A_163, %add3A_206 : i32
          %get3A_208 = arith.index_cast %add3A_207 : i32 to index
          %get3A_209 = tpu.vector_load %arg11[%get3A_208] {strides = array<i32>} : memref<80000xf32, #tpu.memory_space<vmem>>, vector<16xf32>,
          %max3A_210 = arith.maximumf %get3A_209, %get3A_205 : vector<16xf32>
          %add3A_211 = arith.constant 48 : i32
          %add3A_212 = arith.addi %mul3A_163, %add3A_211 : i32
          %swap3A_213 = arith.index_cast %add3A_212 : i32 to index
          %swap3A_214 = tpu.vector_load %arg11[%swap3A_213] {strides = array<i32>} : memref<80000xf32, #tpu.memory_space<vmem>>, vector<16xf32>,
          tpu.vector_store %arg11[%swap3A_213], %max3A_210 {strides = array<i32>} : memref<80000xf32, #tpu.memory_space<vmem>>, vector<16xf32>,
          %get3A_215 = arith.constant 7 : i32
          %get3A_216 = arith.index_cast %get3A_215 : i32 to index
          %get3A_217 = arith.constant 64 : index
          %get3A_218 = tpu.vector_load %arg10[%get3A_216, %get3A_217] {strides = array<i32>} : memref<16x128xf32, #tpu.memory_space<vmem>>, vector<16xf32>,
          %add3A_219 = arith.constant 64 : i32
          %add3A_220 = arith.addi %mul3A_163, %add3A_219 : i32
          %get3A_221 = arith.index_cast %add3A_220 : i32 to index
          %get3A_222 = tpu.vector_load %arg11[%get3A_221] {strides = array<i32>} : memref<80000xf32, #tpu.memory_space<vmem>>, vector<16xf32>,
          %max3A_223 = arith.maximumf %get3A_222, %get3A_218 : vector<16xf32>
          %add3A_224 = arith.constant 64 : i32
          %add3A_225 = arith.addi %mul3A_163, %add3A_224 : i32
          %swap3A_226 = arith.index_cast %add3A_225 : i32 to index
          %swap3A_227 = tpu.vector_load %arg11[%swap3A_226] {strides = array<i32>} : memref<80000xf32, #tpu.memory_space<vmem>>, vector<16xf32>,
          tpu.vector_store %arg11[%swap3A_226], %max3A_223 {strides = array<i32>} : memref<80000xf32, #tpu.memory_space<vmem>>, vector<16xf32>,
          %get3A_228 = arith.constant 7 : i32
          %get3A_229 = arith.index_cast %get3A_228 : i32 to index
          %get3A_230 = arith.constant 80 : index
          %get3A_231 = tpu.vector_load %arg10[%get3A_229, %get3A_230] {strides = array<i32>} : memref<16x128xf32, #tpu.memory_space<vmem>>, vector<16xf32>,
          %add3A_232 = arith.constant 80 : i32
          %add3A_233 = arith.addi %mul3A_163, %add3A_232 : i32
          %get3A_234 = arith.index_cast %add3A_233 : i32 to index
          %get3A_235 = tpu.vector_load %arg11[%get3A_234] {strides = array<i32>} : memref<80000xf32, #tpu.memory_space<vmem>>, vector<16xf32>,
          %max3A_236 = arith.maximumf %get3A_235, %get3A_231 : vector<16xf32>
          %add3A_237 = arith.constant 80 : i32
          %add3A_238 = arith.addi %mul3A_163, %add3A_237 : i32
          %swap3A_239 = arith.index_cast %add3A_238 : i32 to index
          %swap3A_240 = tpu.vector_load %arg11[%swap3A_239] {strides = array<i32>} : memref<80000xf32, #tpu.memory_space<vmem>>, vector<16xf32>,
          tpu.vector_store %arg11[%swap3A_239], %max3A_236 {strides = array<i32>} : memref<80000xf32, #tpu.memory_space<vmem>>, vector<16xf32>,
          %get3A_241 = arith.constant 7 : i32
          %get3A_242 = arith.index_cast %get3A_241 : i32 to index
          %get3A_243 = arith.constant 96 : index
          %get3A_244 = tpu.vector_load %arg10[%get3A_242, %get3A_243] {strides = array<i32>} : memref<16x128xf32, #tpu.memory_space<vmem>>, vector<16xf32>,
          %add3A_245 = arith.constant 96 : i32
          %add3A_246 = arith.addi %mul3A_163, %add3A_245 : i32
          %get3A_247 = arith.index_cast %add3A_246 : i32 to index
          %get3A_248 = tpu.vector_load %arg11[%get3A_247] {strides = array<i32>} : memref<80000xf32, #tpu.memory_space<vmem>>, vector<16xf32>,
          %max3A_249 = arith.maximumf %get3A_248, %get3A_244 : vector<16xf32>
          %add3A_250 = arith.constant 96 : i32
          %add3A_251 = arith.addi %mul3A_163, %add3A_250 : i32
          %swap3A_252 = arith.index_cast %add3A_251 : i32 to index
          %swap3A_253 = tpu.vector_load %arg11[%swap3A_252] {strides = array<i32>} : memref<80000xf32, #tpu.memory_space<vmem>>, vector<16xf32>,
          tpu.vector_store %arg11[%swap3A_252], %max3A_249 {strides = array<i32>} : memref<80000xf32, #tpu.memory_space<vmem>>, vector<16xf32>,
          %get3A_254 = arith.constant 7 : i32
          %get3A_255 = arith.index_cast %get3A_254 : i32 to index
          %get3A_256 = arith.constant 112 : index
          %get3A_257 = tpu.vector_load %arg10[%get3A_255, %get3A_256] {strides = array<i32>} : memref<16x128xf32, #tpu.memory_space<vmem>>, vector<16xf32>,
          %add3A_258 = arith.constant 112 : i32
          %add3A_259 = arith.addi %mul3A_163, %add3A_258 : i32
          %get3A_260 = arith.index_cast %add3A_259 : i32 to index
          %get3A_261 = tpu.vector_load %arg11[%get3A_260] {strides = array<i32>} : memref<80000xf32, #tpu.memory_space<vmem>>, vector<16xf32>,
          %max3A_262 = arith.maximumf %get3A_261, %get3A_257 : vector<16xf32>
          %add3A_263 = arith.constant 112 : i32
          %add3A_264 = arith.addi %mul3A_163, %add3A_263 : i32
          %swap3A_265 = arith.index_cast %add3A_264 : i32 to index
          %swap3A_266 = tpu.vector_load %arg11[%swap3A_265] {strides = array<i32>} : memref<80000xf32, #tpu.memory_space<vmem>>, vector<16xf32>,
          tpu.vector_store %arg11[%swap3A_265], %max3A_262 {strides = array<i32>} : memref<80000xf32, #tpu.memory_space<vmem>>, vector<16xf32>,
        } else {
        }
        %gt3A_119 = arith.constant 8 : i32
        %gt3A_120 = arith.cmpi sgt, %sub3A_81, %gt3A_119 : i32
        %convert_element_type3A_121 = arith.extui %gt3A_120 : i1 to i32
        %cond3A_122 = arith.constant 0 : i32
        %cond3A_123 = arith.cmpi ne, %convert_element_type3A_121, %cond3A_122 : i32
        scf.if %cond3A_123 {
          %slice3A_160 = vector.extract_strided_slice %get3A_80 {offsets = [8], sizes = [1], strides = [1]} : vector<16xi32> to vector<1xi32>
          %squeeze3A_161 = vector.extract %slice3A_160[0] : i32 from vector<1xi32>
          %mul3A_162 = arith.constant 128 : i32
          %mul3A_163 = arith.muli %squeeze3A_161, %mul3A_162 : i32
          %get3A_164 = arith.constant 8 : i32
          %get3A_165 = arith.index_cast %get3A_164 : i32 to index
          %get3A_166 = arith.constant 0 : index
          %get3A_167 = tpu.vector_load %arg10[%get3A_165, %get3A_166] {strides = array<i32>} : memref<16x128xf32, #tpu.memory_space<vmem>>, vector<16xf32>,
          %add3A_168 = arith.constant 0 : i32
          %add3A_169 = arith.addi %mul3A_163, %add3A_168 : i32
          %get3A_170 = arith.index_cast %add3A_169 : i32 to index
          %get3A_171 = tpu.vector_load %arg11[%get3A_170] {strides = array<i32>} : memref<80000xf32, #tpu.memory_space<vmem>>, vector<16xf32>,
          %max3A_172 = arith.maximumf %get3A_171, %get3A_167 : vector<16xf32>
          %add3A_173 = arith.constant 0 : i32
          %add3A_174 = arith.addi %mul3A_163, %add3A_173 : i32
          %swap3A = arith.index_cast %add3A_174 : i32 to index
          %swap3A_175 = tpu.vector_load %arg11[%swap3A] {strides = array<i32>} : memref<80000xf32, #tpu.memory_space<vmem>>, vector<16xf32>,
          tpu.vector_store %arg11[%swap3A], %max3A_172 {strides = array<i32>} : memref<80000xf32, #tpu.memory_space<vmem>>, vector<16xf32>,
          %get3A_176 = arith.constant 8 : i32
          %get3A_177 = arith.index_cast %get3A_176 : i32 to index
          %get3A_178 = arith.constant 16 : index
          %get3A_179 = tpu.vector_load %arg10[%get3A_177, %get3A_178] {strides = array<i32>} : memref<16x128xf32, #tpu.memory_space<vmem>>, vector<16xf32>,
          %add3A_180 = arith.constant 16 : i32
          %add3A_181 = arith.addi %mul3A_163, %add3A_180 : i32
          %get3A_182 = arith.index_cast %add3A_181 : i32 to index
          %get3A_183 = tpu.vector_load %arg11[%get3A_182] {strides = array<i32>} : memref<80000xf32, #tpu.memory_space<vmem>>, vector<16xf32>,
          %max3A_184 = arith.maximumf %get3A_183, %get3A_179 : vector<16xf32>
          %add3A_185 = arith.constant 16 : i32
          %add3A_186 = arith.addi %mul3A_163, %add3A_185 : i32
          %swap3A_187 = arith.index_cast %add3A_186 : i32 to index
          %swap3A_188 = tpu.vector_load %arg11[%swap3A_187] {strides = array<i32>} : memref<80000xf32, #tpu.memory_space<vmem>>, vector<16xf32>,
          tpu.vector_store %arg11[%swap3A_187], %max3A_184 {strides = array<i32>} : memref<80000xf32, #tpu.memory_space<vmem>>, vector<16xf32>,
          %get3A_189 = arith.constant 8 : i32
          %get3A_190 = arith.index_cast %get3A_189 : i32 to index
          %get3A_191 = arith.constant 32 : index
          %get3A_192 = tpu.vector_load %arg10[%get3A_190, %get3A_191] {strides = array<i32>} : memref<16x128xf32, #tpu.memory_space<vmem>>, vector<16xf32>,
          %add3A_193 = arith.constant 32 : i32
          %add3A_194 = arith.addi %mul3A_163, %add3A_193 : i32
          %get3A_195 = arith.index_cast %add3A_194 : i32 to index
          %get3A_196 = tpu.vector_load %arg11[%get3A_195] {strides = array<i32>} : memref<80000xf32, #tpu.memory_space<vmem>>, vector<16xf32>,
          %max3A_197 = arith.maximumf %get3A_196, %get3A_192 : vector<16xf32>
          %add3A_198 = arith.constant 32 : i32
          %add3A_199 = arith.addi %mul3A_163, %add3A_198 : i32
          %swap3A_200 = arith.index_cast %add3A_199 : i32 to index
          %swap3A_201 = tpu.vector_load %arg11[%swap3A_200] {strides = array<i32>} : memref<80000xf32, #tpu.memory_space<vmem>>, vector<16xf32>,
          tpu.vector_store %arg11[%swap3A_200], %max3A_197 {strides = array<i32>} : memref<80000xf32, #tpu.memory_space<vmem>>, vector<16xf32>,
          %get3A_202 = arith.constant 8 : i32
          %get3A_203 = arith.index_cast %get3A_202 : i32 to index
          %get3A_204 = arith.constant 48 : index
          %get3A_205 = tpu.vector_load %arg10[%get3A_203, %get3A_204] {strides = array<i32>} : memref<16x128xf32, #tpu.memory_space<vmem>>, vector<16xf32>,
          %add3A_206 = arith.constant 48 : i32
          %add3A_207 = arith.addi %mul3A_163, %add3A_206 : i32
          %get3A_208 = arith.index_cast %add3A_207 : i32 to index
          %get3A_209 = tpu.vector_load %arg11[%get3A_208] {strides = array<i32>} : memref<80000xf32, #tpu.memory_space<vmem>>, vector<16xf32>,
          %max3A_210 = arith.maximumf %get3A_209, %get3A_205 : vector<16xf32>
          %add3A_211 = arith.constant 48 : i32
          %add3A_212 = arith.addi %mul3A_163, %add3A_211 : i32
          %swap3A_213 = arith.index_cast %add3A_212 : i32 to index
          %swap3A_214 = tpu.vector_load %arg11[%swap3A_213] {strides = array<i32>} : memref<80000xf32, #tpu.memory_space<vmem>>, vector<16xf32>,
          tpu.vector_store %arg11[%swap3A_213], %max3A_210 {strides = array<i32>} : memref<80000xf32, #tpu.memory_space<vmem>>, vector<16xf32>,
          %get3A_215 = arith.constant 8 : i32
          %get3A_216 = arith.index_cast %get3A_215 : i32 to index
          %get3A_217 = arith.constant 64 : index
          %get3A_218 = tpu.vector_load %arg10[%get3A_216, %get3A_217] {strides = array<i32>} : memref<16x128xf32, #tpu.memory_space<vmem>>, vector<16xf32>,
          %add3A_219 = arith.constant 64 : i32
          %add3A_220 = arith.addi %mul3A_163, %add3A_219 : i32
          %get3A_221 = arith.index_cast %add3A_220 : i32 to index
          %get3A_222 = tpu.vector_load %arg11[%get3A_221] {strides = array<i32>} : memref<80000xf32, #tpu.memory_space<vmem>>, vector<16xf32>,
          %max3A_223 = arith.maximumf %get3A_222, %get3A_218 : vector<16xf32>
          %add3A_224 = arith.constant 64 : i32
          %add3A_225 = arith.addi %mul3A_163, %add3A_224 : i32
          %swap3A_226 = arith.index_cast %add3A_225 : i32 to index
          %swap3A_227 = tpu.vector_load %arg11[%swap3A_226] {strides = array<i32>} : memref<80000xf32, #tpu.memory_space<vmem>>, vector<16xf32>,
          tpu.vector_store %arg11[%swap3A_226], %max3A_223 {strides = array<i32>} : memref<80000xf32, #tpu.memory_space<vmem>>, vector<16xf32>,
          %get3A_228 = arith.constant 8 : i32
          %get3A_229 = arith.index_cast %get3A_228 : i32 to index
          %get3A_230 = arith.constant 80 : index
          %get3A_231 = tpu.vector_load %arg10[%get3A_229, %get3A_230] {strides = array<i32>} : memref<16x128xf32, #tpu.memory_space<vmem>>, vector<16xf32>,
          %add3A_232 = arith.constant 80 : i32
          %add3A_233 = arith.addi %mul3A_163, %add3A_232 : i32
          %get3A_234 = arith.index_cast %add3A_233 : i32 to index
          %get3A_235 = tpu.vector_load %arg11[%get3A_234] {strides = array<i32>} : memref<80000xf32, #tpu.memory_space<vmem>>, vector<16xf32>,
          %max3A_236 = arith.maximumf %get3A_235, %get3A_231 : vector<16xf32>
          %add3A_237 = arith.constant 80 : i32
          %add3A_238 = arith.addi %mul3A_163, %add3A_237 : i32
          %swap3A_239 = arith.index_cast %add3A_238 : i32 to index
          %swap3A_240 = tpu.vector_load %arg11[%swap3A_239] {strides = array<i32>} : memref<80000xf32, #tpu.memory_space<vmem>>, vector<16xf32>,
          tpu.vector_store %arg11[%swap3A_239], %max3A_236 {strides = array<i32>} : memref<80000xf32, #tpu.memory_space<vmem>>, vector<16xf32>,
          %get3A_241 = arith.constant 8 : i32
          %get3A_242 = arith.index_cast %get3A_241 : i32 to index
          %get3A_243 = arith.constant 96 : index
          %get3A_244 = tpu.vector_load %arg10[%get3A_242, %get3A_243] {strides = array<i32>} : memref<16x128xf32, #tpu.memory_space<vmem>>, vector<16xf32>,
          %add3A_245 = arith.constant 96 : i32
          %add3A_246 = arith.addi %mul3A_163, %add3A_245 : i32
          %get3A_247 = arith.index_cast %add3A_246 : i32 to index
          %get3A_248 = tpu.vector_load %arg11[%get3A_247] {strides = array<i32>} : memref<80000xf32, #tpu.memory_space<vmem>>, vector<16xf32>,
          %max3A_249 = arith.maximumf %get3A_248, %get3A_244 : vector<16xf32>
          %add3A_250 = arith.constant 96 : i32
          %add3A_251 = arith.addi %mul3A_163, %add3A_250 : i32
          %swap3A_252 = arith.index_cast %add3A_251 : i32 to index
          %swap3A_253 = tpu.vector_load %arg11[%swap3A_252] {strides = array<i32>} : memref<80000xf32, #tpu.memory_space<vmem>>, vector<16xf32>,
          tpu.vector_store %arg11[%swap3A_252], %max3A_249 {strides = array<i32>} : memref<80000xf32, #tpu.memory_space<vmem>>, vector<16xf32>,
          %get3A_254 = arith.constant 8 : i32
          %get3A_255 = arith.index_cast %get3A_254 : i32 to index
          %get3A_256 = arith.constant 112 : index
          %get3A_257 = tpu.vector_load %arg10[%get3A_255, %get3A_256] {strides = array<i32>} : memref<16x128xf32, #tpu.memory_space<vmem>>, vector<16xf32>,
          %add3A_258 = arith.constant 112 : i32
          %add3A_259 = arith.addi %mul3A_163, %add3A_258 : i32
          %get3A_260 = arith.index_cast %add3A_259 : i32 to index
          %get3A_261 = tpu.vector_load %arg11[%get3A_260] {strides = array<i32>} : memref<80000xf32, #tpu.memory_space<vmem>>, vector<16xf32>,
          %max3A_262 = arith.maximumf %get3A_261, %get3A_257 : vector<16xf32>
          %add3A_263 = arith.constant 112 : i32
          %add3A_264 = arith.addi %mul3A_163, %add3A_263 : i32
          %swap3A_265 = arith.index_cast %add3A_264 : i32 to index
          %swap3A_266 = tpu.vector_load %arg11[%swap3A_265] {strides = array<i32>} : memref<80000xf32, #tpu.memory_space<vmem>>, vector<16xf32>,
          tpu.vector_store %arg11[%swap3A_265], %max3A_262 {strides = array<i32>} : memref<80000xf32, #tpu.memory_space<vmem>>, vector<16xf32>,
        } else {
        }
        %gt3A_124 = arith.constant 9 : i32
        %gt3A_125 = arith.cmpi sgt, %sub3A_81, %gt3A_124 : i32
        %convert_element_type3A_126 = arith.extui %gt3A_125 : i1 to i32
        %cond3A_127 = arith.constant 0 : i32
        %cond3A_128 = arith.cmpi ne, %convert_element_type3A_126, %cond3A_127 : i32
        scf.if %cond3A_128 {
          %slice3A_160 = vector.extract_strided_slice %get3A_80 {offsets = [9], sizes = [1], strides = [1]} : vector<16xi32> to vector<1xi32>
          %squeeze3A_161 = vector.extract %slice3A_160[0] : i32 from vector<1xi32>
          %mul3A_162 = arith.constant 128 : i32
          %mul3A_163 = arith.muli %squeeze3A_161, %mul3A_162 : i32
          %get3A_164 = arith.constant 9 : i32
          %get3A_165 = arith.index_cast %get3A_164 : i32 to index
          %get3A_166 = arith.constant 0 : index
          %get3A_167 = tpu.vector_load %arg10[%get3A_165, %get3A_166] {strides = array<i32>} : memref<16x128xf32, #tpu.memory_space<vmem>>, vector<16xf32>,
          %add3A_168 = arith.constant 0 : i32
          %add3A_169 = arith.addi %mul3A_163, %add3A_168 : i32
          %get3A_170 = arith.index_cast %add3A_169 : i32 to index
          %get3A_171 = tpu.vector_load %arg11[%get3A_170] {strides = array<i32>} : memref<80000xf32, #tpu.memory_space<vmem>>, vector<16xf32>,
          %max3A_172 = arith.maximumf %get3A_171, %get3A_167 : vector<16xf32>
          %add3A_173 = arith.constant 0 : i32
          %add3A_174 = arith.addi %mul3A_163, %add3A_173 : i32
          %swap3A = arith.index_cast %add3A_174 : i32 to index
          %swap3A_175 = tpu.vector_load %arg11[%swap3A] {strides = array<i32>} : memref<80000xf32, #tpu.memory_space<vmem>>, vector<16xf32>,
          tpu.vector_store %arg11[%swap3A], %max3A_172 {strides = array<i32>} : memref<80000xf32, #tpu.memory_space<vmem>>, vector<16xf32>,
          %get3A_176 = arith.constant 9 : i32
          %get3A_177 = arith.index_cast %get3A_176 : i32 to index
          %get3A_178 = arith.constant 16 : index
          %get3A_179 = tpu.vector_load %arg10[%get3A_177, %get3A_178] {strides = array<i32>} : memref<16x128xf32, #tpu.memory_space<vmem>>, vector<16xf32>,
          %add3A_180 = arith.constant 16 : i32
          %add3A_181 = arith.addi %mul3A_163, %add3A_180 : i32
          %get3A_182 = arith.index_cast %add3A_181 : i32 to index
          %get3A_183 = tpu.vector_load %arg11[%get3A_182] {strides = array<i32>} : memref<80000xf32, #tpu.memory_space<vmem>>, vector<16xf32>,
          %max3A_184 = arith.maximumf %get3A_183, %get3A_179 : vector<16xf32>
          %add3A_185 = arith.constant 16 : i32
          %add3A_186 = arith.addi %mul3A_163, %add3A_185 : i32
          %swap3A_187 = arith.index_cast %add3A_186 : i32 to index
          %swap3A_188 = tpu.vector_load %arg11[%swap3A_187] {strides = array<i32>} : memref<80000xf32, #tpu.memory_space<vmem>>, vector<16xf32>,
          tpu.vector_store %arg11[%swap3A_187], %max3A_184 {strides = array<i32>} : memref<80000xf32, #tpu.memory_space<vmem>>, vector<16xf32>,
          %get3A_189 = arith.constant 9 : i32
          %get3A_190 = arith.index_cast %get3A_189 : i32 to index
          %get3A_191 = arith.constant 32 : index
          %get3A_192 = tpu.vector_load %arg10[%get3A_190, %get3A_191] {strides = array<i32>} : memref<16x128xf32, #tpu.memory_space<vmem>>, vector<16xf32>,
          %add3A_193 = arith.constant 32 : i32
          %add3A_194 = arith.addi %mul3A_163, %add3A_193 : i32
          %get3A_195 = arith.index_cast %add3A_194 : i32 to index
          %get3A_196 = tpu.vector_load %arg11[%get3A_195] {strides = array<i32>} : memref<80000xf32, #tpu.memory_space<vmem>>, vector<16xf32>,
          %max3A_197 = arith.maximumf %get3A_196, %get3A_192 : vector<16xf32>
          %add3A_198 = arith.constant 32 : i32
          %add3A_199 = arith.addi %mul3A_163, %add3A_198 : i32
          %swap3A_200 = arith.index_cast %add3A_199 : i32 to index
          %swap3A_201 = tpu.vector_load %arg11[%swap3A_200] {strides = array<i32>} : memref<80000xf32, #tpu.memory_space<vmem>>, vector<16xf32>,
          tpu.vector_store %arg11[%swap3A_200], %max3A_197 {strides = array<i32>} : memref<80000xf32, #tpu.memory_space<vmem>>, vector<16xf32>,
          %get3A_202 = arith.constant 9 : i32
          %get3A_203 = arith.index_cast %get3A_202 : i32 to index
          %get3A_204 = arith.constant 48 : index
          %get3A_205 = tpu.vector_load %arg10[%get3A_203, %get3A_204] {strides = array<i32>} : memref<16x128xf32, #tpu.memory_space<vmem>>, vector<16xf32>,
          %add3A_206 = arith.constant 48 : i32
          %add3A_207 = arith.addi %mul3A_163, %add3A_206 : i32
          %get3A_208 = arith.index_cast %add3A_207 : i32 to index
          %get3A_209 = tpu.vector_load %arg11[%get3A_208] {strides = array<i32>} : memref<80000xf32, #tpu.memory_space<vmem>>, vector<16xf32>,
          %max3A_210 = arith.maximumf %get3A_209, %get3A_205 : vector<16xf32>
          %add3A_211 = arith.constant 48 : i32
          %add3A_212 = arith.addi %mul3A_163, %add3A_211 : i32
          %swap3A_213 = arith.index_cast %add3A_212 : i32 to index
          %swap3A_214 = tpu.vector_load %arg11[%swap3A_213] {strides = array<i32>} : memref<80000xf32, #tpu.memory_space<vmem>>, vector<16xf32>,
          tpu.vector_store %arg11[%swap3A_213], %max3A_210 {strides = array<i32>} : memref<80000xf32, #tpu.memory_space<vmem>>, vector<16xf32>,
          %get3A_215 = arith.constant 9 : i32
          %get3A_216 = arith.index_cast %get3A_215 : i32 to index
          %get3A_217 = arith.constant 64 : index
          %get3A_218 = tpu.vector_load %arg10[%get3A_216, %get3A_217] {strides = array<i32>} : memref<16x128xf32, #tpu.memory_space<vmem>>, vector<16xf32>,
          %add3A_219 = arith.constant 64 : i32
          %add3A_220 = arith.addi %mul3A_163, %add3A_219 : i32
          %get3A_221 = arith.index_cast %add3A_220 : i32 to index
          %get3A_222 = tpu.vector_load %arg11[%get3A_221] {strides = array<i32>} : memref<80000xf32, #tpu.memory_space<vmem>>, vector<16xf32>,
          %max3A_223 = arith.maximumf %get3A_222, %get3A_218 : vector<16xf32>
          %add3A_224 = arith.constant 64 : i32
          %add3A_225 = arith.addi %mul3A_163, %add3A_224 : i32
          %swap3A_226 = arith.index_cast %add3A_225 : i32 to index
          %swap3A_227 = tpu.vector_load %arg11[%swap3A_226] {strides = array<i32>} : memref<80000xf32, #tpu.memory_space<vmem>>, vector<16xf32>,
          tpu.vector_store %arg11[%swap3A_226], %max3A_223 {strides = array<i32>} : memref<80000xf32, #tpu.memory_space<vmem>>, vector<16xf32>,
          %get3A_228 = arith.constant 9 : i32
          %get3A_229 = arith.index_cast %get3A_228 : i32 to index
          %get3A_230 = arith.constant 80 : index
          %get3A_231 = tpu.vector_load %arg10[%get3A_229, %get3A_230] {strides = array<i32>} : memref<16x128xf32, #tpu.memory_space<vmem>>, vector<16xf32>,
          %add3A_232 = arith.constant 80 : i32
          %add3A_233 = arith.addi %mul3A_163, %add3A_232 : i32
          %get3A_234 = arith.index_cast %add3A_233 : i32 to index
          %get3A_235 = tpu.vector_load %arg11[%get3A_234] {strides = array<i32>} : memref<80000xf32, #tpu.memory_space<vmem>>, vector<16xf32>,
          %max3A_236 = arith.maximumf %get3A_235, %get3A_231 : vector<16xf32>
          %add3A_237 = arith.constant 80 : i32
          %add3A_238 = arith.addi %mul3A_163, %add3A_237 : i32
          %swap3A_239 = arith.index_cast %add3A_238 : i32 to index
          %swap3A_240 = tpu.vector_load %arg11[%swap3A_239] {strides = array<i32>} : memref<80000xf32, #tpu.memory_space<vmem>>, vector<16xf32>,
          tpu.vector_store %arg11[%swap3A_239], %max3A_236 {strides = array<i32>} : memref<80000xf32, #tpu.memory_space<vmem>>, vector<16xf32>,
          %get3A_241 = arith.constant 9 : i32
          %get3A_242 = arith.index_cast %get3A_241 : i32 to index
          %get3A_243 = arith.constant 96 : index
          %get3A_244 = tpu.vector_load %arg10[%get3A_242, %get3A_243] {strides = array<i32>} : memref<16x128xf32, #tpu.memory_space<vmem>>, vector<16xf32>,
          %add3A_245 = arith.constant 96 : i32
          %add3A_246 = arith.addi %mul3A_163, %add3A_245 : i32
          %get3A_247 = arith.index_cast %add3A_246 : i32 to index
          %get3A_248 = tpu.vector_load %arg11[%get3A_247] {strides = array<i32>} : memref<80000xf32, #tpu.memory_space<vmem>>, vector<16xf32>,
          %max3A_249 = arith.maximumf %get3A_248, %get3A_244 : vector<16xf32>
          %add3A_250 = arith.constant 96 : i32
          %add3A_251 = arith.addi %mul3A_163, %add3A_250 : i32
          %swap3A_252 = arith.index_cast %add3A_251 : i32 to index
          %swap3A_253 = tpu.vector_load %arg11[%swap3A_252] {strides = array<i32>} : memref<80000xf32, #tpu.memory_space<vmem>>, vector<16xf32>,
          tpu.vector_store %arg11[%swap3A_252], %max3A_249 {strides = array<i32>} : memref<80000xf32, #tpu.memory_space<vmem>>, vector<16xf32>,
          %get3A_254 = arith.constant 9 : i32
          %get3A_255 = arith.index_cast %get3A_254 : i32 to index
          %get3A_256 = arith.constant 112 : index
          %get3A_257 = tpu.vector_load %arg10[%get3A_255, %get3A_256] {strides = array<i32>} : memref<16x128xf32, #tpu.memory_space<vmem>>, vector<16xf32>,
          %add3A_258 = arith.constant 112 : i32
          %add3A_259 = arith.addi %mul3A_163, %add3A_258 : i32
          %get3A_260 = arith.index_cast %add3A_259 : i32 to index
          %get3A_261 = tpu.vector_load %arg11[%get3A_260] {strides = array<i32>} : memref<80000xf32, #tpu.memory_space<vmem>>, vector<16xf32>,
          %max3A_262 = arith.maximumf %get3A_261, %get3A_257 : vector<16xf32>
          %add3A_263 = arith.constant 112 : i32
          %add3A_264 = arith.addi %mul3A_163, %add3A_263 : i32
          %swap3A_265 = arith.index_cast %add3A_264 : i32 to index
          %swap3A_266 = tpu.vector_load %arg11[%swap3A_265] {strides = array<i32>} : memref<80000xf32, #tpu.memory_space<vmem>>, vector<16xf32>,
          tpu.vector_store %arg11[%swap3A_265], %max3A_262 {strides = array<i32>} : memref<80000xf32, #tpu.memory_space<vmem>>, vector<16xf32>,
        } else {
        }
        %gt3A_129 = arith.constant 10 : i32
        %gt3A_130 = arith.cmpi sgt, %sub3A_81, %gt3A_129 : i32
        %convert_element_type3A_131 = arith.extui %gt3A_130 : i1 to i32
        %cond3A_132 = arith.constant 0 : i32
        %cond3A_133 = arith.cmpi ne, %convert_element_type3A_131, %cond3A_132 : i32
        scf.if %cond3A_133 {
          %slice3A_160 = vector.extract_strided_slice %get3A_80 {offsets = [10], sizes = [1], strides = [1]} : vector<16xi32> to vector<1xi32>
          %squeeze3A_161 = vector.extract %slice3A_160[0] : i32 from vector<1xi32>
          %mul3A_162 = arith.constant 128 : i32
          %mul3A_163 = arith.muli %squeeze3A_161, %mul3A_162 : i32
          %get3A_164 = arith.constant 10 : i32
          %get3A_165 = arith.index_cast %get3A_164 : i32 to index
          %get3A_166 = arith.constant 0 : index
          %get3A_167 = tpu.vector_load %arg10[%get3A_165, %get3A_166] {strides = array<i32>} : memref<16x128xf32, #tpu.memory_space<vmem>>, vector<16xf32>,
          %add3A_168 = arith.constant 0 : i32
          %add3A_169 = arith.addi %mul3A_163, %add3A_168 : i32
          %get3A_170 = arith.index_cast %add3A_169 : i32 to index
          %get3A_171 = tpu.vector_load %arg11[%get3A_170] {strides = array<i32>} : memref<80000xf32, #tpu.memory_space<vmem>>, vector<16xf32>,
          %max3A_172 = arith.maximumf %get3A_171, %get3A_167 : vector<16xf32>
          %add3A_173 = arith.constant 0 : i32
          %add3A_174 = arith.addi %mul3A_163, %add3A_173 : i32
          %swap3A = arith.index_cast %add3A_174 : i32 to index
          %swap3A_175 = tpu.vector_load %arg11[%swap3A] {strides = array<i32>} : memref<80000xf32, #tpu.memory_space<vmem>>, vector<16xf32>,
          tpu.vector_store %arg11[%swap3A], %max3A_172 {strides = array<i32>} : memref<80000xf32, #tpu.memory_space<vmem>>, vector<16xf32>,
          %get3A_176 = arith.constant 10 : i32
          %get3A_177 = arith.index_cast %get3A_176 : i32 to index
          %get3A_178 = arith.constant 16 : index
          %get3A_179 = tpu.vector_load %arg10[%get3A_177, %get3A_178] {strides = array<i32>} : memref<16x128xf32, #tpu.memory_space<vmem>>, vector<16xf32>,
          %add3A_180 = arith.constant 16 : i32
          %add3A_181 = arith.addi %mul3A_163, %add3A_180 : i32
          %get3A_182 = arith.index_cast %add3A_181 : i32 to index
          %get3A_183 = tpu.vector_load %arg11[%get3A_182] {strides = array<i32>} : memref<80000xf32, #tpu.memory_space<vmem>>, vector<16xf32>,
          %max3A_184 = arith.maximumf %get3A_183, %get3A_179 : vector<16xf32>
          %add3A_185 = arith.constant 16 : i32
          %add3A_186 = arith.addi %mul3A_163, %add3A_185 : i32
          %swap3A_187 = arith.index_cast %add3A_186 : i32 to index
          %swap3A_188 = tpu.vector_load %arg11[%swap3A_187] {strides = array<i32>} : memref<80000xf32, #tpu.memory_space<vmem>>, vector<16xf32>,
          tpu.vector_store %arg11[%swap3A_187], %max3A_184 {strides = array<i32>} : memref<80000xf32, #tpu.memory_space<vmem>>, vector<16xf32>,
          %get3A_189 = arith.constant 10 : i32
          %get3A_190 = arith.index_cast %get3A_189 : i32 to index
          %get3A_191 = arith.constant 32 : index
          %get3A_192 = tpu.vector_load %arg10[%get3A_190, %get3A_191] {strides = array<i32>} : memref<16x128xf32, #tpu.memory_space<vmem>>, vector<16xf32>,
          %add3A_193 = arith.constant 32 : i32
          %add3A_194 = arith.addi %mul3A_163, %add3A_193 : i32
          %get3A_195 = arith.index_cast %add3A_194 : i32 to index
          %get3A_196 = tpu.vector_load %arg11[%get3A_195] {strides = array<i32>} : memref<80000xf32, #tpu.memory_space<vmem>>, vector<16xf32>,
          %max3A_197 = arith.maximumf %get3A_196, %get3A_192 : vector<16xf32>
          %add3A_198 = arith.constant 32 : i32
          %add3A_199 = arith.addi %mul3A_163, %add3A_198 : i32
          %swap3A_200 = arith.index_cast %add3A_199 : i32 to index
          %swap3A_201 = tpu.vector_load %arg11[%swap3A_200] {strides = array<i32>} : memref<80000xf32, #tpu.memory_space<vmem>>, vector<16xf32>,
          tpu.vector_store %arg11[%swap3A_200], %max3A_197 {strides = array<i32>} : memref<80000xf32, #tpu.memory_space<vmem>>, vector<16xf32>,
          %get3A_202 = arith.constant 10 : i32
          %get3A_203 = arith.index_cast %get3A_202 : i32 to index
          %get3A_204 = arith.constant 48 : index
          %get3A_205 = tpu.vector_load %arg10[%get3A_203, %get3A_204] {strides = array<i32>} : memref<16x128xf32, #tpu.memory_space<vmem>>, vector<16xf32>,
          %add3A_206 = arith.constant 48 : i32
          %add3A_207 = arith.addi %mul3A_163, %add3A_206 : i32
          %get3A_208 = arith.index_cast %add3A_207 : i32 to index
          %get3A_209 = tpu.vector_load %arg11[%get3A_208] {strides = array<i32>} : memref<80000xf32, #tpu.memory_space<vmem>>, vector<16xf32>,
          %max3A_210 = arith.maximumf %get3A_209, %get3A_205 : vector<16xf32>
          %add3A_211 = arith.constant 48 : i32
          %add3A_212 = arith.addi %mul3A_163, %add3A_211 : i32
          %swap3A_213 = arith.index_cast %add3A_212 : i32 to index
          %swap3A_214 = tpu.vector_load %arg11[%swap3A_213] {strides = array<i32>} : memref<80000xf32, #tpu.memory_space<vmem>>, vector<16xf32>,
          tpu.vector_store %arg11[%swap3A_213], %max3A_210 {strides = array<i32>} : memref<80000xf32, #tpu.memory_space<vmem>>, vector<16xf32>,
          %get3A_215 = arith.constant 10 : i32
          %get3A_216 = arith.index_cast %get3A_215 : i32 to index
          %get3A_217 = arith.constant 64 : index
          %get3A_218 = tpu.vector_load %arg10[%get3A_216, %get3A_217] {strides = array<i32>} : memref<16x128xf32, #tpu.memory_space<vmem>>, vector<16xf32>,
          %add3A_219 = arith.constant 64 : i32
          %add3A_220 = arith.addi %mul3A_163, %add3A_219 : i32
          %get3A_221 = arith.index_cast %add3A_220 : i32 to index
          %get3A_222 = tpu.vector_load %arg11[%get3A_221] {strides = array<i32>} : memref<80000xf32, #tpu.memory_space<vmem>>, vector<16xf32>,
          %max3A_223 = arith.maximumf %get3A_222, %get3A_218 : vector<16xf32>
          %add3A_224 = arith.constant 64 : i32
          %add3A_225 = arith.addi %mul3A_163, %add3A_224 : i32
          %swap3A_226 = arith.index_cast %add3A_225 : i32 to index
          %swap3A_227 = tpu.vector_load %arg11[%swap3A_226] {strides = array<i32>} : memref<80000xf32, #tpu.memory_space<vmem>>, vector<16xf32>,
          tpu.vector_store %arg11[%swap3A_226], %max3A_223 {strides = array<i32>} : memref<80000xf32, #tpu.memory_space<vmem>>, vector<16xf32>,
          %get3A_228 = arith.constant 10 : i32
          %get3A_229 = arith.index_cast %get3A_228 : i32 to index
          %get3A_230 = arith.constant 80 : index
          %get3A_231 = tpu.vector_load %arg10[%get3A_229, %get3A_230] {strides = array<i32>} : memref<16x128xf32, #tpu.memory_space<vmem>>, vector<16xf32>,
          %add3A_232 = arith.constant 80 : i32
          %add3A_233 = arith.addi %mul3A_163, %add3A_232 : i32
          %get3A_234 = arith.index_cast %add3A_233 : i32 to index
          %get3A_235 = tpu.vector_load %arg11[%get3A_234] {strides = array<i32>} : memref<80000xf32, #tpu.memory_space<vmem>>, vector<16xf32>,
          %max3A_236 = arith.maximumf %get3A_235, %get3A_231 : vector<16xf32>
          %add3A_237 = arith.constant 80 : i32
          %add3A_238 = arith.addi %mul3A_163, %add3A_237 : i32
          %swap3A_239 = arith.index_cast %add3A_238 : i32 to index
          %swap3A_240 = tpu.vector_load %arg11[%swap3A_239] {strides = array<i32>} : memref<80000xf32, #tpu.memory_space<vmem>>, vector<16xf32>,
          tpu.vector_store %arg11[%swap3A_239], %max3A_236 {strides = array<i32>} : memref<80000xf32, #tpu.memory_space<vmem>>, vector<16xf32>,
          %get3A_241 = arith.constant 10 : i32
          %get3A_242 = arith.index_cast %get3A_241 : i32 to index
          %get3A_243 = arith.constant 96 : index
          %get3A_244 = tpu.vector_load %arg10[%get3A_242, %get3A_243] {strides = array<i32>} : memref<16x128xf32, #tpu.memory_space<vmem>>, vector<16xf32>,
          %add3A_245 = arith.constant 96 : i32
          %add3A_246 = arith.addi %mul3A_163, %add3A_245 : i32
          %get3A_247 = arith.index_cast %add3A_246 : i32 to index
          %get3A_248 = tpu.vector_load %arg11[%get3A_247] {strides = array<i32>} : memref<80000xf32, #tpu.memory_space<vmem>>, vector<16xf32>,
          %max3A_249 = arith.maximumf %get3A_248, %get3A_244 : vector<16xf32>
          %add3A_250 = arith.constant 96 : i32
          %add3A_251 = arith.addi %mul3A_163, %add3A_250 : i32
          %swap3A_252 = arith.index_cast %add3A_251 : i32 to index
          %swap3A_253 = tpu.vector_load %arg11[%swap3A_252] {strides = array<i32>} : memref<80000xf32, #tpu.memory_space<vmem>>, vector<16xf32>,
          tpu.vector_store %arg11[%swap3A_252], %max3A_249 {strides = array<i32>} : memref<80000xf32, #tpu.memory_space<vmem>>, vector<16xf32>,
          %get3A_254 = arith.constant 10 : i32
          %get3A_255 = arith.index_cast %get3A_254 : i32 to index
          %get3A_256 = arith.constant 112 : index
          %get3A_257 = tpu.vector_load %arg10[%get3A_255, %get3A_256] {strides = array<i32>} : memref<16x128xf32, #tpu.memory_space<vmem>>, vector<16xf32>,
          %add3A_258 = arith.constant 112 : i32
          %add3A_259 = arith.addi %mul3A_163, %add3A_258 : i32
          %get3A_260 = arith.index_cast %add3A_259 : i32 to index
          %get3A_261 = tpu.vector_load %arg11[%get3A_260] {strides = array<i32>} : memref<80000xf32, #tpu.memory_space<vmem>>, vector<16xf32>,
          %max3A_262 = arith.maximumf %get3A_261, %get3A_257 : vector<16xf32>
          %add3A_263 = arith.constant 112 : i32
          %add3A_264 = arith.addi %mul3A_163, %add3A_263 : i32
          %swap3A_265 = arith.index_cast %add3A_264 : i32 to index
          %swap3A_266 = tpu.vector_load %arg11[%swap3A_265] {strides = array<i32>} : memref<80000xf32, #tpu.memory_space<vmem>>, vector<16xf32>,
          tpu.vector_store %arg11[%swap3A_265], %max3A_262 {strides = array<i32>} : memref<80000xf32, #tpu.memory_space<vmem>>, vector<16xf32>,
        } else {
        }
        %gt3A_134 = arith.constant 11 : i32
        %gt3A_135 = arith.cmpi sgt, %sub3A_81, %gt3A_134 : i32
        %convert_element_type3A_136 = arith.extui %gt3A_135 : i1 to i32
        %cond3A_137 = arith.constant 0 : i32
        %cond3A_138 = arith.cmpi ne, %convert_element_type3A_136, %cond3A_137 : i32
        scf.if %cond3A_138 {
          %slice3A_160 = vector.extract_strided_slice %get3A_80 {offsets = [11], sizes = [1], strides = [1]} : vector<16xi32> to vector<1xi32>
          %squeeze3A_161 = vector.extract %slice3A_160[0] : i32 from vector<1xi32>
          %mul3A_162 = arith.constant 128 : i32
          %mul3A_163 = arith.muli %squeeze3A_161, %mul3A_162 : i32
          %get3A_164 = arith.constant 11 : i32
          %get3A_165 = arith.index_cast %get3A_164 : i32 to index
          %get3A_166 = arith.constant 0 : index
          %get3A_167 = tpu.vector_load %arg10[%get3A_165, %get3A_166] {strides = array<i32>} : memref<16x128xf32, #tpu.memory_space<vmem>>, vector<16xf32>,
          %add3A_168 = arith.constant 0 : i32
          %add3A_169 = arith.addi %mul3A_163, %add3A_168 : i32
          %get3A_170 = arith.index_cast %add3A_169 : i32 to index
          %get3A_171 = tpu.vector_load %arg11[%get3A_170] {strides = array<i32>} : memref<80000xf32, #tpu.memory_space<vmem>>, vector<16xf32>,
          %max3A_172 = arith.maximumf %get3A_171, %get3A_167 : vector<16xf32>
          %add3A_173 = arith.constant 0 : i32
          %add3A_174 = arith.addi %mul3A_163, %add3A_173 : i32
          %swap3A = arith.index_cast %add3A_174 : i32 to index
          %swap3A_175 = tpu.vector_load %arg11[%swap3A] {strides = array<i32>} : memref<80000xf32, #tpu.memory_space<vmem>>, vector<16xf32>,
          tpu.vector_store %arg11[%swap3A], %max3A_172 {strides = array<i32>} : memref<80000xf32, #tpu.memory_space<vmem>>, vector<16xf32>,
          %get3A_176 = arith.constant 11 : i32
          %get3A_177 = arith.index_cast %get3A_176 : i32 to index
          %get3A_178 = arith.constant 16 : index
          %get3A_179 = tpu.vector_load %arg10[%get3A_177, %get3A_178] {strides = array<i32>} : memref<16x128xf32, #tpu.memory_space<vmem>>, vector<16xf32>,
          %add3A_180 = arith.constant 16 : i32
          %add3A_181 = arith.addi %mul3A_163, %add3A_180 : i32
          %get3A_182 = arith.index_cast %add3A_181 : i32 to index
          %get3A_183 = tpu.vector_load %arg11[%get3A_182] {strides = array<i32>} : memref<80000xf32, #tpu.memory_space<vmem>>, vector<16xf32>,
          %max3A_184 = arith.maximumf %get3A_183, %get3A_179 : vector<16xf32>
          %add3A_185 = arith.constant 16 : i32
          %add3A_186 = arith.addi %mul3A_163, %add3A_185 : i32
          %swap3A_187 = arith.index_cast %add3A_186 : i32 to index
          %swap3A_188 = tpu.vector_load %arg11[%swap3A_187] {strides = array<i32>} : memref<80000xf32, #tpu.memory_space<vmem>>, vector<16xf32>,
          tpu.vector_store %arg11[%swap3A_187], %max3A_184 {strides = array<i32>} : memref<80000xf32, #tpu.memory_space<vmem>>, vector<16xf32>,
          %get3A_189 = arith.constant 11 : i32
          %get3A_190 = arith.index_cast %get3A_189 : i32 to index
          %get3A_191 = arith.constant 32 : index
          %get3A_192 = tpu.vector_load %arg10[%get3A_190, %get3A_191] {strides = array<i32>} : memref<16x128xf32, #tpu.memory_space<vmem>>, vector<16xf32>,
          %add3A_193 = arith.constant 32 : i32
          %add3A_194 = arith.addi %mul3A_163, %add3A_193 : i32
          %get3A_195 = arith.index_cast %add3A_194 : i32 to index
          %get3A_196 = tpu.vector_load %arg11[%get3A_195] {strides = array<i32>} : memref<80000xf32, #tpu.memory_space<vmem>>, vector<16xf32>,
          %max3A_197 = arith.maximumf %get3A_196, %get3A_192 : vector<16xf32>
          %add3A_198 = arith.constant 32 : i32
          %add3A_199 = arith.addi %mul3A_163, %add3A_198 : i32
          %swap3A_200 = arith.index_cast %add3A_199 : i32 to index
          %swap3A_201 = tpu.vector_load %arg11[%swap3A_200] {strides = array<i32>} : memref<80000xf32, #tpu.memory_space<vmem>>, vector<16xf32>,
          tpu.vector_store %arg11[%swap3A_200], %max3A_197 {strides = array<i32>} : memref<80000xf32, #tpu.memory_space<vmem>>, vector<16xf32>,
          %get3A_202 = arith.constant 11 : i32
          %get3A_203 = arith.index_cast %get3A_202 : i32 to index
          %get3A_204 = arith.constant 48 : index
          %get3A_205 = tpu.vector_load %arg10[%get3A_203, %get3A_204] {strides = array<i32>} : memref<16x128xf32, #tpu.memory_space<vmem>>, vector<16xf32>,
          %add3A_206 = arith.constant 48 : i32
          %add3A_207 = arith.addi %mul3A_163, %add3A_206 : i32
          %get3A_208 = arith.index_cast %add3A_207 : i32 to index
          %get3A_209 = tpu.vector_load %arg11[%get3A_208] {strides = array<i32>} : memref<80000xf32, #tpu.memory_space<vmem>>, vector<16xf32>,
          %max3A_210 = arith.maximumf %get3A_209, %get3A_205 : vector<16xf32>
          %add3A_211 = arith.constant 48 : i32
          %add3A_212 = arith.addi %mul3A_163, %add3A_211 : i32
          %swap3A_213 = arith.index_cast %add3A_212 : i32 to index
          %swap3A_214 = tpu.vector_load %arg11[%swap3A_213] {strides = array<i32>} : memref<80000xf32, #tpu.memory_space<vmem>>, vector<16xf32>,
          tpu.vector_store %arg11[%swap3A_213], %max3A_210 {strides = array<i32>} : memref<80000xf32, #tpu.memory_space<vmem>>, vector<16xf32>,
          %get3A_215 = arith.constant 11 : i32
          %get3A_216 = arith.index_cast %get3A_215 : i32 to index
          %get3A_217 = arith.constant 64 : index
          %get3A_218 = tpu.vector_load %arg10[%get3A_216, %get3A_217] {strides = array<i32>} : memref<16x128xf32, #tpu.memory_space<vmem>>, vector<16xf32>,
          %add3A_219 = arith.constant 64 : i32
          %add3A_220 = arith.addi %mul3A_163, %add3A_219 : i32
          %get3A_221 = arith.index_cast %add3A_220 : i32 to index
          %get3A_222 = tpu.vector_load %arg11[%get3A_221] {strides = array<i32>} : memref<80000xf32, #tpu.memory_space<vmem>>, vector<16xf32>,
          %max3A_223 = arith.maximumf %get3A_222, %get3A_218 : vector<16xf32>
          %add3A_224 = arith.constant 64 : i32
          %add3A_225 = arith.addi %mul3A_163, %add3A_224 : i32
          %swap3A_226 = arith.index_cast %add3A_225 : i32 to index
          %swap3A_227 = tpu.vector_load %arg11[%swap3A_226] {strides = array<i32>} : memref<80000xf32, #tpu.memory_space<vmem>>, vector<16xf32>,
          tpu.vector_store %arg11[%swap3A_226], %max3A_223 {strides = array<i32>} : memref<80000xf32, #tpu.memory_space<vmem>>, vector<16xf32>,
          %get3A_228 = arith.constant 11 : i32
          %get3A_229 = arith.index_cast %get3A_228 : i32 to index
          %get3A_230 = arith.constant 80 : index
          %get3A_231 = tpu.vector_load %arg10[%get3A_229, %get3A_230] {strides = array<i32>} : memref<16x128xf32, #tpu.memory_space<vmem>>, vector<16xf32>,
          %add3A_232 = arith.constant 80 : i32
          %add3A_233 = arith.addi %mul3A_163, %add3A_232 : i32
          %get3A_234 = arith.index_cast %add3A_233 : i32 to index
          %get3A_235 = tpu.vector_load %arg11[%get3A_234] {strides = array<i32>} : memref<80000xf32, #tpu.memory_space<vmem>>, vector<16xf32>,
          %max3A_236 = arith.maximumf %get3A_235, %get3A_231 : vector<16xf32>
          %add3A_237 = arith.constant 80 : i32
          %add3A_238 = arith.addi %mul3A_163, %add3A_237 : i32
          %swap3A_239 = arith.index_cast %add3A_238 : i32 to index
          %swap3A_240 = tpu.vector_load %arg11[%swap3A_239] {strides = array<i32>} : memref<80000xf32, #tpu.memory_space<vmem>>, vector<16xf32>,
          tpu.vector_store %arg11[%swap3A_239], %max3A_236 {strides = array<i32>} : memref<80000xf32, #tpu.memory_space<vmem>>, vector<16xf32>,
          %get3A_241 = arith.constant 11 : i32
          %get3A_242 = arith.index_cast %get3A_241 : i32 to index
          %get3A_243 = arith.constant 96 : index
          %get3A_244 = tpu.vector_load %arg10[%get3A_242, %get3A_243] {strides = array<i32>} : memref<16x128xf32, #tpu.memory_space<vmem>>, vector<16xf32>,
          %add3A_245 = arith.constant 96 : i32
          %add3A_246 = arith.addi %mul3A_163, %add3A_245 : i32
          %get3A_247 = arith.index_cast %add3A_246 : i32 to index
          %get3A_248 = tpu.vector_load %arg11[%get3A_247] {strides = array<i32>} : memref<80000xf32, #tpu.memory_space<vmem>>, vector<16xf32>,
          %max3A_249 = arith.maximumf %get3A_248, %get3A_244 : vector<16xf32>
          %add3A_250 = arith.constant 96 : i32
          %add3A_251 = arith.addi %mul3A_163, %add3A_250 : i32
          %swap3A_252 = arith.index_cast %add3A_251 : i32 to index
          %swap3A_253 = tpu.vector_load %arg11[%swap3A_252] {strides = array<i32>} : memref<80000xf32, #tpu.memory_space<vmem>>, vector<16xf32>,
          tpu.vector_store %arg11[%swap3A_252], %max3A_249 {strides = array<i32>} : memref<80000xf32, #tpu.memory_space<vmem>>, vector<16xf32>,
          %get3A_254 = arith.constant 11 : i32
          %get3A_255 = arith.index_cast %get3A_254 : i32 to index
          %get3A_256 = arith.constant 112 : index
          %get3A_257 = tpu.vector_load %arg10[%get3A_255, %get3A_256] {strides = array<i32>} : memref<16x128xf32, #tpu.memory_space<vmem>>, vector<16xf32>,
          %add3A_258 = arith.constant 112 : i32
          %add3A_259 = arith.addi %mul3A_163, %add3A_258 : i32
          %get3A_260 = arith.index_cast %add3A_259 : i32 to index
          %get3A_261 = tpu.vector_load %arg11[%get3A_260] {strides = array<i32>} : memref<80000xf32, #tpu.memory_space<vmem>>, vector<16xf32>,
          %max3A_262 = arith.maximumf %get3A_261, %get3A_257 : vector<16xf32>
          %add3A_263 = arith.constant 112 : i32
          %add3A_264 = arith.addi %mul3A_163, %add3A_263 : i32
          %swap3A_265 = arith.index_cast %add3A_264 : i32 to index
          %swap3A_266 = tpu.vector_load %arg11[%swap3A_265] {strides = array<i32>} : memref<80000xf32, #tpu.memory_space<vmem>>, vector<16xf32>,
          tpu.vector_store %arg11[%swap3A_265], %max3A_262 {strides = array<i32>} : memref<80000xf32, #tpu.memory_space<vmem>>, vector<16xf32>,
        } else {
        }
        %gt3A_139 = arith.constant 12 : i32
        %gt3A_140 = arith.cmpi sgt, %sub3A_81, %gt3A_139 : i32
        %convert_element_type3A_141 = arith.extui %gt3A_140 : i1 to i32
        %cond3A_142 = arith.constant 0 : i32
        %cond3A_143 = arith.cmpi ne, %convert_element_type3A_141, %cond3A_142 : i32
        scf.if %cond3A_143 {
          %slice3A_160 = vector.extract_strided_slice %get3A_80 {offsets = [12], sizes = [1], strides = [1]} : vector<16xi32> to vector<1xi32>
          %squeeze3A_161 = vector.extract %slice3A_160[0] : i32 from vector<1xi32>
          %mul3A_162 = arith.constant 128 : i32
          %mul3A_163 = arith.muli %squeeze3A_161, %mul3A_162 : i32
          %get3A_164 = arith.constant 12 : i32
          %get3A_165 = arith.index_cast %get3A_164 : i32 to index
          %get3A_166 = arith.constant 0 : index
          %get3A_167 = tpu.vector_load %arg10[%get3A_165, %get3A_166] {strides = array<i32>} : memref<16x128xf32, #tpu.memory_space<vmem>>, vector<16xf32>,
          %add3A_168 = arith.constant 0 : i32
          %add3A_169 = arith.addi %mul3A_163, %add3A_168 : i32
          %get3A_170 = arith.index_cast %add3A_169 : i32 to index
          %get3A_171 = tpu.vector_load %arg11[%get3A_170] {strides = array<i32>} : memref<80000xf32, #tpu.memory_space<vmem>>, vector<16xf32>,
          %max3A_172 = arith.maximumf %get3A_171, %get3A_167 : vector<16xf32>
          %add3A_173 = arith.constant 0 : i32
          %add3A_174 = arith.addi %mul3A_163, %add3A_173 : i32
          %swap3A = arith.index_cast %add3A_174 : i32 to index
          %swap3A_175 = tpu.vector_load %arg11[%swap3A] {strides = array<i32>} : memref<80000xf32, #tpu.memory_space<vmem>>, vector<16xf32>,
          tpu.vector_store %arg11[%swap3A], %max3A_172 {strides = array<i32>} : memref<80000xf32, #tpu.memory_space<vmem>>, vector<16xf32>,
          %get3A_176 = arith.constant 12 : i32
          %get3A_177 = arith.index_cast %get3A_176 : i32 to index
          %get3A_178 = arith.constant 16 : index
          %get3A_179 = tpu.vector_load %arg10[%get3A_177, %get3A_178] {strides = array<i32>} : memref<16x128xf32, #tpu.memory_space<vmem>>, vector<16xf32>,
          %add3A_180 = arith.constant 16 : i32
          %add3A_181 = arith.addi %mul3A_163, %add3A_180 : i32
          %get3A_182 = arith.index_cast %add3A_181 : i32 to index
          %get3A_183 = tpu.vector_load %arg11[%get3A_182] {strides = array<i32>} : memref<80000xf32, #tpu.memory_space<vmem>>, vector<16xf32>,
          %max3A_184 = arith.maximumf %get3A_183, %get3A_179 : vector<16xf32>
          %add3A_185 = arith.constant 16 : i32
          %add3A_186 = arith.addi %mul3A_163, %add3A_185 : i32
          %swap3A_187 = arith.index_cast %add3A_186 : i32 to index
          %swap3A_188 = tpu.vector_load %arg11[%swap3A_187] {strides = array<i32>} : memref<80000xf32, #tpu.memory_space<vmem>>, vector<16xf32>,
          tpu.vector_store %arg11[%swap3A_187], %max3A_184 {strides = array<i32>} : memref<80000xf32, #tpu.memory_space<vmem>>, vector<16xf32>,
          %get3A_189 = arith.constant 12 : i32
          %get3A_190 = arith.index_cast %get3A_189 : i32 to index
          %get3A_191 = arith.constant 32 : index
          %get3A_192 = tpu.vector_load %arg10[%get3A_190, %get3A_191] {strides = array<i32>} : memref<16x128xf32, #tpu.memory_space<vmem>>, vector<16xf32>,
          %add3A_193 = arith.constant 32 : i32
          %add3A_194 = arith.addi %mul3A_163, %add3A_193 : i32
          %get3A_195 = arith.index_cast %add3A_194 : i32 to index
          %get3A_196 = tpu.vector_load %arg11[%get3A_195] {strides = array<i32>} : memref<80000xf32, #tpu.memory_space<vmem>>, vector<16xf32>,
          %max3A_197 = arith.maximumf %get3A_196, %get3A_192 : vector<16xf32>
          %add3A_198 = arith.constant 32 : i32
          %add3A_199 = arith.addi %mul3A_163, %add3A_198 : i32
          %swap3A_200 = arith.index_cast %add3A_199 : i32 to index
          %swap3A_201 = tpu.vector_load %arg11[%swap3A_200] {strides = array<i32>} : memref<80000xf32, #tpu.memory_space<vmem>>, vector<16xf32>,
          tpu.vector_store %arg11[%swap3A_200], %max3A_197 {strides = array<i32>} : memref<80000xf32, #tpu.memory_space<vmem>>, vector<16xf32>,
          %get3A_202 = arith.constant 12 : i32
          %get3A_203 = arith.index_cast %get3A_202 : i32 to index
          %get3A_204 = arith.constant 48 : index
          %get3A_205 = tpu.vector_load %arg10[%get3A_203, %get3A_204] {strides = array<i32>} : memref<16x128xf32, #tpu.memory_space<vmem>>, vector<16xf32>,
          %add3A_206 = arith.constant 48 : i32
          %add3A_207 = arith.addi %mul3A_163, %add3A_206 : i32
          %get3A_208 = arith.index_cast %add3A_207 : i32 to index
          %get3A_209 = tpu.vector_load %arg11[%get3A_208] {strides = array<i32>} : memref<80000xf32, #tpu.memory_space<vmem>>, vector<16xf32>,
          %max3A_210 = arith.maximumf %get3A_209, %get3A_205 : vector<16xf32>
          %add3A_211 = arith.constant 48 : i32
          %add3A_212 = arith.addi %mul3A_163, %add3A_211 : i32
          %swap3A_213 = arith.index_cast %add3A_212 : i32 to index
          %swap3A_214 = tpu.vector_load %arg11[%swap3A_213] {strides = array<i32>} : memref<80000xf32, #tpu.memory_space<vmem>>, vector<16xf32>,
          tpu.vector_store %arg11[%swap3A_213], %max3A_210 {strides = array<i32>} : memref<80000xf32, #tpu.memory_space<vmem>>, vector<16xf32>,
          %get3A_215 = arith.constant 12 : i32
          %get3A_216 = arith.index_cast %get3A_215 : i32 to index
          %get3A_217 = arith.constant 64 : index
          %get3A_218 = tpu.vector_load %arg10[%get3A_216, %get3A_217] {strides = array<i32>} : memref<16x128xf32, #tpu.memory_space<vmem>>, vector<16xf32>,
          %add3A_219 = arith.constant 64 : i32
          %add3A_220 = arith.addi %mul3A_163, %add3A_219 : i32
          %get3A_221 = arith.index_cast %add3A_220 : i32 to index
          %get3A_222 = tpu.vector_load %arg11[%get3A_221] {strides = array<i32>} : memref<80000xf32, #tpu.memory_space<vmem>>, vector<16xf32>,
          %max3A_223 = arith.maximumf %get3A_222, %get3A_218 : vector<16xf32>
          %add3A_224 = arith.constant 64 : i32
          %add3A_225 = arith.addi %mul3A_163, %add3A_224 : i32
          %swap3A_226 = arith.index_cast %add3A_225 : i32 to index
          %swap3A_227 = tpu.vector_load %arg11[%swap3A_226] {strides = array<i32>} : memref<80000xf32, #tpu.memory_space<vmem>>, vector<16xf32>,
          tpu.vector_store %arg11[%swap3A_226], %max3A_223 {strides = array<i32>} : memref<80000xf32, #tpu.memory_space<vmem>>, vector<16xf32>,
          %get3A_228 = arith.constant 12 : i32
          %get3A_229 = arith.index_cast %get3A_228 : i32 to index
          %get3A_230 = arith.constant 80 : index
          %get3A_231 = tpu.vector_load %arg10[%get3A_229, %get3A_230] {strides = array<i32>} : memref<16x128xf32, #tpu.memory_space<vmem>>, vector<16xf32>,
          %add3A_232 = arith.constant 80 : i32
          %add3A_233 = arith.addi %mul3A_163, %add3A_232 : i32
          %get3A_234 = arith.index_cast %add3A_233 : i32 to index
          %get3A_235 = tpu.vector_load %arg11[%get3A_234] {strides = array<i32>} : memref<80000xf32, #tpu.memory_space<vmem>>, vector<16xf32>,
          %max3A_236 = arith.maximumf %get3A_235, %get3A_231 : vector<16xf32>
          %add3A_237 = arith.constant 80 : i32
          %add3A_238 = arith.addi %mul3A_163, %add3A_237 : i32
          %swap3A_239 = arith.index_cast %add3A_238 : i32 to index
          %swap3A_240 = tpu.vector_load %arg11[%swap3A_239] {strides = array<i32>} : memref<80000xf32, #tpu.memory_space<vmem>>, vector<16xf32>,
          tpu.vector_store %arg11[%swap3A_239], %max3A_236 {strides = array<i32>} : memref<80000xf32, #tpu.memory_space<vmem>>, vector<16xf32>,
          %get3A_241 = arith.constant 12 : i32
          %get3A_242 = arith.index_cast %get3A_241 : i32 to index
          %get3A_243 = arith.constant 96 : index
          %get3A_244 = tpu.vector_load %arg10[%get3A_242, %get3A_243] {strides = array<i32>} : memref<16x128xf32, #tpu.memory_space<vmem>>, vector<16xf32>,
          %add3A_245 = arith.constant 96 : i32
          %add3A_246 = arith.addi %mul3A_163, %add3A_245 : i32
          %get3A_247 = arith.index_cast %add3A_246 : i32 to index
          %get3A_248 = tpu.vector_load %arg11[%get3A_247] {strides = array<i32>} : memref<80000xf32, #tpu.memory_space<vmem>>, vector<16xf32>,
          %max3A_249 = arith.maximumf %get3A_248, %get3A_244 : vector<16xf32>
          %add3A_250 = arith.constant 96 : i32
          %add3A_251 = arith.addi %mul3A_163, %add3A_250 : i32
          %swap3A_252 = arith.index_cast %add3A_251 : i32 to index
          %swap3A_253 = tpu.vector_load %arg11[%swap3A_252] {strides = array<i32>} : memref<80000xf32, #tpu.memory_space<vmem>>, vector<16xf32>,
          tpu.vector_store %arg11[%swap3A_252], %max3A_249 {strides = array<i32>} : memref<80000xf32, #tpu.memory_space<vmem>>, vector<16xf32>,
          %get3A_254 = arith.constant 12 : i32
          %get3A_255 = arith.index_cast %get3A_254 : i32 to index
          %get3A_256 = arith.constant 112 : index
          %get3A_257 = tpu.vector_load %arg10[%get3A_255, %get3A_256] {strides = array<i32>} : memref<16x128xf32, #tpu.memory_space<vmem>>, vector<16xf32>,
          %add3A_258 = arith.constant 112 : i32
          %add3A_259 = arith.addi %mul3A_163, %add3A_258 : i32
          %get3A_260 = arith.index_cast %add3A_259 : i32 to index
          %get3A_261 = tpu.vector_load %arg11[%get3A_260] {strides = array<i32>} : memref<80000xf32, #tpu.memory_space<vmem>>, vector<16xf32>,
          %max3A_262 = arith.maximumf %get3A_261, %get3A_257 : vector<16xf32>
          %add3A_263 = arith.constant 112 : i32
          %add3A_264 = arith.addi %mul3A_163, %add3A_263 : i32
          %swap3A_265 = arith.index_cast %add3A_264 : i32 to index
          %swap3A_266 = tpu.vector_load %arg11[%swap3A_265] {strides = array<i32>} : memref<80000xf32, #tpu.memory_space<vmem>>, vector<16xf32>,
          tpu.vector_store %arg11[%swap3A_265], %max3A_262 {strides = array<i32>} : memref<80000xf32, #tpu.memory_space<vmem>>, vector<16xf32>,
        } else {
        }
        %gt3A_144 = arith.constant 13 : i32
        %gt3A_145 = arith.cmpi sgt, %sub3A_81, %gt3A_144 : i32
        %convert_element_type3A_146 = arith.extui %gt3A_145 : i1 to i32
        %cond3A_147 = arith.constant 0 : i32
        %cond3A_148 = arith.cmpi ne, %convert_element_type3A_146, %cond3A_147 : i32
        scf.if %cond3A_148 {
          %slice3A_160 = vector.extract_strided_slice %get3A_80 {offsets = [13], sizes = [1], strides = [1]} : vector<16xi32> to vector<1xi32>
          %squeeze3A_161 = vector.extract %slice3A_160[0] : i32 from vector<1xi32>
          %mul3A_162 = arith.constant 128 : i32
          %mul3A_163 = arith.muli %squeeze3A_161, %mul3A_162 : i32
          %get3A_164 = arith.constant 13 : i32
          %get3A_165 = arith.index_cast %get3A_164 : i32 to index
          %get3A_166 = arith.constant 0 : index
          %get3A_167 = tpu.vector_load %arg10[%get3A_165, %get3A_166] {strides = array<i32>} : memref<16x128xf32, #tpu.memory_space<vmem>>, vector<16xf32>,
          %add3A_168 = arith.constant 0 : i32
          %add3A_169 = arith.addi %mul3A_163, %add3A_168 : i32
          %get3A_170 = arith.index_cast %add3A_169 : i32 to index
          %get3A_171 = tpu.vector_load %arg11[%get3A_170] {strides = array<i32>} : memref<80000xf32, #tpu.memory_space<vmem>>, vector<16xf32>,
          %max3A_172 = arith.maximumf %get3A_171, %get3A_167 : vector<16xf32>
          %add3A_173 = arith.constant 0 : i32
          %add3A_174 = arith.addi %mul3A_163, %add3A_173 : i32
          %swap3A = arith.index_cast %add3A_174 : i32 to index
          %swap3A_175 = tpu.vector_load %arg11[%swap3A] {strides = array<i32>} : memref<80000xf32, #tpu.memory_space<vmem>>, vector<16xf32>,
          tpu.vector_store %arg11[%swap3A], %max3A_172 {strides = array<i32>} : memref<80000xf32, #tpu.memory_space<vmem>>, vector<16xf32>,
          %get3A_176 = arith.constant 13 : i32
          %get3A_177 = arith.index_cast %get3A_176 : i32 to index
          %get3A_178 = arith.constant 16 : index
          %get3A_179 = tpu.vector_load %arg10[%get3A_177, %get3A_178] {strides = array<i32>} : memref<16x128xf32, #tpu.memory_space<vmem>>, vector<16xf32>,
          %add3A_180 = arith.constant 16 : i32
          %add3A_181 = arith.addi %mul3A_163, %add3A_180 : i32
          %get3A_182 = arith.index_cast %add3A_181 : i32 to index
          %get3A_183 = tpu.vector_load %arg11[%get3A_182] {strides = array<i32>} : memref<80000xf32, #tpu.memory_space<vmem>>, vector<16xf32>,
          %max3A_184 = arith.maximumf %get3A_183, %get3A_179 : vector<16xf32>
          %add3A_185 = arith.constant 16 : i32
          %add3A_186 = arith.addi %mul3A_163, %add3A_185 : i32
          %swap3A_187 = arith.index_cast %add3A_186 : i32 to index
          %swap3A_188 = tpu.vector_load %arg11[%swap3A_187] {strides = array<i32>} : memref<80000xf32, #tpu.memory_space<vmem>>, vector<16xf32>,
          tpu.vector_store %arg11[%swap3A_187], %max3A_184 {strides = array<i32>} : memref<80000xf32, #tpu.memory_space<vmem>>, vector<16xf32>,
          %get3A_189 = arith.constant 13 : i32
          %get3A_190 = arith.index_cast %get3A_189 : i32 to index
          %get3A_191 = arith.constant 32 : index
          %get3A_192 = tpu.vector_load %arg10[%get3A_190, %get3A_191] {strides = array<i32>} : memref<16x128xf32, #tpu.memory_space<vmem>>, vector<16xf32>,
          %add3A_193 = arith.constant 32 : i32
          %add3A_194 = arith.addi %mul3A_163, %add3A_193 : i32
          %get3A_195 = arith.index_cast %add3A_194 : i32 to index
          %get3A_196 = tpu.vector_load %arg11[%get3A_195] {strides = array<i32>} : memref<80000xf32, #tpu.memory_space<vmem>>, vector<16xf32>,
          %max3A_197 = arith.maximumf %get3A_196, %get3A_192 : vector<16xf32>
          %add3A_198 = arith.constant 32 : i32
          %add3A_199 = arith.addi %mul3A_163, %add3A_198 : i32
          %swap3A_200 = arith.index_cast %add3A_199 : i32 to index
          %swap3A_201 = tpu.vector_load %arg11[%swap3A_200] {strides = array<i32>} : memref<80000xf32, #tpu.memory_space<vmem>>, vector<16xf32>,
          tpu.vector_store %arg11[%swap3A_200], %max3A_197 {strides = array<i32>} : memref<80000xf32, #tpu.memory_space<vmem>>, vector<16xf32>,
          %get3A_202 = arith.constant 13 : i32
          %get3A_203 = arith.index_cast %get3A_202 : i32 to index
          %get3A_204 = arith.constant 48 : index
          %get3A_205 = tpu.vector_load %arg10[%get3A_203, %get3A_204] {strides = array<i32>} : memref<16x128xf32, #tpu.memory_space<vmem>>, vector<16xf32>,
          %add3A_206 = arith.constant 48 : i32
          %add3A_207 = arith.addi %mul3A_163, %add3A_206 : i32
          %get3A_208 = arith.index_cast %add3A_207 : i32 to index
          %get3A_209 = tpu.vector_load %arg11[%get3A_208] {strides = array<i32>} : memref<80000xf32, #tpu.memory_space<vmem>>, vector<16xf32>,
          %max3A_210 = arith.maximumf %get3A_209, %get3A_205 : vector<16xf32>
          %add3A_211 = arith.constant 48 : i32
          %add3A_212 = arith.addi %mul3A_163, %add3A_211 : i32
          %swap3A_213 = arith.index_cast %add3A_212 : i32 to index
          %swap3A_214 = tpu.vector_load %arg11[%swap3A_213] {strides = array<i32>} : memref<80000xf32, #tpu.memory_space<vmem>>, vector<16xf32>,
          tpu.vector_store %arg11[%swap3A_213], %max3A_210 {strides = array<i32>} : memref<80000xf32, #tpu.memory_space<vmem>>, vector<16xf32>,
          %get3A_215 = arith.constant 13 : i32
          %get3A_216 = arith.index_cast %get3A_215 : i32 to index
          %get3A_217 = arith.constant 64 : index
          %get3A_218 = tpu.vector_load %arg10[%get3A_216, %get3A_217] {strides = array<i32>} : memref<16x128xf32, #tpu.memory_space<vmem>>, vector<16xf32>,
          %add3A_219 = arith.constant 64 : i32
          %add3A_220 = arith.addi %mul3A_163, %add3A_219 : i32
          %get3A_221 = arith.index_cast %add3A_220 : i32 to index
          %get3A_222 = tpu.vector_load %arg11[%get3A_221] {strides = array<i32>} : memref<80000xf32, #tpu.memory_space<vmem>>, vector<16xf32>,
          %max3A_223 = arith.maximumf %get3A_222, %get3A_218 : vector<16xf32>
          %add3A_224 = arith.constant 64 : i32
          %add3A_225 = arith.addi %mul3A_163, %add3A_224 : i32
          %swap3A_226 = arith.index_cast %add3A_225 : i32 to index
          %swap3A_227 = tpu.vector_load %arg11[%swap3A_226] {strides = array<i32>} : memref<80000xf32, #tpu.memory_space<vmem>>, vector<16xf32>,
          tpu.vector_store %arg11[%swap3A_226], %max3A_223 {strides = array<i32>} : memref<80000xf32, #tpu.memory_space<vmem>>, vector<16xf32>,
          %get3A_228 = arith.constant 13 : i32
          %get3A_229 = arith.index_cast %get3A_228 : i32 to index
          %get3A_230 = arith.constant 80 : index
          %get3A_231 = tpu.vector_load %arg10[%get3A_229, %get3A_230] {strides = array<i32>} : memref<16x128xf32, #tpu.memory_space<vmem>>, vector<16xf32>,
          %add3A_232 = arith.constant 80 : i32
          %add3A_233 = arith.addi %mul3A_163, %add3A_232 : i32
          %get3A_234 = arith.index_cast %add3A_233 : i32 to index
          %get3A_235 = tpu.vector_load %arg11[%get3A_234] {strides = array<i32>} : memref<80000xf32, #tpu.memory_space<vmem>>, vector<16xf32>,
          %max3A_236 = arith.maximumf %get3A_235, %get3A_231 : vector<16xf32>
          %add3A_237 = arith.constant 80 : i32
          %add3A_238 = arith.addi %mul3A_163, %add3A_237 : i32
          %swap3A_239 = arith.index_cast %add3A_238 : i32 to index
          %swap3A_240 = tpu.vector_load %arg11[%swap3A_239] {strides = array<i32>} : memref<80000xf32, #tpu.memory_space<vmem>>, vector<16xf32>,
          tpu.vector_store %arg11[%swap3A_239], %max3A_236 {strides = array<i32>} : memref<80000xf32, #tpu.memory_space<vmem>>, vector<16xf32>,
          %get3A_241 = arith.constant 13 : i32
          %get3A_242 = arith.index_cast %get3A_241 : i32 to index
          %get3A_243 = arith.constant 96 : index
          %get3A_244 = tpu.vector_load %arg10[%get3A_242, %get3A_243] {strides = array<i32>} : memref<16x128xf32, #tpu.memory_space<vmem>>, vector<16xf32>,
          %add3A_245 = arith.constant 96 : i32
          %add3A_246 = arith.addi %mul3A_163, %add3A_245 : i32
          %get3A_247 = arith.index_cast %add3A_246 : i32 to index
          %get3A_248 = tpu.vector_load %arg11[%get3A_247] {strides = array<i32>} : memref<80000xf32, #tpu.memory_space<vmem>>, vector<16xf32>,
          %max3A_249 = arith.maximumf %get3A_248, %get3A_244 : vector<16xf32>
          %add3A_250 = arith.constant 96 : i32
          %add3A_251 = arith.addi %mul3A_163, %add3A_250 : i32
          %swap3A_252 = arith.index_cast %add3A_251 : i32 to index
          %swap3A_253 = tpu.vector_load %arg11[%swap3A_252] {strides = array<i32>} : memref<80000xf32, #tpu.memory_space<vmem>>, vector<16xf32>,
          tpu.vector_store %arg11[%swap3A_252], %max3A_249 {strides = array<i32>} : memref<80000xf32, #tpu.memory_space<vmem>>, vector<16xf32>,
          %get3A_254 = arith.constant 13 : i32
          %get3A_255 = arith.index_cast %get3A_254 : i32 to index
          %get3A_256 = arith.constant 112 : index
          %get3A_257 = tpu.vector_load %arg10[%get3A_255, %get3A_256] {strides = array<i32>} : memref<16x128xf32, #tpu.memory_space<vmem>>, vector<16xf32>,
          %add3A_258 = arith.constant 112 : i32
          %add3A_259 = arith.addi %mul3A_163, %add3A_258 : i32
          %get3A_260 = arith.index_cast %add3A_259 : i32 to index
          %get3A_261 = tpu.vector_load %arg11[%get3A_260] {strides = array<i32>} : memref<80000xf32, #tpu.memory_space<vmem>>, vector<16xf32>,
          %max3A_262 = arith.maximumf %get3A_261, %get3A_257 : vector<16xf32>
          %add3A_263 = arith.constant 112 : i32
          %add3A_264 = arith.addi %mul3A_163, %add3A_263 : i32
          %swap3A_265 = arith.index_cast %add3A_264 : i32 to index
          %swap3A_266 = tpu.vector_load %arg11[%swap3A_265] {strides = array<i32>} : memref<80000xf32, #tpu.memory_space<vmem>>, vector<16xf32>,
          tpu.vector_store %arg11[%swap3A_265], %max3A_262 {strides = array<i32>} : memref<80000xf32, #tpu.memory_space<vmem>>, vector<16xf32>,
        } else {
        }
        %gt3A_149 = arith.constant 14 : i32
        %gt3A_150 = arith.cmpi sgt, %sub3A_81, %gt3A_149 : i32
        %convert_element_type3A_151 = arith.extui %gt3A_150 : i1 to i32
        %cond3A_152 = arith.constant 0 : i32
        %cond3A_153 = arith.cmpi ne, %convert_element_type3A_151, %cond3A_152 : i32
        scf.if %cond3A_153 {
          %slice3A_160 = vector.extract_strided_slice %get3A_80 {offsets = [14], sizes = [1], strides = [1]} : vector<16xi32> to vector<1xi32>
          %squeeze3A_161 = vector.extract %slice3A_160[0] : i32 from vector<1xi32>
          %mul3A_162 = arith.constant 128 : i32
          %mul3A_163 = arith.muli %squeeze3A_161, %mul3A_162 : i32
          %get3A_164 = arith.constant 14 : i32
          %get3A_165 = arith.index_cast %get3A_164 : i32 to index
          %get3A_166 = arith.constant 0 : index
          %get3A_167 = tpu.vector_load %arg10[%get3A_165, %get3A_166] {strides = array<i32>} : memref<16x128xf32, #tpu.memory_space<vmem>>, vector<16xf32>,
          %add3A_168 = arith.constant 0 : i32
          %add3A_169 = arith.addi %mul3A_163, %add3A_168 : i32
          %get3A_170 = arith.index_cast %add3A_169 : i32 to index
          %get3A_171 = tpu.vector_load %arg11[%get3A_170] {strides = array<i32>} : memref<80000xf32, #tpu.memory_space<vmem>>, vector<16xf32>,
          %max3A_172 = arith.maximumf %get3A_171, %get3A_167 : vector<16xf32>
          %add3A_173 = arith.constant 0 : i32
          %add3A_174 = arith.addi %mul3A_163, %add3A_173 : i32
          %swap3A = arith.index_cast %add3A_174 : i32 to index
          %swap3A_175 = tpu.vector_load %arg11[%swap3A] {strides = array<i32>} : memref<80000xf32, #tpu.memory_space<vmem>>, vector<16xf32>,
          tpu.vector_store %arg11[%swap3A], %max3A_172 {strides = array<i32>} : memref<80000xf32, #tpu.memory_space<vmem>>, vector<16xf32>,
          %get3A_176 = arith.constant 14 : i32
          %get3A_177 = arith.index_cast %get3A_176 : i32 to index
          %get3A_178 = arith.constant 16 : index
          %get3A_179 = tpu.vector_load %arg10[%get3A_177, %get3A_178] {strides = array<i32>} : memref<16x128xf32, #tpu.memory_space<vmem>>, vector<16xf32>,
          %add3A_180 = arith.constant 16 : i32
          %add3A_181 = arith.addi %mul3A_163, %add3A_180 : i32
          %get3A_182 = arith.index_cast %add3A_181 : i32 to index
          %get3A_183 = tpu.vector_load %arg11[%get3A_182] {strides = array<i32>} : memref<80000xf32, #tpu.memory_space<vmem>>, vector<16xf32>,
          %max3A_184 = arith.maximumf %get3A_183, %get3A_179 : vector<16xf32>
          %add3A_185 = arith.constant 16 : i32
          %add3A_186 = arith.addi %mul3A_163, %add3A_185 : i32
          %swap3A_187 = arith.index_cast %add3A_186 : i32 to index
          %swap3A_188 = tpu.vector_load %arg11[%swap3A_187] {strides = array<i32>} : memref<80000xf32, #tpu.memory_space<vmem>>, vector<16xf32>,
          tpu.vector_store %arg11[%swap3A_187], %max3A_184 {strides = array<i32>} : memref<80000xf32, #tpu.memory_space<vmem>>, vector<16xf32>,
          %get3A_189 = arith.constant 14 : i32
          %get3A_190 = arith.index_cast %get3A_189 : i32 to index
          %get3A_191 = arith.constant 32 : index
          %get3A_192 = tpu.vector_load %arg10[%get3A_190, %get3A_191] {strides = array<i32>} : memref<16x128xf32, #tpu.memory_space<vmem>>, vector<16xf32>,
          %add3A_193 = arith.constant 32 : i32
          %add3A_194 = arith.addi %mul3A_163, %add3A_193 : i32
          %get3A_195 = arith.index_cast %add3A_194 : i32 to index
          %get3A_196 = tpu.vector_load %arg11[%get3A_195] {strides = array<i32>} : memref<80000xf32, #tpu.memory_space<vmem>>, vector<16xf32>,
          %max3A_197 = arith.maximumf %get3A_196, %get3A_192 : vector<16xf32>
          %add3A_198 = arith.constant 32 : i32
          %add3A_199 = arith.addi %mul3A_163, %add3A_198 : i32
          %swap3A_200 = arith.index_cast %add3A_199 : i32 to index
          %swap3A_201 = tpu.vector_load %arg11[%swap3A_200] {strides = array<i32>} : memref<80000xf32, #tpu.memory_space<vmem>>, vector<16xf32>,
          tpu.vector_store %arg11[%swap3A_200], %max3A_197 {strides = array<i32>} : memref<80000xf32, #tpu.memory_space<vmem>>, vector<16xf32>,
          %get3A_202 = arith.constant 14 : i32
          %get3A_203 = arith.index_cast %get3A_202 : i32 to index
          %get3A_204 = arith.constant 48 : index
          %get3A_205 = tpu.vector_load %arg10[%get3A_203, %get3A_204] {strides = array<i32>} : memref<16x128xf32, #tpu.memory_space<vmem>>, vector<16xf32>,
          %add3A_206 = arith.constant 48 : i32
          %add3A_207 = arith.addi %mul3A_163, %add3A_206 : i32
          %get3A_208 = arith.index_cast %add3A_207 : i32 to index
          %get3A_209 = tpu.vector_load %arg11[%get3A_208] {strides = array<i32>} : memref<80000xf32, #tpu.memory_space<vmem>>, vector<16xf32>,
          %max3A_210 = arith.maximumf %get3A_209, %get3A_205 : vector<16xf32>
          %add3A_211 = arith.constant 48 : i32
          %add3A_212 = arith.addi %mul3A_163, %add3A_211 : i32
          %swap3A_213 = arith.index_cast %add3A_212 : i32 to index
          %swap3A_214 = tpu.vector_load %arg11[%swap3A_213] {strides = array<i32>} : memref<80000xf32, #tpu.memory_space<vmem>>, vector<16xf32>,
          tpu.vector_store %arg11[%swap3A_213], %max3A_210 {strides = array<i32>} : memref<80000xf32, #tpu.memory_space<vmem>>, vector<16xf32>,
          %get3A_215 = arith.constant 14 : i32
          %get3A_216 = arith.index_cast %get3A_215 : i32 to index
          %get3A_217 = arith.constant 64 : index
          %get3A_218 = tpu.vector_load %arg10[%get3A_216, %get3A_217] {strides = array<i32>} : memref<16x128xf32, #tpu.memory_space<vmem>>, vector<16xf32>,
          %add3A_219 = arith.constant 64 : i32
          %add3A_220 = arith.addi %mul3A_163, %add3A_219 : i32
          %get3A_221 = arith.index_cast %add3A_220 : i32 to index
          %get3A_222 = tpu.vector_load %arg11[%get3A_221] {strides = array<i32>} : memref<80000xf32, #tpu.memory_space<vmem>>, vector<16xf32>,
          %max3A_223 = arith.maximumf %get3A_222, %get3A_218 : vector<16xf32>
          %add3A_224 = arith.constant 64 : i32
          %add3A_225 = arith.addi %mul3A_163, %add3A_224 : i32
          %swap3A_226 = arith.index_cast %add3A_225 : i32 to index
          %swap3A_227 = tpu.vector_load %arg11[%swap3A_226] {strides = array<i32>} : memref<80000xf32, #tpu.memory_space<vmem>>, vector<16xf32>,
          tpu.vector_store %arg11[%swap3A_226], %max3A_223 {strides = array<i32>} : memref<80000xf32, #tpu.memory_space<vmem>>, vector<16xf32>,
          %get3A_228 = arith.constant 14 : i32
          %get3A_229 = arith.index_cast %get3A_228 : i32 to index
          %get3A_230 = arith.constant 80 : index
          %get3A_231 = tpu.vector_load %arg10[%get3A_229, %get3A_230] {strides = array<i32>} : memref<16x128xf32, #tpu.memory_space<vmem>>, vector<16xf32>,
          %add3A_232 = arith.constant 80 : i32
          %add3A_233 = arith.addi %mul3A_163, %add3A_232 : i32
          %get3A_234 = arith.index_cast %add3A_233 : i32 to index
          %get3A_235 = tpu.vector_load %arg11[%get3A_234] {strides = array<i32>} : memref<80000xf32, #tpu.memory_space<vmem>>, vector<16xf32>,
          %max3A_236 = arith.maximumf %get3A_235, %get3A_231 : vector<16xf32>
          %add3A_237 = arith.constant 80 : i32
          %add3A_238 = arith.addi %mul3A_163, %add3A_237 : i32
          %swap3A_239 = arith.index_cast %add3A_238 : i32 to index
          %swap3A_240 = tpu.vector_load %arg11[%swap3A_239] {strides = array<i32>} : memref<80000xf32, #tpu.memory_space<vmem>>, vector<16xf32>,
          tpu.vector_store %arg11[%swap3A_239], %max3A_236 {strides = array<i32>} : memref<80000xf32, #tpu.memory_space<vmem>>, vector<16xf32>,
          %get3A_241 = arith.constant 14 : i32
          %get3A_242 = arith.index_cast %get3A_241 : i32 to index
          %get3A_243 = arith.constant 96 : index
          %get3A_244 = tpu.vector_load %arg10[%get3A_242, %get3A_243] {strides = array<i32>} : memref<16x128xf32, #tpu.memory_space<vmem>>, vector<16xf32>,
          %add3A_245 = arith.constant 96 : i32
          %add3A_246 = arith.addi %mul3A_163, %add3A_245 : i32
          %get3A_247 = arith.index_cast %add3A_246 : i32 to index
          %get3A_248 = tpu.vector_load %arg11[%get3A_247] {strides = array<i32>} : memref<80000xf32, #tpu.memory_space<vmem>>, vector<16xf32>,
          %max3A_249 = arith.maximumf %get3A_248, %get3A_244 : vector<16xf32>
          %add3A_250 = arith.constant 96 : i32
          %add3A_251 = arith.addi %mul3A_163, %add3A_250 : i32
          %swap3A_252 = arith.index_cast %add3A_251 : i32 to index
          %swap3A_253 = tpu.vector_load %arg11[%swap3A_252] {strides = array<i32>} : memref<80000xf32, #tpu.memory_space<vmem>>, vector<16xf32>,
          tpu.vector_store %arg11[%swap3A_252], %max3A_249 {strides = array<i32>} : memref<80000xf32, #tpu.memory_space<vmem>>, vector<16xf32>,
          %get3A_254 = arith.constant 14 : i32
          %get3A_255 = arith.index_cast %get3A_254 : i32 to index
          %get3A_256 = arith.constant 112 : index
          %get3A_257 = tpu.vector_load %arg10[%get3A_255, %get3A_256] {strides = array<i32>} : memref<16x128xf32, #tpu.memory_space<vmem>>, vector<16xf32>,
          %add3A_258 = arith.constant 112 : i32
          %add3A_259 = arith.addi %mul3A_163, %add3A_258 : i32
          %get3A_260 = arith.index_cast %add3A_259 : i32 to index
          %get3A_261 = tpu.vector_load %arg11[%get3A_260] {strides = array<i32>} : memref<80000xf32, #tpu.memory_space<vmem>>, vector<16xf32>,
          %max3A_262 = arith.maximumf %get3A_261, %get3A_257 : vector<16xf32>
          %add3A_263 = arith.constant 112 : i32
          %add3A_264 = arith.addi %mul3A_163, %add3A_263 : i32
          %swap3A_265 = arith.index_cast %add3A_264 : i32 to index
          %swap3A_266 = tpu.vector_load %arg11[%swap3A_265] {strides = array<i32>} : memref<80000xf32, #tpu.memory_space<vmem>>, vector<16xf32>,
          tpu.vector_store %arg11[%swap3A_265], %max3A_262 {strides = array<i32>} : memref<80000xf32, #tpu.memory_space<vmem>>, vector<16xf32>,
        } else {
        }
        %gt3A_154 = arith.constant 15 : i32
        %gt3A_155 = arith.cmpi sgt, %sub3A_81, %gt3A_154 : i32
        %convert_element_type3A_156 = arith.extui %gt3A_155 : i1 to i32
        %cond3A_157 = arith.constant 0 : i32
        %cond3A_158 = arith.cmpi ne, %convert_element_type3A_156, %cond3A_157 : i32
        scf.if %cond3A_158 {
          %slice3A_160 = vector.extract_strided_slice %get3A_80 {offsets = [15], sizes = [1], strides = [1]} : vector<16xi32> to vector<1xi32>
          %squeeze3A_161 = vector.extract %slice3A_160[0] : i32 from vector<1xi32>
          %mul3A_162 = arith.constant 128 : i32
          %mul3A_163 = arith.muli %squeeze3A_161, %mul3A_162 : i32
          %get3A_164 = arith.constant 15 : i32
          %get3A_165 = arith.index_cast %get3A_164 : i32 to index
          %get3A_166 = arith.constant 0 : index
          %get3A_167 = tpu.vector_load %arg10[%get3A_165, %get3A_166] {strides = array<i32>} : memref<16x128xf32, #tpu.memory_space<vmem>>, vector<16xf32>,
          %add3A_168 = arith.constant 0 : i32
          %add3A_169 = arith.addi %mul3A_163, %add3A_168 : i32
          %get3A_170 = arith.index_cast %add3A_169 : i32 to index
          %get3A_171 = tpu.vector_load %arg11[%get3A_170] {strides = array<i32>} : memref<80000xf32, #tpu.memory_space<vmem>>, vector<16xf32>,
          %max3A_172 = arith.maximumf %get3A_171, %get3A_167 : vector<16xf32>
          %add3A_173 = arith.constant 0 : i32
          %add3A_174 = arith.addi %mul3A_163, %add3A_173 : i32
          %swap3A = arith.index_cast %add3A_174 : i32 to index
          %swap3A_175 = tpu.vector_load %arg11[%swap3A] {strides = array<i32>} : memref<80000xf32, #tpu.memory_space<vmem>>, vector<16xf32>,
          tpu.vector_store %arg11[%swap3A], %max3A_172 {strides = array<i32>} : memref<80000xf32, #tpu.memory_space<vmem>>, vector<16xf32>,
          %get3A_176 = arith.constant 15 : i32
          %get3A_177 = arith.index_cast %get3A_176 : i32 to index
          %get3A_178 = arith.constant 16 : index
          %get3A_179 = tpu.vector_load %arg10[%get3A_177, %get3A_178] {strides = array<i32>} : memref<16x128xf32, #tpu.memory_space<vmem>>, vector<16xf32>,
          %add3A_180 = arith.constant 16 : i32
          %add3A_181 = arith.addi %mul3A_163, %add3A_180 : i32
          %get3A_182 = arith.index_cast %add3A_181 : i32 to index
          %get3A_183 = tpu.vector_load %arg11[%get3A_182] {strides = array<i32>} : memref<80000xf32, #tpu.memory_space<vmem>>, vector<16xf32>,
          %max3A_184 = arith.maximumf %get3A_183, %get3A_179 : vector<16xf32>
          %add3A_185 = arith.constant 16 : i32
          %add3A_186 = arith.addi %mul3A_163, %add3A_185 : i32
          %swap3A_187 = arith.index_cast %add3A_186 : i32 to index
          %swap3A_188 = tpu.vector_load %arg11[%swap3A_187] {strides = array<i32>} : memref<80000xf32, #tpu.memory_space<vmem>>, vector<16xf32>,
          tpu.vector_store %arg11[%swap3A_187], %max3A_184 {strides = array<i32>} : memref<80000xf32, #tpu.memory_space<vmem>>, vector<16xf32>,
          %get3A_189 = arith.constant 15 : i32
          %get3A_190 = arith.index_cast %get3A_189 : i32 to index
          %get3A_191 = arith.constant 32 : index
          %get3A_192 = tpu.vector_load %arg10[%get3A_190, %get3A_191] {strides = array<i32>} : memref<16x128xf32, #tpu.memory_space<vmem>>, vector<16xf32>,
          %add3A_193 = arith.constant 32 : i32
          %add3A_194 = arith.addi %mul3A_163, %add3A_193 : i32
          %get3A_195 = arith.index_cast %add3A_194 : i32 to index
          %get3A_196 = tpu.vector_load %arg11[%get3A_195] {strides = array<i32>} : memref<80000xf32, #tpu.memory_space<vmem>>, vector<16xf32>,
          %max3A_197 = arith.maximumf %get3A_196, %get3A_192 : vector<16xf32>
          %add3A_198 = arith.constant 32 : i32
          %add3A_199 = arith.addi %mul3A_163, %add3A_198 : i32
          %swap3A_200 = arith.index_cast %add3A_199 : i32 to index
          %swap3A_201 = tpu.vector_load %arg11[%swap3A_200] {strides = array<i32>} : memref<80000xf32, #tpu.memory_space<vmem>>, vector<16xf32>,
          tpu.vector_store %arg11[%swap3A_200], %max3A_197 {strides = array<i32>} : memref<80000xf32, #tpu.memory_space<vmem>>, vector<16xf32>,
          %get3A_202 = arith.constant 15 : i32
          %get3A_203 = arith.index_cast %get3A_202 : i32 to index
          %get3A_204 = arith.constant 48 : index
          %get3A_205 = tpu.vector_load %arg10[%get3A_203, %get3A_204] {strides = array<i32>} : memref<16x128xf32, #tpu.memory_space<vmem>>, vector<16xf32>,
          %add3A_206 = arith.constant 48 : i32
          %add3A_207 = arith.addi %mul3A_163, %add3A_206 : i32
          %get3A_208 = arith.index_cast %add3A_207 : i32 to index
          %get3A_209 = tpu.vector_load %arg11[%get3A_208] {strides = array<i32>} : memref<80000xf32, #tpu.memory_space<vmem>>, vector<16xf32>,
          %max3A_210 = arith.maximumf %get3A_209, %get3A_205 : vector<16xf32>
          %add3A_211 = arith.constant 48 : i32
          %add3A_212 = arith.addi %mul3A_163, %add3A_211 : i32
          %swap3A_213 = arith.index_cast %add3A_212 : i32 to index
          %swap3A_214 = tpu.vector_load %arg11[%swap3A_213] {strides = array<i32>} : memref<80000xf32, #tpu.memory_space<vmem>>, vector<16xf32>,
          tpu.vector_store %arg11[%swap3A_213], %max3A_210 {strides = array<i32>} : memref<80000xf32, #tpu.memory_space<vmem>>, vector<16xf32>,
          %get3A_215 = arith.constant 15 : i32
          %get3A_216 = arith.index_cast %get3A_215 : i32 to index
          %get3A_217 = arith.constant 64 : index
          %get3A_218 = tpu.vector_load %arg10[%get3A_216, %get3A_217] {strides = array<i32>} : memref<16x128xf32, #tpu.memory_space<vmem>>, vector<16xf32>,
          %add3A_219 = arith.constant 64 : i32
          %add3A_220 = arith.addi %mul3A_163, %add3A_219 : i32
          %get3A_221 = arith.index_cast %add3A_220 : i32 to index
          %get3A_222 = tpu.vector_load %arg11[%get3A_221] {strides = array<i32>} : memref<80000xf32, #tpu.memory_space<vmem>>, vector<16xf32>,
          %max3A_223 = arith.maximumf %get3A_222, %get3A_218 : vector<16xf32>
          %add3A_224 = arith.constant 64 : i32
          %add3A_225 = arith.addi %mul3A_163, %add3A_224 : i32
          %swap3A_226 = arith.index_cast %add3A_225 : i32 to index
          %swap3A_227 = tpu.vector_load %arg11[%swap3A_226] {strides = array<i32>} : memref<80000xf32, #tpu.memory_space<vmem>>, vector<16xf32>,
          tpu.vector_store %arg11[%swap3A_226], %max3A_223 {strides = array<i32>} : memref<80000xf32, #tpu.memory_space<vmem>>, vector<16xf32>,
          %get3A_228 = arith.constant 15 : i32
          %get3A_229 = arith.index_cast %get3A_228 : i32 to index
          %get3A_230 = arith.constant 80 : index
          %get3A_231 = tpu.vector_load %arg10[%get3A_229, %get3A_230] {strides = array<i32>} : memref<16x128xf32, #tpu.memory_space<vmem>>, vector<16xf32>,
          %add3A_232 = arith.constant 80 : i32
          %add3A_233 = arith.addi %mul3A_163, %add3A_232 : i32
          %get3A_234 = arith.index_cast %add3A_233 : i32 to index
          %get3A_235 = tpu.vector_load %arg11[%get3A_234] {strides = array<i32>} : memref<80000xf32, #tpu.memory_space<vmem>>, vector<16xf32>,
          %max3A_236 = arith.maximumf %get3A_235, %get3A_231 : vector<16xf32>
          %add3A_237 = arith.constant 80 : i32
          %add3A_238 = arith.addi %mul3A_163, %add3A_237 : i32
          %swap3A_239 = arith.index_cast %add3A_238 : i32 to index
          %swap3A_240 = tpu.vector_load %arg11[%swap3A_239] {strides = array<i32>} : memref<80000xf32, #tpu.memory_space<vmem>>, vector<16xf32>,
          tpu.vector_store %arg11[%swap3A_239], %max3A_236 {strides = array<i32>} : memref<80000xf32, #tpu.memory_space<vmem>>, vector<16xf32>,
          %get3A_241 = arith.constant 15 : i32
          %get3A_242 = arith.index_cast %get3A_241 : i32 to index
          %get3A_243 = arith.constant 96 : index
          %get3A_244 = tpu.vector_load %arg10[%get3A_242, %get3A_243] {strides = array<i32>} : memref<16x128xf32, #tpu.memory_space<vmem>>, vector<16xf32>,
          %add3A_245 = arith.constant 96 : i32
          %add3A_246 = arith.addi %mul3A_163, %add3A_245 : i32
          %get3A_247 = arith.index_cast %add3A_246 : i32 to index
          %get3A_248 = tpu.vector_load %arg11[%get3A_247] {strides = array<i32>} : memref<80000xf32, #tpu.memory_space<vmem>>, vector<16xf32>,
          %max3A_249 = arith.maximumf %get3A_248, %get3A_244 : vector<16xf32>
          %add3A_250 = arith.constant 96 : i32
          %add3A_251 = arith.addi %mul3A_163, %add3A_250 : i32
          %swap3A_252 = arith.index_cast %add3A_251 : i32 to index
          %swap3A_253 = tpu.vector_load %arg11[%swap3A_252] {strides = array<i32>} : memref<80000xf32, #tpu.memory_space<vmem>>, vector<16xf32>,
          tpu.vector_store %arg11[%swap3A_252], %max3A_249 {strides = array<i32>} : memref<80000xf32, #tpu.memory_space<vmem>>, vector<16xf32>,
          %get3A_254 = arith.constant 15 : i32
          %get3A_255 = arith.index_cast %get3A_254 : i32 to index
          %get3A_256 = arith.constant 112 : index
          %get3A_257 = tpu.vector_load %arg10[%get3A_255, %get3A_256] {strides = array<i32>} : memref<16x128xf32, #tpu.memory_space<vmem>>, vector<16xf32>,
          %add3A_258 = arith.constant 112 : i32
          %add3A_259 = arith.addi %mul3A_163, %add3A_258 : i32
          %get3A_260 = arith.index_cast %add3A_259 : i32 to index
          %get3A_261 = tpu.vector_load %arg11[%get3A_260] {strides = array<i32>} : memref<80000xf32, #tpu.memory_space<vmem>>, vector<16xf32>,
          %max3A_262 = arith.maximumf %get3A_261, %get3A_257 : vector<16xf32>
          %add3A_263 = arith.constant 112 : i32
          %add3A_264 = arith.addi %mul3A_163, %add3A_263 : i32
          %swap3A_265 = arith.index_cast %add3A_264 : i32 to index
          %swap3A_266 = tpu.vector_load %arg11[%swap3A_265] {strides = array<i32>} : memref<80000xf32, #tpu.memory_space<vmem>>, vector<16xf32>,
          tpu.vector_store %arg11[%swap3A_265], %max3A_262 {strides = array<i32>} : memref<80000xf32, #tpu.memory_space<vmem>>, vector<16xf32>,
        } else {
        }
        %while3A_159 = arith.constant 0 : i32
        scf.yield %while3A_159 : i32
      }
      %while3A_63 = arith.constant 1 : i32
      %while3A_64 = scf.for %while3A_66 = %while3A_60 to %while3A_56 step %while3A_63 iter_args(%while3A_67 = %while3A_62) -> (i32)  : i32 {
        %mul3A_68 = arith.constant 16 : i32
        %mul3A_69 = arith.muli %while3A_66, %mul3A_68 : i32
        %get3A = arith.index_cast %mul3A_69 : i32 to index
        %get3A_70 = tpu.vector_load %arg8[%get3A] {strides = array<i32>} : memref<4016xi32, #tpu.memory_space<vmem>>, vector<16xi32>,
        %max3A = arith.constant 0 : i32
        %max3A_71 = vector.broadcast %max3A : i32 to vector<16xi32>
        %max3A_72 = arith.maxsi %get3A_70, %max3A_71 : vector<16xi32>
        %min3A = arith.constant 9999 : i32
        %min3A_73 = vector.broadcast %min3A : i32 to vector<16xi32>
        %min3A_74 = arith.minsi %max3A_72, %min3A_73 : vector<16xi32>
        %dma_start3A = arith.constant 0 : i32
        %dma_start3A_75 = arith.constant 0 : i32
        %dma_start3A_76 = tpu.memref_slice %arg2[%dma_start3A, %dma_start3A_75] : memref<10000x128xf32, #tpu.memory_space<hbm>> -> memref<10000x128xf32, #tpu.memory_space<hbm>>
        tpu.enqueue_indirect_dma source(%dma_start3A_76 : memref<10000x128xf32, #tpu.memory_space<hbm>>) target(%arg10 : memref<16x128xf32, #tpu.memory_space<vmem>>) offsets(%min3A_74 : vector<16xi32>) semaphore(%arg12 : memref<!tpu.dma_semaphore, #tpu.memory_space<semaphore_mem>>)
        %dma_wait3A = arith.constant 0 : i32
        %dma_wait3A_77 = arith.constant 0 : i32
        %dma_wait3A_78 = tpu.memref_slice %arg2[%dma_wait3A, %dma_wait3A_77] : memref<10000x128xf32, #tpu.memory_space<hbm>> -> memref<10000x128xf32, #tpu.memory_space<hbm>>
        tpu.wait_indirect_dma semaphore(%arg12 : memref<!tpu.dma_semaphore, #tpu.memory_space<semaphore_mem>>) src(%dma_wait3A_78 : memref<10000x128xf32, #tpu.memory_space<hbm>>) dst(%arg10 : memref<16x128xf32, #tpu.memory_space<vmem>>)
        %get3A_79 = arith.index_cast %mul3A_69 : i32 to index
        %get3A_80 = tpu.vector_load %arg9[%get3A_79] {strides = array<i32>} : memref<4016xi32, #tpu.memory_space<vmem>>, vector<16xi32>,
        %sub3A_81 = arith.subi %squeeze3A, %mul3A_69 : i32
        %gt3A = arith.constant 0 : i32
        %gt3A_82 = arith.cmpi sgt, %sub3A_81, %gt3A : i32
        %convert_element_type3A = arith.extui %gt3A_82 : i1 to i32
        %cond3A = arith.constant 0 : i32
        %cond3A_83 = arith.cmpi ne, %convert_element_type3A, %cond3A : i32
        scf.if %cond3A_83 {
          %slice3A_160 = vector.extract_strided_slice %get3A_80 {offsets = [0], sizes = [1], strides = [1]} : vector<16xi32> to vector<1xi32>
          %squeeze3A_161 = vector.extract %slice3A_160[0] : i32 from vector<1xi32>
          %mul3A_162 = arith.constant 128 : i32
          %mul3A_163 = arith.muli %squeeze3A_161, %mul3A_162 : i32
          %get3A_164 = arith.constant 0 : i32
          %get3A_165 = arith.index_cast %get3A_164 : i32 to index
          %get3A_166 = arith.constant 0 : index
          %get3A_167 = tpu.vector_load %arg10[%get3A_165, %get3A_166] {strides = array<i32>} : memref<16x128xf32, #tpu.memory_space<vmem>>, vector<16xf32>,
          %add3A_168 = arith.constant 0 : i32
          %add3A_169 = arith.addi %mul3A_163, %add3A_168 : i32
          %get3A_170 = arith.index_cast %add3A_169 : i32 to index
          %get3A_171 = tpu.vector_load %arg11[%get3A_170] {strides = array<i32>} : memref<80000xf32, #tpu.memory_space<vmem>>, vector<16xf32>,
          %max3A_172 = arith.maximumf %get3A_171, %get3A_167 : vector<16xf32>
          %add3A_173 = arith.constant 0 : i32
          %add3A_174 = arith.addi %mul3A_163, %add3A_173 : i32
          %swap3A = arith.index_cast %add3A_174 : i32 to index
          %swap3A_175 = tpu.vector_load %arg11[%swap3A] {strides = array<i32>} : memref<80000xf32, #tpu.memory_space<vmem>>, vector<16xf32>,
          tpu.vector_store %arg11[%swap3A], %max3A_172 {strides = array<i32>} : memref<80000xf32, #tpu.memory_space<vmem>>, vector<16xf32>,
          %get3A_176 = arith.constant 0 : i32
          %get3A_177 = arith.index_cast %get3A_176 : i32 to index
          %get3A_178 = arith.constant 16 : index
          %get3A_179 = tpu.vector_load %arg10[%get3A_177, %get3A_178] {strides = array<i32>} : memref<16x128xf32, #tpu.memory_space<vmem>>, vector<16xf32>,
          %add3A_180 = arith.constant 16 : i32
          %add3A_181 = arith.addi %mul3A_163, %add3A_180 : i32
          %get3A_182 = arith.index_cast %add3A_181 : i32 to index
          %get3A_183 = tpu.vector_load %arg11[%get3A_182] {strides = array<i32>} : memref<80000xf32, #tpu.memory_space<vmem>>, vector<16xf32>,
          %max3A_184 = arith.maximumf %get3A_183, %get3A_179 : vector<16xf32>
          %add3A_185 = arith.constant 16 : i32
          %add3A_186 = arith.addi %mul3A_163, %add3A_185 : i32
          %swap3A_187 = arith.index_cast %add3A_186 : i32 to index
          %swap3A_188 = tpu.vector_load %arg11[%swap3A_187] {strides = array<i32>} : memref<80000xf32, #tpu.memory_space<vmem>>, vector<16xf32>,
          tpu.vector_store %arg11[%swap3A_187], %max3A_184 {strides = array<i32>} : memref<80000xf32, #tpu.memory_space<vmem>>, vector<16xf32>,
          %get3A_189 = arith.constant 0 : i32
          %get3A_190 = arith.index_cast %get3A_189 : i32 to index
          %get3A_191 = arith.constant 32 : index
          %get3A_192 = tpu.vector_load %arg10[%get3A_190, %get3A_191] {strides = array<i32>} : memref<16x128xf32, #tpu.memory_space<vmem>>, vector<16xf32>,
          %add3A_193 = arith.constant 32 : i32
          %add3A_194 = arith.addi %mul3A_163, %add3A_193 : i32
          %get3A_195 = arith.index_cast %add3A_194 : i32 to index
          %get3A_196 = tpu.vector_load %arg11[%get3A_195] {strides = array<i32>} : memref<80000xf32, #tpu.memory_space<vmem>>, vector<16xf32>,
          %max3A_197 = arith.maximumf %get3A_196, %get3A_192 : vector<16xf32>
          %add3A_198 = arith.constant 32 : i32
          %add3A_199 = arith.addi %mul3A_163, %add3A_198 : i32
          %swap3A_200 = arith.index_cast %add3A_199 : i32 to index
          %swap3A_201 = tpu.vector_load %arg11[%swap3A_200] {strides = array<i32>} : memref<80000xf32, #tpu.memory_space<vmem>>, vector<16xf32>,
          tpu.vector_store %arg11[%swap3A_200], %max3A_197 {strides = array<i32>} : memref<80000xf32, #tpu.memory_space<vmem>>, vector<16xf32>,
          %get3A_202 = arith.constant 0 : i32
          %get3A_203 = arith.index_cast %get3A_202 : i32 to index
          %get3A_204 = arith.constant 48 : index
          %get3A_205 = tpu.vector_load %arg10[%get3A_203, %get3A_204] {strides = array<i32>} : memref<16x128xf32, #tpu.memory_space<vmem>>, vector<16xf32>,
          %add3A_206 = arith.constant 48 : i32
          %add3A_207 = arith.addi %mul3A_163, %add3A_206 : i32
          %get3A_208 = arith.index_cast %add3A_207 : i32 to index
          %get3A_209 = tpu.vector_load %arg11[%get3A_208] {strides = array<i32>} : memref<80000xf32, #tpu.memory_space<vmem>>, vector<16xf32>,
          %max3A_210 = arith.maximumf %get3A_209, %get3A_205 : vector<16xf32>
          %add3A_211 = arith.constant 48 : i32
          %add3A_212 = arith.addi %mul3A_163, %add3A_211 : i32
          %swap3A_213 = arith.index_cast %add3A_212 : i32 to index
          %swap3A_214 = tpu.vector_load %arg11[%swap3A_213] {strides = array<i32>} : memref<80000xf32, #tpu.memory_space<vmem>>, vector<16xf32>,
          tpu.vector_store %arg11[%swap3A_213], %max3A_210 {strides = array<i32>} : memref<80000xf32, #tpu.memory_space<vmem>>, vector<16xf32>,
          %get3A_215 = arith.constant 0 : i32
          %get3A_216 = arith.index_cast %get3A_215 : i32 to index
          %get3A_217 = arith.constant 64 : index
          %get3A_218 = tpu.vector_load %arg10[%get3A_216, %get3A_217] {strides = array<i32>} : memref<16x128xf32, #tpu.memory_space<vmem>>, vector<16xf32>,
          %add3A_219 = arith.constant 64 : i32
          %add3A_220 = arith.addi %mul3A_163, %add3A_219 : i32
          %get3A_221 = arith.index_cast %add3A_220 : i32 to index
          %get3A_222 = tpu.vector_load %arg11[%get3A_221] {strides = array<i32>} : memref<80000xf32, #tpu.memory_space<vmem>>, vector<16xf32>,
          %max3A_223 = arith.maximumf %get3A_222, %get3A_218 : vector<16xf32>
          %add3A_224 = arith.constant 64 : i32
          %add3A_225 = arith.addi %mul3A_163, %add3A_224 : i32
          %swap3A_226 = arith.index_cast %add3A_225 : i32 to index
          %swap3A_227 = tpu.vector_load %arg11[%swap3A_226] {strides = array<i32>} : memref<80000xf32, #tpu.memory_space<vmem>>, vector<16xf32>,
          tpu.vector_store %arg11[%swap3A_226], %max3A_223 {strides = array<i32>} : memref<80000xf32, #tpu.memory_space<vmem>>, vector<16xf32>,
          %get3A_228 = arith.constant 0 : i32
          %get3A_229 = arith.index_cast %get3A_228 : i32 to index
          %get3A_230 = arith.constant 80 : index
          %get3A_231 = tpu.vector_load %arg10[%get3A_229, %get3A_230] {strides = array<i32>} : memref<16x128xf32, #tpu.memory_space<vmem>>, vector<16xf32>,
          %add3A_232 = arith.constant 80 : i32
          %add3A_233 = arith.addi %mul3A_163, %add3A_232 : i32
          %get3A_234 = arith.index_cast %add3A_233 : i32 to index
          %get3A_235 = tpu.vector_load %arg11[%get3A_234] {strides = array<i32>} : memref<80000xf32, #tpu.memory_space<vmem>>, vector<16xf32>,
          %max3A_236 = arith.maximumf %get3A_235, %get3A_231 : vector<16xf32>
          %add3A_237 = arith.constant 80 : i32
          %add3A_238 = arith.addi %mul3A_163, %add3A_237 : i32
          %swap3A_239 = arith.index_cast %add3A_238 : i32 to index
          %swap3A_240 = tpu.vector_load %arg11[%swap3A_239] {strides = array<i32>} : memref<80000xf32, #tpu.memory_space<vmem>>, vector<16xf32>,
          tpu.vector_store %arg11[%swap3A_239], %max3A_236 {strides = array<i32>} : memref<80000xf32, #tpu.memory_space<vmem>>, vector<16xf32>,
          %get3A_241 = arith.constant 0 : i32
          %get3A_242 = arith.index_cast %get3A_241 : i32 to index
          %get3A_243 = arith.constant 96 : index
          %get3A_244 = tpu.vector_load %arg10[%get3A_242, %get3A_243] {strides = array<i32>} : memref<16x128xf32, #tpu.memory_space<vmem>>, vector<16xf32>,
          %add3A_245 = arith.constant 96 : i32
          %add3A_246 = arith.addi %mul3A_163, %add3A_245 : i32
          %get3A_247 = arith.index_cast %add3A_246 : i32 to index
          %get3A_248 = tpu.vector_load %arg11[%get3A_247] {strides = array<i32>} : memref<80000xf32, #tpu.memory_space<vmem>>, vector<16xf32>,
          %max3A_249 = arith.maximumf %get3A_248, %get3A_244 : vector<16xf32>
          %add3A_250 = arith.constant 96 : i32
          %add3A_251 = arith.addi %mul3A_163, %add3A_250 : i32
          %swap3A_252 = arith.index_cast %add3A_251 : i32 to index
          %swap3A_253 = tpu.vector_load %arg11[%swap3A_252] {strides = array<i32>} : memref<80000xf32, #tpu.memory_space<vmem>>, vector<16xf32>,
          tpu.vector_store %arg11[%swap3A_252], %max3A_249 {strides = array<i32>} : memref<80000xf32, #tpu.memory_space<vmem>>, vector<16xf32>,
          %get3A_254 = arith.constant 0 : i32
          %get3A_255 = arith.index_cast %get3A_254 : i32 to index
          %get3A_256 = arith.constant 112 : index
          %get3A_257 = tpu.vector_load %arg10[%get3A_255, %get3A_256] {strides = array<i32>} : memref<16x128xf32, #tpu.memory_space<vmem>>, vector<16xf32>,
          %add3A_258 = arith.constant 112 : i32
          %add3A_259 = arith.addi %mul3A_163, %add3A_258 : i32
          %get3A_260 = arith.index_cast %add3A_259 : i32 to index
          %get3A_261 = tpu.vector_load %arg11[%get3A_260] {strides = array<i32>} : memref<80000xf32, #tpu.memory_space<vmem>>, vector<16xf32>,
          %max3A_262 = arith.maximumf %get3A_261, %get3A_257 : vector<16xf32>
          %add3A_263 = arith.constant 112 : i32
          %add3A_264 = arith.addi %mul3A_163, %add3A_263 : i32
          %swap3A_265 = arith.index_cast %add3A_264 : i32 to index
          %swap3A_266 = tpu.vector_load %arg11[%swap3A_265] {strides = array<i32>} : memref<80000xf32, #tpu.memory_space<vmem>>, vector<16xf32>,
          tpu.vector_store %arg11[%swap3A_265], %max3A_262 {strides = array<i32>} : memref<80000xf32, #tpu.memory_space<vmem>>, vector<16xf32>,
        } else {
        }
        %gt3A_84 = arith.constant 1 : i32
        %gt3A_85 = arith.cmpi sgt, %sub3A_81, %gt3A_84 : i32
        %convert_element_type3A_86 = arith.extui %gt3A_85 : i1 to i32
        %cond3A_87 = arith.constant 0 : i32
        %cond3A_88 = arith.cmpi ne, %convert_element_type3A_86, %cond3A_87 : i32
        scf.if %cond3A_88 {
          %slice3A_160 = vector.extract_strided_slice %get3A_80 {offsets = [1], sizes = [1], strides = [1]} : vector<16xi32> to vector<1xi32>
          %squeeze3A_161 = vector.extract %slice3A_160[0] : i32 from vector<1xi32>
          %mul3A_162 = arith.constant 128 : i32
          %mul3A_163 = arith.muli %squeeze3A_161, %mul3A_162 : i32
          %get3A_164 = arith.constant 1 : i32
          %get3A_165 = arith.index_cast %get3A_164 : i32 to index
          %get3A_166 = arith.constant 0 : index
          %get3A_167 = tpu.vector_load %arg10[%get3A_165, %get3A_166] {strides = array<i32>} : memref<16x128xf32, #tpu.memory_space<vmem>>, vector<16xf32>,
          %add3A_168 = arith.constant 0 : i32
          %add3A_169 = arith.addi %mul3A_163, %add3A_168 : i32
          %get3A_170 = arith.index_cast %add3A_169 : i32 to index
          %get3A_171 = tpu.vector_load %arg11[%get3A_170] {strides = array<i32>} : memref<80000xf32, #tpu.memory_space<vmem>>, vector<16xf32>,
          %max3A_172 = arith.maximumf %get3A_171, %get3A_167 : vector<16xf32>
          %add3A_173 = arith.constant 0 : i32
          %add3A_174 = arith.addi %mul3A_163, %add3A_173 : i32
          %swap3A = arith.index_cast %add3A_174 : i32 to index
          %swap3A_175 = tpu.vector_load %arg11[%swap3A] {strides = array<i32>} : memref<80000xf32, #tpu.memory_space<vmem>>, vector<16xf32>,
          tpu.vector_store %arg11[%swap3A], %max3A_172 {strides = array<i32>} : memref<80000xf32, #tpu.memory_space<vmem>>, vector<16xf32>,
          %get3A_176 = arith.constant 1 : i32
          %get3A_177 = arith.index_cast %get3A_176 : i32 to index
          %get3A_178 = arith.constant 16 : index
          %get3A_179 = tpu.vector_load %arg10[%get3A_177, %get3A_178] {strides = array<i32>} : memref<16x128xf32, #tpu.memory_space<vmem>>, vector<16xf32>,
          %add3A_180 = arith.constant 16 : i32
          %add3A_181 = arith.addi %mul3A_163, %add3A_180 : i32
          %get3A_182 = arith.index_cast %add3A_181 : i32 to index
          %get3A_183 = tpu.vector_load %arg11[%get3A_182] {strides = array<i32>} : memref<80000xf32, #tpu.memory_space<vmem>>, vector<16xf32>,
          %max3A_184 = arith.maximumf %get3A_183, %get3A_179 : vector<16xf32>
          %add3A_185 = arith.constant 16 : i32
          %add3A_186 = arith.addi %mul3A_163, %add3A_185 : i32
          %swap3A_187 = arith.index_cast %add3A_186 : i32 to index
          %swap3A_188 = tpu.vector_load %arg11[%swap3A_187] {strides = array<i32>} : memref<80000xf32, #tpu.memory_space<vmem>>, vector<16xf32>,
          tpu.vector_store %arg11[%swap3A_187], %max3A_184 {strides = array<i32>} : memref<80000xf32, #tpu.memory_space<vmem>>, vector<16xf32>,
          %get3A_189 = arith.constant 1 : i32
          %get3A_190 = arith.index_cast %get3A_189 : i32 to index
          %get3A_191 = arith.constant 32 : index
          %get3A_192 = tpu.vector_load %arg10[%get3A_190, %get3A_191] {strides = array<i32>} : memref<16x128xf32, #tpu.memory_space<vmem>>, vector<16xf32>,
          %add3A_193 = arith.constant 32 : i32
          %add3A_194 = arith.addi %mul3A_163, %add3A_193 : i32
          %get3A_195 = arith.index_cast %add3A_194 : i32 to index
          %get3A_196 = tpu.vector_load %arg11[%get3A_195] {strides = array<i32>} : memref<80000xf32, #tpu.memory_space<vmem>>, vector<16xf32>,
          %max3A_197 = arith.maximumf %get3A_196, %get3A_192 : vector<16xf32>
          %add3A_198 = arith.constant 32 : i32
          %add3A_199 = arith.addi %mul3A_163, %add3A_198 : i32
          %swap3A_200 = arith.index_cast %add3A_199 : i32 to index
          %swap3A_201 = tpu.vector_load %arg11[%swap3A_200] {strides = array<i32>} : memref<80000xf32, #tpu.memory_space<vmem>>, vector<16xf32>,
          tpu.vector_store %arg11[%swap3A_200], %max3A_197 {strides = array<i32>} : memref<80000xf32, #tpu.memory_space<vmem>>, vector<16xf32>,
          %get3A_202 = arith.constant 1 : i32
          %get3A_203 = arith.index_cast %get3A_202 : i32 to index
          %get3A_204 = arith.constant 48 : index
          %get3A_205 = tpu.vector_load %arg10[%get3A_203, %get3A_204] {strides = array<i32>} : memref<16x128xf32, #tpu.memory_space<vmem>>, vector<16xf32>,
          %add3A_206 = arith.constant 48 : i32
          %add3A_207 = arith.addi %mul3A_163, %add3A_206 : i32
          %get3A_208 = arith.index_cast %add3A_207 : i32 to index
          %get3A_209 = tpu.vector_load %arg11[%get3A_208] {strides = array<i32>} : memref<80000xf32, #tpu.memory_space<vmem>>, vector<16xf32>,
          %max3A_210 = arith.maximumf %get3A_209, %get3A_205 : vector<16xf32>
          %add3A_211 = arith.constant 48 : i32
          %add3A_212 = arith.addi %mul3A_163, %add3A_211 : i32
          %swap3A_213 = arith.index_cast %add3A_212 : i32 to index
          %swap3A_214 = tpu.vector_load %arg11[%swap3A_213] {strides = array<i32>} : memref<80000xf32, #tpu.memory_space<vmem>>, vector<16xf32>,
          tpu.vector_store %arg11[%swap3A_213], %max3A_210 {strides = array<i32>} : memref<80000xf32, #tpu.memory_space<vmem>>, vector<16xf32>,
          %get3A_215 = arith.constant 1 : i32
          %get3A_216 = arith.index_cast %get3A_215 : i32 to index
          %get3A_217 = arith.constant 64 : index
          %get3A_218 = tpu.vector_load %arg10[%get3A_216, %get3A_217] {strides = array<i32>} : memref<16x128xf32, #tpu.memory_space<vmem>>, vector<16xf32>,
          %add3A_219 = arith.constant 64 : i32
          %add3A_220 = arith.addi %mul3A_163, %add3A_219 : i32
          %get3A_221 = arith.index_cast %add3A_220 : i32 to index
          %get3A_222 = tpu.vector_load %arg11[%get3A_221] {strides = array<i32>} : memref<80000xf32, #tpu.memory_space<vmem>>, vector<16xf32>,
          %max3A_223 = arith.maximumf %get3A_222, %get3A_218 : vector<16xf32>
          %add3A_224 = arith.constant 64 : i32
          %add3A_225 = arith.addi %mul3A_163, %add3A_224 : i32
          %swap3A_226 = arith.index_cast %add3A_225 : i32 to index
          %swap3A_227 = tpu.vector_load %arg11[%swap3A_226] {strides = array<i32>} : memref<80000xf32, #tpu.memory_space<vmem>>, vector<16xf32>,
          tpu.vector_store %arg11[%swap3A_226], %max3A_223 {strides = array<i32>} : memref<80000xf32, #tpu.memory_space<vmem>>, vector<16xf32>,
          %get3A_228 = arith.constant 1 : i32
          %get3A_229 = arith.index_cast %get3A_228 : i32 to index
          %get3A_230 = arith.constant 80 : index
          %get3A_231 = tpu.vector_load %arg10[%get3A_229, %get3A_230] {strides = array<i32>} : memref<16x128xf32, #tpu.memory_space<vmem>>, vector<16xf32>,
          %add3A_232 = arith.constant 80 : i32
          %add3A_233 = arith.addi %mul3A_163, %add3A_232 : i32
          %get3A_234 = arith.index_cast %add3A_233 : i32 to index
          %get3A_235 = tpu.vector_load %arg11[%get3A_234] {strides = array<i32>} : memref<80000xf32, #tpu.memory_space<vmem>>, vector<16xf32>,
          %max3A_236 = arith.maximumf %get3A_235, %get3A_231 : vector<16xf32>
          %add3A_237 = arith.constant 80 : i32
          %add3A_238 = arith.addi %mul3A_163, %add3A_237 : i32
          %swap3A_239 = arith.index_cast %add3A_238 : i32 to index
          %swap3A_240 = tpu.vector_load %arg11[%swap3A_239] {strides = array<i32>} : memref<80000xf32, #tpu.memory_space<vmem>>, vector<16xf32>,
          tpu.vector_store %arg11[%swap3A_239], %max3A_236 {strides = array<i32>} : memref<80000xf32, #tpu.memory_space<vmem>>, vector<16xf32>,
          %get3A_241 = arith.constant 1 : i32
          %get3A_242 = arith.index_cast %get3A_241 : i32 to index
          %get3A_243 = arith.constant 96 : index
          %get3A_244 = tpu.vector_load %arg10[%get3A_242, %get3A_243] {strides = array<i32>} : memref<16x128xf32, #tpu.memory_space<vmem>>, vector<16xf32>,
          %add3A_245 = arith.constant 96 : i32
          %add3A_246 = arith.addi %mul3A_163, %add3A_245 : i32
          %get3A_247 = arith.index_cast %add3A_246 : i32 to index
          %get3A_248 = tpu.vector_load %arg11[%get3A_247] {strides = array<i32>} : memref<80000xf32, #tpu.memory_space<vmem>>, vector<16xf32>,
          %max3A_249 = arith.maximumf %get3A_248, %get3A_244 : vector<16xf32>
          %add3A_250 = arith.constant 96 : i32
          %add3A_251 = arith.addi %mul3A_163, %add3A_250 : i32
          %swap3A_252 = arith.index_cast %add3A_251 : i32 to index
          %swap3A_253 = tpu.vector_load %arg11[%swap3A_252] {strides = array<i32>} : memref<80000xf32, #tpu.memory_space<vmem>>, vector<16xf32>,
          tpu.vector_store %arg11[%swap3A_252], %max3A_249 {strides = array<i32>} : memref<80000xf32, #tpu.memory_space<vmem>>, vector<16xf32>,
          %get3A_254 = arith.constant 1 : i32
          %get3A_255 = arith.index_cast %get3A_254 : i32 to index
          %get3A_256 = arith.constant 112 : index
          %get3A_257 = tpu.vector_load %arg10[%get3A_255, %get3A_256] {strides = array<i32>} : memref<16x128xf32, #tpu.memory_space<vmem>>, vector<16xf32>,
          %add3A_258 = arith.constant 112 : i32
          %add3A_259 = arith.addi %mul3A_163, %add3A_258 : i32
          %get3A_260 = arith.index_cast %add3A_259 : i32 to index
          %get3A_261 = tpu.vector_load %arg11[%get3A_260] {strides = array<i32>} : memref<80000xf32, #tpu.memory_space<vmem>>, vector<16xf32>,
          %max3A_262 = arith.maximumf %get3A_261, %get3A_257 : vector<16xf32>
          %add3A_263 = arith.constant 112 : i32
          %add3A_264 = arith.addi %mul3A_163, %add3A_263 : i32
          %swap3A_265 = arith.index_cast %add3A_264 : i32 to index
          %swap3A_266 = tpu.vector_load %arg11[%swap3A_265] {strides = array<i32>} : memref<80000xf32, #tpu.memory_space<vmem>>, vector<16xf32>,
          tpu.vector_store %arg11[%swap3A_265], %max3A_262 {strides = array<i32>} : memref<80000xf32, #tpu.memory_space<vmem>>, vector<16xf32>,
        } else {
        }
        %gt3A_89 = arith.constant 2 : i32
        %gt3A_90 = arith.cmpi sgt, %sub3A_81, %gt3A_89 : i32
        %convert_element_type3A_91 = arith.extui %gt3A_90 : i1 to i32
        %cond3A_92 = arith.constant 0 : i32
        %cond3A_93 = arith.cmpi ne, %convert_element_type3A_91, %cond3A_92 : i32
        scf.if %cond3A_93 {
          %slice3A_160 = vector.extract_strided_slice %get3A_80 {offsets = [2], sizes = [1], strides = [1]} : vector<16xi32> to vector<1xi32>
          %squeeze3A_161 = vector.extract %slice3A_160[0] : i32 from vector<1xi32>
          %mul3A_162 = arith.constant 128 : i32
          %mul3A_163 = arith.muli %squeeze3A_161, %mul3A_162 : i32
          %get3A_164 = arith.constant 2 : i32
          %get3A_165 = arith.index_cast %get3A_164 : i32 to index
          %get3A_166 = arith.constant 0 : index
          %get3A_167 = tpu.vector_load %arg10[%get3A_165, %get3A_166] {strides = array<i32>} : memref<16x128xf32, #tpu.memory_space<vmem>>, vector<16xf32>,
          %add3A_168 = arith.constant 0 : i32
          %add3A_169 = arith.addi %mul3A_163, %add3A_168 : i32
          %get3A_170 = arith.index_cast %add3A_169 : i32 to index
          %get3A_171 = tpu.vector_load %arg11[%get3A_170] {strides = array<i32>} : memref<80000xf32, #tpu.memory_space<vmem>>, vector<16xf32>,
          %max3A_172 = arith.maximumf %get3A_171, %get3A_167 : vector<16xf32>
          %add3A_173 = arith.constant 0 : i32
          %add3A_174 = arith.addi %mul3A_163, %add3A_173 : i32
          %swap3A = arith.index_cast %add3A_174 : i32 to index
          %swap3A_175 = tpu.vector_load %arg11[%swap3A] {strides = array<i32>} : memref<80000xf32, #tpu.memory_space<vmem>>, vector<16xf32>,
          tpu.vector_store %arg11[%swap3A], %max3A_172 {strides = array<i32>} : memref<80000xf32, #tpu.memory_space<vmem>>, vector<16xf32>,
          %get3A_176 = arith.constant 2 : i32
          %get3A_177 = arith.index_cast %get3A_176 : i32 to index
          %get3A_178 = arith.constant 16 : index
          %get3A_179 = tpu.vector_load %arg10[%get3A_177, %get3A_178] {strides = array<i32>} : memref<16x128xf32, #tpu.memory_space<vmem>>, vector<16xf32>,
          %add3A_180 = arith.constant 16 : i32
          %add3A_181 = arith.addi %mul3A_163, %add3A_180 : i32
          %get3A_182 = arith.index_cast %add3A_181 : i32 to index
          %get3A_183 = tpu.vector_load %arg11[%get3A_182] {strides = array<i32>} : memref<80000xf32, #tpu.memory_space<vmem>>, vector<16xf32>,
          %max3A_184 = arith.maximumf %get3A_183, %get3A_179 : vector<16xf32>
          %add3A_185 = arith.constant 16 : i32
          %add3A_186 = arith.addi %mul3A_163, %add3A_185 : i32
          %swap3A_187 = arith.index_cast %add3A_186 : i32 to index
          %swap3A_188 = tpu.vector_load %arg11[%swap3A_187] {strides = array<i32>} : memref<80000xf32, #tpu.memory_space<vmem>>, vector<16xf32>,
          tpu.vector_store %arg11[%swap3A_187], %max3A_184 {strides = array<i32>} : memref<80000xf32, #tpu.memory_space<vmem>>, vector<16xf32>,
          %get3A_189 = arith.constant 2 : i32
          %get3A_190 = arith.index_cast %get3A_189 : i32 to index
          %get3A_191 = arith.constant 32 : index
          %get3A_192 = tpu.vector_load %arg10[%get3A_190, %get3A_191] {strides = array<i32>} : memref<16x128xf32, #tpu.memory_space<vmem>>, vector<16xf32>,
          %add3A_193 = arith.constant 32 : i32
          %add3A_194 = arith.addi %mul3A_163, %add3A_193 : i32
          %get3A_195 = arith.index_cast %add3A_194 : i32 to index
          %get3A_196 = tpu.vector_load %arg11[%get3A_195] {strides = array<i32>} : memref<80000xf32, #tpu.memory_space<vmem>>, vector<16xf32>,
          %max3A_197 = arith.maximumf %get3A_196, %get3A_192 : vector<16xf32>
          %add3A_198 = arith.constant 32 : i32
          %add3A_199 = arith.addi %mul3A_163, %add3A_198 : i32
          %swap3A_200 = arith.index_cast %add3A_199 : i32 to index
          %swap3A_201 = tpu.vector_load %arg11[%swap3A_200] {strides = array<i32>} : memref<80000xf32, #tpu.memory_space<vmem>>, vector<16xf32>,
          tpu.vector_store %arg11[%swap3A_200], %max3A_197 {strides = array<i32>} : memref<80000xf32, #tpu.memory_space<vmem>>, vector<16xf32>,
          %get3A_202 = arith.constant 2 : i32
          %get3A_203 = arith.index_cast %get3A_202 : i32 to index
          %get3A_204 = arith.constant 48 : index
          %get3A_205 = tpu.vector_load %arg10[%get3A_203, %get3A_204] {strides = array<i32>} : memref<16x128xf32, #tpu.memory_space<vmem>>, vector<16xf32>,
          %add3A_206 = arith.constant 48 : i32
          %add3A_207 = arith.addi %mul3A_163, %add3A_206 : i32
          %get3A_208 = arith.index_cast %add3A_207 : i32 to index
          %get3A_209 = tpu.vector_load %arg11[%get3A_208] {strides = array<i32>} : memref<80000xf32, #tpu.memory_space<vmem>>, vector<16xf32>,
          %max3A_210 = arith.maximumf %get3A_209, %get3A_205 : vector<16xf32>
          %add3A_211 = arith.constant 48 : i32
          %add3A_212 = arith.addi %mul3A_163, %add3A_211 : i32
          %swap3A_213 = arith.index_cast %add3A_212 : i32 to index
          %swap3A_214 = tpu.vector_load %arg11[%swap3A_213] {strides = array<i32>} : memref<80000xf32, #tpu.memory_space<vmem>>, vector<16xf32>,
          tpu.vector_store %arg11[%swap3A_213], %max3A_210 {strides = array<i32>} : memref<80000xf32, #tpu.memory_space<vmem>>, vector<16xf32>,
          %get3A_215 = arith.constant 2 : i32
          %get3A_216 = arith.index_cast %get3A_215 : i32 to index
          %get3A_217 = arith.constant 64 : index
          %get3A_218 = tpu.vector_load %arg10[%get3A_216, %get3A_217] {strides = array<i32>} : memref<16x128xf32, #tpu.memory_space<vmem>>, vector<16xf32>,
          %add3A_219 = arith.constant 64 : i32
          %add3A_220 = arith.addi %mul3A_163, %add3A_219 : i32
          %get3A_221 = arith.index_cast %add3A_220 : i32 to index
          %get3A_222 = tpu.vector_load %arg11[%get3A_221] {strides = array<i32>} : memref<80000xf32, #tpu.memory_space<vmem>>, vector<16xf32>,
          %max3A_223 = arith.maximumf %get3A_222, %get3A_218 : vector<16xf32>
          %add3A_224 = arith.constant 64 : i32
          %add3A_225 = arith.addi %mul3A_163, %add3A_224 : i32
          %swap3A_226 = arith.index_cast %add3A_225 : i32 to index
          %swap3A_227 = tpu.vector_load %arg11[%swap3A_226] {strides = array<i32>} : memref<80000xf32, #tpu.memory_space<vmem>>, vector<16xf32>,
          tpu.vector_store %arg11[%swap3A_226], %max3A_223 {strides = array<i32>} : memref<80000xf32, #tpu.memory_space<vmem>>, vector<16xf32>,
          %get3A_228 = arith.constant 2 : i32
          %get3A_229 = arith.index_cast %get3A_228 : i32 to index
          %get3A_230 = arith.constant 80 : index
          %get3A_231 = tpu.vector_load %arg10[%get3A_229, %get3A_230] {strides = array<i32>} : memref<16x128xf32, #tpu.memory_space<vmem>>, vector<16xf32>,
          %add3A_232 = arith.constant 80 : i32
          %add3A_233 = arith.addi %mul3A_163, %add3A_232 : i32
          %get3A_234 = arith.index_cast %add3A_233 : i32 to index
          %get3A_235 = tpu.vector_load %arg11[%get3A_234] {strides = array<i32>} : memref<80000xf32, #tpu.memory_space<vmem>>, vector<16xf32>,
          %max3A_236 = arith.maximumf %get3A_235, %get3A_231 : vector<16xf32>
          %add3A_237 = arith.constant 80 : i32
          %add3A_238 = arith.addi %mul3A_163, %add3A_237 : i32
          %swap3A_239 = arith.index_cast %add3A_238 : i32 to index
          %swap3A_240 = tpu.vector_load %arg11[%swap3A_239] {strides = array<i32>} : memref<80000xf32, #tpu.memory_space<vmem>>, vector<16xf32>,
          tpu.vector_store %arg11[%swap3A_239], %max3A_236 {strides = array<i32>} : memref<80000xf32, #tpu.memory_space<vmem>>, vector<16xf32>,
          %get3A_241 = arith.constant 2 : i32
          %get3A_242 = arith.index_cast %get3A_241 : i32 to index
          %get3A_243 = arith.constant 96 : index
          %get3A_244 = tpu.vector_load %arg10[%get3A_242, %get3A_243] {strides = array<i32>} : memref<16x128xf32, #tpu.memory_space<vmem>>, vector<16xf32>,
          %add3A_245 = arith.constant 96 : i32
          %add3A_246 = arith.addi %mul3A_163, %add3A_245 : i32
          %get3A_247 = arith.index_cast %add3A_246 : i32 to index
          %get3A_248 = tpu.vector_load %arg11[%get3A_247] {strides = array<i32>} : memref<80000xf32, #tpu.memory_space<vmem>>, vector<16xf32>,
          %max3A_249 = arith.maximumf %get3A_248, %get3A_244 : vector<16xf32>
          %add3A_250 = arith.constant 96 : i32
          %add3A_251 = arith.addi %mul3A_163, %add3A_250 : i32
          %swap3A_252 = arith.index_cast %add3A_251 : i32 to index
          %swap3A_253 = tpu.vector_load %arg11[%swap3A_252] {strides = array<i32>} : memref<80000xf32, #tpu.memory_space<vmem>>, vector<16xf32>,
          tpu.vector_store %arg11[%swap3A_252], %max3A_249 {strides = array<i32>} : memref<80000xf32, #tpu.memory_space<vmem>>, vector<16xf32>,
          %get3A_254 = arith.constant 2 : i32
          %get3A_255 = arith.index_cast %get3A_254 : i32 to index
          %get3A_256 = arith.constant 112 : index
          %get3A_257 = tpu.vector_load %arg10[%get3A_255, %get3A_256] {strides = array<i32>} : memref<16x128xf32, #tpu.memory_space<vmem>>, vector<16xf32>,
          %add3A_258 = arith.constant 112 : i32
          %add3A_259 = arith.addi %mul3A_163, %add3A_258 : i32
          %get3A_260 = arith.index_cast %add3A_259 : i32 to index
          %get3A_261 = tpu.vector_load %arg11[%get3A_260] {strides = array<i32>} : memref<80000xf32, #tpu.memory_space<vmem>>, vector<16xf32>,
          %max3A_262 = arith.maximumf %get3A_261, %get3A_257 : vector<16xf32>
          %add3A_263 = arith.constant 112 : i32
          %add3A_264 = arith.addi %mul3A_163, %add3A_263 : i32
          %swap3A_265 = arith.index_cast %add3A_264 : i32 to index
          %swap3A_266 = tpu.vector_load %arg11[%swap3A_265] {strides = array<i32>} : memref<80000xf32, #tpu.memory_space<vmem>>, vector<16xf32>,
          tpu.vector_store %arg11[%swap3A_265], %max3A_262 {strides = array<i32>} : memref<80000xf32, #tpu.memory_space<vmem>>, vector<16xf32>,
        } else {
        }
        %gt3A_94 = arith.constant 3 : i32
        %gt3A_95 = arith.cmpi sgt, %sub3A_81, %gt3A_94 : i32
        %convert_element_type3A_96 = arith.extui %gt3A_95 : i1 to i32
        %cond3A_97 = arith.constant 0 : i32
        %cond3A_98 = arith.cmpi ne, %convert_element_type3A_96, %cond3A_97 : i32
        scf.if %cond3A_98 {
          %slice3A_160 = vector.extract_strided_slice %get3A_80 {offsets = [3], sizes = [1], strides = [1]} : vector<16xi32> to vector<1xi32>
          %squeeze3A_161 = vector.extract %slice3A_160[0] : i32 from vector<1xi32>
          %mul3A_162 = arith.constant 128 : i32
          %mul3A_163 = arith.muli %squeeze3A_161, %mul3A_162 : i32
          %get3A_164 = arith.constant 3 : i32
          %get3A_165 = arith.index_cast %get3A_164 : i32 to index
          %get3A_166 = arith.constant 0 : index
          %get3A_167 = tpu.vector_load %arg10[%get3A_165, %get3A_166] {strides = array<i32>} : memref<16x128xf32, #tpu.memory_space<vmem>>, vector<16xf32>,
          %add3A_168 = arith.constant 0 : i32
          %add3A_169 = arith.addi %mul3A_163, %add3A_168 : i32
          %get3A_170 = arith.index_cast %add3A_169 : i32 to index
          %get3A_171 = tpu.vector_load %arg11[%get3A_170] {strides = array<i32>} : memref<80000xf32, #tpu.memory_space<vmem>>, vector<16xf32>,
          %max3A_172 = arith.maximumf %get3A_171, %get3A_167 : vector<16xf32>
          %add3A_173 = arith.constant 0 : i32
          %add3A_174 = arith.addi %mul3A_163, %add3A_173 : i32
          %swap3A = arith.index_cast %add3A_174 : i32 to index
          %swap3A_175 = tpu.vector_load %arg11[%swap3A] {strides = array<i32>} : memref<80000xf32, #tpu.memory_space<vmem>>, vector<16xf32>,
          tpu.vector_store %arg11[%swap3A], %max3A_172 {strides = array<i32>} : memref<80000xf32, #tpu.memory_space<vmem>>, vector<16xf32>,
          %get3A_176 = arith.constant 3 : i32
          %get3A_177 = arith.index_cast %get3A_176 : i32 to index
          %get3A_178 = arith.constant 16 : index
          %get3A_179 = tpu.vector_load %arg10[%get3A_177, %get3A_178] {strides = array<i32>} : memref<16x128xf32, #tpu.memory_space<vmem>>, vector<16xf32>,
          %add3A_180 = arith.constant 16 : i32
          %add3A_181 = arith.addi %mul3A_163, %add3A_180 : i32
          %get3A_182 = arith.index_cast %add3A_181 : i32 to index
          %get3A_183 = tpu.vector_load %arg11[%get3A_182] {strides = array<i32>} : memref<80000xf32, #tpu.memory_space<vmem>>, vector<16xf32>,
          %max3A_184 = arith.maximumf %get3A_183, %get3A_179 : vector<16xf32>
          %add3A_185 = arith.constant 16 : i32
          %add3A_186 = arith.addi %mul3A_163, %add3A_185 : i32
          %swap3A_187 = arith.index_cast %add3A_186 : i32 to index
          %swap3A_188 = tpu.vector_load %arg11[%swap3A_187] {strides = array<i32>} : memref<80000xf32, #tpu.memory_space<vmem>>, vector<16xf32>,
          tpu.vector_store %arg11[%swap3A_187], %max3A_184 {strides = array<i32>} : memref<80000xf32, #tpu.memory_space<vmem>>, vector<16xf32>,
          %get3A_189 = arith.constant 3 : i32
          %get3A_190 = arith.index_cast %get3A_189 : i32 to index
          %get3A_191 = arith.constant 32 : index
          %get3A_192 = tpu.vector_load %arg10[%get3A_190, %get3A_191] {strides = array<i32>} : memref<16x128xf32, #tpu.memory_space<vmem>>, vector<16xf32>,
          %add3A_193 = arith.constant 32 : i32
          %add3A_194 = arith.addi %mul3A_163, %add3A_193 : i32
          %get3A_195 = arith.index_cast %add3A_194 : i32 to index
          %get3A_196 = tpu.vector_load %arg11[%get3A_195] {strides = array<i32>} : memref<80000xf32, #tpu.memory_space<vmem>>, vector<16xf32>,
          %max3A_197 = arith.maximumf %get3A_196, %get3A_192 : vector<16xf32>
          %add3A_198 = arith.constant 32 : i32
          %add3A_199 = arith.addi %mul3A_163, %add3A_198 : i32
          %swap3A_200 = arith.index_cast %add3A_199 : i32 to index
          %swap3A_201 = tpu.vector_load %arg11[%swap3A_200] {strides = array<i32>} : memref<80000xf32, #tpu.memory_space<vmem>>, vector<16xf32>,
          tpu.vector_store %arg11[%swap3A_200], %max3A_197 {strides = array<i32>} : memref<80000xf32, #tpu.memory_space<vmem>>, vector<16xf32>,
          %get3A_202 = arith.constant 3 : i32
          %get3A_203 = arith.index_cast %get3A_202 : i32 to index
          %get3A_204 = arith.constant 48 : index
          %get3A_205 = tpu.vector_load %arg10[%get3A_203, %get3A_204] {strides = array<i32>} : memref<16x128xf32, #tpu.memory_space<vmem>>, vector<16xf32>,
          %add3A_206 = arith.constant 48 : i32
          %add3A_207 = arith.addi %mul3A_163, %add3A_206 : i32
          %get3A_208 = arith.index_cast %add3A_207 : i32 to index
          %get3A_209 = tpu.vector_load %arg11[%get3A_208] {strides = array<i32>} : memref<80000xf32, #tpu.memory_space<vmem>>, vector<16xf32>,
          %max3A_210 = arith.maximumf %get3A_209, %get3A_205 : vector<16xf32>
          %add3A_211 = arith.constant 48 : i32
          %add3A_212 = arith.addi %mul3A_163, %add3A_211 : i32
          %swap3A_213 = arith.index_cast %add3A_212 : i32 to index
          %swap3A_214 = tpu.vector_load %arg11[%swap3A_213] {strides = array<i32>} : memref<80000xf32, #tpu.memory_space<vmem>>, vector<16xf32>,
          tpu.vector_store %arg11[%swap3A_213], %max3A_210 {strides = array<i32>} : memref<80000xf32, #tpu.memory_space<vmem>>, vector<16xf32>,
          %get3A_215 = arith.constant 3 : i32
          %get3A_216 = arith.index_cast %get3A_215 : i32 to index
          %get3A_217 = arith.constant 64 : index
          %get3A_218 = tpu.vector_load %arg10[%get3A_216, %get3A_217] {strides = array<i32>} : memref<16x128xf32, #tpu.memory_space<vmem>>, vector<16xf32>,
          %add3A_219 = arith.constant 64 : i32
          %add3A_220 = arith.addi %mul3A_163, %add3A_219 : i32
          %get3A_221 = arith.index_cast %add3A_220 : i32 to index
          %get3A_222 = tpu.vector_load %arg11[%get3A_221] {strides = array<i32>} : memref<80000xf32, #tpu.memory_space<vmem>>, vector<16xf32>,
          %max3A_223 = arith.maximumf %get3A_222, %get3A_218 : vector<16xf32>
          %add3A_224 = arith.constant 64 : i32
          %add3A_225 = arith.addi %mul3A_163, %add3A_224 : i32
          %swap3A_226 = arith.index_cast %add3A_225 : i32 to index
          %swap3A_227 = tpu.vector_load %arg11[%swap3A_226] {strides = array<i32>} : memref<80000xf32, #tpu.memory_space<vmem>>, vector<16xf32>,
          tpu.vector_store %arg11[%swap3A_226], %max3A_223 {strides = array<i32>} : memref<80000xf32, #tpu.memory_space<vmem>>, vector<16xf32>,
          %get3A_228 = arith.constant 3 : i32
          %get3A_229 = arith.index_cast %get3A_228 : i32 to index
          %get3A_230 = arith.constant 80 : index
          %get3A_231 = tpu.vector_load %arg10[%get3A_229, %get3A_230] {strides = array<i32>} : memref<16x128xf32, #tpu.memory_space<vmem>>, vector<16xf32>,
          %add3A_232 = arith.constant 80 : i32
          %add3A_233 = arith.addi %mul3A_163, %add3A_232 : i32
          %get3A_234 = arith.index_cast %add3A_233 : i32 to index
          %get3A_235 = tpu.vector_load %arg11[%get3A_234] {strides = array<i32>} : memref<80000xf32, #tpu.memory_space<vmem>>, vector<16xf32>,
          %max3A_236 = arith.maximumf %get3A_235, %get3A_231 : vector<16xf32>
          %add3A_237 = arith.constant 80 : i32
          %add3A_238 = arith.addi %mul3A_163, %add3A_237 : i32
          %swap3A_239 = arith.index_cast %add3A_238 : i32 to index
          %swap3A_240 = tpu.vector_load %arg11[%swap3A_239] {strides = array<i32>} : memref<80000xf32, #tpu.memory_space<vmem>>, vector<16xf32>,
          tpu.vector_store %arg11[%swap3A_239], %max3A_236 {strides = array<i32>} : memref<80000xf32, #tpu.memory_space<vmem>>, vector<16xf32>,
          %get3A_241 = arith.constant 3 : i32
          %get3A_242 = arith.index_cast %get3A_241 : i32 to index
          %get3A_243 = arith.constant 96 : index
          %get3A_244 = tpu.vector_load %arg10[%get3A_242, %get3A_243] {strides = array<i32>} : memref<16x128xf32, #tpu.memory_space<vmem>>, vector<16xf32>,
          %add3A_245 = arith.constant 96 : i32
          %add3A_246 = arith.addi %mul3A_163, %add3A_245 : i32
          %get3A_247 = arith.index_cast %add3A_246 : i32 to index
          %get3A_248 = tpu.vector_load %arg11[%get3A_247] {strides = array<i32>} : memref<80000xf32, #tpu.memory_space<vmem>>, vector<16xf32>,
          %max3A_249 = arith.maximumf %get3A_248, %get3A_244 : vector<16xf32>
          %add3A_250 = arith.constant 96 : i32
          %add3A_251 = arith.addi %mul3A_163, %add3A_250 : i32
          %swap3A_252 = arith.index_cast %add3A_251 : i32 to index
          %swap3A_253 = tpu.vector_load %arg11[%swap3A_252] {strides = array<i32>} : memref<80000xf32, #tpu.memory_space<vmem>>, vector<16xf32>,
          tpu.vector_store %arg11[%swap3A_252], %max3A_249 {strides = array<i32>} : memref<80000xf32, #tpu.memory_space<vmem>>, vector<16xf32>,
          %get3A_254 = arith.constant 3 : i32
          %get3A_255 = arith.index_cast %get3A_254 : i32 to index
          %get3A_256 = arith.constant 112 : index
          %get3A_257 = tpu.vector_load %arg10[%get3A_255, %get3A_256] {strides = array<i32>} : memref<16x128xf32, #tpu.memory_space<vmem>>, vector<16xf32>,
          %add3A_258 = arith.constant 112 : i32
          %add3A_259 = arith.addi %mul3A_163, %add3A_258 : i32
          %get3A_260 = arith.index_cast %add3A_259 : i32 to index
          %get3A_261 = tpu.vector_load %arg11[%get3A_260] {strides = array<i32>} : memref<80000xf32, #tpu.memory_space<vmem>>, vector<16xf32>,
          %max3A_262 = arith.maximumf %get3A_261, %get3A_257 : vector<16xf32>
          %add3A_263 = arith.constant 112 : i32
          %add3A_264 = arith.addi %mul3A_163, %add3A_263 : i32
          %swap3A_265 = arith.index_cast %add3A_264 : i32 to index
          %swap3A_266 = tpu.vector_load %arg11[%swap3A_265] {strides = array<i32>} : memref<80000xf32, #tpu.memory_space<vmem>>, vector<16xf32>,
          tpu.vector_store %arg11[%swap3A_265], %max3A_262 {strides = array<i32>} : memref<80000xf32, #tpu.memory_space<vmem>>, vector<16xf32>,
        } else {
        }
        %gt3A_99 = arith.constant 4 : i32
        %gt3A_100 = arith.cmpi sgt, %sub3A_81, %gt3A_99 : i32
        %convert_element_type3A_101 = arith.extui %gt3A_100 : i1 to i32
        %cond3A_102 = arith.constant 0 : i32
        %cond3A_103 = arith.cmpi ne, %convert_element_type3A_101, %cond3A_102 : i32
        scf.if %cond3A_103 {
          %slice3A_160 = vector.extract_strided_slice %get3A_80 {offsets = [4], sizes = [1], strides = [1]} : vector<16xi32> to vector<1xi32>
          %squeeze3A_161 = vector.extract %slice3A_160[0] : i32 from vector<1xi32>
          %mul3A_162 = arith.constant 128 : i32
          %mul3A_163 = arith.muli %squeeze3A_161, %mul3A_162 : i32
          %get3A_164 = arith.constant 4 : i32
          %get3A_165 = arith.index_cast %get3A_164 : i32 to index
          %get3A_166 = arith.constant 0 : index
          %get3A_167 = tpu.vector_load %arg10[%get3A_165, %get3A_166] {strides = array<i32>} : memref<16x128xf32, #tpu.memory_space<vmem>>, vector<16xf32>,
          %add3A_168 = arith.constant 0 : i32
          %add3A_169 = arith.addi %mul3A_163, %add3A_168 : i32
          %get3A_170 = arith.index_cast %add3A_169 : i32 to index
          %get3A_171 = tpu.vector_load %arg11[%get3A_170] {strides = array<i32>} : memref<80000xf32, #tpu.memory_space<vmem>>, vector<16xf32>,
          %max3A_172 = arith.maximumf %get3A_171, %get3A_167 : vector<16xf32>
          %add3A_173 = arith.constant 0 : i32
          %add3A_174 = arith.addi %mul3A_163, %add3A_173 : i32
          %swap3A = arith.index_cast %add3A_174 : i32 to index
          %swap3A_175 = tpu.vector_load %arg11[%swap3A] {strides = array<i32>} : memref<80000xf32, #tpu.memory_space<vmem>>, vector<16xf32>,
          tpu.vector_store %arg11[%swap3A], %max3A_172 {strides = array<i32>} : memref<80000xf32, #tpu.memory_space<vmem>>, vector<16xf32>,
          %get3A_176 = arith.constant 4 : i32
          %get3A_177 = arith.index_cast %get3A_176 : i32 to index
          %get3A_178 = arith.constant 16 : index
          %get3A_179 = tpu.vector_load %arg10[%get3A_177, %get3A_178] {strides = array<i32>} : memref<16x128xf32, #tpu.memory_space<vmem>>, vector<16xf32>,
          %add3A_180 = arith.constant 16 : i32
          %add3A_181 = arith.addi %mul3A_163, %add3A_180 : i32
          %get3A_182 = arith.index_cast %add3A_181 : i32 to index
          %get3A_183 = tpu.vector_load %arg11[%get3A_182] {strides = array<i32>} : memref<80000xf32, #tpu.memory_space<vmem>>, vector<16xf32>,
          %max3A_184 = arith.maximumf %get3A_183, %get3A_179 : vector<16xf32>
          %add3A_185 = arith.constant 16 : i32
          %add3A_186 = arith.addi %mul3A_163, %add3A_185 : i32
          %swap3A_187 = arith.index_cast %add3A_186 : i32 to index
          %swap3A_188 = tpu.vector_load %arg11[%swap3A_187] {strides = array<i32>} : memref<80000xf32, #tpu.memory_space<vmem>>, vector<16xf32>,
          tpu.vector_store %arg11[%swap3A_187], %max3A_184 {strides = array<i32>} : memref<80000xf32, #tpu.memory_space<vmem>>, vector<16xf32>,
          %get3A_189 = arith.constant 4 : i32
          %get3A_190 = arith.index_cast %get3A_189 : i32 to index
          %get3A_191 = arith.constant 32 : index
          %get3A_192 = tpu.vector_load %arg10[%get3A_190, %get3A_191] {strides = array<i32>} : memref<16x128xf32, #tpu.memory_space<vmem>>, vector<16xf32>,
          %add3A_193 = arith.constant 32 : i32
          %add3A_194 = arith.addi %mul3A_163, %add3A_193 : i32
          %get3A_195 = arith.index_cast %add3A_194 : i32 to index
          %get3A_196 = tpu.vector_load %arg11[%get3A_195] {strides = array<i32>} : memref<80000xf32, #tpu.memory_space<vmem>>, vector<16xf32>,
          %max3A_197 = arith.maximumf %get3A_196, %get3A_192 : vector<16xf32>
          %add3A_198 = arith.constant 32 : i32
          %add3A_199 = arith.addi %mul3A_163, %add3A_198 : i32
          %swap3A_200 = arith.index_cast %add3A_199 : i32 to index
          %swap3A_201 = tpu.vector_load %arg11[%swap3A_200] {strides = array<i32>} : memref<80000xf32, #tpu.memory_space<vmem>>, vector<16xf32>,
          tpu.vector_store %arg11[%swap3A_200], %max3A_197 {strides = array<i32>} : memref<80000xf32, #tpu.memory_space<vmem>>, vector<16xf32>,
          %get3A_202 = arith.constant 4 : i32
          %get3A_203 = arith.index_cast %get3A_202 : i32 to index
          %get3A_204 = arith.constant 48 : index
          %get3A_205 = tpu.vector_load %arg10[%get3A_203, %get3A_204] {strides = array<i32>} : memref<16x128xf32, #tpu.memory_space<vmem>>, vector<16xf32>,
          %add3A_206 = arith.constant 48 : i32
          %add3A_207 = arith.addi %mul3A_163, %add3A_206 : i32
          %get3A_208 = arith.index_cast %add3A_207 : i32 to index
          %get3A_209 = tpu.vector_load %arg11[%get3A_208] {strides = array<i32>} : memref<80000xf32, #tpu.memory_space<vmem>>, vector<16xf32>,
          %max3A_210 = arith.maximumf %get3A_209, %get3A_205 : vector<16xf32>
          %add3A_211 = arith.constant 48 : i32
          %add3A_212 = arith.addi %mul3A_163, %add3A_211 : i32
          %swap3A_213 = arith.index_cast %add3A_212 : i32 to index
          %swap3A_214 = tpu.vector_load %arg11[%swap3A_213] {strides = array<i32>} : memref<80000xf32, #tpu.memory_space<vmem>>, vector<16xf32>,
          tpu.vector_store %arg11[%swap3A_213], %max3A_210 {strides = array<i32>} : memref<80000xf32, #tpu.memory_space<vmem>>, vector<16xf32>,
          %get3A_215 = arith.constant 4 : i32
          %get3A_216 = arith.index_cast %get3A_215 : i32 to index
          %get3A_217 = arith.constant 64 : index
          %get3A_218 = tpu.vector_load %arg10[%get3A_216, %get3A_217] {strides = array<i32>} : memref<16x128xf32, #tpu.memory_space<vmem>>, vector<16xf32>,
          %add3A_219 = arith.constant 64 : i32
          %add3A_220 = arith.addi %mul3A_163, %add3A_219 : i32
          %get3A_221 = arith.index_cast %add3A_220 : i32 to index
          %get3A_222 = tpu.vector_load %arg11[%get3A_221] {strides = array<i32>} : memref<80000xf32, #tpu.memory_space<vmem>>, vector<16xf32>,
          %max3A_223 = arith.maximumf %get3A_222, %get3A_218 : vector<16xf32>
          %add3A_224 = arith.constant 64 : i32
          %add3A_225 = arith.addi %mul3A_163, %add3A_224 : i32
          %swap3A_226 = arith.index_cast %add3A_225 : i32 to index
          %swap3A_227 = tpu.vector_load %arg11[%swap3A_226] {strides = array<i32>} : memref<80000xf32, #tpu.memory_space<vmem>>, vector<16xf32>,
          tpu.vector_store %arg11[%swap3A_226], %max3A_223 {strides = array<i32>} : memref<80000xf32, #tpu.memory_space<vmem>>, vector<16xf32>,
          %get3A_228 = arith.constant 4 : i32
          %get3A_229 = arith.index_cast %get3A_228 : i32 to index
          %get3A_230 = arith.constant 80 : index
          %get3A_231 = tpu.vector_load %arg10[%get3A_229, %get3A_230] {strides = array<i32>} : memref<16x128xf32, #tpu.memory_space<vmem>>, vector<16xf32>,
          %add3A_232 = arith.constant 80 : i32
          %add3A_233 = arith.addi %mul3A_163, %add3A_232 : i32
          %get3A_234 = arith.index_cast %add3A_233 : i32 to index
          %get3A_235 = tpu.vector_load %arg11[%get3A_234] {strides = array<i32>} : memref<80000xf32, #tpu.memory_space<vmem>>, vector<16xf32>,
          %max3A_236 = arith.maximumf %get3A_235, %get3A_231 : vector<16xf32>
          %add3A_237 = arith.constant 80 : i32
          %add3A_238 = arith.addi %mul3A_163, %add3A_237 : i32
          %swap3A_239 = arith.index_cast %add3A_238 : i32 to index
          %swap3A_240 = tpu.vector_load %arg11[%swap3A_239] {strides = array<i32>} : memref<80000xf32, #tpu.memory_space<vmem>>, vector<16xf32>,
          tpu.vector_store %arg11[%swap3A_239], %max3A_236 {strides = array<i32>} : memref<80000xf32, #tpu.memory_space<vmem>>, vector<16xf32>,
          %get3A_241 = arith.constant 4 : i32
          %get3A_242 = arith.index_cast %get3A_241 : i32 to index
          %get3A_243 = arith.constant 96 : index
          %get3A_244 = tpu.vector_load %arg10[%get3A_242, %get3A_243] {strides = array<i32>} : memref<16x128xf32, #tpu.memory_space<vmem>>, vector<16xf32>,
          %add3A_245 = arith.constant 96 : i32
          %add3A_246 = arith.addi %mul3A_163, %add3A_245 : i32
          %get3A_247 = arith.index_cast %add3A_246 : i32 to index
          %get3A_248 = tpu.vector_load %arg11[%get3A_247] {strides = array<i32>} : memref<80000xf32, #tpu.memory_space<vmem>>, vector<16xf32>,
          %max3A_249 = arith.maximumf %get3A_248, %get3A_244 : vector<16xf32>
          %add3A_250 = arith.constant 96 : i32
          %add3A_251 = arith.addi %mul3A_163, %add3A_250 : i32
          %swap3A_252 = arith.index_cast %add3A_251 : i32 to index
          %swap3A_253 = tpu.vector_load %arg11[%swap3A_252] {strides = array<i32>} : memref<80000xf32, #tpu.memory_space<vmem>>, vector<16xf32>,
          tpu.vector_store %arg11[%swap3A_252], %max3A_249 {strides = array<i32>} : memref<80000xf32, #tpu.memory_space<vmem>>, vector<16xf32>,
          %get3A_254 = arith.constant 4 : i32
          %get3A_255 = arith.index_cast %get3A_254 : i32 to index
          %get3A_256 = arith.constant 112 : index
          %get3A_257 = tpu.vector_load %arg10[%get3A_255, %get3A_256] {strides = array<i32>} : memref<16x128xf32, #tpu.memory_space<vmem>>, vector<16xf32>,
          %add3A_258 = arith.constant 112 : i32
          %add3A_259 = arith.addi %mul3A_163, %add3A_258 : i32
          %get3A_260 = arith.index_cast %add3A_259 : i32 to index
          %get3A_261 = tpu.vector_load %arg11[%get3A_260] {strides = array<i32>} : memref<80000xf32, #tpu.memory_space<vmem>>, vector<16xf32>,
          %max3A_262 = arith.maximumf %get3A_261, %get3A_257 : vector<16xf32>
          %add3A_263 = arith.constant 112 : i32
          %add3A_264 = arith.addi %mul3A_163, %add3A_263 : i32
          %swap3A_265 = arith.index_cast %add3A_264 : i32 to index
          %swap3A_266 = tpu.vector_load %arg11[%swap3A_265] {strides = array<i32>} : memref<80000xf32, #tpu.memory_space<vmem>>, vector<16xf32>,
          tpu.vector_store %arg11[%swap3A_265], %max3A_262 {strides = array<i32>} : memref<80000xf32, #tpu.memory_space<vmem>>, vector<16xf32>,
        } else {
        }
        %gt3A_104 = arith.constant 5 : i32
        %gt3A_105 = arith.cmpi sgt, %sub3A_81, %gt3A_104 : i32
        %convert_element_type3A_106 = arith.extui %gt3A_105 : i1 to i32
        %cond3A_107 = arith.constant 0 : i32
        %cond3A_108 = arith.cmpi ne, %convert_element_type3A_106, %cond3A_107 : i32
        scf.if %cond3A_108 {
          %slice3A_160 = vector.extract_strided_slice %get3A_80 {offsets = [5], sizes = [1], strides = [1]} : vector<16xi32> to vector<1xi32>
          %squeeze3A_161 = vector.extract %slice3A_160[0] : i32 from vector<1xi32>
          %mul3A_162 = arith.constant 128 : i32
          %mul3A_163 = arith.muli %squeeze3A_161, %mul3A_162 : i32
          %get3A_164 = arith.constant 5 : i32
          %get3A_165 = arith.index_cast %get3A_164 : i32 to index
          %get3A_166 = arith.constant 0 : index
          %get3A_167 = tpu.vector_load %arg10[%get3A_165, %get3A_166] {strides = array<i32>} : memref<16x128xf32, #tpu.memory_space<vmem>>, vector<16xf32>,
          %add3A_168 = arith.constant 0 : i32
          %add3A_169 = arith.addi %mul3A_163, %add3A_168 : i32
          %get3A_170 = arith.index_cast %add3A_169 : i32 to index
          %get3A_171 = tpu.vector_load %arg11[%get3A_170] {strides = array<i32>} : memref<80000xf32, #tpu.memory_space<vmem>>, vector<16xf32>,
          %max3A_172 = arith.maximumf %get3A_171, %get3A_167 : vector<16xf32>
          %add3A_173 = arith.constant 0 : i32
          %add3A_174 = arith.addi %mul3A_163, %add3A_173 : i32
          %swap3A = arith.index_cast %add3A_174 : i32 to index
          %swap3A_175 = tpu.vector_load %arg11[%swap3A] {strides = array<i32>} : memref<80000xf32, #tpu.memory_space<vmem>>, vector<16xf32>,
          tpu.vector_store %arg11[%swap3A], %max3A_172 {strides = array<i32>} : memref<80000xf32, #tpu.memory_space<vmem>>, vector<16xf32>,
          %get3A_176 = arith.constant 5 : i32
          %get3A_177 = arith.index_cast %get3A_176 : i32 to index
          %get3A_178 = arith.constant 16 : index
          %get3A_179 = tpu.vector_load %arg10[%get3A_177, %get3A_178] {strides = array<i32>} : memref<16x128xf32, #tpu.memory_space<vmem>>, vector<16xf32>,
          %add3A_180 = arith.constant 16 : i32
          %add3A_181 = arith.addi %mul3A_163, %add3A_180 : i32
          %get3A_182 = arith.index_cast %add3A_181 : i32 to index
          %get3A_183 = tpu.vector_load %arg11[%get3A_182] {strides = array<i32>} : memref<80000xf32, #tpu.memory_space<vmem>>, vector<16xf32>,
          %max3A_184 = arith.maximumf %get3A_183, %get3A_179 : vector<16xf32>
          %add3A_185 = arith.constant 16 : i32
          %add3A_186 = arith.addi %mul3A_163, %add3A_185 : i32
          %swap3A_187 = arith.index_cast %add3A_186 : i32 to index
          %swap3A_188 = tpu.vector_load %arg11[%swap3A_187] {strides = array<i32>} : memref<80000xf32, #tpu.memory_space<vmem>>, vector<16xf32>,
          tpu.vector_store %arg11[%swap3A_187], %max3A_184 {strides = array<i32>} : memref<80000xf32, #tpu.memory_space<vmem>>, vector<16xf32>,
          %get3A_189 = arith.constant 5 : i32
          %get3A_190 = arith.index_cast %get3A_189 : i32 to index
          %get3A_191 = arith.constant 32 : index
          %get3A_192 = tpu.vector_load %arg10[%get3A_190, %get3A_191] {strides = array<i32>} : memref<16x128xf32, #tpu.memory_space<vmem>>, vector<16xf32>,
          %add3A_193 = arith.constant 32 : i32
          %add3A_194 = arith.addi %mul3A_163, %add3A_193 : i32
          %get3A_195 = arith.index_cast %add3A_194 : i32 to index
          %get3A_196 = tpu.vector_load %arg11[%get3A_195] {strides = array<i32>} : memref<80000xf32, #tpu.memory_space<vmem>>, vector<16xf32>,
          %max3A_197 = arith.maximumf %get3A_196, %get3A_192 : vector<16xf32>
          %add3A_198 = arith.constant 32 : i32
          %add3A_199 = arith.addi %mul3A_163, %add3A_198 : i32
          %swap3A_200 = arith.index_cast %add3A_199 : i32 to index
          %swap3A_201 = tpu.vector_load %arg11[%swap3A_200] {strides = array<i32>} : memref<80000xf32, #tpu.memory_space<vmem>>, vector<16xf32>,
          tpu.vector_store %arg11[%swap3A_200], %max3A_197 {strides = array<i32>} : memref<80000xf32, #tpu.memory_space<vmem>>, vector<16xf32>,
          %get3A_202 = arith.constant 5 : i32
          %get3A_203 = arith.index_cast %get3A_202 : i32 to index
          %get3A_204 = arith.constant 48 : index
          %get3A_205 = tpu.vector_load %arg10[%get3A_203, %get3A_204] {strides = array<i32>} : memref<16x128xf32, #tpu.memory_space<vmem>>, vector<16xf32>,
          %add3A_206 = arith.constant 48 : i32
          %add3A_207 = arith.addi %mul3A_163, %add3A_206 : i32
          %get3A_208 = arith.index_cast %add3A_207 : i32 to index
          %get3A_209 = tpu.vector_load %arg11[%get3A_208] {strides = array<i32>} : memref<80000xf32, #tpu.memory_space<vmem>>, vector<16xf32>,
          %max3A_210 = arith.maximumf %get3A_209, %get3A_205 : vector<16xf32>
          %add3A_211 = arith.constant 48 : i32
          %add3A_212 = arith.addi %mul3A_163, %add3A_211 : i32
          %swap3A_213 = arith.index_cast %add3A_212 : i32 to index
          %swap3A_214 = tpu.vector_load %arg11[%swap3A_213] {strides = array<i32>} : memref<80000xf32, #tpu.memory_space<vmem>>, vector<16xf32>,
          tpu.vector_store %arg11[%swap3A_213], %max3A_210 {strides = array<i32>} : memref<80000xf32, #tpu.memory_space<vmem>>, vector<16xf32>,
          %get3A_215 = arith.constant 5 : i32
          %get3A_216 = arith.index_cast %get3A_215 : i32 to index
          %get3A_217 = arith.constant 64 : index
          %get3A_218 = tpu.vector_load %arg10[%get3A_216, %get3A_217] {strides = array<i32>} : memref<16x128xf32, #tpu.memory_space<vmem>>, vector<16xf32>,
          %add3A_219 = arith.constant 64 : i32
          %add3A_220 = arith.addi %mul3A_163, %add3A_219 : i32
          %get3A_221 = arith.index_cast %add3A_220 : i32 to index
          %get3A_222 = tpu.vector_load %arg11[%get3A_221] {strides = array<i32>} : memref<80000xf32, #tpu.memory_space<vmem>>, vector<16xf32>,
          %max3A_223 = arith.maximumf %get3A_222, %get3A_218 : vector<16xf32>
          %add3A_224 = arith.constant 64 : i32
          %add3A_225 = arith.addi %mul3A_163, %add3A_224 : i32
          %swap3A_226 = arith.index_cast %add3A_225 : i32 to index
          %swap3A_227 = tpu.vector_load %arg11[%swap3A_226] {strides = array<i32>} : memref<80000xf32, #tpu.memory_space<vmem>>, vector<16xf32>,
          tpu.vector_store %arg11[%swap3A_226], %max3A_223 {strides = array<i32>} : memref<80000xf32, #tpu.memory_space<vmem>>, vector<16xf32>,
          %get3A_228 = arith.constant 5 : i32
          %get3A_229 = arith.index_cast %get3A_228 : i32 to index
          %get3A_230 = arith.constant 80 : index
          %get3A_231 = tpu.vector_load %arg10[%get3A_229, %get3A_230] {strides = array<i32>} : memref<16x128xf32, #tpu.memory_space<vmem>>, vector<16xf32>,
          %add3A_232 = arith.constant 80 : i32
          %add3A_233 = arith.addi %mul3A_163, %add3A_232 : i32
          %get3A_234 = arith.index_cast %add3A_233 : i32 to index
          %get3A_235 = tpu.vector_load %arg11[%get3A_234] {strides = array<i32>} : memref<80000xf32, #tpu.memory_space<vmem>>, vector<16xf32>,
          %max3A_236 = arith.maximumf %get3A_235, %get3A_231 : vector<16xf32>
          %add3A_237 = arith.constant 80 : i32
          %add3A_238 = arith.addi %mul3A_163, %add3A_237 : i32
          %swap3A_239 = arith.index_cast %add3A_238 : i32 to index
          %swap3A_240 = tpu.vector_load %arg11[%swap3A_239] {strides = array<i32>} : memref<80000xf32, #tpu.memory_space<vmem>>, vector<16xf32>,
          tpu.vector_store %arg11[%swap3A_239], %max3A_236 {strides = array<i32>} : memref<80000xf32, #tpu.memory_space<vmem>>, vector<16xf32>,
          %get3A_241 = arith.constant 5 : i32
          %get3A_242 = arith.index_cast %get3A_241 : i32 to index
          %get3A_243 = arith.constant 96 : index
          %get3A_244 = tpu.vector_load %arg10[%get3A_242, %get3A_243] {strides = array<i32>} : memref<16x128xf32, #tpu.memory_space<vmem>>, vector<16xf32>,
          %add3A_245 = arith.constant 96 : i32
          %add3A_246 = arith.addi %mul3A_163, %add3A_245 : i32
          %get3A_247 = arith.index_cast %add3A_246 : i32 to index
          %get3A_248 = tpu.vector_load %arg11[%get3A_247] {strides = array<i32>} : memref<80000xf32, #tpu.memory_space<vmem>>, vector<16xf32>,
          %max3A_249 = arith.maximumf %get3A_248, %get3A_244 : vector<16xf32>
          %add3A_250 = arith.constant 96 : i32
          %add3A_251 = arith.addi %mul3A_163, %add3A_250 : i32
          %swap3A_252 = arith.index_cast %add3A_251 : i32 to index
          %swap3A_253 = tpu.vector_load %arg11[%swap3A_252] {strides = array<i32>} : memref<80000xf32, #tpu.memory_space<vmem>>, vector<16xf32>,
          tpu.vector_store %arg11[%swap3A_252], %max3A_249 {strides = array<i32>} : memref<80000xf32, #tpu.memory_space<vmem>>, vector<16xf32>,
          %get3A_254 = arith.constant 5 : i32
          %get3A_255 = arith.index_cast %get3A_254 : i32 to index
          %get3A_256 = arith.constant 112 : index
          %get3A_257 = tpu.vector_load %arg10[%get3A_255, %get3A_256] {strides = array<i32>} : memref<16x128xf32, #tpu.memory_space<vmem>>, vector<16xf32>,
          %add3A_258 = arith.constant 112 : i32
          %add3A_259 = arith.addi %mul3A_163, %add3A_258 : i32
          %get3A_260 = arith.index_cast %add3A_259 : i32 to index
          %get3A_261 = tpu.vector_load %arg11[%get3A_260] {strides = array<i32>} : memref<80000xf32, #tpu.memory_space<vmem>>, vector<16xf32>,
          %max3A_262 = arith.maximumf %get3A_261, %get3A_257 : vector<16xf32>
          %add3A_263 = arith.constant 112 : i32
          %add3A_264 = arith.addi %mul3A_163, %add3A_263 : i32
          %swap3A_265 = arith.index_cast %add3A_264 : i32 to index
          %swap3A_266 = tpu.vector_load %arg11[%swap3A_265] {strides = array<i32>} : memref<80000xf32, #tpu.memory_space<vmem>>, vector<16xf32>,
          tpu.vector_store %arg11[%swap3A_265], %max3A_262 {strides = array<i32>} : memref<80000xf32, #tpu.memory_space<vmem>>, vector<16xf32>,
        } else {
        }
        %gt3A_109 = arith.constant 6 : i32
        %gt3A_110 = arith.cmpi sgt, %sub3A_81, %gt3A_109 : i32
        %convert_element_type3A_111 = arith.extui %gt3A_110 : i1 to i32
        %cond3A_112 = arith.constant 0 : i32
        %cond3A_113 = arith.cmpi ne, %convert_element_type3A_111, %cond3A_112 : i32
        scf.if %cond3A_113 {
          %slice3A_160 = vector.extract_strided_slice %get3A_80 {offsets = [6], sizes = [1], strides = [1]} : vector<16xi32> to vector<1xi32>
          %squeeze3A_161 = vector.extract %slice3A_160[0] : i32 from vector<1xi32>
          %mul3A_162 = arith.constant 128 : i32
          %mul3A_163 = arith.muli %squeeze3A_161, %mul3A_162 : i32
          %get3A_164 = arith.constant 6 : i32
          %get3A_165 = arith.index_cast %get3A_164 : i32 to index
          %get3A_166 = arith.constant 0 : index
          %get3A_167 = tpu.vector_load %arg10[%get3A_165, %get3A_166] {strides = array<i32>} : memref<16x128xf32, #tpu.memory_space<vmem>>, vector<16xf32>,
          %add3A_168 = arith.constant 0 : i32
          %add3A_169 = arith.addi %mul3A_163, %add3A_168 : i32
          %get3A_170 = arith.index_cast %add3A_169 : i32 to index
          %get3A_171 = tpu.vector_load %arg11[%get3A_170] {strides = array<i32>} : memref<80000xf32, #tpu.memory_space<vmem>>, vector<16xf32>,
          %max3A_172 = arith.maximumf %get3A_171, %get3A_167 : vector<16xf32>
          %add3A_173 = arith.constant 0 : i32
          %add3A_174 = arith.addi %mul3A_163, %add3A_173 : i32
          %swap3A = arith.index_cast %add3A_174 : i32 to index
          %swap3A_175 = tpu.vector_load %arg11[%swap3A] {strides = array<i32>} : memref<80000xf32, #tpu.memory_space<vmem>>, vector<16xf32>,
          tpu.vector_store %arg11[%swap3A], %max3A_172 {strides = array<i32>} : memref<80000xf32, #tpu.memory_space<vmem>>, vector<16xf32>,
          %get3A_176 = arith.constant 6 : i32
          %get3A_177 = arith.index_cast %get3A_176 : i32 to index
          %get3A_178 = arith.constant 16 : index
          %get3A_179 = tpu.vector_load %arg10[%get3A_177, %get3A_178] {strides = array<i32>} : memref<16x128xf32, #tpu.memory_space<vmem>>, vector<16xf32>,
          %add3A_180 = arith.constant 16 : i32
          %add3A_181 = arith.addi %mul3A_163, %add3A_180 : i32
          %get3A_182 = arith.index_cast %add3A_181 : i32 to index
          %get3A_183 = tpu.vector_load %arg11[%get3A_182] {strides = array<i32>} : memref<80000xf32, #tpu.memory_space<vmem>>, vector<16xf32>,
          %max3A_184 = arith.maximumf %get3A_183, %get3A_179 : vector<16xf32>
          %add3A_185 = arith.constant 16 : i32
          %add3A_186 = arith.addi %mul3A_163, %add3A_185 : i32
          %swap3A_187 = arith.index_cast %add3A_186 : i32 to index
          %swap3A_188 = tpu.vector_load %arg11[%swap3A_187] {strides = array<i32>} : memref<80000xf32, #tpu.memory_space<vmem>>, vector<16xf32>,
          tpu.vector_store %arg11[%swap3A_187], %max3A_184 {strides = array<i32>} : memref<80000xf32, #tpu.memory_space<vmem>>, vector<16xf32>,
          %get3A_189 = arith.constant 6 : i32
          %get3A_190 = arith.index_cast %get3A_189 : i32 to index
          %get3A_191 = arith.constant 32 : index
          %get3A_192 = tpu.vector_load %arg10[%get3A_190, %get3A_191] {strides = array<i32>} : memref<16x128xf32, #tpu.memory_space<vmem>>, vector<16xf32>,
          %add3A_193 = arith.constant 32 : i32
          %add3A_194 = arith.addi %mul3A_163, %add3A_193 : i32
          %get3A_195 = arith.index_cast %add3A_194 : i32 to index
          %get3A_196 = tpu.vector_load %arg11[%get3A_195] {strides = array<i32>} : memref<80000xf32, #tpu.memory_space<vmem>>, vector<16xf32>,
          %max3A_197 = arith.maximumf %get3A_196, %get3A_192 : vector<16xf32>
          %add3A_198 = arith.constant 32 : i32
          %add3A_199 = arith.addi %mul3A_163, %add3A_198 : i32
          %swap3A_200 = arith.index_cast %add3A_199 : i32 to index
          %swap3A_201 = tpu.vector_load %arg11[%swap3A_200] {strides = array<i32>} : memref<80000xf32, #tpu.memory_space<vmem>>, vector<16xf32>,
          tpu.vector_store %arg11[%swap3A_200], %max3A_197 {strides = array<i32>} : memref<80000xf32, #tpu.memory_space<vmem>>, vector<16xf32>,
          %get3A_202 = arith.constant 6 : i32
          %get3A_203 = arith.index_cast %get3A_202 : i32 to index
          %get3A_204 = arith.constant 48 : index
          %get3A_205 = tpu.vector_load %arg10[%get3A_203, %get3A_204] {strides = array<i32>} : memref<16x128xf32, #tpu.memory_space<vmem>>, vector<16xf32>,
          %add3A_206 = arith.constant 48 : i32
          %add3A_207 = arith.addi %mul3A_163, %add3A_206 : i32
          %get3A_208 = arith.index_cast %add3A_207 : i32 to index
          %get3A_209 = tpu.vector_load %arg11[%get3A_208] {strides = array<i32>} : memref<80000xf32, #tpu.memory_space<vmem>>, vector<16xf32>,
          %max3A_210 = arith.maximumf %get3A_209, %get3A_205 : vector<16xf32>
          %add3A_211 = arith.constant 48 : i32
          %add3A_212 = arith.addi %mul3A_163, %add3A_211 : i32
          %swap3A_213 = arith.index_cast %add3A_212 : i32 to index
          %swap3A_214 = tpu.vector_load %arg11[%swap3A_213] {strides = array<i32>} : memref<80000xf32, #tpu.memory_space<vmem>>, vector<16xf32>,
          tpu.vector_store %arg11[%swap3A_213], %max3A_210 {strides = array<i32>} : memref<80000xf32, #tpu.memory_space<vmem>>, vector<16xf32>,
          %get3A_215 = arith.constant 6 : i32
          %get3A_216 = arith.index_cast %get3A_215 : i32 to index
          %get3A_217 = arith.constant 64 : index
          %get3A_218 = tpu.vector_load %arg10[%get3A_216, %get3A_217] {strides = array<i32>} : memref<16x128xf32, #tpu.memory_space<vmem>>, vector<16xf32>,
          %add3A_219 = arith.constant 64 : i32
          %add3A_220 = arith.addi %mul3A_163, %add3A_219 : i32
          %get3A_221 = arith.index_cast %add3A_220 : i32 to index
          %get3A_222 = tpu.vector_load %arg11[%get3A_221] {strides = array<i32>} : memref<80000xf32, #tpu.memory_space<vmem>>, vector<16xf32>,
          %max3A_223 = arith.maximumf %get3A_222, %get3A_218 : vector<16xf32>
          %add3A_224 = arith.constant 64 : i32
          %add3A_225 = arith.addi %mul3A_163, %add3A_224 : i32
          %swap3A_226 = arith.index_cast %add3A_225 : i32 to index
          %swap3A_227 = tpu.vector_load %arg11[%swap3A_226] {strides = array<i32>} : memref<80000xf32, #tpu.memory_space<vmem>>, vector<16xf32>,
          tpu.vector_store %arg11[%swap3A_226], %max3A_223 {strides = array<i32>} : memref<80000xf32, #tpu.memory_space<vmem>>, vector<16xf32>,
          %get3A_228 = arith.constant 6 : i32
          %get3A_229 = arith.index_cast %get3A_228 : i32 to index
          %get3A_230 = arith.constant 80 : index
          %get3A_231 = tpu.vector_load %arg10[%get3A_229, %get3A_230] {strides = array<i32>} : memref<16x128xf32, #tpu.memory_space<vmem>>, vector<16xf32>,
          %add3A_232 = arith.constant 80 : i32
          %add3A_233 = arith.addi %mul3A_163, %add3A_232 : i32
          %get3A_234 = arith.index_cast %add3A_233 : i32 to index
          %get3A_235 = tpu.vector_load %arg11[%get3A_234] {strides = array<i32>} : memref<80000xf32, #tpu.memory_space<vmem>>, vector<16xf32>,
          %max3A_236 = arith.maximumf %get3A_235, %get3A_231 : vector<16xf32>
          %add3A_237 = arith.constant 80 : i32
          %add3A_238 = arith.addi %mul3A_163, %add3A_237 : i32
          %swap3A_239 = arith.index_cast %add3A_238 : i32 to index
          %swap3A_240 = tpu.vector_load %arg11[%swap3A_239] {strides = array<i32>} : memref<80000xf32, #tpu.memory_space<vmem>>, vector<16xf32>,
          tpu.vector_store %arg11[%swap3A_239], %max3A_236 {strides = array<i32>} : memref<80000xf32, #tpu.memory_space<vmem>>, vector<16xf32>,
          %get3A_241 = arith.constant 6 : i32
          %get3A_242 = arith.index_cast %get3A_241 : i32 to index
          %get3A_243 = arith.constant 96 : index
          %get3A_244 = tpu.vector_load %arg10[%get3A_242, %get3A_243] {strides = array<i32>} : memref<16x128xf32, #tpu.memory_space<vmem>>, vector<16xf32>,
          %add3A_245 = arith.constant 96 : i32
          %add3A_246 = arith.addi %mul3A_163, %add3A_245 : i32
          %get3A_247 = arith.index_cast %add3A_246 : i32 to index
          %get3A_248 = tpu.vector_load %arg11[%get3A_247] {strides = array<i32>} : memref<80000xf32, #tpu.memory_space<vmem>>, vector<16xf32>,
          %max3A_249 = arith.maximumf %get3A_248, %get3A_244 : vector<16xf32>
          %add3A_250 = arith.constant 96 : i32
          %add3A_251 = arith.addi %mul3A_163, %add3A_250 : i32
          %swap3A_252 = arith.index_cast %add3A_251 : i32 to index
          %swap3A_253 = tpu.vector_load %arg11[%swap3A_252] {strides = array<i32>} : memref<80000xf32, #tpu.memory_space<vmem>>, vector<16xf32>,
          tpu.vector_store %arg11[%swap3A_252], %max3A_249 {strides = array<i32>} : memref<80000xf32, #tpu.memory_space<vmem>>, vector<16xf32>,
          %get3A_254 = arith.constant 6 : i32
          %get3A_255 = arith.index_cast %get3A_254 : i32 to index
          %get3A_256 = arith.constant 112 : index
          %get3A_257 = tpu.vector_load %arg10[%get3A_255, %get3A_256] {strides = array<i32>} : memref<16x128xf32, #tpu.memory_space<vmem>>, vector<16xf32>,
          %add3A_258 = arith.constant 112 : i32
          %add3A_259 = arith.addi %mul3A_163, %add3A_258 : i32
          %get3A_260 = arith.index_cast %add3A_259 : i32 to index
          %get3A_261 = tpu.vector_load %arg11[%get3A_260] {strides = array<i32>} : memref<80000xf32, #tpu.memory_space<vmem>>, vector<16xf32>,
          %max3A_262 = arith.maximumf %get3A_261, %get3A_257 : vector<16xf32>
          %add3A_263 = arith.constant 112 : i32
          %add3A_264 = arith.addi %mul3A_163, %add3A_263 : i32
          %swap3A_265 = arith.index_cast %add3A_264 : i32 to index
          %swap3A_266 = tpu.vector_load %arg11[%swap3A_265] {strides = array<i32>} : memref<80000xf32, #tpu.memory_space<vmem>>, vector<16xf32>,
          tpu.vector_store %arg11[%swap3A_265], %max3A_262 {strides = array<i32>} : memref<80000xf32, #tpu.memory_space<vmem>>, vector<16xf32>,
        } else {
        }
        %gt3A_114 = arith.constant 7 : i32
        %gt3A_115 = arith.cmpi sgt, %sub3A_81, %gt3A_114 : i32
        %convert_element_type3A_116 = arith.extui %gt3A_115 : i1 to i32
        %cond3A_117 = arith.constant 0 : i32
        %cond3A_118 = arith.cmpi ne, %convert_element_type3A_116, %cond3A_117 : i32
        scf.if %cond3A_118 {
          %slice3A_160 = vector.extract_strided_slice %get3A_80 {offsets = [7], sizes = [1], strides = [1]} : vector<16xi32> to vector<1xi32>
          %squeeze3A_161 = vector.extract %slice3A_160[0] : i32 from vector<1xi32>
          %mul3A_162 = arith.constant 128 : i32
          %mul3A_163 = arith.muli %squeeze3A_161, %mul3A_162 : i32
          %get3A_164 = arith.constant 7 : i32
          %get3A_165 = arith.index_cast %get3A_164 : i32 to index
          %get3A_166 = arith.constant 0 : index
          %get3A_167 = tpu.vector_load %arg10[%get3A_165, %get3A_166] {strides = array<i32>} : memref<16x128xf32, #tpu.memory_space<vmem>>, vector<16xf32>,
          %add3A_168 = arith.constant 0 : i32
          %add3A_169 = arith.addi %mul3A_163, %add3A_168 : i32
          %get3A_170 = arith.index_cast %add3A_169 : i32 to index
          %get3A_171 = tpu.vector_load %arg11[%get3A_170] {strides = array<i32>} : memref<80000xf32, #tpu.memory_space<vmem>>, vector<16xf32>,
          %max3A_172 = arith.maximumf %get3A_171, %get3A_167 : vector<16xf32>
          %add3A_173 = arith.constant 0 : i32
          %add3A_174 = arith.addi %mul3A_163, %add3A_173 : i32
          %swap3A = arith.index_cast %add3A_174 : i32 to index
          %swap3A_175 = tpu.vector_load %arg11[%swap3A] {strides = array<i32>} : memref<80000xf32, #tpu.memory_space<vmem>>, vector<16xf32>,
          tpu.vector_store %arg11[%swap3A], %max3A_172 {strides = array<i32>} : memref<80000xf32, #tpu.memory_space<vmem>>, vector<16xf32>,
          %get3A_176 = arith.constant 7 : i32
          %get3A_177 = arith.index_cast %get3A_176 : i32 to index
          %get3A_178 = arith.constant 16 : index
          %get3A_179 = tpu.vector_load %arg10[%get3A_177, %get3A_178] {strides = array<i32>} : memref<16x128xf32, #tpu.memory_space<vmem>>, vector<16xf32>,
          %add3A_180 = arith.constant 16 : i32
          %add3A_181 = arith.addi %mul3A_163, %add3A_180 : i32
          %get3A_182 = arith.index_cast %add3A_181 : i32 to index
          %get3A_183 = tpu.vector_load %arg11[%get3A_182] {strides = array<i32>} : memref<80000xf32, #tpu.memory_space<vmem>>, vector<16xf32>,
          %max3A_184 = arith.maximumf %get3A_183, %get3A_179 : vector<16xf32>
          %add3A_185 = arith.constant 16 : i32
          %add3A_186 = arith.addi %mul3A_163, %add3A_185 : i32
          %swap3A_187 = arith.index_cast %add3A_186 : i32 to index
          %swap3A_188 = tpu.vector_load %arg11[%swap3A_187] {strides = array<i32>} : memref<80000xf32, #tpu.memory_space<vmem>>, vector<16xf32>,
          tpu.vector_store %arg11[%swap3A_187], %max3A_184 {strides = array<i32>} : memref<80000xf32, #tpu.memory_space<vmem>>, vector<16xf32>,
          %get3A_189 = arith.constant 7 : i32
          %get3A_190 = arith.index_cast %get3A_189 : i32 to index
          %get3A_191 = arith.constant 32 : index
          %get3A_192 = tpu.vector_load %arg10[%get3A_190, %get3A_191] {strides = array<i32>} : memref<16x128xf32, #tpu.memory_space<vmem>>, vector<16xf32>,
          %add3A_193 = arith.constant 32 : i32
          %add3A_194 = arith.addi %mul3A_163, %add3A_193 : i32
          %get3A_195 = arith.index_cast %add3A_194 : i32 to index
          %get3A_196 = tpu.vector_load %arg11[%get3A_195] {strides = array<i32>} : memref<80000xf32, #tpu.memory_space<vmem>>, vector<16xf32>,
          %max3A_197 = arith.maximumf %get3A_196, %get3A_192 : vector<16xf32>
          %add3A_198 = arith.constant 32 : i32
          %add3A_199 = arith.addi %mul3A_163, %add3A_198 : i32
          %swap3A_200 = arith.index_cast %add3A_199 : i32 to index
          %swap3A_201 = tpu.vector_load %arg11[%swap3A_200] {strides = array<i32>} : memref<80000xf32, #tpu.memory_space<vmem>>, vector<16xf32>,
          tpu.vector_store %arg11[%swap3A_200], %max3A_197 {strides = array<i32>} : memref<80000xf32, #tpu.memory_space<vmem>>, vector<16xf32>,
          %get3A_202 = arith.constant 7 : i32
          %get3A_203 = arith.index_cast %get3A_202 : i32 to index
          %get3A_204 = arith.constant 48 : index
          %get3A_205 = tpu.vector_load %arg10[%get3A_203, %get3A_204] {strides = array<i32>} : memref<16x128xf32, #tpu.memory_space<vmem>>, vector<16xf32>,
          %add3A_206 = arith.constant 48 : i32
          %add3A_207 = arith.addi %mul3A_163, %add3A_206 : i32
          %get3A_208 = arith.index_cast %add3A_207 : i32 to index
          %get3A_209 = tpu.vector_load %arg11[%get3A_208] {strides = array<i32>} : memref<80000xf32, #tpu.memory_space<vmem>>, vector<16xf32>,
          %max3A_210 = arith.maximumf %get3A_209, %get3A_205 : vector<16xf32>
          %add3A_211 = arith.constant 48 : i32
          %add3A_212 = arith.addi %mul3A_163, %add3A_211 : i32
          %swap3A_213 = arith.index_cast %add3A_212 : i32 to index
          %swap3A_214 = tpu.vector_load %arg11[%swap3A_213] {strides = array<i32>} : memref<80000xf32, #tpu.memory_space<vmem>>, vector<16xf32>,
          tpu.vector_store %arg11[%swap3A_213], %max3A_210 {strides = array<i32>} : memref<80000xf32, #tpu.memory_space<vmem>>, vector<16xf32>,
          %get3A_215 = arith.constant 7 : i32
          %get3A_216 = arith.index_cast %get3A_215 : i32 to index
          %get3A_217 = arith.constant 64 : index
          %get3A_218 = tpu.vector_load %arg10[%get3A_216, %get3A_217] {strides = array<i32>} : memref<16x128xf32, #tpu.memory_space<vmem>>, vector<16xf32>,
          %add3A_219 = arith.constant 64 : i32
          %add3A_220 = arith.addi %mul3A_163, %add3A_219 : i32
          %get3A_221 = arith.index_cast %add3A_220 : i32 to index
          %get3A_222 = tpu.vector_load %arg11[%get3A_221] {strides = array<i32>} : memref<80000xf32, #tpu.memory_space<vmem>>, vector<16xf32>,
          %max3A_223 = arith.maximumf %get3A_222, %get3A_218 : vector<16xf32>
          %add3A_224 = arith.constant 64 : i32
          %add3A_225 = arith.addi %mul3A_163, %add3A_224 : i32
          %swap3A_226 = arith.index_cast %add3A_225 : i32 to index
          %swap3A_227 = tpu.vector_load %arg11[%swap3A_226] {strides = array<i32>} : memref<80000xf32, #tpu.memory_space<vmem>>, vector<16xf32>,
          tpu.vector_store %arg11[%swap3A_226], %max3A_223 {strides = array<i32>} : memref<80000xf32, #tpu.memory_space<vmem>>, vector<16xf32>,
          %get3A_228 = arith.constant 7 : i32
          %get3A_229 = arith.index_cast %get3A_228 : i32 to index
          %get3A_230 = arith.constant 80 : index
          %get3A_231 = tpu.vector_load %arg10[%get3A_229, %get3A_230] {strides = array<i32>} : memref<16x128xf32, #tpu.memory_space<vmem>>, vector<16xf32>,
          %add3A_232 = arith.constant 80 : i32
          %add3A_233 = arith.addi %mul3A_163, %add3A_232 : i32
          %get3A_234 = arith.index_cast %add3A_233 : i32 to index
          %get3A_235 = tpu.vector_load %arg11[%get3A_234] {strides = array<i32>} : memref<80000xf32, #tpu.memory_space<vmem>>, vector<16xf32>,
          %max3A_236 = arith.maximumf %get3A_235, %get3A_231 : vector<16xf32>
          %add3A_237 = arith.constant 80 : i32
          %add3A_238 = arith.addi %mul3A_163, %add3A_237 : i32
          %swap3A_239 = arith.index_cast %add3A_238 : i32 to index
          %swap3A_240 = tpu.vector_load %arg11[%swap3A_239] {strides = array<i32>} : memref<80000xf32, #tpu.memory_space<vmem>>, vector<16xf32>,
          tpu.vector_store %arg11[%swap3A_239], %max3A_236 {strides = array<i32>} : memref<80000xf32, #tpu.memory_space<vmem>>, vector<16xf32>,
          %get3A_241 = arith.constant 7 : i32
          %get3A_242 = arith.index_cast %get3A_241 : i32 to index
          %get3A_243 = arith.constant 96 : index
          %get3A_244 = tpu.vector_load %arg10[%get3A_242, %get3A_243] {strides = array<i32>} : memref<16x128xf32, #tpu.memory_space<vmem>>, vector<16xf32>,
          %add3A_245 = arith.constant 96 : i32
          %add3A_246 = arith.addi %mul3A_163, %add3A_245 : i32
          %get3A_247 = arith.index_cast %add3A_246 : i32 to index
          %get3A_248 = tpu.vector_load %arg11[%get3A_247] {strides = array<i32>} : memref<80000xf32, #tpu.memory_space<vmem>>, vector<16xf32>,
          %max3A_249 = arith.maximumf %get3A_248, %get3A_244 : vector<16xf32>
          %add3A_250 = arith.constant 96 : i32
          %add3A_251 = arith.addi %mul3A_163, %add3A_250 : i32
          %swap3A_252 = arith.index_cast %add3A_251 : i32 to index
          %swap3A_253 = tpu.vector_load %arg11[%swap3A_252] {strides = array<i32>} : memref<80000xf32, #tpu.memory_space<vmem>>, vector<16xf32>,
          tpu.vector_store %arg11[%swap3A_252], %max3A_249 {strides = array<i32>} : memref<80000xf32, #tpu.memory_space<vmem>>, vector<16xf32>,
          %get3A_254 = arith.constant 7 : i32
          %get3A_255 = arith.index_cast %get3A_254 : i32 to index
          %get3A_256 = arith.constant 112 : index
          %get3A_257 = tpu.vector_load %arg10[%get3A_255, %get3A_256] {strides = array<i32>} : memref<16x128xf32, #tpu.memory_space<vmem>>, vector<16xf32>,
          %add3A_258 = arith.constant 112 : i32
          %add3A_259 = arith.addi %mul3A_163, %add3A_258 : i32
          %get3A_260 = arith.index_cast %add3A_259 : i32 to index
          %get3A_261 = tpu.vector_load %arg11[%get3A_260] {strides = array<i32>} : memref<80000xf32, #tpu.memory_space<vmem>>, vector<16xf32>,
          %max3A_262 = arith.maximumf %get3A_261, %get3A_257 : vector<16xf32>
          %add3A_263 = arith.constant 112 : i32
          %add3A_264 = arith.addi %mul3A_163, %add3A_263 : i32
          %swap3A_265 = arith.index_cast %add3A_264 : i32 to index
          %swap3A_266 = tpu.vector_load %arg11[%swap3A_265] {strides = array<i32>} : memref<80000xf32, #tpu.memory_space<vmem>>, vector<16xf32>,
          tpu.vector_store %arg11[%swap3A_265], %max3A_262 {strides = array<i32>} : memref<80000xf32, #tpu.memory_space<vmem>>, vector<16xf32>,
        } else {
        }
        %gt3A_119 = arith.constant 8 : i32
        %gt3A_120 = arith.cmpi sgt, %sub3A_81, %gt3A_119 : i32
        %convert_element_type3A_121 = arith.extui %gt3A_120 : i1 to i32
        %cond3A_122 = arith.constant 0 : i32
        %cond3A_123 = arith.cmpi ne, %convert_element_type3A_121, %cond3A_122 : i32
        scf.if %cond3A_123 {
          %slice3A_160 = vector.extract_strided_slice %get3A_80 {offsets = [8], sizes = [1], strides = [1]} : vector<16xi32> to vector<1xi32>
          %squeeze3A_161 = vector.extract %slice3A_160[0] : i32 from vector<1xi32>
          %mul3A_162 = arith.constant 128 : i32
          %mul3A_163 = arith.muli %squeeze3A_161, %mul3A_162 : i32
          %get3A_164 = arith.constant 8 : i32
          %get3A_165 = arith.index_cast %get3A_164 : i32 to index
          %get3A_166 = arith.constant 0 : index
          %get3A_167 = tpu.vector_load %arg10[%get3A_165, %get3A_166] {strides = array<i32>} : memref<16x128xf32, #tpu.memory_space<vmem>>, vector<16xf32>,
          %add3A_168 = arith.constant 0 : i32
          %add3A_169 = arith.addi %mul3A_163, %add3A_168 : i32
          %get3A_170 = arith.index_cast %add3A_169 : i32 to index
          %get3A_171 = tpu.vector_load %arg11[%get3A_170] {strides = array<i32>} : memref<80000xf32, #tpu.memory_space<vmem>>, vector<16xf32>,
          %max3A_172 = arith.maximumf %get3A_171, %get3A_167 : vector<16xf32>
          %add3A_173 = arith.constant 0 : i32
          %add3A_174 = arith.addi %mul3A_163, %add3A_173 : i32
          %swap3A = arith.index_cast %add3A_174 : i32 to index
          %swap3A_175 = tpu.vector_load %arg11[%swap3A] {strides = array<i32>} : memref<80000xf32, #tpu.memory_space<vmem>>, vector<16xf32>,
          tpu.vector_store %arg11[%swap3A], %max3A_172 {strides = array<i32>} : memref<80000xf32, #tpu.memory_space<vmem>>, vector<16xf32>,
          %get3A_176 = arith.constant 8 : i32
          %get3A_177 = arith.index_cast %get3A_176 : i32 to index
          %get3A_178 = arith.constant 16 : index
          %get3A_179 = tpu.vector_load %arg10[%get3A_177, %get3A_178] {strides = array<i32>} : memref<16x128xf32, #tpu.memory_space<vmem>>, vector<16xf32>,
          %add3A_180 = arith.constant 16 : i32
          %add3A_181 = arith.addi %mul3A_163, %add3A_180 : i32
          %get3A_182 = arith.index_cast %add3A_181 : i32 to index
          %get3A_183 = tpu.vector_load %arg11[%get3A_182] {strides = array<i32>} : memref<80000xf32, #tpu.memory_space<vmem>>, vector<16xf32>,
          %max3A_184 = arith.maximumf %get3A_183, %get3A_179 : vector<16xf32>
          %add3A_185 = arith.constant 16 : i32
          %add3A_186 = arith.addi %mul3A_163, %add3A_185 : i32
          %swap3A_187 = arith.index_cast %add3A_186 : i32 to index
          %swap3A_188 = tpu.vector_load %arg11[%swap3A_187] {strides = array<i32>} : memref<80000xf32, #tpu.memory_space<vmem>>, vector<16xf32>,
          tpu.vector_store %arg11[%swap3A_187], %max3A_184 {strides = array<i32>} : memref<80000xf32, #tpu.memory_space<vmem>>, vector<16xf32>,
          %get3A_189 = arith.constant 8 : i32
          %get3A_190 = arith.index_cast %get3A_189 : i32 to index
          %get3A_191 = arith.constant 32 : index
          %get3A_192 = tpu.vector_load %arg10[%get3A_190, %get3A_191] {strides = array<i32>} : memref<16x128xf32, #tpu.memory_space<vmem>>, vector<16xf32>,
          %add3A_193 = arith.constant 32 : i32
          %add3A_194 = arith.addi %mul3A_163, %add3A_193 : i32
          %get3A_195 = arith.index_cast %add3A_194 : i32 to index
          %get3A_196 = tpu.vector_load %arg11[%get3A_195] {strides = array<i32>} : memref<80000xf32, #tpu.memory_space<vmem>>, vector<16xf32>,
          %max3A_197 = arith.maximumf %get3A_196, %get3A_192 : vector<16xf32>
          %add3A_198 = arith.constant 32 : i32
          %add3A_199 = arith.addi %mul3A_163, %add3A_198 : i32
          %swap3A_200 = arith.index_cast %add3A_199 : i32 to index
          %swap3A_201 = tpu.vector_load %arg11[%swap3A_200] {strides = array<i32>} : memref<80000xf32, #tpu.memory_space<vmem>>, vector<16xf32>,
          tpu.vector_store %arg11[%swap3A_200], %max3A_197 {strides = array<i32>} : memref<80000xf32, #tpu.memory_space<vmem>>, vector<16xf32>,
          %get3A_202 = arith.constant 8 : i32
          %get3A_203 = arith.index_cast %get3A_202 : i32 to index
          %get3A_204 = arith.constant 48 : index
          %get3A_205 = tpu.vector_load %arg10[%get3A_203, %get3A_204] {strides = array<i32>} : memref<16x128xf32, #tpu.memory_space<vmem>>, vector<16xf32>,
          %add3A_206 = arith.constant 48 : i32
          %add3A_207 = arith.addi %mul3A_163, %add3A_206 : i32
          %get3A_208 = arith.index_cast %add3A_207 : i32 to index
          %get3A_209 = tpu.vector_load %arg11[%get3A_208] {strides = array<i32>} : memref<80000xf32, #tpu.memory_space<vmem>>, vector<16xf32>,
          %max3A_210 = arith.maximumf %get3A_209, %get3A_205 : vector<16xf32>
          %add3A_211 = arith.constant 48 : i32
          %add3A_212 = arith.addi %mul3A_163, %add3A_211 : i32
          %swap3A_213 = arith.index_cast %add3A_212 : i32 to index
          %swap3A_214 = tpu.vector_load %arg11[%swap3A_213] {strides = array<i32>} : memref<80000xf32, #tpu.memory_space<vmem>>, vector<16xf32>,
          tpu.vector_store %arg11[%swap3A_213], %max3A_210 {strides = array<i32>} : memref<80000xf32, #tpu.memory_space<vmem>>, vector<16xf32>,
          %get3A_215 = arith.constant 8 : i32
          %get3A_216 = arith.index_cast %get3A_215 : i32 to index
          %get3A_217 = arith.constant 64 : index
          %get3A_218 = tpu.vector_load %arg10[%get3A_216, %get3A_217] {strides = array<i32>} : memref<16x128xf32, #tpu.memory_space<vmem>>, vector<16xf32>,
          %add3A_219 = arith.constant 64 : i32
          %add3A_220 = arith.addi %mul3A_163, %add3A_219 : i32
          %get3A_221 = arith.index_cast %add3A_220 : i32 to index
          %get3A_222 = tpu.vector_load %arg11[%get3A_221] {strides = array<i32>} : memref<80000xf32, #tpu.memory_space<vmem>>, vector<16xf32>,
          %max3A_223 = arith.maximumf %get3A_222, %get3A_218 : vector<16xf32>
          %add3A_224 = arith.constant 64 : i32
          %add3A_225 = arith.addi %mul3A_163, %add3A_224 : i32
          %swap3A_226 = arith.index_cast %add3A_225 : i32 to index
          %swap3A_227 = tpu.vector_load %arg11[%swap3A_226] {strides = array<i32>} : memref<80000xf32, #tpu.memory_space<vmem>>, vector<16xf32>,
          tpu.vector_store %arg11[%swap3A_226], %max3A_223 {strides = array<i32>} : memref<80000xf32, #tpu.memory_space<vmem>>, vector<16xf32>,
          %get3A_228 = arith.constant 8 : i32
          %get3A_229 = arith.index_cast %get3A_228 : i32 to index
          %get3A_230 = arith.constant 80 : index
          %get3A_231 = tpu.vector_load %arg10[%get3A_229, %get3A_230] {strides = array<i32>} : memref<16x128xf32, #tpu.memory_space<vmem>>, vector<16xf32>,
          %add3A_232 = arith.constant 80 : i32
          %add3A_233 = arith.addi %mul3A_163, %add3A_232 : i32
          %get3A_234 = arith.index_cast %add3A_233 : i32 to index
          %get3A_235 = tpu.vector_load %arg11[%get3A_234] {strides = array<i32>} : memref<80000xf32, #tpu.memory_space<vmem>>, vector<16xf32>,
          %max3A_236 = arith.maximumf %get3A_235, %get3A_231 : vector<16xf32>
          %add3A_237 = arith.constant 80 : i32
          %add3A_238 = arith.addi %mul3A_163, %add3A_237 : i32
          %swap3A_239 = arith.index_cast %add3A_238 : i32 to index
          %swap3A_240 = tpu.vector_load %arg11[%swap3A_239] {strides = array<i32>} : memref<80000xf32, #tpu.memory_space<vmem>>, vector<16xf32>,
          tpu.vector_store %arg11[%swap3A_239], %max3A_236 {strides = array<i32>} : memref<80000xf32, #tpu.memory_space<vmem>>, vector<16xf32>,
          %get3A_241 = arith.constant 8 : i32
          %get3A_242 = arith.index_cast %get3A_241 : i32 to index
          %get3A_243 = arith.constant 96 : index
          %get3A_244 = tpu.vector_load %arg10[%get3A_242, %get3A_243] {strides = array<i32>} : memref<16x128xf32, #tpu.memory_space<vmem>>, vector<16xf32>,
          %add3A_245 = arith.constant 96 : i32
          %add3A_246 = arith.addi %mul3A_163, %add3A_245 : i32
          %get3A_247 = arith.index_cast %add3A_246 : i32 to index
          %get3A_248 = tpu.vector_load %arg11[%get3A_247] {strides = array<i32>} : memref<80000xf32, #tpu.memory_space<vmem>>, vector<16xf32>,
          %max3A_249 = arith.maximumf %get3A_248, %get3A_244 : vector<16xf32>
          %add3A_250 = arith.constant 96 : i32
          %add3A_251 = arith.addi %mul3A_163, %add3A_250 : i32
          %swap3A_252 = arith.index_cast %add3A_251 : i32 to index
          %swap3A_253 = tpu.vector_load %arg11[%swap3A_252] {strides = array<i32>} : memref<80000xf32, #tpu.memory_space<vmem>>, vector<16xf32>,
          tpu.vector_store %arg11[%swap3A_252], %max3A_249 {strides = array<i32>} : memref<80000xf32, #tpu.memory_space<vmem>>, vector<16xf32>,
          %get3A_254 = arith.constant 8 : i32
          %get3A_255 = arith.index_cast %get3A_254 : i32 to index
          %get3A_256 = arith.constant 112 : index
          %get3A_257 = tpu.vector_load %arg10[%get3A_255, %get3A_256] {strides = array<i32>} : memref<16x128xf32, #tpu.memory_space<vmem>>, vector<16xf32>,
          %add3A_258 = arith.constant 112 : i32
          %add3A_259 = arith.addi %mul3A_163, %add3A_258 : i32
          %get3A_260 = arith.index_cast %add3A_259 : i32 to index
          %get3A_261 = tpu.vector_load %arg11[%get3A_260] {strides = array<i32>} : memref<80000xf32, #tpu.memory_space<vmem>>, vector<16xf32>,
          %max3A_262 = arith.maximumf %get3A_261, %get3A_257 : vector<16xf32>
          %add3A_263 = arith.constant 112 : i32
          %add3A_264 = arith.addi %mul3A_163, %add3A_263 : i32
          %swap3A_265 = arith.index_cast %add3A_264 : i32 to index
          %swap3A_266 = tpu.vector_load %arg11[%swap3A_265] {strides = array<i32>} : memref<80000xf32, #tpu.memory_space<vmem>>, vector<16xf32>,
          tpu.vector_store %arg11[%swap3A_265], %max3A_262 {strides = array<i32>} : memref<80000xf32, #tpu.memory_space<vmem>>, vector<16xf32>,
        } else {
        }
        %gt3A_124 = arith.constant 9 : i32
        %gt3A_125 = arith.cmpi sgt, %sub3A_81, %gt3A_124 : i32
        %convert_element_type3A_126 = arith.extui %gt3A_125 : i1 to i32
        %cond3A_127 = arith.constant 0 : i32
        %cond3A_128 = arith.cmpi ne, %convert_element_type3A_126, %cond3A_127 : i32
        scf.if %cond3A_128 {
          %slice3A_160 = vector.extract_strided_slice %get3A_80 {offsets = [9], sizes = [1], strides = [1]} : vector<16xi32> to vector<1xi32>
          %squeeze3A_161 = vector.extract %slice3A_160[0] : i32 from vector<1xi32>
          %mul3A_162 = arith.constant 128 : i32
          %mul3A_163 = arith.muli %squeeze3A_161, %mul3A_162 : i32
          %get3A_164 = arith.constant 9 : i32
          %get3A_165 = arith.index_cast %get3A_164 : i32 to index
          %get3A_166 = arith.constant 0 : index
          %get3A_167 = tpu.vector_load %arg10[%get3A_165, %get3A_166] {strides = array<i32>} : memref<16x128xf32, #tpu.memory_space<vmem>>, vector<16xf32>,
          %add3A_168 = arith.constant 0 : i32
          %add3A_169 = arith.addi %mul3A_163, %add3A_168 : i32
          %get3A_170 = arith.index_cast %add3A_169 : i32 to index
          %get3A_171 = tpu.vector_load %arg11[%get3A_170] {strides = array<i32>} : memref<80000xf32, #tpu.memory_space<vmem>>, vector<16xf32>,
          %max3A_172 = arith.maximumf %get3A_171, %get3A_167 : vector<16xf32>
          %add3A_173 = arith.constant 0 : i32
          %add3A_174 = arith.addi %mul3A_163, %add3A_173 : i32
          %swap3A = arith.index_cast %add3A_174 : i32 to index
          %swap3A_175 = tpu.vector_load %arg11[%swap3A] {strides = array<i32>} : memref<80000xf32, #tpu.memory_space<vmem>>, vector<16xf32>,
          tpu.vector_store %arg11[%swap3A], %max3A_172 {strides = array<i32>} : memref<80000xf32, #tpu.memory_space<vmem>>, vector<16xf32>,
          %get3A_176 = arith.constant 9 : i32
          %get3A_177 = arith.index_cast %get3A_176 : i32 to index
          %get3A_178 = arith.constant 16 : index
          %get3A_179 = tpu.vector_load %arg10[%get3A_177, %get3A_178] {strides = array<i32>} : memref<16x128xf32, #tpu.memory_space<vmem>>, vector<16xf32>,
          %add3A_180 = arith.constant 16 : i32
          %add3A_181 = arith.addi %mul3A_163, %add3A_180 : i32
          %get3A_182 = arith.index_cast %add3A_181 : i32 to index
          %get3A_183 = tpu.vector_load %arg11[%get3A_182] {strides = array<i32>} : memref<80000xf32, #tpu.memory_space<vmem>>, vector<16xf32>,
          %max3A_184 = arith.maximumf %get3A_183, %get3A_179 : vector<16xf32>
          %add3A_185 = arith.constant 16 : i32
          %add3A_186 = arith.addi %mul3A_163, %add3A_185 : i32
          %swap3A_187 = arith.index_cast %add3A_186 : i32 to index
          %swap3A_188 = tpu.vector_load %arg11[%swap3A_187] {strides = array<i32>} : memref<80000xf32, #tpu.memory_space<vmem>>, vector<16xf32>,
          tpu.vector_store %arg11[%swap3A_187], %max3A_184 {strides = array<i32>} : memref<80000xf32, #tpu.memory_space<vmem>>, vector<16xf32>,
          %get3A_189 = arith.constant 9 : i32
          %get3A_190 = arith.index_cast %get3A_189 : i32 to index
          %get3A_191 = arith.constant 32 : index
          %get3A_192 = tpu.vector_load %arg10[%get3A_190, %get3A_191] {strides = array<i32>} : memref<16x128xf32, #tpu.memory_space<vmem>>, vector<16xf32>,
          %add3A_193 = arith.constant 32 : i32
          %add3A_194 = arith.addi %mul3A_163, %add3A_193 : i32
          %get3A_195 = arith.index_cast %add3A_194 : i32 to index
          %get3A_196 = tpu.vector_load %arg11[%get3A_195] {strides = array<i32>} : memref<80000xf32, #tpu.memory_space<vmem>>, vector<16xf32>,
          %max3A_197 = arith.maximumf %get3A_196, %get3A_192 : vector<16xf32>
          %add3A_198 = arith.constant 32 : i32
          %add3A_199 = arith.addi %mul3A_163, %add3A_198 : i32
          %swap3A_200 = arith.index_cast %add3A_199 : i32 to index
          %swap3A_201 = tpu.vector_load %arg11[%swap3A_200] {strides = array<i32>} : memref<80000xf32, #tpu.memory_space<vmem>>, vector<16xf32>,
          tpu.vector_store %arg11[%swap3A_200], %max3A_197 {strides = array<i32>} : memref<80000xf32, #tpu.memory_space<vmem>>, vector<16xf32>,
          %get3A_202 = arith.constant 9 : i32
          %get3A_203 = arith.index_cast %get3A_202 : i32 to index
          %get3A_204 = arith.constant 48 : index
          %get3A_205 = tpu.vector_load %arg10[%get3A_203, %get3A_204] {strides = array<i32>} : memref<16x128xf32, #tpu.memory_space<vmem>>, vector<16xf32>,
          %add3A_206 = arith.constant 48 : i32
          %add3A_207 = arith.addi %mul3A_163, %add3A_206 : i32
          %get3A_208 = arith.index_cast %add3A_207 : i32 to index
          %get3A_209 = tpu.vector_load %arg11[%get3A_208] {strides = array<i32>} : memref<80000xf32, #tpu.memory_space<vmem>>, vector<16xf32>,
          %max3A_210 = arith.maximumf %get3A_209, %get3A_205 : vector<16xf32>
          %add3A_211 = arith.constant 48 : i32
          %add3A_212 = arith.addi %mul3A_163, %add3A_211 : i32
          %swap3A_213 = arith.index_cast %add3A_212 : i32 to index
          %swap3A_214 = tpu.vector_load %arg11[%swap3A_213] {strides = array<i32>} : memref<80000xf32, #tpu.memory_space<vmem>>, vector<16xf32>,
          tpu.vector_store %arg11[%swap3A_213], %max3A_210 {strides = array<i32>} : memref<80000xf32, #tpu.memory_space<vmem>>, vector<16xf32>,
          %get3A_215 = arith.constant 9 : i32
          %get3A_216 = arith.index_cast %get3A_215 : i32 to index
          %get3A_217 = arith.constant 64 : index
          %get3A_218 = tpu.vector_load %arg10[%get3A_216, %get3A_217] {strides = array<i32>} : memref<16x128xf32, #tpu.memory_space<vmem>>, vector<16xf32>,
          %add3A_219 = arith.constant 64 : i32
          %add3A_220 = arith.addi %mul3A_163, %add3A_219 : i32
          %get3A_221 = arith.index_cast %add3A_220 : i32 to index
          %get3A_222 = tpu.vector_load %arg11[%get3A_221] {strides = array<i32>} : memref<80000xf32, #tpu.memory_space<vmem>>, vector<16xf32>,
          %max3A_223 = arith.maximumf %get3A_222, %get3A_218 : vector<16xf32>
          %add3A_224 = arith.constant 64 : i32
          %add3A_225 = arith.addi %mul3A_163, %add3A_224 : i32
          %swap3A_226 = arith.index_cast %add3A_225 : i32 to index
          %swap3A_227 = tpu.vector_load %arg11[%swap3A_226] {strides = array<i32>} : memref<80000xf32, #tpu.memory_space<vmem>>, vector<16xf32>,
          tpu.vector_store %arg11[%swap3A_226], %max3A_223 {strides = array<i32>} : memref<80000xf32, #tpu.memory_space<vmem>>, vector<16xf32>,
          %get3A_228 = arith.constant 9 : i32
          %get3A_229 = arith.index_cast %get3A_228 : i32 to index
          %get3A_230 = arith.constant 80 : index
          %get3A_231 = tpu.vector_load %arg10[%get3A_229, %get3A_230] {strides = array<i32>} : memref<16x128xf32, #tpu.memory_space<vmem>>, vector<16xf32>,
          %add3A_232 = arith.constant 80 : i32
          %add3A_233 = arith.addi %mul3A_163, %add3A_232 : i32
          %get3A_234 = arith.index_cast %add3A_233 : i32 to index
          %get3A_235 = tpu.vector_load %arg11[%get3A_234] {strides = array<i32>} : memref<80000xf32, #tpu.memory_space<vmem>>, vector<16xf32>,
          %max3A_236 = arith.maximumf %get3A_235, %get3A_231 : vector<16xf32>
          %add3A_237 = arith.constant 80 : i32
          %add3A_238 = arith.addi %mul3A_163, %add3A_237 : i32
          %swap3A_239 = arith.index_cast %add3A_238 : i32 to index
          %swap3A_240 = tpu.vector_load %arg11[%swap3A_239] {strides = array<i32>} : memref<80000xf32, #tpu.memory_space<vmem>>, vector<16xf32>,
          tpu.vector_store %arg11[%swap3A_239], %max3A_236 {strides = array<i32>} : memref<80000xf32, #tpu.memory_space<vmem>>, vector<16xf32>,
          %get3A_241 = arith.constant 9 : i32
          %get3A_242 = arith.index_cast %get3A_241 : i32 to index
          %get3A_243 = arith.constant 96 : index
          %get3A_244 = tpu.vector_load %arg10[%get3A_242, %get3A_243] {strides = array<i32>} : memref<16x128xf32, #tpu.memory_space<vmem>>, vector<16xf32>,
          %add3A_245 = arith.constant 96 : i32
          %add3A_246 = arith.addi %mul3A_163, %add3A_245 : i32
          %get3A_247 = arith.index_cast %add3A_246 : i32 to index
          %get3A_248 = tpu.vector_load %arg11[%get3A_247] {strides = array<i32>} : memref<80000xf32, #tpu.memory_space<vmem>>, vector<16xf32>,
          %max3A_249 = arith.maximumf %get3A_248, %get3A_244 : vector<16xf32>
          %add3A_250 = arith.constant 96 : i32
          %add3A_251 = arith.addi %mul3A_163, %add3A_250 : i32
          %swap3A_252 = arith.index_cast %add3A_251 : i32 to index
          %swap3A_253 = tpu.vector_load %arg11[%swap3A_252] {strides = array<i32>} : memref<80000xf32, #tpu.memory_space<vmem>>, vector<16xf32>,
          tpu.vector_store %arg11[%swap3A_252], %max3A_249 {strides = array<i32>} : memref<80000xf32, #tpu.memory_space<vmem>>, vector<16xf32>,
          %get3A_254 = arith.constant 9 : i32
          %get3A_255 = arith.index_cast %get3A_254 : i32 to index
          %get3A_256 = arith.constant 112 : index
          %get3A_257 = tpu.vector_load %arg10[%get3A_255, %get3A_256] {strides = array<i32>} : memref<16x128xf32, #tpu.memory_space<vmem>>, vector<16xf32>,
          %add3A_258 = arith.constant 112 : i32
          %add3A_259 = arith.addi %mul3A_163, %add3A_258 : i32
          %get3A_260 = arith.index_cast %add3A_259 : i32 to index
          %get3A_261 = tpu.vector_load %arg11[%get3A_260] {strides = array<i32>} : memref<80000xf32, #tpu.memory_space<vmem>>, vector<16xf32>,
          %max3A_262 = arith.maximumf %get3A_261, %get3A_257 : vector<16xf32>
          %add3A_263 = arith.constant 112 : i32
          %add3A_264 = arith.addi %mul3A_163, %add3A_263 : i32
          %swap3A_265 = arith.index_cast %add3A_264 : i32 to index
          %swap3A_266 = tpu.vector_load %arg11[%swap3A_265] {strides = array<i32>} : memref<80000xf32, #tpu.memory_space<vmem>>, vector<16xf32>,
          tpu.vector_store %arg11[%swap3A_265], %max3A_262 {strides = array<i32>} : memref<80000xf32, #tpu.memory_space<vmem>>, vector<16xf32>,
        } else {
        }
        %gt3A_129 = arith.constant 10 : i32
        %gt3A_130 = arith.cmpi sgt, %sub3A_81, %gt3A_129 : i32
        %convert_element_type3A_131 = arith.extui %gt3A_130 : i1 to i32
        %cond3A_132 = arith.constant 0 : i32
        %cond3A_133 = arith.cmpi ne, %convert_element_type3A_131, %cond3A_132 : i32
        scf.if %cond3A_133 {
          %slice3A_160 = vector.extract_strided_slice %get3A_80 {offsets = [10], sizes = [1], strides = [1]} : vector<16xi32> to vector<1xi32>
          %squeeze3A_161 = vector.extract %slice3A_160[0] : i32 from vector<1xi32>
          %mul3A_162 = arith.constant 128 : i32
          %mul3A_163 = arith.muli %squeeze3A_161, %mul3A_162 : i32
          %get3A_164 = arith.constant 10 : i32
          %get3A_165 = arith.index_cast %get3A_164 : i32 to index
          %get3A_166 = arith.constant 0 : index
          %get3A_167 = tpu.vector_load %arg10[%get3A_165, %get3A_166] {strides = array<i32>} : memref<16x128xf32, #tpu.memory_space<vmem>>, vector<16xf32>,
          %add3A_168 = arith.constant 0 : i32
          %add3A_169 = arith.addi %mul3A_163, %add3A_168 : i32
          %get3A_170 = arith.index_cast %add3A_169 : i32 to index
          %get3A_171 = tpu.vector_load %arg11[%get3A_170] {strides = array<i32>} : memref<80000xf32, #tpu.memory_space<vmem>>, vector<16xf32>,
          %max3A_172 = arith.maximumf %get3A_171, %get3A_167 : vector<16xf32>
          %add3A_173 = arith.constant 0 : i32
          %add3A_174 = arith.addi %mul3A_163, %add3A_173 : i32
          %swap3A = arith.index_cast %add3A_174 : i32 to index
          %swap3A_175 = tpu.vector_load %arg11[%swap3A] {strides = array<i32>} : memref<80000xf32, #tpu.memory_space<vmem>>, vector<16xf32>,
          tpu.vector_store %arg11[%swap3A], %max3A_172 {strides = array<i32>} : memref<80000xf32, #tpu.memory_space<vmem>>, vector<16xf32>,
          %get3A_176 = arith.constant 10 : i32
          %get3A_177 = arith.index_cast %get3A_176 : i32 to index
          %get3A_178 = arith.constant 16 : index
          %get3A_179 = tpu.vector_load %arg10[%get3A_177, %get3A_178] {strides = array<i32>} : memref<16x128xf32, #tpu.memory_space<vmem>>, vector<16xf32>,
          %add3A_180 = arith.constant 16 : i32
          %add3A_181 = arith.addi %mul3A_163, %add3A_180 : i32
          %get3A_182 = arith.index_cast %add3A_181 : i32 to index
          %get3A_183 = tpu.vector_load %arg11[%get3A_182] {strides = array<i32>} : memref<80000xf32, #tpu.memory_space<vmem>>, vector<16xf32>,
          %max3A_184 = arith.maximumf %get3A_183, %get3A_179 : vector<16xf32>
          %add3A_185 = arith.constant 16 : i32
          %add3A_186 = arith.addi %mul3A_163, %add3A_185 : i32
          %swap3A_187 = arith.index_cast %add3A_186 : i32 to index
          %swap3A_188 = tpu.vector_load %arg11[%swap3A_187] {strides = array<i32>} : memref<80000xf32, #tpu.memory_space<vmem>>, vector<16xf32>,
          tpu.vector_store %arg11[%swap3A_187], %max3A_184 {strides = array<i32>} : memref<80000xf32, #tpu.memory_space<vmem>>, vector<16xf32>,
          %get3A_189 = arith.constant 10 : i32
          %get3A_190 = arith.index_cast %get3A_189 : i32 to index
          %get3A_191 = arith.constant 32 : index
          %get3A_192 = tpu.vector_load %arg10[%get3A_190, %get3A_191] {strides = array<i32>} : memref<16x128xf32, #tpu.memory_space<vmem>>, vector<16xf32>,
          %add3A_193 = arith.constant 32 : i32
          %add3A_194 = arith.addi %mul3A_163, %add3A_193 : i32
          %get3A_195 = arith.index_cast %add3A_194 : i32 to index
          %get3A_196 = tpu.vector_load %arg11[%get3A_195] {strides = array<i32>} : memref<80000xf32, #tpu.memory_space<vmem>>, vector<16xf32>,
          %max3A_197 = arith.maximumf %get3A_196, %get3A_192 : vector<16xf32>
          %add3A_198 = arith.constant 32 : i32
          %add3A_199 = arith.addi %mul3A_163, %add3A_198 : i32
          %swap3A_200 = arith.index_cast %add3A_199 : i32 to index
          %swap3A_201 = tpu.vector_load %arg11[%swap3A_200] {strides = array<i32>} : memref<80000xf32, #tpu.memory_space<vmem>>, vector<16xf32>,
          tpu.vector_store %arg11[%swap3A_200], %max3A_197 {strides = array<i32>} : memref<80000xf32, #tpu.memory_space<vmem>>, vector<16xf32>,
          %get3A_202 = arith.constant 10 : i32
          %get3A_203 = arith.index_cast %get3A_202 : i32 to index
          %get3A_204 = arith.constant 48 : index
          %get3A_205 = tpu.vector_load %arg10[%get3A_203, %get3A_204] {strides = array<i32>} : memref<16x128xf32, #tpu.memory_space<vmem>>, vector<16xf32>,
          %add3A_206 = arith.constant 48 : i32
          %add3A_207 = arith.addi %mul3A_163, %add3A_206 : i32
          %get3A_208 = arith.index_cast %add3A_207 : i32 to index
          %get3A_209 = tpu.vector_load %arg11[%get3A_208] {strides = array<i32>} : memref<80000xf32, #tpu.memory_space<vmem>>, vector<16xf32>,
          %max3A_210 = arith.maximumf %get3A_209, %get3A_205 : vector<16xf32>
          %add3A_211 = arith.constant 48 : i32
          %add3A_212 = arith.addi %mul3A_163, %add3A_211 : i32
          %swap3A_213 = arith.index_cast %add3A_212 : i32 to index
          %swap3A_214 = tpu.vector_load %arg11[%swap3A_213] {strides = array<i32>} : memref<80000xf32, #tpu.memory_space<vmem>>, vector<16xf32>,
          tpu.vector_store %arg11[%swap3A_213], %max3A_210 {strides = array<i32>} : memref<80000xf32, #tpu.memory_space<vmem>>, vector<16xf32>,
          %get3A_215 = arith.constant 10 : i32
          %get3A_216 = arith.index_cast %get3A_215 : i32 to index
          %get3A_217 = arith.constant 64 : index
          %get3A_218 = tpu.vector_load %arg10[%get3A_216, %get3A_217] {strides = array<i32>} : memref<16x128xf32, #tpu.memory_space<vmem>>, vector<16xf32>,
          %add3A_219 = arith.constant 64 : i32
          %add3A_220 = arith.addi %mul3A_163, %add3A_219 : i32
          %get3A_221 = arith.index_cast %add3A_220 : i32 to index
          %get3A_222 = tpu.vector_load %arg11[%get3A_221] {strides = array<i32>} : memref<80000xf32, #tpu.memory_space<vmem>>, vector<16xf32>,
          %max3A_223 = arith.maximumf %get3A_222, %get3A_218 : vector<16xf32>
          %add3A_224 = arith.constant 64 : i32
          %add3A_225 = arith.addi %mul3A_163, %add3A_224 : i32
          %swap3A_226 = arith.index_cast %add3A_225 : i32 to index
          %swap3A_227 = tpu.vector_load %arg11[%swap3A_226] {strides = array<i32>} : memref<80000xf32, #tpu.memory_space<vmem>>, vector<16xf32>,
          tpu.vector_store %arg11[%swap3A_226], %max3A_223 {strides = array<i32>} : memref<80000xf32, #tpu.memory_space<vmem>>, vector<16xf32>,
          %get3A_228 = arith.constant 10 : i32
          %get3A_229 = arith.index_cast %get3A_228 : i32 to index
          %get3A_230 = arith.constant 80 : index
          %get3A_231 = tpu.vector_load %arg10[%get3A_229, %get3A_230] {strides = array<i32>} : memref<16x128xf32, #tpu.memory_space<vmem>>, vector<16xf32>,
          %add3A_232 = arith.constant 80 : i32
          %add3A_233 = arith.addi %mul3A_163, %add3A_232 : i32
          %get3A_234 = arith.index_cast %add3A_233 : i32 to index
          %get3A_235 = tpu.vector_load %arg11[%get3A_234] {strides = array<i32>} : memref<80000xf32, #tpu.memory_space<vmem>>, vector<16xf32>,
          %max3A_236 = arith.maximumf %get3A_235, %get3A_231 : vector<16xf32>
          %add3A_237 = arith.constant 80 : i32
          %add3A_238 = arith.addi %mul3A_163, %add3A_237 : i32
          %swap3A_239 = arith.index_cast %add3A_238 : i32 to index
          %swap3A_240 = tpu.vector_load %arg11[%swap3A_239] {strides = array<i32>} : memref<80000xf32, #tpu.memory_space<vmem>>, vector<16xf32>,
          tpu.vector_store %arg11[%swap3A_239], %max3A_236 {strides = array<i32>} : memref<80000xf32, #tpu.memory_space<vmem>>, vector<16xf32>,
          %get3A_241 = arith.constant 10 : i32
          %get3A_242 = arith.index_cast %get3A_241 : i32 to index
          %get3A_243 = arith.constant 96 : index
          %get3A_244 = tpu.vector_load %arg10[%get3A_242, %get3A_243] {strides = array<i32>} : memref<16x128xf32, #tpu.memory_space<vmem>>, vector<16xf32>,
          %add3A_245 = arith.constant 96 : i32
          %add3A_246 = arith.addi %mul3A_163, %add3A_245 : i32
          %get3A_247 = arith.index_cast %add3A_246 : i32 to index
          %get3A_248 = tpu.vector_load %arg11[%get3A_247] {strides = array<i32>} : memref<80000xf32, #tpu.memory_space<vmem>>, vector<16xf32>,
          %max3A_249 = arith.maximumf %get3A_248, %get3A_244 : vector<16xf32>
          %add3A_250 = arith.constant 96 : i32
          %add3A_251 = arith.addi %mul3A_163, %add3A_250 : i32
          %swap3A_252 = arith.index_cast %add3A_251 : i32 to index
          %swap3A_253 = tpu.vector_load %arg11[%swap3A_252] {strides = array<i32>} : memref<80000xf32, #tpu.memory_space<vmem>>, vector<16xf32>,
          tpu.vector_store %arg11[%swap3A_252], %max3A_249 {strides = array<i32>} : memref<80000xf32, #tpu.memory_space<vmem>>, vector<16xf32>,
          %get3A_254 = arith.constant 10 : i32
          %get3A_255 = arith.index_cast %get3A_254 : i32 to index
          %get3A_256 = arith.constant 112 : index
          %get3A_257 = tpu.vector_load %arg10[%get3A_255, %get3A_256] {strides = array<i32>} : memref<16x128xf32, #tpu.memory_space<vmem>>, vector<16xf32>,
          %add3A_258 = arith.constant 112 : i32
          %add3A_259 = arith.addi %mul3A_163, %add3A_258 : i32
          %get3A_260 = arith.index_cast %add3A_259 : i32 to index
          %get3A_261 = tpu.vector_load %arg11[%get3A_260] {strides = array<i32>} : memref<80000xf32, #tpu.memory_space<vmem>>, vector<16xf32>,
          %max3A_262 = arith.maximumf %get3A_261, %get3A_257 : vector<16xf32>
          %add3A_263 = arith.constant 112 : i32
          %add3A_264 = arith.addi %mul3A_163, %add3A_263 : i32
          %swap3A_265 = arith.index_cast %add3A_264 : i32 to index
          %swap3A_266 = tpu.vector_load %arg11[%swap3A_265] {strides = array<i32>} : memref<80000xf32, #tpu.memory_space<vmem>>, vector<16xf32>,
          tpu.vector_store %arg11[%swap3A_265], %max3A_262 {strides = array<i32>} : memref<80000xf32, #tpu.memory_space<vmem>>, vector<16xf32>,
        } else {
        }
        %gt3A_134 = arith.constant 11 : i32
        %gt3A_135 = arith.cmpi sgt, %sub3A_81, %gt3A_134 : i32
        %convert_element_type3A_136 = arith.extui %gt3A_135 : i1 to i32
        %cond3A_137 = arith.constant 0 : i32
        %cond3A_138 = arith.cmpi ne, %convert_element_type3A_136, %cond3A_137 : i32
        scf.if %cond3A_138 {
          %slice3A_160 = vector.extract_strided_slice %get3A_80 {offsets = [11], sizes = [1], strides = [1]} : vector<16xi32> to vector<1xi32>
          %squeeze3A_161 = vector.extract %slice3A_160[0] : i32 from vector<1xi32>
          %mul3A_162 = arith.constant 128 : i32
          %mul3A_163 = arith.muli %squeeze3A_161, %mul3A_162 : i32
          %get3A_164 = arith.constant 11 : i32
          %get3A_165 = arith.index_cast %get3A_164 : i32 to index
          %get3A_166 = arith.constant 0 : index
          %get3A_167 = tpu.vector_load %arg10[%get3A_165, %get3A_166] {strides = array<i32>} : memref<16x128xf32, #tpu.memory_space<vmem>>, vector<16xf32>,
          %add3A_168 = arith.constant 0 : i32
          %add3A_169 = arith.addi %mul3A_163, %add3A_168 : i32
          %get3A_170 = arith.index_cast %add3A_169 : i32 to index
          %get3A_171 = tpu.vector_load %arg11[%get3A_170] {strides = array<i32>} : memref<80000xf32, #tpu.memory_space<vmem>>, vector<16xf32>,
          %max3A_172 = arith.maximumf %get3A_171, %get3A_167 : vector<16xf32>
          %add3A_173 = arith.constant 0 : i32
          %add3A_174 = arith.addi %mul3A_163, %add3A_173 : i32
          %swap3A = arith.index_cast %add3A_174 : i32 to index
          %swap3A_175 = tpu.vector_load %arg11[%swap3A] {strides = array<i32>} : memref<80000xf32, #tpu.memory_space<vmem>>, vector<16xf32>,
          tpu.vector_store %arg11[%swap3A], %max3A_172 {strides = array<i32>} : memref<80000xf32, #tpu.memory_space<vmem>>, vector<16xf32>,
          %get3A_176 = arith.constant 11 : i32
          %get3A_177 = arith.index_cast %get3A_176 : i32 to index
          %get3A_178 = arith.constant 16 : index
          %get3A_179 = tpu.vector_load %arg10[%get3A_177, %get3A_178] {strides = array<i32>} : memref<16x128xf32, #tpu.memory_space<vmem>>, vector<16xf32>,
          %add3A_180 = arith.constant 16 : i32
          %add3A_181 = arith.addi %mul3A_163, %add3A_180 : i32
          %get3A_182 = arith.index_cast %add3A_181 : i32 to index
          %get3A_183 = tpu.vector_load %arg11[%get3A_182] {strides = array<i32>} : memref<80000xf32, #tpu.memory_space<vmem>>, vector<16xf32>,
          %max3A_184 = arith.maximumf %get3A_183, %get3A_179 : vector<16xf32>
          %add3A_185 = arith.constant 16 : i32
          %add3A_186 = arith.addi %mul3A_163, %add3A_185 : i32
          %swap3A_187 = arith.index_cast %add3A_186 : i32 to index
          %swap3A_188 = tpu.vector_load %arg11[%swap3A_187] {strides = array<i32>} : memref<80000xf32, #tpu.memory_space<vmem>>, vector<16xf32>,
          tpu.vector_store %arg11[%swap3A_187], %max3A_184 {strides = array<i32>} : memref<80000xf32, #tpu.memory_space<vmem>>, vector<16xf32>,
          %get3A_189 = arith.constant 11 : i32
          %get3A_190 = arith.index_cast %get3A_189 : i32 to index
          %get3A_191 = arith.constant 32 : index
          %get3A_192 = tpu.vector_load %arg10[%get3A_190, %get3A_191] {strides = array<i32>} : memref<16x128xf32, #tpu.memory_space<vmem>>, vector<16xf32>,
          %add3A_193 = arith.constant 32 : i32
          %add3A_194 = arith.addi %mul3A_163, %add3A_193 : i32
          %get3A_195 = arith.index_cast %add3A_194 : i32 to index
          %get3A_196 = tpu.vector_load %arg11[%get3A_195] {strides = array<i32>} : memref<80000xf32, #tpu.memory_space<vmem>>, vector<16xf32>,
          %max3A_197 = arith.maximumf %get3A_196, %get3A_192 : vector<16xf32>
          %add3A_198 = arith.constant 32 : i32
          %add3A_199 = arith.addi %mul3A_163, %add3A_198 : i32
          %swap3A_200 = arith.index_cast %add3A_199 : i32 to index
          %swap3A_201 = tpu.vector_load %arg11[%swap3A_200] {strides = array<i32>} : memref<80000xf32, #tpu.memory_space<vmem>>, vector<16xf32>,
          tpu.vector_store %arg11[%swap3A_200], %max3A_197 {strides = array<i32>} : memref<80000xf32, #tpu.memory_space<vmem>>, vector<16xf32>,
          %get3A_202 = arith.constant 11 : i32
          %get3A_203 = arith.index_cast %get3A_202 : i32 to index
          %get3A_204 = arith.constant 48 : index
          %get3A_205 = tpu.vector_load %arg10[%get3A_203, %get3A_204] {strides = array<i32>} : memref<16x128xf32, #tpu.memory_space<vmem>>, vector<16xf32>,
          %add3A_206 = arith.constant 48 : i32
          %add3A_207 = arith.addi %mul3A_163, %add3A_206 : i32
          %get3A_208 = arith.index_cast %add3A_207 : i32 to index
          %get3A_209 = tpu.vector_load %arg11[%get3A_208] {strides = array<i32>} : memref<80000xf32, #tpu.memory_space<vmem>>, vector<16xf32>,
          %max3A_210 = arith.maximumf %get3A_209, %get3A_205 : vector<16xf32>
          %add3A_211 = arith.constant 48 : i32
          %add3A_212 = arith.addi %mul3A_163, %add3A_211 : i32
          %swap3A_213 = arith.index_cast %add3A_212 : i32 to index
          %swap3A_214 = tpu.vector_load %arg11[%swap3A_213] {strides = array<i32>} : memref<80000xf32, #tpu.memory_space<vmem>>, vector<16xf32>,
          tpu.vector_store %arg11[%swap3A_213], %max3A_210 {strides = array<i32>} : memref<80000xf32, #tpu.memory_space<vmem>>, vector<16xf32>,
          %get3A_215 = arith.constant 11 : i32
          %get3A_216 = arith.index_cast %get3A_215 : i32 to index
          %get3A_217 = arith.constant 64 : index
          %get3A_218 = tpu.vector_load %arg10[%get3A_216, %get3A_217] {strides = array<i32>} : memref<16x128xf32, #tpu.memory_space<vmem>>, vector<16xf32>,
          %add3A_219 = arith.constant 64 : i32
          %add3A_220 = arith.addi %mul3A_163, %add3A_219 : i32
          %get3A_221 = arith.index_cast %add3A_220 : i32 to index
          %get3A_222 = tpu.vector_load %arg11[%get3A_221] {strides = array<i32>} : memref<80000xf32, #tpu.memory_space<vmem>>, vector<16xf32>,
          %max3A_223 = arith.maximumf %get3A_222, %get3A_218 : vector<16xf32>
          %add3A_224 = arith.constant 64 : i32
          %add3A_225 = arith.addi %mul3A_163, %add3A_224 : i32
          %swap3A_226 = arith.index_cast %add3A_225 : i32 to index
          %swap3A_227 = tpu.vector_load %arg11[%swap3A_226] {strides = array<i32>} : memref<80000xf32, #tpu.memory_space<vmem>>, vector<16xf32>,
          tpu.vector_store %arg11[%swap3A_226], %max3A_223 {strides = array<i32>} : memref<80000xf32, #tpu.memory_space<vmem>>, vector<16xf32>,
          %get3A_228 = arith.constant 11 : i32
          %get3A_229 = arith.index_cast %get3A_228 : i32 to index
          %get3A_230 = arith.constant 80 : index
          %get3A_231 = tpu.vector_load %arg10[%get3A_229, %get3A_230] {strides = array<i32>} : memref<16x128xf32, #tpu.memory_space<vmem>>, vector<16xf32>,
          %add3A_232 = arith.constant 80 : i32
          %add3A_233 = arith.addi %mul3A_163, %add3A_232 : i32
          %get3A_234 = arith.index_cast %add3A_233 : i32 to index
          %get3A_235 = tpu.vector_load %arg11[%get3A_234] {strides = array<i32>} : memref<80000xf32, #tpu.memory_space<vmem>>, vector<16xf32>,
          %max3A_236 = arith.maximumf %get3A_235, %get3A_231 : vector<16xf32>
          %add3A_237 = arith.constant 80 : i32
          %add3A_238 = arith.addi %mul3A_163, %add3A_237 : i32
          %swap3A_239 = arith.index_cast %add3A_238 : i32 to index
          %swap3A_240 = tpu.vector_load %arg11[%swap3A_239] {strides = array<i32>} : memref<80000xf32, #tpu.memory_space<vmem>>, vector<16xf32>,
          tpu.vector_store %arg11[%swap3A_239], %max3A_236 {strides = array<i32>} : memref<80000xf32, #tpu.memory_space<vmem>>, vector<16xf32>,
          %get3A_241 = arith.constant 11 : i32
          %get3A_242 = arith.index_cast %get3A_241 : i32 to index
          %get3A_243 = arith.constant 96 : index
          %get3A_244 = tpu.vector_load %arg10[%get3A_242, %get3A_243] {strides = array<i32>} : memref<16x128xf32, #tpu.memory_space<vmem>>, vector<16xf32>,
          %add3A_245 = arith.constant 96 : i32
          %add3A_246 = arith.addi %mul3A_163, %add3A_245 : i32
          %get3A_247 = arith.index_cast %add3A_246 : i32 to index
          %get3A_248 = tpu.vector_load %arg11[%get3A_247] {strides = array<i32>} : memref<80000xf32, #tpu.memory_space<vmem>>, vector<16xf32>,
          %max3A_249 = arith.maximumf %get3A_248, %get3A_244 : vector<16xf32>
          %add3A_250 = arith.constant 96 : i32
          %add3A_251 = arith.addi %mul3A_163, %add3A_250 : i32
          %swap3A_252 = arith.index_cast %add3A_251 : i32 to index
          %swap3A_253 = tpu.vector_load %arg11[%swap3A_252] {strides = array<i32>} : memref<80000xf32, #tpu.memory_space<vmem>>, vector<16xf32>,
          tpu.vector_store %arg11[%swap3A_252], %max3A_249 {strides = array<i32>} : memref<80000xf32, #tpu.memory_space<vmem>>, vector<16xf32>,
          %get3A_254 = arith.constant 11 : i32
          %get3A_255 = arith.index_cast %get3A_254 : i32 to index
          %get3A_256 = arith.constant 112 : index
          %get3A_257 = tpu.vector_load %arg10[%get3A_255, %get3A_256] {strides = array<i32>} : memref<16x128xf32, #tpu.memory_space<vmem>>, vector<16xf32>,
          %add3A_258 = arith.constant 112 : i32
          %add3A_259 = arith.addi %mul3A_163, %add3A_258 : i32
          %get3A_260 = arith.index_cast %add3A_259 : i32 to index
          %get3A_261 = tpu.vector_load %arg11[%get3A_260] {strides = array<i32>} : memref<80000xf32, #tpu.memory_space<vmem>>, vector<16xf32>,
          %max3A_262 = arith.maximumf %get3A_261, %get3A_257 : vector<16xf32>
          %add3A_263 = arith.constant 112 : i32
          %add3A_264 = arith.addi %mul3A_163, %add3A_263 : i32
          %swap3A_265 = arith.index_cast %add3A_264 : i32 to index
          %swap3A_266 = tpu.vector_load %arg11[%swap3A_265] {strides = array<i32>} : memref<80000xf32, #tpu.memory_space<vmem>>, vector<16xf32>,
          tpu.vector_store %arg11[%swap3A_265], %max3A_262 {strides = array<i32>} : memref<80000xf32, #tpu.memory_space<vmem>>, vector<16xf32>,
        } else {
        }
        %gt3A_139 = arith.constant 12 : i32
        %gt3A_140 = arith.cmpi sgt, %sub3A_81, %gt3A_139 : i32
        %convert_element_type3A_141 = arith.extui %gt3A_140 : i1 to i32
        %cond3A_142 = arith.constant 0 : i32
        %cond3A_143 = arith.cmpi ne, %convert_element_type3A_141, %cond3A_142 : i32
        scf.if %cond3A_143 {
          %slice3A_160 = vector.extract_strided_slice %get3A_80 {offsets = [12], sizes = [1], strides = [1]} : vector<16xi32> to vector<1xi32>
          %squeeze3A_161 = vector.extract %slice3A_160[0] : i32 from vector<1xi32>
          %mul3A_162 = arith.constant 128 : i32
          %mul3A_163 = arith.muli %squeeze3A_161, %mul3A_162 : i32
          %get3A_164 = arith.constant 12 : i32
          %get3A_165 = arith.index_cast %get3A_164 : i32 to index
          %get3A_166 = arith.constant 0 : index
          %get3A_167 = tpu.vector_load %arg10[%get3A_165, %get3A_166] {strides = array<i32>} : memref<16x128xf32, #tpu.memory_space<vmem>>, vector<16xf32>,
          %add3A_168 = arith.constant 0 : i32
          %add3A_169 = arith.addi %mul3A_163, %add3A_168 : i32
          %get3A_170 = arith.index_cast %add3A_169 : i32 to index
          %get3A_171 = tpu.vector_load %arg11[%get3A_170] {strides = array<i32>} : memref<80000xf32, #tpu.memory_space<vmem>>, vector<16xf32>,
          %max3A_172 = arith.maximumf %get3A_171, %get3A_167 : vector<16xf32>
          %add3A_173 = arith.constant 0 : i32
          %add3A_174 = arith.addi %mul3A_163, %add3A_173 : i32
          %swap3A = arith.index_cast %add3A_174 : i32 to index
          %swap3A_175 = tpu.vector_load %arg11[%swap3A] {strides = array<i32>} : memref<80000xf32, #tpu.memory_space<vmem>>, vector<16xf32>,
          tpu.vector_store %arg11[%swap3A], %max3A_172 {strides = array<i32>} : memref<80000xf32, #tpu.memory_space<vmem>>, vector<16xf32>,
          %get3A_176 = arith.constant 12 : i32
          %get3A_177 = arith.index_cast %get3A_176 : i32 to index
          %get3A_178 = arith.constant 16 : index
          %get3A_179 = tpu.vector_load %arg10[%get3A_177, %get3A_178] {strides = array<i32>} : memref<16x128xf32, #tpu.memory_space<vmem>>, vector<16xf32>,
          %add3A_180 = arith.constant 16 : i32
          %add3A_181 = arith.addi %mul3A_163, %add3A_180 : i32
          %get3A_182 = arith.index_cast %add3A_181 : i32 to index
          %get3A_183 = tpu.vector_load %arg11[%get3A_182] {strides = array<i32>} : memref<80000xf32, #tpu.memory_space<vmem>>, vector<16xf32>,
          %max3A_184 = arith.maximumf %get3A_183, %get3A_179 : vector<16xf32>
          %add3A_185 = arith.constant 16 : i32
          %add3A_186 = arith.addi %mul3A_163, %add3A_185 : i32
          %swap3A_187 = arith.index_cast %add3A_186 : i32 to index
          %swap3A_188 = tpu.vector_load %arg11[%swap3A_187] {strides = array<i32>} : memref<80000xf32, #tpu.memory_space<vmem>>, vector<16xf32>,
          tpu.vector_store %arg11[%swap3A_187], %max3A_184 {strides = array<i32>} : memref<80000xf32, #tpu.memory_space<vmem>>, vector<16xf32>,
          %get3A_189 = arith.constant 12 : i32
          %get3A_190 = arith.index_cast %get3A_189 : i32 to index
          %get3A_191 = arith.constant 32 : index
          %get3A_192 = tpu.vector_load %arg10[%get3A_190, %get3A_191] {strides = array<i32>} : memref<16x128xf32, #tpu.memory_space<vmem>>, vector<16xf32>,
          %add3A_193 = arith.constant 32 : i32
          %add3A_194 = arith.addi %mul3A_163, %add3A_193 : i32
          %get3A_195 = arith.index_cast %add3A_194 : i32 to index
          %get3A_196 = tpu.vector_load %arg11[%get3A_195] {strides = array<i32>} : memref<80000xf32, #tpu.memory_space<vmem>>, vector<16xf32>,
          %max3A_197 = arith.maximumf %get3A_196, %get3A_192 : vector<16xf32>
          %add3A_198 = arith.constant 32 : i32
          %add3A_199 = arith.addi %mul3A_163, %add3A_198 : i32
          %swap3A_200 = arith.index_cast %add3A_199 : i32 to index
          %swap3A_201 = tpu.vector_load %arg11[%swap3A_200] {strides = array<i32>} : memref<80000xf32, #tpu.memory_space<vmem>>, vector<16xf32>,
          tpu.vector_store %arg11[%swap3A_200], %max3A_197 {strides = array<i32>} : memref<80000xf32, #tpu.memory_space<vmem>>, vector<16xf32>,
          %get3A_202 = arith.constant 12 : i32
          %get3A_203 = arith.index_cast %get3A_202 : i32 to index
          %get3A_204 = arith.constant 48 : index
          %get3A_205 = tpu.vector_load %arg10[%get3A_203, %get3A_204] {strides = array<i32>} : memref<16x128xf32, #tpu.memory_space<vmem>>, vector<16xf32>,
          %add3A_206 = arith.constant 48 : i32
          %add3A_207 = arith.addi %mul3A_163, %add3A_206 : i32
          %get3A_208 = arith.index_cast %add3A_207 : i32 to index
          %get3A_209 = tpu.vector_load %arg11[%get3A_208] {strides = array<i32>} : memref<80000xf32, #tpu.memory_space<vmem>>, vector<16xf32>,
          %max3A_210 = arith.maximumf %get3A_209, %get3A_205 : vector<16xf32>
          %add3A_211 = arith.constant 48 : i32
          %add3A_212 = arith.addi %mul3A_163, %add3A_211 : i32
          %swap3A_213 = arith.index_cast %add3A_212 : i32 to index
          %swap3A_214 = tpu.vector_load %arg11[%swap3A_213] {strides = array<i32>} : memref<80000xf32, #tpu.memory_space<vmem>>, vector<16xf32>,
          tpu.vector_store %arg11[%swap3A_213], %max3A_210 {strides = array<i32>} : memref<80000xf32, #tpu.memory_space<vmem>>, vector<16xf32>,
          %get3A_215 = arith.constant 12 : i32
          %get3A_216 = arith.index_cast %get3A_215 : i32 to index
          %get3A_217 = arith.constant 64 : index
          %get3A_218 = tpu.vector_load %arg10[%get3A_216, %get3A_217] {strides = array<i32>} : memref<16x128xf32, #tpu.memory_space<vmem>>, vector<16xf32>,
          %add3A_219 = arith.constant 64 : i32
          %add3A_220 = arith.addi %mul3A_163, %add3A_219 : i32
          %get3A_221 = arith.index_cast %add3A_220 : i32 to index
          %get3A_222 = tpu.vector_load %arg11[%get3A_221] {strides = array<i32>} : memref<80000xf32, #tpu.memory_space<vmem>>, vector<16xf32>,
          %max3A_223 = arith.maximumf %get3A_222, %get3A_218 : vector<16xf32>
          %add3A_224 = arith.constant 64 : i32
          %add3A_225 = arith.addi %mul3A_163, %add3A_224 : i32
          %swap3A_226 = arith.index_cast %add3A_225 : i32 to index
          %swap3A_227 = tpu.vector_load %arg11[%swap3A_226] {strides = array<i32>} : memref<80000xf32, #tpu.memory_space<vmem>>, vector<16xf32>,
          tpu.vector_store %arg11[%swap3A_226], %max3A_223 {strides = array<i32>} : memref<80000xf32, #tpu.memory_space<vmem>>, vector<16xf32>,
          %get3A_228 = arith.constant 12 : i32
          %get3A_229 = arith.index_cast %get3A_228 : i32 to index
          %get3A_230 = arith.constant 80 : index
          %get3A_231 = tpu.vector_load %arg10[%get3A_229, %get3A_230] {strides = array<i32>} : memref<16x128xf32, #tpu.memory_space<vmem>>, vector<16xf32>,
          %add3A_232 = arith.constant 80 : i32
          %add3A_233 = arith.addi %mul3A_163, %add3A_232 : i32
          %get3A_234 = arith.index_cast %add3A_233 : i32 to index
          %get3A_235 = tpu.vector_load %arg11[%get3A_234] {strides = array<i32>} : memref<80000xf32, #tpu.memory_space<vmem>>, vector<16xf32>,
          %max3A_236 = arith.maximumf %get3A_235, %get3A_231 : vector<16xf32>
          %add3A_237 = arith.constant 80 : i32
          %add3A_238 = arith.addi %mul3A_163, %add3A_237 : i32
          %swap3A_239 = arith.index_cast %add3A_238 : i32 to index
          %swap3A_240 = tpu.vector_load %arg11[%swap3A_239] {strides = array<i32>} : memref<80000xf32, #tpu.memory_space<vmem>>, vector<16xf32>,
          tpu.vector_store %arg11[%swap3A_239], %max3A_236 {strides = array<i32>} : memref<80000xf32, #tpu.memory_space<vmem>>, vector<16xf32>,
          %get3A_241 = arith.constant 12 : i32
          %get3A_242 = arith.index_cast %get3A_241 : i32 to index
          %get3A_243 = arith.constant 96 : index
          %get3A_244 = tpu.vector_load %arg10[%get3A_242, %get3A_243] {strides = array<i32>} : memref<16x128xf32, #tpu.memory_space<vmem>>, vector<16xf32>,
          %add3A_245 = arith.constant 96 : i32
          %add3A_246 = arith.addi %mul3A_163, %add3A_245 : i32
          %get3A_247 = arith.index_cast %add3A_246 : i32 to index
          %get3A_248 = tpu.vector_load %arg11[%get3A_247] {strides = array<i32>} : memref<80000xf32, #tpu.memory_space<vmem>>, vector<16xf32>,
          %max3A_249 = arith.maximumf %get3A_248, %get3A_244 : vector<16xf32>
          %add3A_250 = arith.constant 96 : i32
          %add3A_251 = arith.addi %mul3A_163, %add3A_250 : i32
          %swap3A_252 = arith.index_cast %add3A_251 : i32 to index
          %swap3A_253 = tpu.vector_load %arg11[%swap3A_252] {strides = array<i32>} : memref<80000xf32, #tpu.memory_space<vmem>>, vector<16xf32>,
          tpu.vector_store %arg11[%swap3A_252], %max3A_249 {strides = array<i32>} : memref<80000xf32, #tpu.memory_space<vmem>>, vector<16xf32>,
          %get3A_254 = arith.constant 12 : i32
          %get3A_255 = arith.index_cast %get3A_254 : i32 to index
          %get3A_256 = arith.constant 112 : index
          %get3A_257 = tpu.vector_load %arg10[%get3A_255, %get3A_256] {strides = array<i32>} : memref<16x128xf32, #tpu.memory_space<vmem>>, vector<16xf32>,
          %add3A_258 = arith.constant 112 : i32
          %add3A_259 = arith.addi %mul3A_163, %add3A_258 : i32
          %get3A_260 = arith.index_cast %add3A_259 : i32 to index
          %get3A_261 = tpu.vector_load %arg11[%get3A_260] {strides = array<i32>} : memref<80000xf32, #tpu.memory_space<vmem>>, vector<16xf32>,
          %max3A_262 = arith.maximumf %get3A_261, %get3A_257 : vector<16xf32>
          %add3A_263 = arith.constant 112 : i32
          %add3A_264 = arith.addi %mul3A_163, %add3A_263 : i32
          %swap3A_265 = arith.index_cast %add3A_264 : i32 to index
          %swap3A_266 = tpu.vector_load %arg11[%swap3A_265] {strides = array<i32>} : memref<80000xf32, #tpu.memory_space<vmem>>, vector<16xf32>,
          tpu.vector_store %arg11[%swap3A_265], %max3A_262 {strides = array<i32>} : memref<80000xf32, #tpu.memory_space<vmem>>, vector<16xf32>,
        } else {
        }
        %gt3A_144 = arith.constant 13 : i32
        %gt3A_145 = arith.cmpi sgt, %sub3A_81, %gt3A_144 : i32
        %convert_element_type3A_146 = arith.extui %gt3A_145 : i1 to i32
        %cond3A_147 = arith.constant 0 : i32
        %cond3A_148 = arith.cmpi ne, %convert_element_type3A_146, %cond3A_147 : i32
        scf.if %cond3A_148 {
          %slice3A_160 = vector.extract_strided_slice %get3A_80 {offsets = [13], sizes = [1], strides = [1]} : vector<16xi32> to vector<1xi32>
          %squeeze3A_161 = vector.extract %slice3A_160[0] : i32 from vector<1xi32>
          %mul3A_162 = arith.constant 128 : i32
          %mul3A_163 = arith.muli %squeeze3A_161, %mul3A_162 : i32
          %get3A_164 = arith.constant 13 : i32
          %get3A_165 = arith.index_cast %get3A_164 : i32 to index
          %get3A_166 = arith.constant 0 : index
          %get3A_167 = tpu.vector_load %arg10[%get3A_165, %get3A_166] {strides = array<i32>} : memref<16x128xf32, #tpu.memory_space<vmem>>, vector<16xf32>,
          %add3A_168 = arith.constant 0 : i32
          %add3A_169 = arith.addi %mul3A_163, %add3A_168 : i32
          %get3A_170 = arith.index_cast %add3A_169 : i32 to index
          %get3A_171 = tpu.vector_load %arg11[%get3A_170] {strides = array<i32>} : memref<80000xf32, #tpu.memory_space<vmem>>, vector<16xf32>,
          %max3A_172 = arith.maximumf %get3A_171, %get3A_167 : vector<16xf32>
          %add3A_173 = arith.constant 0 : i32
          %add3A_174 = arith.addi %mul3A_163, %add3A_173 : i32
          %swap3A = arith.index_cast %add3A_174 : i32 to index
          %swap3A_175 = tpu.vector_load %arg11[%swap3A] {strides = array<i32>} : memref<80000xf32, #tpu.memory_space<vmem>>, vector<16xf32>,
          tpu.vector_store %arg11[%swap3A], %max3A_172 {strides = array<i32>} : memref<80000xf32, #tpu.memory_space<vmem>>, vector<16xf32>,
          %get3A_176 = arith.constant 13 : i32
          %get3A_177 = arith.index_cast %get3A_176 : i32 to index
          %get3A_178 = arith.constant 16 : index
          %get3A_179 = tpu.vector_load %arg10[%get3A_177, %get3A_178] {strides = array<i32>} : memref<16x128xf32, #tpu.memory_space<vmem>>, vector<16xf32>,
          %add3A_180 = arith.constant 16 : i32
          %add3A_181 = arith.addi %mul3A_163, %add3A_180 : i32
          %get3A_182 = arith.index_cast %add3A_181 : i32 to index
          %get3A_183 = tpu.vector_load %arg11[%get3A_182] {strides = array<i32>} : memref<80000xf32, #tpu.memory_space<vmem>>, vector<16xf32>,
          %max3A_184 = arith.maximumf %get3A_183, %get3A_179 : vector<16xf32>
          %add3A_185 = arith.constant 16 : i32
          %add3A_186 = arith.addi %mul3A_163, %add3A_185 : i32
          %swap3A_187 = arith.index_cast %add3A_186 : i32 to index
          %swap3A_188 = tpu.vector_load %arg11[%swap3A_187] {strides = array<i32>} : memref<80000xf32, #tpu.memory_space<vmem>>, vector<16xf32>,
          tpu.vector_store %arg11[%swap3A_187], %max3A_184 {strides = array<i32>} : memref<80000xf32, #tpu.memory_space<vmem>>, vector<16xf32>,
          %get3A_189 = arith.constant 13 : i32
          %get3A_190 = arith.index_cast %get3A_189 : i32 to index
          %get3A_191 = arith.constant 32 : index
          %get3A_192 = tpu.vector_load %arg10[%get3A_190, %get3A_191] {strides = array<i32>} : memref<16x128xf32, #tpu.memory_space<vmem>>, vector<16xf32>,
          %add3A_193 = arith.constant 32 : i32
          %add3A_194 = arith.addi %mul3A_163, %add3A_193 : i32
          %get3A_195 = arith.index_cast %add3A_194 : i32 to index
          %get3A_196 = tpu.vector_load %arg11[%get3A_195] {strides = array<i32>} : memref<80000xf32, #tpu.memory_space<vmem>>, vector<16xf32>,
          %max3A_197 = arith.maximumf %get3A_196, %get3A_192 : vector<16xf32>
          %add3A_198 = arith.constant 32 : i32
          %add3A_199 = arith.addi %mul3A_163, %add3A_198 : i32
          %swap3A_200 = arith.index_cast %add3A_199 : i32 to index
          %swap3A_201 = tpu.vector_load %arg11[%swap3A_200] {strides = array<i32>} : memref<80000xf32, #tpu.memory_space<vmem>>, vector<16xf32>,
          tpu.vector_store %arg11[%swap3A_200], %max3A_197 {strides = array<i32>} : memref<80000xf32, #tpu.memory_space<vmem>>, vector<16xf32>,
          %get3A_202 = arith.constant 13 : i32
          %get3A_203 = arith.index_cast %get3A_202 : i32 to index
          %get3A_204 = arith.constant 48 : index
          %get3A_205 = tpu.vector_load %arg10[%get3A_203, %get3A_204] {strides = array<i32>} : memref<16x128xf32, #tpu.memory_space<vmem>>, vector<16xf32>,
          %add3A_206 = arith.constant 48 : i32
          %add3A_207 = arith.addi %mul3A_163, %add3A_206 : i32
          %get3A_208 = arith.index_cast %add3A_207 : i32 to index
          %get3A_209 = tpu.vector_load %arg11[%get3A_208] {strides = array<i32>} : memref<80000xf32, #tpu.memory_space<vmem>>, vector<16xf32>,
          %max3A_210 = arith.maximumf %get3A_209, %get3A_205 : vector<16xf32>
          %add3A_211 = arith.constant 48 : i32
          %add3A_212 = arith.addi %mul3A_163, %add3A_211 : i32
          %swap3A_213 = arith.index_cast %add3A_212 : i32 to index
          %swap3A_214 = tpu.vector_load %arg11[%swap3A_213] {strides = array<i32>} : memref<80000xf32, #tpu.memory_space<vmem>>, vector<16xf32>,
          tpu.vector_store %arg11[%swap3A_213], %max3A_210 {strides = array<i32>} : memref<80000xf32, #tpu.memory_space<vmem>>, vector<16xf32>,
          %get3A_215 = arith.constant 13 : i32
          %get3A_216 = arith.index_cast %get3A_215 : i32 to index
          %get3A_217 = arith.constant 64 : index
          %get3A_218 = tpu.vector_load %arg10[%get3A_216, %get3A_217] {strides = array<i32>} : memref<16x128xf32, #tpu.memory_space<vmem>>, vector<16xf32>,
          %add3A_219 = arith.constant 64 : i32
          %add3A_220 = arith.addi %mul3A_163, %add3A_219 : i32
          %get3A_221 = arith.index_cast %add3A_220 : i32 to index
          %get3A_222 = tpu.vector_load %arg11[%get3A_221] {strides = array<i32>} : memref<80000xf32, #tpu.memory_space<vmem>>, vector<16xf32>,
          %max3A_223 = arith.maximumf %get3A_222, %get3A_218 : vector<16xf32>
          %add3A_224 = arith.constant 64 : i32
          %add3A_225 = arith.addi %mul3A_163, %add3A_224 : i32
          %swap3A_226 = arith.index_cast %add3A_225 : i32 to index
          %swap3A_227 = tpu.vector_load %arg11[%swap3A_226] {strides = array<i32>} : memref<80000xf32, #tpu.memory_space<vmem>>, vector<16xf32>,
          tpu.vector_store %arg11[%swap3A_226], %max3A_223 {strides = array<i32>} : memref<80000xf32, #tpu.memory_space<vmem>>, vector<16xf32>,
          %get3A_228 = arith.constant 13 : i32
          %get3A_229 = arith.index_cast %get3A_228 : i32 to index
          %get3A_230 = arith.constant 80 : index
          %get3A_231 = tpu.vector_load %arg10[%get3A_229, %get3A_230] {strides = array<i32>} : memref<16x128xf32, #tpu.memory_space<vmem>>, vector<16xf32>,
          %add3A_232 = arith.constant 80 : i32
          %add3A_233 = arith.addi %mul3A_163, %add3A_232 : i32
          %get3A_234 = arith.index_cast %add3A_233 : i32 to index
          %get3A_235 = tpu.vector_load %arg11[%get3A_234] {strides = array<i32>} : memref<80000xf32, #tpu.memory_space<vmem>>, vector<16xf32>,
          %max3A_236 = arith.maximumf %get3A_235, %get3A_231 : vector<16xf32>
          %add3A_237 = arith.constant 80 : i32
          %add3A_238 = arith.addi %mul3A_163, %add3A_237 : i32
          %swap3A_239 = arith.index_cast %add3A_238 : i32 to index
          %swap3A_240 = tpu.vector_load %arg11[%swap3A_239] {strides = array<i32>} : memref<80000xf32, #tpu.memory_space<vmem>>, vector<16xf32>,
          tpu.vector_store %arg11[%swap3A_239], %max3A_236 {strides = array<i32>} : memref<80000xf32, #tpu.memory_space<vmem>>, vector<16xf32>,
          %get3A_241 = arith.constant 13 : i32
          %get3A_242 = arith.index_cast %get3A_241 : i32 to index
          %get3A_243 = arith.constant 96 : index
          %get3A_244 = tpu.vector_load %arg10[%get3A_242, %get3A_243] {strides = array<i32>} : memref<16x128xf32, #tpu.memory_space<vmem>>, vector<16xf32>,
          %add3A_245 = arith.constant 96 : i32
          %add3A_246 = arith.addi %mul3A_163, %add3A_245 : i32
          %get3A_247 = arith.index_cast %add3A_246 : i32 to index
          %get3A_248 = tpu.vector_load %arg11[%get3A_247] {strides = array<i32>} : memref<80000xf32, #tpu.memory_space<vmem>>, vector<16xf32>,
          %max3A_249 = arith.maximumf %get3A_248, %get3A_244 : vector<16xf32>
          %add3A_250 = arith.constant 96 : i32
          %add3A_251 = arith.addi %mul3A_163, %add3A_250 : i32
          %swap3A_252 = arith.index_cast %add3A_251 : i32 to index
          %swap3A_253 = tpu.vector_load %arg11[%swap3A_252] {strides = array<i32>} : memref<80000xf32, #tpu.memory_space<vmem>>, vector<16xf32>,
          tpu.vector_store %arg11[%swap3A_252], %max3A_249 {strides = array<i32>} : memref<80000xf32, #tpu.memory_space<vmem>>, vector<16xf32>,
          %get3A_254 = arith.constant 13 : i32
          %get3A_255 = arith.index_cast %get3A_254 : i32 to index
          %get3A_256 = arith.constant 112 : index
          %get3A_257 = tpu.vector_load %arg10[%get3A_255, %get3A_256] {strides = array<i32>} : memref<16x128xf32, #tpu.memory_space<vmem>>, vector<16xf32>,
          %add3A_258 = arith.constant 112 : i32
          %add3A_259 = arith.addi %mul3A_163, %add3A_258 : i32
          %get3A_260 = arith.index_cast %add3A_259 : i32 to index
          %get3A_261 = tpu.vector_load %arg11[%get3A_260] {strides = array<i32>} : memref<80000xf32, #tpu.memory_space<vmem>>, vector<16xf32>,
          %max3A_262 = arith.maximumf %get3A_261, %get3A_257 : vector<16xf32>
          %add3A_263 = arith.constant 112 : i32
          %add3A_264 = arith.addi %mul3A_163, %add3A_263 : i32
          %swap3A_265 = arith.index_cast %add3A_264 : i32 to index
          %swap3A_266 = tpu.vector_load %arg11[%swap3A_265] {strides = array<i32>} : memref<80000xf32, #tpu.memory_space<vmem>>, vector<16xf32>,
          tpu.vector_store %arg11[%swap3A_265], %max3A_262 {strides = array<i32>} : memref<80000xf32, #tpu.memory_space<vmem>>, vector<16xf32>,
        } else {
        }
        %gt3A_149 = arith.constant 14 : i32
        %gt3A_150 = arith.cmpi sgt, %sub3A_81, %gt3A_149 : i32
        %convert_element_type3A_151 = arith.extui %gt3A_150 : i1 to i32
        %cond3A_152 = arith.constant 0 : i32
        %cond3A_153 = arith.cmpi ne, %convert_element_type3A_151, %cond3A_152 : i32
        scf.if %cond3A_153 {
          %slice3A_160 = vector.extract_strided_slice %get3A_80 {offsets = [14], sizes = [1], strides = [1]} : vector<16xi32> to vector<1xi32>
          %squeeze3A_161 = vector.extract %slice3A_160[0] : i32 from vector<1xi32>
          %mul3A_162 = arith.constant 128 : i32
          %mul3A_163 = arith.muli %squeeze3A_161, %mul3A_162 : i32
          %get3A_164 = arith.constant 14 : i32
          %get3A_165 = arith.index_cast %get3A_164 : i32 to index
          %get3A_166 = arith.constant 0 : index
          %get3A_167 = tpu.vector_load %arg10[%get3A_165, %get3A_166] {strides = array<i32>} : memref<16x128xf32, #tpu.memory_space<vmem>>, vector<16xf32>,
          %add3A_168 = arith.constant 0 : i32
          %add3A_169 = arith.addi %mul3A_163, %add3A_168 : i32
          %get3A_170 = arith.index_cast %add3A_169 : i32 to index
          %get3A_171 = tpu.vector_load %arg11[%get3A_170] {strides = array<i32>} : memref<80000xf32, #tpu.memory_space<vmem>>, vector<16xf32>,
          %max3A_172 = arith.maximumf %get3A_171, %get3A_167 : vector<16xf32>
          %add3A_173 = arith.constant 0 : i32
          %add3A_174 = arith.addi %mul3A_163, %add3A_173 : i32
          %swap3A = arith.index_cast %add3A_174 : i32 to index
          %swap3A_175 = tpu.vector_load %arg11[%swap3A] {strides = array<i32>} : memref<80000xf32, #tpu.memory_space<vmem>>, vector<16xf32>,
          tpu.vector_store %arg11[%swap3A], %max3A_172 {strides = array<i32>} : memref<80000xf32, #tpu.memory_space<vmem>>, vector<16xf32>,
          %get3A_176 = arith.constant 14 : i32
          %get3A_177 = arith.index_cast %get3A_176 : i32 to index
          %get3A_178 = arith.constant 16 : index
          %get3A_179 = tpu.vector_load %arg10[%get3A_177, %get3A_178] {strides = array<i32>} : memref<16x128xf32, #tpu.memory_space<vmem>>, vector<16xf32>,
          %add3A_180 = arith.constant 16 : i32
          %add3A_181 = arith.addi %mul3A_163, %add3A_180 : i32
          %get3A_182 = arith.index_cast %add3A_181 : i32 to index
          %get3A_183 = tpu.vector_load %arg11[%get3A_182] {strides = array<i32>} : memref<80000xf32, #tpu.memory_space<vmem>>, vector<16xf32>,
          %max3A_184 = arith.maximumf %get3A_183, %get3A_179 : vector<16xf32>
          %add3A_185 = arith.constant 16 : i32
          %add3A_186 = arith.addi %mul3A_163, %add3A_185 : i32
          %swap3A_187 = arith.index_cast %add3A_186 : i32 to index
          %swap3A_188 = tpu.vector_load %arg11[%swap3A_187] {strides = array<i32>} : memref<80000xf32, #tpu.memory_space<vmem>>, vector<16xf32>,
          tpu.vector_store %arg11[%swap3A_187], %max3A_184 {strides = array<i32>} : memref<80000xf32, #tpu.memory_space<vmem>>, vector<16xf32>,
          %get3A_189 = arith.constant 14 : i32
          %get3A_190 = arith.index_cast %get3A_189 : i32 to index
          %get3A_191 = arith.constant 32 : index
          %get3A_192 = tpu.vector_load %arg10[%get3A_190, %get3A_191] {strides = array<i32>} : memref<16x128xf32, #tpu.memory_space<vmem>>, vector<16xf32>,
          %add3A_193 = arith.constant 32 : i32
          %add3A_194 = arith.addi %mul3A_163, %add3A_193 : i32
          %get3A_195 = arith.index_cast %add3A_194 : i32 to index
          %get3A_196 = tpu.vector_load %arg11[%get3A_195] {strides = array<i32>} : memref<80000xf32, #tpu.memory_space<vmem>>, vector<16xf32>,
          %max3A_197 = arith.maximumf %get3A_196, %get3A_192 : vector<16xf32>
          %add3A_198 = arith.constant 32 : i32
          %add3A_199 = arith.addi %mul3A_163, %add3A_198 : i32
          %swap3A_200 = arith.index_cast %add3A_199 : i32 to index
          %swap3A_201 = tpu.vector_load %arg11[%swap3A_200] {strides = array<i32>} : memref<80000xf32, #tpu.memory_space<vmem>>, vector<16xf32>,
          tpu.vector_store %arg11[%swap3A_200], %max3A_197 {strides = array<i32>} : memref<80000xf32, #tpu.memory_space<vmem>>, vector<16xf32>,
          %get3A_202 = arith.constant 14 : i32
          %get3A_203 = arith.index_cast %get3A_202 : i32 to index
          %get3A_204 = arith.constant 48 : index
          %get3A_205 = tpu.vector_load %arg10[%get3A_203, %get3A_204] {strides = array<i32>} : memref<16x128xf32, #tpu.memory_space<vmem>>, vector<16xf32>,
          %add3A_206 = arith.constant 48 : i32
          %add3A_207 = arith.addi %mul3A_163, %add3A_206 : i32
          %get3A_208 = arith.index_cast %add3A_207 : i32 to index
          %get3A_209 = tpu.vector_load %arg11[%get3A_208] {strides = array<i32>} : memref<80000xf32, #tpu.memory_space<vmem>>, vector<16xf32>,
          %max3A_210 = arith.maximumf %get3A_209, %get3A_205 : vector<16xf32>
          %add3A_211 = arith.constant 48 : i32
          %add3A_212 = arith.addi %mul3A_163, %add3A_211 : i32
          %swap3A_213 = arith.index_cast %add3A_212 : i32 to index
          %swap3A_214 = tpu.vector_load %arg11[%swap3A_213] {strides = array<i32>} : memref<80000xf32, #tpu.memory_space<vmem>>, vector<16xf32>,
          tpu.vector_store %arg11[%swap3A_213], %max3A_210 {strides = array<i32>} : memref<80000xf32, #tpu.memory_space<vmem>>, vector<16xf32>,
          %get3A_215 = arith.constant 14 : i32
          %get3A_216 = arith.index_cast %get3A_215 : i32 to index
          %get3A_217 = arith.constant 64 : index
          %get3A_218 = tpu.vector_load %arg10[%get3A_216, %get3A_217] {strides = array<i32>} : memref<16x128xf32, #tpu.memory_space<vmem>>, vector<16xf32>,
          %add3A_219 = arith.constant 64 : i32
          %add3A_220 = arith.addi %mul3A_163, %add3A_219 : i32
          %get3A_221 = arith.index_cast %add3A_220 : i32 to index
          %get3A_222 = tpu.vector_load %arg11[%get3A_221] {strides = array<i32>} : memref<80000xf32, #tpu.memory_space<vmem>>, vector<16xf32>,
          %max3A_223 = arith.maximumf %get3A_222, %get3A_218 : vector<16xf32>
          %add3A_224 = arith.constant 64 : i32
          %add3A_225 = arith.addi %mul3A_163, %add3A_224 : i32
          %swap3A_226 = arith.index_cast %add3A_225 : i32 to index
          %swap3A_227 = tpu.vector_load %arg11[%swap3A_226] {strides = array<i32>} : memref<80000xf32, #tpu.memory_space<vmem>>, vector<16xf32>,
          tpu.vector_store %arg11[%swap3A_226], %max3A_223 {strides = array<i32>} : memref<80000xf32, #tpu.memory_space<vmem>>, vector<16xf32>,
          %get3A_228 = arith.constant 14 : i32
          %get3A_229 = arith.index_cast %get3A_228 : i32 to index
          %get3A_230 = arith.constant 80 : index
          %get3A_231 = tpu.vector_load %arg10[%get3A_229, %get3A_230] {strides = array<i32>} : memref<16x128xf32, #tpu.memory_space<vmem>>, vector<16xf32>,
          %add3A_232 = arith.constant 80 : i32
          %add3A_233 = arith.addi %mul3A_163, %add3A_232 : i32
          %get3A_234 = arith.index_cast %add3A_233 : i32 to index
          %get3A_235 = tpu.vector_load %arg11[%get3A_234] {strides = array<i32>} : memref<80000xf32, #tpu.memory_space<vmem>>, vector<16xf32>,
          %max3A_236 = arith.maximumf %get3A_235, %get3A_231 : vector<16xf32>
          %add3A_237 = arith.constant 80 : i32
          %add3A_238 = arith.addi %mul3A_163, %add3A_237 : i32
          %swap3A_239 = arith.index_cast %add3A_238 : i32 to index
          %swap3A_240 = tpu.vector_load %arg11[%swap3A_239] {strides = array<i32>} : memref<80000xf32, #tpu.memory_space<vmem>>, vector<16xf32>,
          tpu.vector_store %arg11[%swap3A_239], %max3A_236 {strides = array<i32>} : memref<80000xf32, #tpu.memory_space<vmem>>, vector<16xf32>,
          %get3A_241 = arith.constant 14 : i32
          %get3A_242 = arith.index_cast %get3A_241 : i32 to index
          %get3A_243 = arith.constant 96 : index
          %get3A_244 = tpu.vector_load %arg10[%get3A_242, %get3A_243] {strides = array<i32>} : memref<16x128xf32, #tpu.memory_space<vmem>>, vector<16xf32>,
          %add3A_245 = arith.constant 96 : i32
          %add3A_246 = arith.addi %mul3A_163, %add3A_245 : i32
          %get3A_247 = arith.index_cast %add3A_246 : i32 to index
          %get3A_248 = tpu.vector_load %arg11[%get3A_247] {strides = array<i32>} : memref<80000xf32, #tpu.memory_space<vmem>>, vector<16xf32>,
          %max3A_249 = arith.maximumf %get3A_248, %get3A_244 : vector<16xf32>
          %add3A_250 = arith.constant 96 : i32
          %add3A_251 = arith.addi %mul3A_163, %add3A_250 : i32
          %swap3A_252 = arith.index_cast %add3A_251 : i32 to index
          %swap3A_253 = tpu.vector_load %arg11[%swap3A_252] {strides = array<i32>} : memref<80000xf32, #tpu.memory_space<vmem>>, vector<16xf32>,
          tpu.vector_store %arg11[%swap3A_252], %max3A_249 {strides = array<i32>} : memref<80000xf32, #tpu.memory_space<vmem>>, vector<16xf32>,
          %get3A_254 = arith.constant 14 : i32
          %get3A_255 = arith.index_cast %get3A_254 : i32 to index
          %get3A_256 = arith.constant 112 : index
          %get3A_257 = tpu.vector_load %arg10[%get3A_255, %get3A_256] {strides = array<i32>} : memref<16x128xf32, #tpu.memory_space<vmem>>, vector<16xf32>,
          %add3A_258 = arith.constant 112 : i32
          %add3A_259 = arith.addi %mul3A_163, %add3A_258 : i32
          %get3A_260 = arith.index_cast %add3A_259 : i32 to index
          %get3A_261 = tpu.vector_load %arg11[%get3A_260] {strides = array<i32>} : memref<80000xf32, #tpu.memory_space<vmem>>, vector<16xf32>,
          %max3A_262 = arith.maximumf %get3A_261, %get3A_257 : vector<16xf32>
          %add3A_263 = arith.constant 112 : i32
          %add3A_264 = arith.addi %mul3A_163, %add3A_263 : i32
          %swap3A_265 = arith.index_cast %add3A_264 : i32 to index
          %swap3A_266 = tpu.vector_load %arg11[%swap3A_265] {strides = array<i32>} : memref<80000xf32, #tpu.memory_space<vmem>>, vector<16xf32>,
          tpu.vector_store %arg11[%swap3A_265], %max3A_262 {strides = array<i32>} : memref<80000xf32, #tpu.memory_space<vmem>>, vector<16xf32>,
        } else {
        }
        %gt3A_154 = arith.constant 15 : i32
        %gt3A_155 = arith.cmpi sgt, %sub3A_81, %gt3A_154 : i32
        %convert_element_type3A_156 = arith.extui %gt3A_155 : i1 to i32
        %cond3A_157 = arith.constant 0 : i32
        %cond3A_158 = arith.cmpi ne, %convert_element_type3A_156, %cond3A_157 : i32
        scf.if %cond3A_158 {
          %slice3A_160 = vector.extract_strided_slice %get3A_80 {offsets = [15], sizes = [1], strides = [1]} : vector<16xi32> to vector<1xi32>
          %squeeze3A_161 = vector.extract %slice3A_160[0] : i32 from vector<1xi32>
          %mul3A_162 = arith.constant 128 : i32
          %mul3A_163 = arith.muli %squeeze3A_161, %mul3A_162 : i32
          %get3A_164 = arith.constant 15 : i32
          %get3A_165 = arith.index_cast %get3A_164 : i32 to index
          %get3A_166 = arith.constant 0 : index
          %get3A_167 = tpu.vector_load %arg10[%get3A_165, %get3A_166] {strides = array<i32>} : memref<16x128xf32, #tpu.memory_space<vmem>>, vector<16xf32>,
          %add3A_168 = arith.constant 0 : i32
          %add3A_169 = arith.addi %mul3A_163, %add3A_168 : i32
          %get3A_170 = arith.index_cast %add3A_169 : i32 to index
          %get3A_171 = tpu.vector_load %arg11[%get3A_170] {strides = array<i32>} : memref<80000xf32, #tpu.memory_space<vmem>>, vector<16xf32>,
          %max3A_172 = arith.maximumf %get3A_171, %get3A_167 : vector<16xf32>
          %add3A_173 = arith.constant 0 : i32
          %add3A_174 = arith.addi %mul3A_163, %add3A_173 : i32
          %swap3A = arith.index_cast %add3A_174 : i32 to index
          %swap3A_175 = tpu.vector_load %arg11[%swap3A] {strides = array<i32>} : memref<80000xf32, #tpu.memory_space<vmem>>, vector<16xf32>,
          tpu.vector_store %arg11[%swap3A], %max3A_172 {strides = array<i32>} : memref<80000xf32, #tpu.memory_space<vmem>>, vector<16xf32>,
          %get3A_176 = arith.constant 15 : i32
          %get3A_177 = arith.index_cast %get3A_176 : i32 to index
          %get3A_178 = arith.constant 16 : index
          %get3A_179 = tpu.vector_load %arg10[%get3A_177, %get3A_178] {strides = array<i32>} : memref<16x128xf32, #tpu.memory_space<vmem>>, vector<16xf32>,
          %add3A_180 = arith.constant 16 : i32
          %add3A_181 = arith.addi %mul3A_163, %add3A_180 : i32
          %get3A_182 = arith.index_cast %add3A_181 : i32 to index
          %get3A_183 = tpu.vector_load %arg11[%get3A_182] {strides = array<i32>} : memref<80000xf32, #tpu.memory_space<vmem>>, vector<16xf32>,
          %max3A_184 = arith.maximumf %get3A_183, %get3A_179 : vector<16xf32>
          %add3A_185 = arith.constant 16 : i32
          %add3A_186 = arith.addi %mul3A_163, %add3A_185 : i32
          %swap3A_187 = arith.index_cast %add3A_186 : i32 to index
          %swap3A_188 = tpu.vector_load %arg11[%swap3A_187] {strides = array<i32>} : memref<80000xf32, #tpu.memory_space<vmem>>, vector<16xf32>,
          tpu.vector_store %arg11[%swap3A_187], %max3A_184 {strides = array<i32>} : memref<80000xf32, #tpu.memory_space<vmem>>, vector<16xf32>,
          %get3A_189 = arith.constant 15 : i32
          %get3A_190 = arith.index_cast %get3A_189 : i32 to index
          %get3A_191 = arith.constant 32 : index
          %get3A_192 = tpu.vector_load %arg10[%get3A_190, %get3A_191] {strides = array<i32>} : memref<16x128xf32, #tpu.memory_space<vmem>>, vector<16xf32>,
          %add3A_193 = arith.constant 32 : i32
          %add3A_194 = arith.addi %mul3A_163, %add3A_193 : i32
          %get3A_195 = arith.index_cast %add3A_194 : i32 to index
          %get3A_196 = tpu.vector_load %arg11[%get3A_195] {strides = array<i32>} : memref<80000xf32, #tpu.memory_space<vmem>>, vector<16xf32>,
          %max3A_197 = arith.maximumf %get3A_196, %get3A_192 : vector<16xf32>
          %add3A_198 = arith.constant 32 : i32
          %add3A_199 = arith.addi %mul3A_163, %add3A_198 : i32
          %swap3A_200 = arith.index_cast %add3A_199 : i32 to index
          %swap3A_201 = tpu.vector_load %arg11[%swap3A_200] {strides = array<i32>} : memref<80000xf32, #tpu.memory_space<vmem>>, vector<16xf32>,
          tpu.vector_store %arg11[%swap3A_200], %max3A_197 {strides = array<i32>} : memref<80000xf32, #tpu.memory_space<vmem>>, vector<16xf32>,
          %get3A_202 = arith.constant 15 : i32
          %get3A_203 = arith.index_cast %get3A_202 : i32 to index
          %get3A_204 = arith.constant 48 : index
          %get3A_205 = tpu.vector_load %arg10[%get3A_203, %get3A_204] {strides = array<i32>} : memref<16x128xf32, #tpu.memory_space<vmem>>, vector<16xf32>,
          %add3A_206 = arith.constant 48 : i32
          %add3A_207 = arith.addi %mul3A_163, %add3A_206 : i32
          %get3A_208 = arith.index_cast %add3A_207 : i32 to index
          %get3A_209 = tpu.vector_load %arg11[%get3A_208] {strides = array<i32>} : memref<80000xf32, #tpu.memory_space<vmem>>, vector<16xf32>,
          %max3A_210 = arith.maximumf %get3A_209, %get3A_205 : vector<16xf32>
          %add3A_211 = arith.constant 48 : i32
          %add3A_212 = arith.addi %mul3A_163, %add3A_211 : i32
          %swap3A_213 = arith.index_cast %add3A_212 : i32 to index
          %swap3A_214 = tpu.vector_load %arg11[%swap3A_213] {strides = array<i32>} : memref<80000xf32, #tpu.memory_space<vmem>>, vector<16xf32>,
          tpu.vector_store %arg11[%swap3A_213], %max3A_210 {strides = array<i32>} : memref<80000xf32, #tpu.memory_space<vmem>>, vector<16xf32>,
          %get3A_215 = arith.constant 15 : i32
          %get3A_216 = arith.index_cast %get3A_215 : i32 to index
          %get3A_217 = arith.constant 64 : index
          %get3A_218 = tpu.vector_load %arg10[%get3A_216, %get3A_217] {strides = array<i32>} : memref<16x128xf32, #tpu.memory_space<vmem>>, vector<16xf32>,
          %add3A_219 = arith.constant 64 : i32
          %add3A_220 = arith.addi %mul3A_163, %add3A_219 : i32
          %get3A_221 = arith.index_cast %add3A_220 : i32 to index
          %get3A_222 = tpu.vector_load %arg11[%get3A_221] {strides = array<i32>} : memref<80000xf32, #tpu.memory_space<vmem>>, vector<16xf32>,
          %max3A_223 = arith.maximumf %get3A_222, %get3A_218 : vector<16xf32>
          %add3A_224 = arith.constant 64 : i32
          %add3A_225 = arith.addi %mul3A_163, %add3A_224 : i32
          %swap3A_226 = arith.index_cast %add3A_225 : i32 to index
          %swap3A_227 = tpu.vector_load %arg11[%swap3A_226] {strides = array<i32>} : memref<80000xf32, #tpu.memory_space<vmem>>, vector<16xf32>,
          tpu.vector_store %arg11[%swap3A_226], %max3A_223 {strides = array<i32>} : memref<80000xf32, #tpu.memory_space<vmem>>, vector<16xf32>,
          %get3A_228 = arith.constant 15 : i32
          %get3A_229 = arith.index_cast %get3A_228 : i32 to index
          %get3A_230 = arith.constant 80 : index
          %get3A_231 = tpu.vector_load %arg10[%get3A_229, %get3A_230] {strides = array<i32>} : memref<16x128xf32, #tpu.memory_space<vmem>>, vector<16xf32>,
          %add3A_232 = arith.constant 80 : i32
          %add3A_233 = arith.addi %mul3A_163, %add3A_232 : i32
          %get3A_234 = arith.index_cast %add3A_233 : i32 to index
          %get3A_235 = tpu.vector_load %arg11[%get3A_234] {strides = array<i32>} : memref<80000xf32, #tpu.memory_space<vmem>>, vector<16xf32>,
          %max3A_236 = arith.maximumf %get3A_235, %get3A_231 : vector<16xf32>
          %add3A_237 = arith.constant 80 : i32
          %add3A_238 = arith.addi %mul3A_163, %add3A_237 : i32
          %swap3A_239 = arith.index_cast %add3A_238 : i32 to index
          %swap3A_240 = tpu.vector_load %arg11[%swap3A_239] {strides = array<i32>} : memref<80000xf32, #tpu.memory_space<vmem>>, vector<16xf32>,
          tpu.vector_store %arg11[%swap3A_239], %max3A_236 {strides = array<i32>} : memref<80000xf32, #tpu.memory_space<vmem>>, vector<16xf32>,
          %get3A_241 = arith.constant 15 : i32
          %get3A_242 = arith.index_cast %get3A_241 : i32 to index
          %get3A_243 = arith.constant 96 : index
          %get3A_244 = tpu.vector_load %arg10[%get3A_242, %get3A_243] {strides = array<i32>} : memref<16x128xf32, #tpu.memory_space<vmem>>, vector<16xf32>,
          %add3A_245 = arith.constant 96 : i32
          %add3A_246 = arith.addi %mul3A_163, %add3A_245 : i32
          %get3A_247 = arith.index_cast %add3A_246 : i32 to index
          %get3A_248 = tpu.vector_load %arg11[%get3A_247] {strides = array<i32>} : memref<80000xf32, #tpu.memory_space<vmem>>, vector<16xf32>,
          %max3A_249 = arith.maximumf %get3A_248, %get3A_244 : vector<16xf32>
          %add3A_250 = arith.constant 96 : i32
          %add3A_251 = arith.addi %mul3A_163, %add3A_250 : i32
          %swap3A_252 = arith.index_cast %add3A_251 : i32 to index
          %swap3A_253 = tpu.vector_load %arg11[%swap3A_252] {strides = array<i32>} : memref<80000xf32, #tpu.memory_space<vmem>>, vector<16xf32>,
          tpu.vector_store %arg11[%swap3A_252], %max3A_249 {strides = array<i32>} : memref<80000xf32, #tpu.memory_space<vmem>>, vector<16xf32>,
          %get3A_254 = arith.constant 15 : i32
          %get3A_255 = arith.index_cast %get3A_254 : i32 to index
          %get3A_256 = arith.constant 112 : index
          %get3A_257 = tpu.vector_load %arg10[%get3A_255, %get3A_256] {strides = array<i32>} : memref<16x128xf32, #tpu.memory_space<vmem>>, vector<16xf32>,
          %add3A_258 = arith.constant 112 : i32
          %add3A_259 = arith.addi %mul3A_163, %add3A_258 : i32
          %get3A_260 = arith.index_cast %add3A_259 : i32 to index
          %get3A_261 = tpu.vector_load %arg11[%get3A_260] {strides = array<i32>} : memref<80000xf32, #tpu.memory_space<vmem>>, vector<16xf32>,
          %max3A_262 = arith.maximumf %get3A_261, %get3A_257 : vector<16xf32>
          %add3A_263 = arith.constant 112 : i32
          %add3A_264 = arith.addi %mul3A_163, %add3A_263 : i32
          %swap3A_265 = arith.index_cast %add3A_264 : i32 to index
          %swap3A_266 = tpu.vector_load %arg11[%swap3A_265] {strides = array<i32>} : memref<80000xf32, #tpu.memory_space<vmem>>, vector<16xf32>,
          tpu.vector_store %arg11[%swap3A_265], %max3A_262 {strides = array<i32>} : memref<80000xf32, #tpu.memory_space<vmem>>, vector<16xf32>,
        } else {
        }
        %while3A_159 = arith.constant 0 : i32
        scf.yield %while3A_159 : i32
      }
      %scan3A_65 = arith.constant 0 : i32
      scf.yield %scan3A_65 : i32
    }
    %scan3A_17 = arith.constant 40 : i32
    %mul3A_18 = arith.constant 10000 : i32
    %mul3A_19 = arith.muli %arg0, %mul3A_18 : i32
    %add3A_20 = arith.addi %mul3A_19, %mul3A_0 : i32
    %mul3A_21 = arith.constant 128 : i32
    %mul3A_22 = arith.muli %add3A_20, %mul3A_21 : i32
    "tpu.region"() ({
      %run_scoped3A = tpu.sem_alloc : memref<!tpu.dma_semaphore, #tpu.memory_space<semaphore_mem>>
      %dma_start3A = tpu.memref_slice %arg5[%mul3A_22] : memref<2560000xf32, #tpu.memory_space<hbm>> -> memref<80000xf32, #tpu.memory_space<hbm>>
      %dma_start3A_23 = tpu.memref_slice %arg5[%mul3A_22] : memref<2560000xf32, #tpu.memory_space<hbm>> -> memref<80000xf32, #tpu.memory_space<hbm>>
      tpu.enqueue_dma source(%arg11 : memref<80000xf32, #tpu.memory_space<vmem>>) target(%dma_start3A_23 : memref<80000xf32, #tpu.memory_space<hbm>>) target_semaphore(%run_scoped3A : memref<!tpu.dma_semaphore, #tpu.memory_space<semaphore_mem>>)
      %dma_wait3A = tpu.memref_slice %arg5[%mul3A_22] : memref<2560000xf32, #tpu.memory_space<hbm>> -> memref<80000xf32, #tpu.memory_space<hbm>>
      %dma_wait3A_24 = tpu.memref_slice %arg5[%mul3A_22] : memref<2560000xf32, #tpu.memory_space<hbm>> -> memref<80000xf32, #tpu.memory_space<hbm>>
      tpu.wait_dma2 semaphore(%run_scoped3A : memref<!tpu.dma_semaphore, #tpu.memory_space<semaphore_mem>>) src(%arg11 : memref<80000xf32, #tpu.memory_space<vmem>>) dst(%dma_wait3A_24 : memref<80000xf32, #tpu.memory_space<hbm>>)
      tpu.yield
    }) : () -> ()
    return
  }
}

</mosaic_0001>

<sc_bundles>
// kernel: _sc_agg.3.cloned.1.call-start
scs
__scs_entry_jumppad:
0x0: {  	(pc) =	sbr.rel $0x88, $3  }
0x1: {  	(tag) =	ssettag $0x0;
	lr =	simm.s32 $0x1  }
0x2: {  	[smem:$0x3F9E] =	sst lr;
	_ =	strace $0xD0000000  }
0x3: {  	_ = 	snop  }
0x4: {  	_ = 	snop  }
0x5: {  	_ = 	snop  }
0x6: {  	_ = 	snop  }
0x7: {  	_ = 	snop  }
__scs_overlays_trampoline_lowered:
0x8: {  	[smem:$0x3FAD] =	sst s0  }
0x9: {  	[smem:$0x3FAE] =	sst s1  }
0xa: {  	[smem:$0x3FAF] =	sst s2  }
0xb: {  	[smem:$0x3FB0] =	sst s3  }
0xc: {  	[smem:$0x3FB1] =	sst s4  }
0xd: {  	[smem:$0x3FB2] =	sst s5  }
0xe: {  	[smem:$0x3FB3] =	sst s6  }
0xf: {  	[smem:$0x3FB4] =	sst s7  }
0x10: {  	[smem:$0x3FB5] =	sst s8  }
0x11: {  	[smem:$0x3FB6] =	sst s9;
	s0 =	simm.s32 @!p0 $0x0  }
0x12: {  	s1 =	sld [smem:$0x3F9C];
	s0 =	simm.s32 @p0 $0x1  }
0x13: {  	[smem:$0x3FB7] =	sst s0;
	s0 =	simm.s32 @!p1 $0x0  }
0x14: {  	s2 =	sld [smem:$0x3F9B];
	s0 =	simm.s32 @p1 $0x1  }
0x15: {  	[smem:$0x3FB8] =	sst s0;
	s0 =	simm.s32 @!p2 $0x0  }
0x16: {  	s3 =	sld [smem:$0x3FDB];
	s0 =	simm.s32 @p2 $0x1  }
0x17: {  	s4 =	simm.s32 $0x1BF5;
	[smem:$0x3FBA] =	sst s0  }
0x18: {  	s0 =	sld [smem:$0x3F9D];
	_ =	swait.ge [sflag:s4], $0x0  }
0x19: {  	s7 =	sld [smem:$0x3F9E]  }
0x1a: {  	s8 =	sadd.s32 $0xFFFFE003, lr  }
0x1b: {  	s9 =	sadd.s32 $0xFFFFFEF7, lr;
	s5 =	simm.s32 $0xFFFFFFFF;
	p2 =	slt.u32 s8, $0xFFFFF086  }
0x1c: {  	p1 =	slt.u32 s9, $0xF7A;
	s5 =	simm.s32 @!p2 $0x0  }
0x1d: {  	s5 =	simm.s32 @p1 $0x1;
	p0 =	seq.s32 s7, s2  }
0x1e: {  	s7 =	smul.u32 @!p0 $0xF7A, s2;
	p2 =	seq.s32 @!p0 s5, $0x0  }
0x1f: {  	s9 =	smul.u32 $0xF7A, s1;
	s8 =	simm.s32 @!p0 $0x1BF5;
	p2 =	por !p2, p0  }
0x20: {  	[sflag:s8] =	ssyncset.s32 @!p0 $0xFFFFF086;
	s6 =	sadd.s32 @!p0 s3, s7;
	s7 =	simm.s32 @!p0 $0x108  }
0x21: {  	s3 =	sadd.s32 s3, s9;
	s6 =	sadd.s32 @!p0 $0x88, s6;
	s7 =	simm.s32 @p2 $0x1082  }
0x22: {  	[simem:s7], [sflag:s8] =	dma.local @!p0 [hbm:s6], $0xF7A  }
0x23: {  	s9 =	sor.u32 $0xD0000000, s2;
	s6 =	simm.s32 $0x108;
	_ =	swait.ge @!p0 [sflag:s8], $0x0  }
0x24: {  	s3 =	sadd.s32 $0x88, s3;
	s6 =	simm.s32 @!p1 $0x1082;
	[sflag:s4] =	ssyncset.s32 $0xFFFFF086  }
0x25: {  	[simem:s6], [sflag:s4] =	dma.local [hbm:s3], $0xF7A  }
0x26: {  	[smem:$0x3F9E] =	sst s1;
	(tag) =	ssettag s2;
	_ =	strace s9  }
0x27: {  	s1 =	sld [smem:$0x3FAE]  }
0x28: {  	s2 =	sld [smem:$0x3FAF]  }
0x29: {  	s4 =	sld [smem:$0x3FB1]  }
0x2a: {  	p0 =	seq.s32 s5, $0x0;
	s5 =	sld [smem:$0x3FB2]  }
0x2b: {  	s6 =	sld [smem:$0x3FB3]  }
0x2c: {  	s7 =	sld [smem:$0x3FB4]  }
0x2d: {  	s3 =	simm.s32 $0x108;
	s8 =	sld [smem:$0x3FB5]  }
0x2e: {  	s3 =	simm.s32 @!p0 $0x1082;
	s9 =	sld [smem:$0x3FB6]  }
0x2f: {  	lr =	sadd.s32 s0, s3;
	s0 =	sld [smem:$0x3FAD]  }
0x30: {  	s3 =	sld [smem:$0x3FB0]  }
0x31: {  	[smem:$0x3FB9] =	sst s10  }
0x32: {  	s10 =	sld [smem:$0x3FB7];
	_ =	sdelay $0x3  }
0x33: {  	p0 =	seq.s32 s10, $0x1;
	s10 =	sld [smem:$0x3FB9];
	_ =	sdelay $0x3  }
0x34: {  	[smem:$0x3FB9] =	sst s10  }
0x35: {  	s10 =	sld [smem:$0x3FB8];
	_ =	sdelay $0x3  }
0x36: {  	p1 =	seq.s32 s10, $0x1;
	s10 =	sld [smem:$0x3FB9];
	_ =	sdelay $0x3  }
0x37: {  	[smem:$0x3FB9] =	sst s10  }
0x38: {  	s10 =	sld [smem:$0x3FBA]  }
0x39: {  	_ = 	snop;
	(pc) =	sbr.ind lr, $3  }
0x3a: {  	_ = 	snop  }
0x3b: {  	_ = 	snop  }
0x3c: {  	p2 =	seq.s32 s10, $0x1;
	s10 =	sld [smem:$0x3FB9]  }
0x3d: {  	_ =	shalt  }
0x3e: {  	_ =	shalt  }
0x3f: {  	_ =	shalt  }
0x40: {  	_ =	shalt  }
0x41: {  	_ =	shalt  }
0x42: {  	_ =	shalt  }
0x43: {  	_ =	shalt  }
0x44: {  	_ =	shalt  }
0x45: {  	_ =	shalt  }
0x46: {  	_ =	shalt  }
0x47: {  	_ =	shalt  }
0x48: {  	_ =	shalt  }
0x49: {  	_ =	shalt  }
0x4a: {  	_ =	shalt  }
0x4b: {  	_ =	shalt  }
0x4c: {  	_ =	shalt  }
0x4d: {  	_ =	shalt  }
0x4e: {  	_ =	shalt  }
0x4f: {  	_ =	shalt  }
0x50: {  	_ =	shalt  }
0x51: {  	_ =	shalt  }
0x52: {  	_ =	shalt  }
0x53: {  	_ =	shalt  }
0x54: {  	_ =	shalt  }
0x55: {  	_ =	shalt  }
0x56: {  	_ =	shalt  }
0x57: {  	_ =	shalt  }
0x58: {  	_ =	shalt  }
0x59: {  	_ =	shalt  }
0x5a: {  	_ =	shalt  }
0x5b: {  	_ =	shalt  }
0x5c: {  	_ =	shalt  }
0x5d: {  	_ =	shalt  }
0x5e: {  	_ =	shalt  }
0x5f: {  	_ =	shalt  }
0x60: {  	_ =	shalt  }
0x61: {  	_ =	shalt  }
0x62: {  	_ =	shalt  }
0x63: {  	_ =	shalt  }
0x64: {  	_ =	shalt  }
0x65: {  	_ =	shalt  }
0x66: {  	_ =	shalt  }
0x67: {  	_ =	shalt  }
0x68: {  	_ =	shalt  }
0x69: {  	_ =	shalt  }
0x6a: {  	_ =	shalt  }
0x6b: {  	_ =	shalt  }
0x6c: {  	_ =	shalt  }
0x6d: {  	_ =	shalt  }
0x6e: {  	_ =	shalt  }
0x6f: {  	_ =	shalt  }
0x70: {  	_ =	shalt  }
0x71: {  	_ =	shalt  }
0x72: {  	_ =	shalt  }
0x73: {  	_ =	shalt  }
0x74: {  	_ =	shalt  }
0x75: {  	_ =	shalt  }
0x76: {  	_ =	shalt  }
0x77: {  	_ =	shalt  }
0x78: {  	_ =	shalt  }
0x79: {  	_ =	shalt  }
0x7a: {  	_ =	shalt  }
0x7b: {  	_ =	shalt  }
0x7c: {  	_ =	shalt  }
0x7d: {  	_ =	shalt  }
0x7e: {  	_ =	shalt  }
0x7f: {  	_ =	shalt  }
0x80: {  	_ =	shalt  }
0x81: {  	_ =	shalt  }
0x82: {  	_ =	shalt  }
0x83: {  	_ =	shalt  }
0x84: {  	_ =	shalt  }
0x85: {  	_ =	shalt  }
0x86: {  	_ =	shalt  }
0x87: {  	_ =	shalt  }
.Lfunc_end0:
.L_simem_size_0:
called_computation_lowered:
.L_overlay_start_0:
0x88: {  	s2 =	sld [smem:$0x3FD9]  }
0x89: {  	s3 =	sld [smem:$0x3FFE];
	_ =	sdelay $0x1  }
0x8a: {  	s1 =	srdreg.scid  }
0x8b: {  	s0 =	sand.u32 $0x1, s1  }
0x8c: {  	s18 =	sshll.u32 s0, $0xA;
	s2 =	sadd.s32 s3, s2  }
0x8d: {  	s2 =	sadd.s32 s2, s18  }
0x8e: {  	[smem:$0x3FC5] =	sst s2  }
0x8f: {  	_ = 	snop  }
0x90: {  	s2 =	sld [smem:$0x3FC9]  }
0x91: {  	s19 =	sld [smem:$0x3FC8]  }
0x92: {  	s4 =	sld [smem:$0x3FC7]  }
0x93: {  	s5 =	sld [smem:$0x3FD0];
	(tm) =	ssettm $0x1  }
0x94: {  	s6 =	sld [smem:$0x3FFB];
	_ =	sdelay $0x3  }
0x95: {  	_ =	strace s6  }
0x96: {  	s6 =	sld [smem:$0x3FFC];
	_ =	sdelay $0x3  }
0x97: {  	_ =	strace s6  }
0x98: {  	s6 =	sld [smem:$0x3FFD];
	_ =	sdelay $0x3  }
0x99: {  	_ =	strace s6  }
0x9a: {  	_ =	strace $0x8FFFFFFF  }
0x9b: {  	s20 =	sld [smem:$0x3FDB];
	_ =	sdelay $0x1  }
0x9c: {  	s7 =	simm.s32 $_scs_section_size  }
0x9d: {  	s8 =	simm.s32 $_size__tile_overlayer_lowered;
	s9 =	simm.s32 $_tile_overlayer_lowered  }
0x9e: {  	s23 =	simm.s32 $0x1BFF;
	s22 =	sshll.u32 s9, $0x1;
	s6 =	sadd.s32 s7, s20  }
0x9f: {  	s10 =	simm.s32 $0x0;
	s21 =	sshll.u32 s8, $0x1;
	s8 =	sadd.s32 s22, s6  }
0xa0: {  	[timem:s10], [sflag:s23] =	dma.local [hbm:s8], s21  }
0xa1: {  	_ =	swait.ge [sflag:s23], s21  }
0xa2: {  	s7 =	ssub.s32 $0x0, s21;
	[sflag:s23] =	ssyncset.done $0x0  }
0xa3: {  	[sflag:s23] =	ssyncadd.s32 s7;
	_ =	sdelay $0x1  }
0xa4: {  	s24 =	simm.s32 $0x1B8B  }
0xa5: {  	_ =	swait.ge [sflag:s24], $0x1  }
0xa6: {  	[sflag:s24] =	ssyncset.done $0x0  }
0xa7: {  	s25 =	simm.s32 $0x1B8E;
	[sflag:s24] =	ssyncadd.s32 $0xFFFFFFFF  }
0xa8: {  	s26 =	simm.s32 $execute0_lowered;
	[smem:$0x3FD2] =	sst s25  }
0xa9: {  	s7 =	sshll.u32 s26, $0x1;
	_ =	strace $0x80000046;
	[dreg:$0x1] =	wrdreg $0xFFFFFFFF  }
0xaa: {  	s28 =	simm.s32 $_size_execute0_lowered;
	s6 =	sadd.s32 s6, s7;
	[dreg:$0x0] =	wrdreg $0x0  }
0xab: {  	s7 =	sshll.u32 s28, $0x1;
	[dreg:$0x2] =	wrdreg s6  }
0xac: {  	[dreg:$0x3] =	wrdreg s7  }
0xad: {  	[dreg:$0x4] =	wrdreg $0xC0  }
0xae: {  	_ =	task [dreg:s10], $0x5FFFF  }
0xaf: {  	[dreg:$0x1] =	wrdreg $0xFFFFFFFF  }
0xb0: {  	[dreg:$0x0] =	wrdreg $0x60  }
0xb1: {  	[dreg:$0x2] =	wrdreg s2  }
0xb2: {  	[dreg:$0x3] =	wrdreg s19  }
0xb3: {  	[dreg:$0x4] =	wrdreg s4  }
0xb4: {  	[dreg:$0x5] =	wrdreg s5  }
0xb5: {  	[dreg:$0x6] =	wrdreg $0x9  }
0xb6: {  	_ =	task.clear_ibuf [dreg:s10], $0x7FFFF;
	_ =	strace $0x90000046  }
0xb7: {  	s29 =	simm.s32 $0x9;
	_ =	strace $0x80000048  }
0xb8: {  	_ =	swait.ge [sflag:s29], $0x1  }
0xb9: {  	[sflag:s29] =	ssyncadd.s32 $0xFFFFFFFF  }
0xba: {  	_ =	strace $0x90000048  }
0xbb: {  	_ =	sfence  }
0xbc: {  	s30 =	sld [smem:$0x0];
	_ =	sdelay $0x2  }
0xbd: {  	s31 =	sshll.u32 s1, $0xD;
	s1 =	sshrl.u32 s1, $0x2  }
0xbe: {  	s3 =	sand.u32 $0x4000, s31;
	s1 =	sadd.s32 s1, s30  }
0xbf: {  	s0 =	sor.u32 s3, s0;
	s1 =	sshll.u32 s1, $0x11  }
0xc0: {  	s0 =	sor.u32 s1, s0  }
0xc1: {  	s0 =	sadd.s32 $0x8F2B, s0  }
0xc2: {  	[sflag:s0] =	ssyncadd.remote.s32 $0x1  }
0xc3: {  	_ =	sfence.sel $0xFFFF  }
0xc4: {  	[dreg:$0x0] =	wrdreg $0xFFFFFFFF;
	(pc) =	sbr.abs _section_cstart, $3  }
0xc5: {  	[dreg:$0x1] =	wrdreg $0xFFFFFFFF  }
0xc6: {  	_ =	task.clear_ibuf [dreg:s10], $0x2FFFF;
	_ =	strace $0x9FFFFFFF  }
0xc7: {  	(tm) =	ssettm $0x7FFFFFFF  }
tec
execute0_lowered:
.L_overlay_start_1:
0x0: {  	(tag) =	ssettag $0x1  }
0x1: {  	s1 =	rddreg [dreg:$0x0]  }
0x2: {  	s2 =	rddreg [dreg:$0x1]  }
0x3: {  	s3 =	srdreg.scid;
	s4 =	rddreg [dreg:$0x2]  }
0x4: {  	s0 =	stileid.u32;
	s7 =	rddreg [dreg:$0x3];
	s5 =	simm.s32 $0x0  }
0x5: {  	s13 =	simm.s32 $0x1;
	s14 =	simm.s32 $0x4000;
	s15 =	simm.s32 $0x4800  }
0x6: {  	s6 =	sand.u32 $0x1, s3;
	s11 =	smul.u32 $0x271, s0;
	s3 =	rddreg [dreg:$0x4]  }
0x7: {  	s16 =	simm.s32 $0x0;
	[smem:$0x7FF] =	sst s5;
	s8 =	smul.u32 $0x2710, s6  }
.Ltmp0:
0x8: {  	s9 =	ssub.s32 $0x2, s6;
	_ =	strace $0x80000047;
	(pc) =	sbr.rel .LBB2_1-.Ltmp0, $4  }
0x9: {  	s6 =	smul.u32 $0x27100, s6;
	s10 =	sshrl.u32 s9, $0x1;
	s12 =	sadd.s32 $0x271, s11  }
0xa: {  	s8 =	sadd.s32 s11, s8;
	s9 =	ssub.s32 s9, s10;
	s10 =	simm.s32 $0x1000  }
0xb: {  	v0 =	vmov s11;
	v1 =	vmov s12;
	s11 =	simm.s32 $0x2000;
	s12 =	simm.s32 $0x3000;
	s8 =	sshll.u32 s8, $0x4  }
0xc: {  	v2 =	vimm.f32 $-Inf;
	v3 =	vimm.s32 $0x0;
	vm0 =	vmmov $0xffff;
	s7 =	sadd.s32 s7, s8;
	s8 =	smax.u32 s9, $0x1;
	s9 =	simm.s32 $0x2  }
.LBB2_12:
0xd: {  	s16 =	sadd.s32 $0x1, s16  }
0xe: {  	p0 =	sne.s32 s16, s8  }
.Ltmp1:
0xf: {  	_ = 	snop;
	(pc) =	sbr.rel @!p0 .LBB2_13-.Ltmp1, $4  }
0x10: {  	[hbm4b:s7+s5] =	stream.linear.scatter [tilespmem:s15], [sflag:$0x2], $0x13880, $0x38;
	[tilespmem:$0x18080] =	vst v63  }
0x11: {  	_ =	swait.ge [sflag:s9], $0x13880  }
0x12: {  	[sflag:s9] =	ssyncset.done $0x0  }
0x13: {  	[sflag:s9] =	ssyncadd.s32 $0xFFFEC780  }
.LBB2_1:
0x14: {  	s17 =	simm.s32 $0x40;
	s18 =	simm.s32 $0x0  }
.LBB2_2:
0x15: {  	p0 =	sne.s32 s17, $0x4E1C0;
	[tilespmem:s18+$0x4800] =	vst v2;
	s18 =	smov.u32 s17;
	s17 =	sadd.s32 $0x40, s17  }
.Ltmp2:
0x16: {  	(pc) =	sbr.rel @p0 .LBB2_2-.Ltmp2, $2  }
0x17: {  	_ =	sdelay $0x2  }
0x18: {  	s18 =	sshra.s32 s18, $0x2  }
.Ltmp3:
0x19: {  	(pc) =	sbr.rel .LBB2_4-.Ltmp3, $2  }
0x1a: {  	_ =	sdelay $0x2  }
0x1b: {  	[tilespmem:s18+$0x4800] =	vst v2;
	s17 =	simm.s32 $0x0;
	s18 =	simm.s32 $0x0  }
.LBB2_11:
0x1c: {  	s18 =	sadd.s32 $0x1, s18  }
0x1d: {  	p0 =	sne.s32 s18, $0x28  }
.Ltmp4:
0x1e: {  	_ = 	snop;
	(pc) =	sbr.rel @!p0 .LBB2_12-.Ltmp4, $1  }
0x1f: {  	_ =	sdelay $0x3  }
.LBB2_4:
0x20: {  	s19 =	smul.u32 $0xFA0, s18;
	_ =	sdelay $0x1  }
0x21: {  	s19 =	sadd.s32 s6, s19  }
0x22: {  	s19 =	sshrl.u32 s19, $0x3  }
0x23: {  	s20 =	sadd.s32 s4, s19  }
0x24: {  	[tilespmem:s17], [sflag:$0x2] =	stream.linear.gather [hbm4b:s20+s17], $0xFA0, $0x38;
	[tilespmem:$0x18080] =	vst v63  }
0x25: {  	_ =	swait.ge [sflag:s9], $0xFA0  }
0x26: {  	[sflag:s9] =	ssyncset.done $0x0  }
0x27: {  	s19 =	sadd.s32 s2, s19;
	[sflag:s9] =	ssyncadd.s32 $0xFFFFF060  }
0x28: {  	[tilespmem:s10], [sflag:$0x2] =	stream.linear.gather [hbm4b:s19+s17], $0xFA0, $0x38;
	[tilespmem:$0x18080] =	vst v63  }
0x29: {  	_ =	swait.ge [sflag:s9], $0xFA0  }
0x2a: {  	[sflag:s9] =	ssyncset.done $0x0  }
0x2b: {  	s20 =	simm.s32 $0x0;
	[sflag:s9] =	ssyncadd.s32 $0xFFFFF060  }
0x2c: {  	v6 =	vimm.s32 $0x0;
	v5 =	vimm.s32 $0x0;
	s19 =	simm.s32 $0x40;
	v4 =	vld [tilespmem:s20+$0x0]  }
.LBB2_5:
0x2d: {  	p0 =	sne.s32 s19, $0x3E40;
	_ =	sdelay $0x3  }
0x2e: {  	vm1 =	vge.s32 v4, v0;
	vm2 =	vlt.s32 v4, v1  }
0x2f: {  	vm1 =	vmand vm1, vm2  }
0x30: {  	v7 =	vsel vm1, $0x1, v3;
	v8 =	vmpcnt.ones.xlane vm1  }
0x31: {  	(xrf0) =	vadd.scan.msk.s32 $0xffff, v7  }
0x32: {  	v6 =	vadd.s32 v6, v8;
	_ =	sdelay $0x3  }
0x33: {  	v7 =	vsel vm1, $0xFFFFFFFF, v3  }
0x34: {  	v7 =	vadd.s32 v7, v5;
	v5 =	vmov v6;
	v8, _, _ =	vpop (xrf0)  }
0x35: {  	v9 =	vld [tilespmem:s20+$0x1000];
	v7 =	vadd.s32 v8, v7;
	_ =	sdelay $0x2  }
.Ltmp5:
0x36: {  	(pc) =	sbr.rel @p0 .LBB2_5-.Ltmp5, $4  }
0x37: {  	_ = 	snop  }
0x38: {  	v4 =	vsub.s32 v4, v0;
	[tilespmem:v7+s11+$0x0] =	vst.idx.msk vm1, v9  }
0x39: {  	s20 =	sshra.s32 s19, $0x2;
	[tilespmem:v7+s12+$0x0] =	vst.idx.msk vm1, v4  }
0x3a: {  	s19 =	sadd.s32 $0x40, s19;
	v4 =	vld [tilespmem:s20+$0x0]  }
0x3b: {  	_ =	sdelay $0x3  }
0x3c: {  	vm1 =	vge.s32 v4, v0;
	vm2 =	vlt.s32 v4, v1  }
0x3d: {  	vm1 =	vmand vm1, vm2  }
0x3e: {  	v7 =	vmpcnt.ones.xlane vm1;
	_ =	sdelay $0x1  }
0x3f: {  	v6 =	vadd.s32 v6, v7  }
0x40: {  	(v2sf) =	vpush v6, $0x0;
	_ =	sdelay $0xd  }
0x41: {  	v60 =	vsel vm1, $0x1, v3  }
0x42: {  	(xrf0) =	vadd.scan.msk.s32 $0xffff, v60;
	s19 =	spop (v2sf)  }
0x43: {  	s21 =	sadd.s32 $0xF, s19  }
0x44: {  	s22 =	sand.u32 $0xF, s21  }
0x45: {  	s31 =	sshra.s32 s21, $0x1F;
	p1 =	slt.s32 s21, $0x1;
	p0 =	sne.s32 s22, $0x0  }
0x46: {  	v63 =	vld [tilespmem:s20+$0x1000];
	s20 =	sshrl.u32 s31, $0x1C;
	p0 =	por !p1, !p0  }
0x47: {  	v61 =	vsel vm1, $0xFFFFFFFF, v3;
	s20 =	sadd.s32 s20, s21;
	s21 =	simm.s32 $0x1;
	p0 =	por !p0, !p0  }
0x48: {  	v5 =	vadd.s32 v61, v5;
	v62, _, _ =	vpop (xrf0);
	s20 =	sshra.s32 s20, $0x4;
	s21 =	simm.s32 @!p0 $0x0  }
0x49: {  	v5 =	vadd.s32 v62, v5;
	s20 =	ssub.s32 s20, s21  }
0x4a: {  	p0 =	slt.s32 s20, $0x1  }
.Ltmp6:
0x4b: {  	_ = 	snop;
	(pc) =	sbr.rel @p0 .LBB2_11-.Ltmp6, $3  }
0x4c: {  	_ =	sdelay $0x1  }
0x4d: {  	v4 =	vsub.s32 v4, v0;
	[tilespmem:v5+s11+$0x0] =	vst.idx.msk vm1, v63  }
0x4e: {  	[tilespmem:v5+s12+$0x0] =	vst.idx.msk vm1, v4  }
.Ltmp7:
0x4f: {  	(pc) =	sbr.rel .LBB2_8-.Ltmp7, $2  }
0x50: {  	_ =	sdelay $0x2  }
0x51: {  	s21 =	simm.s32 $0x2000;
	s22 =	simm.s32 $0x3000  }
.LBB2_10:
0x52: {  	s20 =	sadd.s32 $0xFFFFFFFF, s20  }
0x53: {  	p0 =	sne.s32 s20, $0x0  }
.Ltmp8:
0x54: {  	_ = 	snop;
	(pc) =	sbr.rel @!p0 .LBB2_11-.Ltmp8, $2  }
0x55: {  	_ =	sdelay $0x2  }
0x56: {  	s21 =	sadd.s32 $0x10, s21;
	s22 =	sadd.s32 $0x10, s22;
	s19 =	sadd.s32 $0xFFFFFFF0, s19  }
.LBB2_8:
0x57: {  	v4 =	vld [tilespmem:s21+$0x0];
	_ =	sdelay $0x4  }
0x58: {  	vm1 =	vgt.s32 v4, $0x0  }
0x59: {  	v4 =	vnsel vm1, $0x0, v4  }
0x5a: {  	v4 =	vmin.u32 v4, $0x270F;
	_ =	sdelay $0x4  }
0x5b: {  	[tilespmem:s14], [sflag:$0x1] =	stream.indirect_vreg.gather [hbm4b:s1+s5], $0x80, v4, vm0, $0xb8;
	[tilespmem:$0x18080] =	vst v63  }
0x5c: {  	_ =	swait.ge [sflag:s13], $0x800  }
0x5d: {  	[sflag:s13] =	ssyncset.done $0x0  }
0x5e: {  	[sflag:s13] =	ssyncadd.s32 $0xFFFFF800  }
0x5f: {  	v4 =	vld [tilespmem:s22+$0x0];
	_ =	sdelay $0x3  }
0x60: {  	p1 =	slt.s32 s19, $0x1  }
0x61: {  	(v2sf) =	vpush @!p1 v4, $0x0;
	_ =	sdelay $0xe  }
0x62: {  	s23 =	spop @!p1 (v2sf)  }
0x63: {  	s23 =	sshll.u32 @!p1 s23, $0x9  }
0x64: {  	v5 =	vld @!p1 [tilespmem:$0x4000];
	s23 =	sshra.s32 @!p1 s23, $0x2  }
0x65: {  	v6 =	vld @!p1 [tilespmem:s23+$0x4800];
	_ =	sdelay $0x4  }
0x66: {  	v5 =	vmax.f32 @!p1 v6, v5  }
0x67: {  	v6 =	vld @!p1 [tilespmem:s23+$0x4810];
	[tilespmem:s23+$0x4800] =	vst @!p1 v5  }
0x68: {  	v5 =	vld @!p1 [tilespmem:$0x4010];
	_ =	sdelay $0x4  }
0x69: {  	v5 =	vmax.f32 @!p1 v6, v5  }
0x6a: {  	v6 =	vld @!p1 [tilespmem:s23+$0x4820];
	[tilespmem:s23+$0x4810] =	vst @!p1 v5  }
0x6b: {  	v5 =	vld @!p1 [tilespmem:$0x4020];
	_ =	sdelay $0x4  }
0x6c: {  	v5 =	vmax.f32 @!p1 v6, v5  }
0x6d: {  	v6 =	vld @!p1 [tilespmem:s23+$0x4830];
	[tilespmem:s23+$0x4820] =	vst @!p1 v5  }
0x6e: {  	v5 =	vld @!p1 [tilespmem:$0x4030];
	_ =	sdelay $0x4  }
0x6f: {  	v5 =	vmax.f32 @!p1 v6, v5  }
0x70: {  	v6 =	vld @!p1 [tilespmem:s23+$0x4840];
	[tilespmem:s23+$0x4830] =	vst @!p1 v5  }
0x71: {  	v5 =	vld @!p1 [tilespmem:$0x4040];
	_ =	sdelay $0x4  }
0x72: {  	v5 =	vmax.f32 @!p1 v6, v5  }
0x73: {  	v6 =	vld @!p1 [tilespmem:s23+$0x4850];
	[tilespmem:s23+$0x4840] =	vst @!p1 v5  }
0x74: {  	v5 =	vld @!p1 [tilespmem:$0x4050];
	_ =	sdelay $0x1  }
0x75: {  	p0 =	seq.s32 @!p1 s19, $0x1  }
0x76: {  	p0 =	por p1, p0  }
0x77: {  	(v2sf) =	vpush @!p0 v4, $0x1  }
0x78: {  	v5 =	vmax.f32 @!p1 v6, v5  }
0x79: {  	v6 =	vld @!p1 [tilespmem:s23+$0x4860];
	[tilespmem:s23+$0x4850] =	vst @!p1 v5  }
0x7a: {  	v5 =	vld @!p1 [tilespmem:$0x4060];
	_ =	sdelay $0x4  }
0x7b: {  	v5 =	vmax.f32 @!p1 v6, v5  }
0x7c: {  	v6 =	vld @!p1 [tilespmem:s23+$0x4870];
	[tilespmem:s23+$0x4860] =	vst @!p1 v5  }
0x7d: {  	v5 =	vld @!p1 [tilespmem:$0x4070];
	_ =	sdelay $0x4  }
0x7e: {  	s24 =	spop @!p0 (v2sf);
	v5 =	vmax.f32 @!p1 v6, v5  }
0x7f: {  	[tilespmem:s23+$0x4870] =	vst @!p1 v5;
	s23 =	sshll.u32 @!p0 s24, $0x9  }
0x80: {  	v5 =	vld @!p0 [tilespmem:$0x4080];
	s23 =	sshra.s32 @!p0 s23, $0x2  }
0x81: {  	v6 =	vld @!p0 [tilespmem:s23+$0x4800];
	_ =	sdelay $0x4  }
0x82: {  	v5 =	vmax.f32 @!p0 v6, v5  }
0x83: {  	v6 =	vld @!p0 [tilespmem:s23+$0x4810];
	[tilespmem:s23+$0x4800] =	vst @!p0 v5  }
0x84: {  	v5 =	vld @!p0 [tilespmem:$0x4090];
	_ =	sdelay $0x4  }
0x85: {  	v5 =	vmax.f32 @!p0 v6, v5  }
0x86: {  	v6 =	vld @!p0 [tilespmem:s23+$0x4820];
	[tilespmem:s23+$0x4810] =	vst @!p0 v5  }
0x87: {  	v5 =	vld @!p0 [tilespmem:$0x40A0];
	_ =	sdelay $0x4  }
0x88: {  	v5 =	vmax.f32 @!p0 v6, v5  }
0x89: {  	v6 =	vld @!p0 [tilespmem:s23+$0x4830];
	[tilespmem:s23+$0x4820] =	vst @!p0 v5  }
0x8a: {  	v5 =	vld @!p0 [tilespmem:$0x40B0];
	_ =	sdelay $0x4  }
0x8b: {  	v5 =	vmax.f32 @!p0 v6, v5  }
0x8c: {  	v6 =	vld @!p0 [tilespmem:s23+$0x4840];
	[tilespmem:s23+$0x4830] =	vst @!p0 v5  }
0x8d: {  	v5 =	vld @!p0 [tilespmem:$0x40C0];
	_ =	sdelay $0x4  }
0x8e: {  	v5 =	vmax.f32 @!p0 v6, v5  }
0x8f: {  	v6 =	vld @!p0 [tilespmem:s23+$0x4850];
	[tilespmem:s23+$0x4840] =	vst @!p0 v5  }
0x90: {  	v5 =	vld @!p0 [tilespmem:$0x40D0];
	_ =	sdelay $0x1  }
0x91: {  	p1 =	slt.u32 @!p0 s19, $0x3  }
0x92: {  	p1 =	por p0, p1  }
0x93: {  	(v2sf) =	vpush @!p1 v4, $0x2  }
0x94: {  	v5 =	vmax.f32 @!p0 v6, v5  }
0x95: {  	v6 =	vld @!p0 [tilespmem:s23+$0x4860];
	[tilespmem:s23+$0x4850] =	vst @!p0 v5  }
0x96: {  	v5 =	vld @!p0 [tilespmem:$0x40E0];
	_ =	sdelay $0x4  }
0x97: {  	v5 =	vmax.f32 @!p0 v6, v5  }
0x98: {  	v6 =	vld @!p0 [tilespmem:s23+$0x4870];
	[tilespmem:s23+$0x4860] =	vst @!p0 v5  }
0x99: {  	v5 =	vld @!p0 [tilespmem:$0x40F0];
	_ =	sdelay $0x4  }
0x9a: {  	s24 =	spop @!p1 (v2sf);
	v5 =	vmax.f32 @!p0 v6, v5  }
0x9b: {  	[tilespmem:s23+$0x4870] =	vst @!p0 v5;
	s23 =	sshll.u32 @!p1 s24, $0x9  }
0x9c: {  	v5 =	vld @!p1 [tilespmem:$0x4100];
	s23 =	sshra.s32 @!p1 s23, $0x2  }
0x9d: {  	v6 =	vld @!p1 [tilespmem:s23+$0x4800];
	_ =	sdelay $0x4  }
0x9e: {  	v5 =	vmax.f32 @!p1 v6, v5  }
0x9f: {  	v6 =	vld @!p1 [tilespmem:s23+$0x4810];
	[tilespmem:s23+$0x4800] =	vst @!p1 v5  }
0xa0: {  	v5 =	vld @!p1 [tilespmem:$0x4110];
	_ =	sdelay $0x4  }
0xa1: {  	v5 =	vmax.f32 @!p1 v6, v5  }
0xa2: {  	v6 =	vld @!p1 [tilespmem:s23+$0x4820];
	[tilespmem:s23+$0x4810] =	vst @!p1 v5  }
0xa3: {  	v5 =	vld @!p1 [tilespmem:$0x4120];
	_ =	sdelay $0x4  }
0xa4: {  	v5 =	vmax.f32 @!p1 v6, v5  }
0xa5: {  	v6 =	vld @!p1 [tilespmem:s23+$0x4830];
	[tilespmem:s23+$0x4820] =	vst @!p1 v5  }
0xa6: {  	v5 =	vld @!p1 [tilespmem:$0x4130];
	_ =	sdelay $0x4  }
0xa7: {  	v5 =	vmax.f32 @!p1 v6, v5  }
0xa8: {  	v6 =	vld @!p1 [tilespmem:s23+$0x4840];
	[tilespmem:s23+$0x4830] =	vst @!p1 v5  }
0xa9: {  	v5 =	vld @!p1 [tilespmem:$0x4140];
	_ =	sdelay $0x4  }
0xaa: {  	v5 =	vmax.f32 @!p1 v6, v5  }
0xab: {  	v6 =	vld @!p1 [tilespmem:s23+$0x4850];
	[tilespmem:s23+$0x4840] =	vst @!p1 v5  }
0xac: {  	v5 =	vld @!p1 [tilespmem:$0x4150];
	_ =	sdelay $0x1  }
0xad: {  	p0 =	seq.s32 @!p1 s19, $0x3  }
0xae: {  	p0 =	por p1, p0  }
0xaf: {  	(v2sf) =	vpush @!p0 v4, $0x3  }
0xb0: {  	v5 =	vmax.f32 @!p1 v6, v5  }
0xb1: {  	v6 =	vld @!p1 [tilespmem:s23+$0x4860];
	[tilespmem:s23+$0x4850] =	vst @!p1 v5  }
0xb2: {  	v5 =	vld @!p1 [tilespmem:$0x4160];
	_ =	sdelay $0x4  }
0xb3: {  	v5 =	vmax.f32 @!p1 v6, v5  }
0xb4: {  	v6 =	vld @!p1 [tilespmem:s23+$0x4870];
	[tilespmem:s23+$0x4860] =	vst @!p1 v5  }
0xb5: {  	v5 =	vld @!p1 [tilespmem:$0x4170];
	_ =	sdelay $0x4  }
0xb6: {  	s24 =	spop @!p0 (v2sf);
	v5 =	vmax.f32 @!p1 v6, v5  }
0xb7: {  	[tilespmem:s23+$0x4870] =	vst @!p1 v5;
	s23 =	sshll.u32 @!p0 s24, $0x9  }
0xb8: {  	v5 =	vld @!p0 [tilespmem:$0x4180];
	s23 =	sshra.s32 @!p0 s23, $0x2  }
0xb9: {  	v6 =	vld @!p0 [tilespmem:s23+$0x4800];
	_ =	sdelay $0x4  }
0xba: {  	v5 =	vmax.f32 @!p0 v6, v5  }
0xbb: {  	v6 =	vld @!p0 [tilespmem:s23+$0x4810];
	[tilespmem:s23+$0x4800] =	vst @!p0 v5  }
0xbc: {  	v5 =	vld @!p0 [tilespmem:$0x4190];
	_ =	sdelay $0x4  }
0xbd: {  	v5 =	vmax.f32 @!p0 v6, v5  }
0xbe: {  	v6 =	vld @!p0 [tilespmem:s23+$0x4820];
	[tilespmem:s23+$0x4810] =	vst @!p0 v5  }
0xbf: {  	v5 =	vld @!p0 [tilespmem:$0x41A0];
	_ =	sdelay $0x4  }
0xc0: {  	v5 =	vmax.f32 @!p0 v6, v5  }
0xc1: {  	v6 =	vld @!p0 [tilespmem:s23+$0x4830];
	[tilespmem:s23+$0x4820] =	vst @!p0 v5  }
0xc2: {  	v5 =	vld @!p0 [tilespmem:$0x41B0];
	_ =	sdelay $0x4  }
0xc3: {  	v5 =	vmax.f32 @!p0 v6, v5  }
0xc4: {  	v6 =	vld @!p0 [tilespmem:s23+$0x4840];
	[tilespmem:s23+$0x4830] =	vst @!p0 v5  }
0xc5: {  	v5 =	vld @!p0 [tilespmem:$0x41C0];
	_ =	sdelay $0x4  }
0xc6: {  	v5 =	vmax.f32 @!p0 v6, v5  }
0xc7: {  	v6 =	vld @!p0 [tilespmem:s23+$0x4850];
	[tilespmem:s23+$0x4840] =	vst @!p0 v5  }
0xc8: {  	v5 =	vld @!p0 [tilespmem:$0x41D0];
	_ =	sdelay $0x1  }
0xc9: {  	p1 =	slt.u32 @!p0 s19, $0x5  }
0xca: {  	p1 =	por p0, p1  }
0xcb: {  	(v2sf) =	vpush @!p1 v4, $0x4  }
0xcc: {  	v5 =	vmax.f32 @!p0 v6, v5  }
0xcd: {  	v6 =	vld @!p0 [tilespmem:s23+$0x4860];
	[tilespmem:s23+$0x4850] =	vst @!p0 v5  }
0xce: {  	v5 =	vld @!p0 [tilespmem:$0x41E0];
	_ =	sdelay $0x4  }
0xcf: {  	v5 =	vmax.f32 @!p0 v6, v5  }
0xd0: {  	v6 =	vld @!p0 [tilespmem:s23+$0x4870];
	[tilespmem:s23+$0x4860] =	vst @!p0 v5  }
0xd1: {  	v5 =	vld @!p0 [tilespmem:$0x41F0];
	_ =	sdelay $0x4  }
0xd2: {  	s24 =	spop @!p1 (v2sf);
	v5 =	vmax.f32 @!p0 v6, v5  }
0xd3: {  	[tilespmem:s23+$0x4870] =	vst @!p0 v5;
	s23 =	sshll.u32 @!p1 s24, $0x9  }
0xd4: {  	v5 =	vld @!p1 [tilespmem:$0x4200];
	s23 =	sshra.s32 @!p1 s23, $0x2  }
0xd5: {  	v6 =	vld @!p1 [tilespmem:s23+$0x4800];
	_ =	sdelay $0x4  }
0xd6: {  	v5 =	vmax.f32 @!p1 v6, v5  }
0xd7: {  	v6 =	vld @!p1 [tilespmem:s23+$0x4810];
	[tilespmem:s23+$0x4800] =	vst @!p1 v5  }
0xd8: {  	v5 =	vld @!p1 [tilespmem:$0x4210];
	_ =	sdelay $0x4  }
0xd9: {  	v5 =	vmax.f32 @!p1 v6, v5  }
0xda: {  	v6 =	vld @!p1 [tilespmem:s23+$0x4820];
	[tilespmem:s23+$0x4810] =	vst @!p1 v5  }
0xdb: {  	v5 =	vld @!p1 [tilespmem:$0x4220];
	_ =	sdelay $0x4  }
0xdc: {  	v5 =	vmax.f32 @!p1 v6, v5  }
0xdd: {  	v6 =	vld @!p1 [tilespmem:s23+$0x4830];
	[tilespmem:s23+$0x4820] =	vst @!p1 v5  }
0xde: {  	v5 =	vld @!p1 [tilespmem:$0x4230];
	_ =	sdelay $0x4  }
0xdf: {  	v5 =	vmax.f32 @!p1 v6, v5  }
0xe0: {  	v6 =	vld @!p1 [tilespmem:s23+$0x4840];
	[tilespmem:s23+$0x4830] =	vst @!p1 v5  }
0xe1: {  	v5 =	vld @!p1 [tilespmem:$0x4240];
	_ =	sdelay $0x4  }
0xe2: {  	v5 =	vmax.f32 @!p1 v6, v5  }
0xe3: {  	v6 =	vld @!p1 [tilespmem:s23+$0x4850];
	[tilespmem:s23+$0x4840] =	vst @!p1 v5  }
0xe4: {  	v5 =	vld @!p1 [tilespmem:$0x4250];
	_ =	sdelay $0x1  }
0xe5: {  	p0 =	seq.s32 @!p1 s19, $0x5  }
0xe6: {  	p0 =	por p1, p0  }
0xe7: {  	(v2sf) =	vpush @!p0 v4, $0x5  }
0xe8: {  	v5 =	vmax.f32 @!p1 v6, v5  }
0xe9: {  	v6 =	vld @!p1 [tilespmem:s23+$0x4860];
	[tilespmem:s23+$0x4850] =	vst @!p1 v5  }
0xea: {  	v5 =	vld @!p1 [tilespmem:$0x4260];
	_ =	sdelay $0x4  }
0xeb: {  	v5 =	vmax.f32 @!p1 v6, v5  }
0xec: {  	v6 =	vld @!p1 [tilespmem:s23+$0x4870];
	[tilespmem:s23+$0x4860] =	vst @!p1 v5  }
0xed: {  	v5 =	vld @!p1 [tilespmem:$0x4270];
	_ =	sdelay $0x4  }
0xee: {  	s24 =	spop @!p0 (v2sf);
	v5 =	vmax.f32 @!p1 v6, v5  }
0xef: {  	[tilespmem:s23+$0x4870] =	vst @!p1 v5;
	s23 =	sshll.u32 @!p0 s24, $0x9  }
0xf0: {  	v5 =	vld @!p0 [tilespmem:$0x4280];
	s23 =	sshra.s32 @!p0 s23, $0x2  }
0xf1: {  	v6 =	vld @!p0 [tilespmem:s23+$0x4800];
	_ =	sdelay $0x4  }
0xf2: {  	v5 =	vmax.f32 @!p0 v6, v5  }
0xf3: {  	v6 =	vld @!p0 [tilespmem:s23+$0x4810];
	[tilespmem:s23+$0x4800] =	vst @!p0 v5  }
0xf4: {  	v5 =	vld @!p0 [tilespmem:$0x4290];
	_ =	sdelay $0x4  }
0xf5: {  	v5 =	vmax.f32 @!p0 v6, v5  }
0xf6: {  	v6 =	vld @!p0 [tilespmem:s23+$0x4820];
	[tilespmem:s23+$0x4810] =	vst @!p0 v5  }
0xf7: {  	v5 =	vld @!p0 [tilespmem:$0x42A0];
	_ =	sdelay $0x4  }
0xf8: {  	v5 =	vmax.f32 @!p0 v6, v5  }
0xf9: {  	v6 =	vld @!p0 [tilespmem:s23+$0x4830];
	[tilespmem:s23+$0x4820] =	vst @!p0 v5  }
0xfa: {  	v5 =	vld @!p0 [tilespmem:$0x42B0];
	_ =	sdelay $0x4  }
0xfb: {  	v5 =	vmax.f32 @!p0 v6, v5  }
0xfc: {  	v6 =	vld @!p0 [tilespmem:s23+$0x4840];
	[tilespmem:s23+$0x4830] =	vst @!p0 v5  }
0xfd: {  	v5 =	vld @!p0 [tilespmem:$0x42C0];
	_ =	sdelay $0x4  }
0xfe: {  	v5 =	vmax.f32 @!p0 v6, v5  }
0xff: {  	v6 =	vld @!p0 [tilespmem:s23+$0x4850];
	[tilespmem:s23+$0x4840] =	vst @!p0 v5  }
0x100: {  	v5 =	vld @!p0 [tilespmem:$0x42D0];
	_ =	sdelay $0x1  }
0x101: {  	p1 =	slt.u32 @!p0 s19, $0x7  }
0x102: {  	p1 =	por p0, p1  }
0x103: {  	(v2sf) =	vpush @!p1 v4, $0x6  }
0x104: {  	v5 =	vmax.f32 @!p0 v6, v5  }
0x105: {  	v6 =	vld @!p0 [tilespmem:s23+$0x4860];
	[tilespmem:s23+$0x4850] =	vst @!p0 v5  }
0x106: {  	v5 =	vld @!p0 [tilespmem:$0x42E0];
	_ =	sdelay $0x4  }
0x107: {  	v5 =	vmax.f32 @!p0 v6, v5  }
0x108: {  	v6 =	vld @!p0 [tilespmem:s23+$0x4870];
	[tilespmem:s23+$0x4860] =	vst @!p0 v5  }
0x109: {  	v5 =	vld @!p0 [tilespmem:$0x42F0];
	_ =	sdelay $0x4  }
0x10a: {  	s24 =	spop @!p1 (v2sf);
	v5 =	vmax.f32 @!p0 v6, v5  }
0x10b: {  	[tilespmem:s23+$0x4870] =	vst @!p0 v5;
	s23 =	sshll.u32 @!p1 s24, $0x9  }
0x10c: {  	v5 =	vld @!p1 [tilespmem:$0x4300];
	s23 =	sshra.s32 @!p1 s23, $0x2  }
0x10d: {  	v6 =	vld @!p1 [tilespmem:s23+$0x4800];
	_ =	sdelay $0x4  }
0x10e: {  	v5 =	vmax.f32 @!p1 v6, v5  }
0x10f: {  	v6 =	vld @!p1 [tilespmem:s23+$0x4810];
	[tilespmem:s23+$0x4800] =	vst @!p1 v5  }
0x110: {  	v5 =	vld @!p1 [tilespmem:$0x4310];
	_ =	sdelay $0x4  }
0x111: {  	v5 =	vmax.f32 @!p1 v6, v5  }
0x112: {  	v6 =	vld @!p1 [tilespmem:s23+$0x4820];
	[tilespmem:s23+$0x4810] =	vst @!p1 v5  }
0x113: {  	v5 =	vld @!p1 [tilespmem:$0x4320];
	_ =	sdelay $0x4  }
0x114: {  	v5 =	vmax.f32 @!p1 v6, v5  }
0x115: {  	v6 =	vld @!p1 [tilespmem:s23+$0x4830];
	[tilespmem:s23+$0x4820] =	vst @!p1 v5  }
0x116: {  	v5 =	vld @!p1 [tilespmem:$0x4330];
	_ =	sdelay $0x4  }
0x117: {  	v5 =	vmax.f32 @!p1 v6, v5  }
0x118: {  	v6 =	vld @!p1 [tilespmem:s23+$0x4840];
	[tilespmem:s23+$0x4830] =	vst @!p1 v5  }
0x119: {  	v5 =	vld @!p1 [tilespmem:$0x4340];
	_ =	sdelay $0x4  }
0x11a: {  	v5 =	vmax.f32 @!p1 v6, v5  }
0x11b: {  	v6 =	vld @!p1 [tilespmem:s23+$0x4850];
	[tilespmem:s23+$0x4840] =	vst @!p1 v5  }
0x11c: {  	v5 =	vld @!p1 [tilespmem:$0x4350];
	_ =	sdelay $0x1  }
0x11d: {  	p0 =	seq.s32 @!p1 s19, $0x7  }
0x11e: {  	p0 =	por p1, p0  }
0x11f: {  	(v2sf) =	vpush @!p0 v4, $0x7  }
0x120: {  	v5 =	vmax.f32 @!p1 v6, v5  }
0x121: {  	v6 =	vld @!p1 [tilespmem:s23+$0x4860];
	[tilespmem:s23+$0x4850] =	vst @!p1 v5  }
0x122: {  	v5 =	vld @!p1 [tilespmem:$0x4360];
	_ =	sdelay $0x4  }
0x123: {  	v5 =	vmax.f32 @!p1 v6, v5  }
0x124: {  	v6 =	vld @!p1 [tilespmem:s23+$0x4870];
	[tilespmem:s23+$0x4860] =	vst @!p1 v5  }
0x125: {  	v5 =	vld @!p1 [tilespmem:$0x4370];
	_ =	sdelay $0x4  }
0x126: {  	s24 =	spop @!p0 (v2sf);
	v5 =	vmax.f32 @!p1 v6, v5  }
0x127: {  	[tilespmem:s23+$0x4870] =	vst @!p1 v5;
	s23 =	sshll.u32 @!p0 s24, $0x9  }
0x128: {  	v5 =	vld @!p0 [tilespmem:$0x4380];
	s23 =	sshra.s32 @!p0 s23, $0x2  }
0x129: {  	v6 =	vld @!p0 [tilespmem:s23+$0x4800];
	_ =	sdelay $0x4  }
0x12a: {  	v5 =	vmax.f32 @!p0 v6, v5  }
0x12b: {  	v6 =	vld @!p0 [tilespmem:s23+$0x4810];
	[tilespmem:s23+$0x4800] =	vst @!p0 v5  }
0x12c: {  	v5 =	vld @!p0 [tilespmem:$0x4390];
	_ =	sdelay $0x4  }
0x12d: {  	v5 =	vmax.f32 @!p0 v6, v5  }
0x12e: {  	v6 =	vld @!p0 [tilespmem:s23+$0x4820];
	[tilespmem:s23+$0x4810] =	vst @!p0 v5  }
0x12f: {  	v5 =	vld @!p0 [tilespmem:$0x43A0];
	_ =	sdelay $0x4  }
0x130: {  	v5 =	vmax.f32 @!p0 v6, v5  }
0x131: {  	v6 =	vld @!p0 [tilespmem:s23+$0x4830];
	[tilespmem:s23+$0x4820] =	vst @!p0 v5  }
0x132: {  	v5 =	vld @!p0 [tilespmem:$0x43B0];
	_ =	sdelay $0x4  }
0x133: {  	v5 =	vmax.f32 @!p0 v6, v5  }
0x134: {  	v6 =	vld @!p0 [tilespmem:s23+$0x4840];
	[tilespmem:s23+$0x4830] =	vst @!p0 v5  }
0x135: {  	v5 =	vld @!p0 [tilespmem:$0x43C0];
	_ =	sdelay $0x4  }
0x136: {  	v5 =	vmax.f32 @!p0 v6, v5  }
0x137: {  	v6 =	vld @!p0 [tilespmem:s23+$0x4850];
	[tilespmem:s23+$0x4840] =	vst @!p0 v5  }
0x138: {  	v5 =	vld @!p0 [tilespmem:$0x43D0];
	_ =	sdelay $0x1  }
0x139: {  	p1 =	slt.u32 @!p0 s19, $0x9  }
0x13a: {  	p1 =	por p0, p1  }
0x13b: {  	(v2sf) =	vpush @!p1 v4, $0x8  }
0x13c: {  	v5 =	vmax.f32 @!p0 v6, v5  }
0x13d: {  	v6 =	vld @!p0 [tilespmem:s23+$0x4860];
	[tilespmem:s23+$0x4850] =	vst @!p0 v5  }
0x13e: {  	v5 =	vld @!p0 [tilespmem:$0x43E0];
	_ =	sdelay $0x4  }
0x13f: {  	v5 =	vmax.f32 @!p0 v6, v5  }
0x140: {  	v6 =	vld @!p0 [tilespmem:s23+$0x4870];
	[tilespmem:s23+$0x4860] =	vst @!p0 v5  }
0x141: {  	v5 =	vld @!p0 [tilespmem:$0x43F0];
	_ =	sdelay $0x4  }
0x142: {  	s24 =	spop @!p1 (v2sf);
	v5 =	vmax.f32 @!p0 v6, v5  }
0x143: {  	[tilespmem:s23+$0x4870] =	vst @!p0 v5;
	s23 =	sshll.u32 @!p1 s24, $0x9  }
0x144: {  	v5 =	vld @!p1 [tilespmem:$0x4400];
	s23 =	sshra.s32 @!p1 s23, $0x2  }
0x145: {  	v6 =	vld @!p1 [tilespmem:s23+$0x4800];
	_ =	sdelay $0x4  }
0x146: {  	v5 =	vmax.f32 @!p1 v6, v5  }
0x147: {  	v6 =	vld @!p1 [tilespmem:s23+$0x4810];
	[tilespmem:s23+$0x4800] =	vst @!p1 v5  }
0x148: {  	v5 =	vld @!p1 [tilespmem:$0x4410];
	_ =	sdelay $0x4  }
0x149: {  	v5 =	vmax.f32 @!p1 v6, v5  }
0x14a: {  	v6 =	vld @!p1 [tilespmem:s23+$0x4820];
	[tilespmem:s23+$0x4810] =	vst @!p1 v5  }
0x14b: {  	v5 =	vld @!p1 [tilespmem:$0x4420];
	_ =	sdelay $0x4  }
0x14c: {  	v5 =	vmax.f32 @!p1 v6, v5  }
0x14d: {  	v6 =	vld @!p1 [tilespmem:s23+$0x4830];
	[tilespmem:s23+$0x4820] =	vst @!p1 v5  }
0x14e: {  	v5 =	vld @!p1 [tilespmem:$0x4430];
	_ =	sdelay $0x4  }
0x14f: {  	v5 =	vmax.f32 @!p1 v6, v5  }
0x150: {  	v6 =	vld @!p1 [tilespmem:s23+$0x4840];
	[tilespmem:s23+$0x4830] =	vst @!p1 v5  }
0x151: {  	v5 =	vld @!p1 [tilespmem:$0x4440];
	_ =	sdelay $0x4  }
0x152: {  	v5 =	vmax.f32 @!p1 v6, v5  }
0x153: {  	v6 =	vld @!p1 [tilespmem:s23+$0x4850];
	[tilespmem:s23+$0x4840] =	vst @!p1 v5  }
0x154: {  	v5 =	vld @!p1 [tilespmem:$0x4450];
	_ =	sdelay $0x1  }
0x155: {  	p0 =	seq.s32 @!p1 s19, $0x9  }
0x156: {  	p0 =	por p1, p0  }
0x157: {  	(v2sf) =	vpush @!p0 v4, $0x9  }
0x158: {  	v5 =	vmax.f32 @!p1 v6, v5  }
0x159: {  	v6 =	vld @!p1 [tilespmem:s23+$0x4860];
	[tilespmem:s23+$0x4850] =	vst @!p1 v5  }
0x15a: {  	v5 =	vld @!p1 [tilespmem:$0x4460];
	_ =	sdelay $0x4  }
0x15b: {  	v5 =	vmax.f32 @!p1 v6, v5  }
0x15c: {  	v6 =	vld @!p1 [tilespmem:s23+$0x4870];
	[tilespmem:s23+$0x4860] =	vst @!p1 v5  }
0x15d: {  	v5 =	vld @!p1 [tilespmem:$0x4470];
	_ =	sdelay $0x4  }
0x15e: {  	s24 =	spop @!p0 (v2sf);
	v5 =	vmax.f32 @!p1 v6, v5  }
0x15f: {  	[tilespmem:s23+$0x4870] =	vst @!p1 v5;
	s23 =	sshll.u32 @!p0 s24, $0x9  }
0x160: {  	v5 =	vld @!p0 [tilespmem:$0x4480];
	s23 =	sshra.s32 @!p0 s23, $0x2  }
0x161: {  	v6 =	vld @!p0 [tilespmem:s23+$0x4800];
	_ =	sdelay $0x4  }
0x162: {  	v5 =	vmax.f32 @!p0 v6, v5  }
0x163: {  	v6 =	vld @!p0 [tilespmem:s23+$0x4810];
	[tilespmem:s23+$0x4800] =	vst @!p0 v5  }
0x164: {  	v5 =	vld @!p0 [tilespmem:$0x4490];
	_ =	sdelay $0x4  }
0x165: {  	v5 =	vmax.f32 @!p0 v6, v5  }
0x166: {  	v6 =	vld @!p0 [tilespmem:s23+$0x4820];
	[tilespmem:s23+$0x4810] =	vst @!p0 v5  }
0x167: {  	v5 =	vld @!p0 [tilespmem:$0x44A0];
	_ =	sdelay $0x4  }
0x168: {  	v5 =	vmax.f32 @!p0 v6, v5  }
0x169: {  	v6 =	vld @!p0 [tilespmem:s23+$0x4830];
	[tilespmem:s23+$0x4820] =	vst @!p0 v5  }
0x16a: {  	v5 =	vld @!p0 [tilespmem:$0x44B0];
	_ =	sdelay $0x4  }
0x16b: {  	v5 =	vmax.f32 @!p0 v6, v5  }
0x16c: {  	v6 =	vld @!p0 [tilespmem:s23+$0x4840];
	[tilespmem:s23+$0x4830] =	vst @!p0 v5  }
0x16d: {  	v5 =	vld @!p0 [tilespmem:$0x44C0];
	_ =	sdelay $0x4  }
0x16e: {  	v5 =	vmax.f32 @!p0 v6, v5  }
0x16f: {  	v6 =	vld @!p0 [tilespmem:s23+$0x4850];
	[tilespmem:s23+$0x4840] =	vst @!p0 v5  }
0x170: {  	v5 =	vld @!p0 [tilespmem:$0x44D0];
	_ =	sdelay $0x1  }
0x171: {  	p1 =	slt.u32 @!p0 s19, $0xB  }
0x172: {  	p1 =	por p0, p1  }
0x173: {  	(v2sf) =	vpush @!p1 v4, $0xA  }
0x174: {  	v5 =	vmax.f32 @!p0 v6, v5  }
0x175: {  	v6 =	vld @!p0 [tilespmem:s23+$0x4860];
	[tilespmem:s23+$0x4850] =	vst @!p0 v5  }
0x176: {  	v5 =	vld @!p0 [tilespmem:$0x44E0];
	_ =	sdelay $0x4  }
0x177: {  	v5 =	vmax.f32 @!p0 v6, v5  }
0x178: {  	v6 =	vld @!p0 [tilespmem:s23+$0x4870];
	[tilespmem:s23+$0x4860] =	vst @!p0 v5  }
0x179: {  	v5 =	vld @!p0 [tilespmem:$0x44F0];
	_ =	sdelay $0x4  }
0x17a: {  	s24 =	spop @!p1 (v2sf);
	v5 =	vmax.f32 @!p0 v6, v5  }
0x17b: {  	[tilespmem:s23+$0x4870] =	vst @!p0 v5;
	s23 =	sshll.u32 @!p1 s24, $0x9  }
0x17c: {  	v5 =	vld @!p1 [tilespmem:$0x4500];
	s23 =	sshra.s32 @!p1 s23, $0x2  }
0x17d: {  	v6 =	vld @!p1 [tilespmem:s23+$0x4800];
	_ =	sdelay $0x4  }
0x17e: {  	v5 =	vmax.f32 @!p1 v6, v5  }
0x17f: {  	v6 =	vld @!p1 [tilespmem:s23+$0x4810];
	[tilespmem:s23+$0x4800] =	vst @!p1 v5  }
0x180: {  	v5 =	vld @!p1 [tilespmem:$0x4510];
	_ =	sdelay $0x4  }
0x181: {  	v5 =	vmax.f32 @!p1 v6, v5  }
0x182: {  	v6 =	vld @!p1 [tilespmem:s23+$0x4820];
	[tilespmem:s23+$0x4810] =	vst @!p1 v5  }
0x183: {  	v5 =	vld @!p1 [tilespmem:$0x4520];
	_ =	sdelay $0x4  }
0x184: {  	v5 =	vmax.f32 @!p1 v6, v5  }
0x185: {  	v6 =	vld @!p1 [tilespmem:s23+$0x4830];
	[tilespmem:s23+$0x4820] =	vst @!p1 v5  }
0x186: {  	v5 =	vld @!p1 [tilespmem:$0x4530];
	_ =	sdelay $0x4  }
0x187: {  	v5 =	vmax.f32 @!p1 v6, v5  }
0x188: {  	v6 =	vld @!p1 [tilespmem:s23+$0x4840];
	[tilespmem:s23+$0x4830] =	vst @!p1 v5  }
0x189: {  	v5 =	vld @!p1 [tilespmem:$0x4540];
	_ =	sdelay $0x4  }
0x18a: {  	v5 =	vmax.f32 @!p1 v6, v5  }
0x18b: {  	v6 =	vld @!p1 [tilespmem:s23+$0x4850];
	[tilespmem:s23+$0x4840] =	vst @!p1 v5  }
0x18c: {  	v5 =	vld @!p1 [tilespmem:$0x4550];
	_ =	sdelay $0x1  }
0x18d: {  	p0 =	seq.s32 @!p1 s19, $0xB  }
0x18e: {  	p0 =	por p1, p0  }
0x18f: {  	(v2sf) =	vpush @!p0 v4, $0xB  }
0x190: {  	v5 =	vmax.f32 @!p1 v6, v5  }
0x191: {  	v6 =	vld @!p1 [tilespmem:s23+$0x4860];
	[tilespmem:s23+$0x4850] =	vst @!p1 v5  }
0x192: {  	v5 =	vld @!p1 [tilespmem:$0x4560];
	_ =	sdelay $0x4  }
0x193: {  	v5 =	vmax.f32 @!p1 v6, v5  }
0x194: {  	v6 =	vld @!p1 [tilespmem:s23+$0x4870];
	[tilespmem:s23+$0x4860] =	vst @!p1 v5  }
0x195: {  	v5 =	vld @!p1 [tilespmem:$0x4570];
	_ =	sdelay $0x4  }
0x196: {  	s24 =	spop @!p0 (v2sf);
	v5 =	vmax.f32 @!p1 v6, v5  }
0x197: {  	[tilespmem:s23+$0x4870] =	vst @!p1 v5;
	s23 =	sshll.u32 @!p0 s24, $0x9  }
0x198: {  	v5 =	vld @!p0 [tilespmem:$0x4580];
	s23 =	sshra.s32 @!p0 s23, $0x2  }
0x199: {  	v6 =	vld @!p0 [tilespmem:s23+$0x4800];
	_ =	sdelay $0x4  }
0x19a: {  	v5 =	vmax.f32 @!p0 v6, v5  }
0x19b: {  	v6 =	vld @!p0 [tilespmem:s23+$0x4810];
	[tilespmem:s23+$0x4800] =	vst @!p0 v5  }
0x19c: {  	v5 =	vld @!p0 [tilespmem:$0x4590];
	_ =	sdelay $0x4  }
0x19d: {  	v5 =	vmax.f32 @!p0 v6, v5  }
0x19e: {  	v6 =	vld @!p0 [tilespmem:s23+$0x4820];
	[tilespmem:s23+$0x4810] =	vst @!p0 v5  }
0x19f: {  	v5 =	vld @!p0 [tilespmem:$0x45A0];
	_ =	sdelay $0x4  }
0x1a0: {  	v5 =	vmax.f32 @!p0 v6, v5  }
0x1a1: {  	v6 =	vld @!p0 [tilespmem:s23+$0x4830];
	[tilespmem:s23+$0x4820] =	vst @!p0 v5  }
0x1a2: {  	v5 =	vld @!p0 [tilespmem:$0x45B0];
	_ =	sdelay $0x4  }
0x1a3: {  	v5 =	vmax.f32 @!p0 v6, v5  }
0x1a4: {  	v6 =	vld @!p0 [tilespmem:s23+$0x4840];
	[tilespmem:s23+$0x4830] =	vst @!p0 v5  }
0x1a5: {  	v5 =	vld @!p0 [tilespmem:$0x45C0];
	_ =	sdelay $0x4  }
0x1a6: {  	v5 =	vmax.f32 @!p0 v6, v5  }
0x1a7: {  	v6 =	vld @!p0 [tilespmem:s23+$0x4850];
	[tilespmem:s23+$0x4840] =	vst @!p0 v5  }
0x1a8: {  	v5 =	vld @!p0 [tilespmem:$0x45D0];
	_ =	sdelay $0x1  }
0x1a9: {  	p1 =	slt.u32 @!p0 s19, $0xD  }
0x1aa: {  	p1 =	por p0, p1  }
0x1ab: {  	(v2sf) =	vpush @!p1 v4, $0xC  }
0x1ac: {  	v5 =	vmax.f32 @!p0 v6, v5  }
0x1ad: {  	v6 =	vld @!p0 [tilespmem:s23+$0x4860];
	[tilespmem:s23+$0x4850] =	vst @!p0 v5  }
0x1ae: {  	v5 =	vld @!p0 [tilespmem:$0x45E0];
	_ =	sdelay $0x4  }
0x1af: {  	v5 =	vmax.f32 @!p0 v6, v5  }
0x1b0: {  	v6 =	vld @!p0 [tilespmem:s23+$0x4870];
	[tilespmem:s23+$0x4860] =	vst @!p0 v5  }
0x1b1: {  	v5 =	vld @!p0 [tilespmem:$0x45F0];
	_ =	sdelay $0x4  }
0x1b2: {  	s24 =	spop @!p1 (v2sf);
	v5 =	vmax.f32 @!p0 v6, v5  }
0x1b3: {  	[tilespmem:s23+$0x4870] =	vst @!p0 v5;
	s23 =	sshll.u32 @!p1 s24, $0x9  }
0x1b4: {  	v5 =	vld @!p1 [tilespmem:$0x4600];
	s23 =	sshra.s32 @!p1 s23, $0x2  }
0x1b5: {  	v6 =	vld @!p1 [tilespmem:s23+$0x4800];
	_ =	sdelay $0x4  }
0x1b6: {  	v5 =	vmax.f32 @!p1 v6, v5  }
0x1b7: {  	v6 =	vld @!p1 [tilespmem:s23+$0x4810];
	[tilespmem:s23+$0x4800] =	vst @!p1 v5  }
0x1b8: {  	v5 =	vld @!p1 [tilespmem:$0x4610];
	_ =	sdelay $0x4  }
0x1b9: {  	v5 =	vmax.f32 @!p1 v6, v5  }
0x1ba: {  	v6 =	vld @!p1 [tilespmem:s23+$0x4820];
	[tilespmem:s23+$0x4810] =	vst @!p1 v5  }
0x1bb: {  	v5 =	vld @!p1 [tilespmem:$0x4620];
	_ =	sdelay $0x4  }
0x1bc: {  	v5 =	vmax.f32 @!p1 v6, v5  }
0x1bd: {  	v6 =	vld @!p1 [tilespmem:s23+$0x4830];
	[tilespmem:s23+$0x4820] =	vst @!p1 v5  }
0x1be: {  	v5 =	vld @!p1 [tilespmem:$0x4630];
	_ =	sdelay $0x4  }
0x1bf: {  	v5 =	vmax.f32 @!p1 v6, v5  }
0x1c0: {  	v6 =	vld @!p1 [tilespmem:s23+$0x4840];
	[tilespmem:s23+$0x4830] =	vst @!p1 v5  }
0x1c1: {  	v5 =	vld @!p1 [tilespmem:$0x4640];
	_ =	sdelay $0x4  }
0x1c2: {  	v5 =	vmax.f32 @!p1 v6, v5  }
0x1c3: {  	v6 =	vld @!p1 [tilespmem:s23+$0x4850];
	[tilespmem:s23+$0x4840] =	vst @!p1 v5  }
0x1c4: {  	v5 =	vld @!p1 [tilespmem:$0x4650];
	_ =	sdelay $0x1  }
0x1c5: {  	p0 =	seq.s32 @!p1 s19, $0xD  }
0x1c6: {  	p0 =	por p1, p0  }
0x1c7: {  	(v2sf) =	vpush @!p0 v4, $0xD  }
0x1c8: {  	v5 =	vmax.f32 @!p1 v6, v5  }
0x1c9: {  	v6 =	vld @!p1 [tilespmem:s23+$0x4860];
	[tilespmem:s23+$0x4850] =	vst @!p1 v5  }
0x1ca: {  	v5 =	vld @!p1 [tilespmem:$0x4660];
	_ =	sdelay $0x4  }
0x1cb: {  	v5 =	vmax.f32 @!p1 v6, v5  }
0x1cc: {  	v6 =	vld @!p1 [tilespmem:s23+$0x4870];
	[tilespmem:s23+$0x4860] =	vst @!p1 v5  }
0x1cd: {  	v5 =	vld @!p1 [tilespmem:$0x4670];
	_ =	sdelay $0x4  }
0x1ce: {  	s24 =	spop @!p0 (v2sf);
	v5 =	vmax.f32 @!p1 v6, v5  }
0x1cf: {  	[tilespmem:s23+$0x4870] =	vst @!p1 v5;
	s23 =	sshll.u32 @!p0 s24, $0x9  }
0x1d0: {  	v5 =	vld @!p0 [tilespmem:$0x4680];
	s23 =	sshra.s32 @!p0 s23, $0x2  }
0x1d1: {  	v6 =	vld @!p0 [tilespmem:s23+$0x4800];
	_ =	sdelay $0x4  }
0x1d2: {  	v5 =	vmax.f32 @!p0 v6, v5  }
0x1d3: {  	v6 =	vld @!p0 [tilespmem:s23+$0x4810];
	[tilespmem:s23+$0x4800] =	vst @!p0 v5  }
0x1d4: {  	v5 =	vld @!p0 [tilespmem:$0x4690];
	_ =	sdelay $0x4  }
0x1d5: {  	v5 =	vmax.f32 @!p0 v6, v5  }
0x1d6: {  	v6 =	vld @!p0 [tilespmem:s23+$0x4820];
	[tilespmem:s23+$0x4810] =	vst @!p0 v5  }
0x1d7: {  	v5 =	vld @!p0 [tilespmem:$0x46A0];
	_ =	sdelay $0x4  }
0x1d8: {  	v5 =	vmax.f32 @!p0 v6, v5  }
0x1d9: {  	v6 =	vld @!p0 [tilespmem:s23+$0x4830];
	[tilespmem:s23+$0x4820] =	vst @!p0 v5  }
0x1da: {  	v5 =	vld @!p0 [tilespmem:$0x46B0];
	_ =	sdelay $0x4  }
0x1db: {  	v5 =	vmax.f32 @!p0 v6, v5  }
0x1dc: {  	v6 =	vld @!p0 [tilespmem:s23+$0x4840];
	[tilespmem:s23+$0x4830] =	vst @!p0 v5  }
0x1dd: {  	v5 =	vld @!p0 [tilespmem:$0x46C0];
	_ =	sdelay $0x4  }
0x1de: {  	v5 =	vmax.f32 @!p0 v6, v5  }
0x1df: {  	v6 =	vld @!p0 [tilespmem:s23+$0x4850];
	[tilespmem:s23+$0x4840] =	vst @!p0 v5  }
0x1e0: {  	v5 =	vld @!p0 [tilespmem:$0x46D0];
	_ =	sdelay $0x4  }
0x1e1: {  	v5 =	vmax.f32 @!p0 v6, v5  }
0x1e2: {  	v6 =	vld @!p0 [tilespmem:s23+$0x4860];
	[tilespmem:s23+$0x4850] =	vst @!p0 v5  }
0x1e3: {  	v5 =	vld @!p0 [tilespmem:$0x46E0];
	_ =	sdelay $0x4  }
0x1e4: {  	v5 =	vmax.f32 @!p0 v6, v5  }
0x1e5: {  	v6 =	vld @!p0 [tilespmem:s23+$0x4870];
	[tilespmem:s23+$0x4860] =	vst @!p0 v5  }
0x1e6: {  	p1 =	slt.u32 @!p0 s19, $0xF;
	v5 =	vld @!p0 [tilespmem:$0x46F0]  }
0x1e7: {  	p1 =	por p0, p1  }
.Ltmp9:
0x1e8: {  	_ = 	snop;
	(pc) =	sbr.rel @p1 .LBB2_10-.Ltmp9, $3  }
0x1e9: {  	_ =	sdelay $0x1  }
0x1ea: {  	v5 =	vmax.f32 @!p0 v6, v5  }
0x1eb: {  	[tilespmem:s23+$0x4870] =	vst @!p0 v5  }
0x1ec: {  	(v2sf) =	vpush v4, $0xE;
	_ =	sdelay $0xe  }
0x1ed: {  	s23 =	spop (v2sf)  }
0x1ee: {  	s23 =	sshll.u32 s23, $0x9  }
0x1ef: {  	v5 =	vld [tilespmem:$0x4700];
	s23 =	sshra.s32 s23, $0x2  }
0x1f0: {  	v6 =	vld [tilespmem:s23+$0x4800];
	_ =	sdelay $0x4  }
0x1f1: {  	v5 =	vmax.f32 v6, v5  }
0x1f2: {  	v59 =	vld [tilespmem:s23+$0x4810];
	[tilespmem:s23+$0x4800] =	vst v5  }
0x1f3: {  	v5 =	vld [tilespmem:$0x4710];
	_ =	sdelay $0x4  }
0x1f4: {  	v5 =	vmax.f32 v59, v5  }
0x1f5: {  	v60 =	vld [tilespmem:s23+$0x4820];
	[tilespmem:s23+$0x4810] =	vst v5  }
0x1f6: {  	v5 =	vld [tilespmem:$0x4720];
	_ =	sdelay $0x4  }
0x1f7: {  	v5 =	vmax.f32 v60, v5  }
0x1f8: {  	v61 =	vld [tilespmem:s23+$0x4830];
	[tilespmem:s23+$0x4820] =	vst v5  }
0x1f9: {  	v5 =	vld [tilespmem:$0x4730];
	_ =	sdelay $0x4  }
0x1fa: {  	v5 =	vmax.f32 v61, v5  }
0x1fb: {  	v62 =	vld [tilespmem:s23+$0x4840];
	[tilespmem:s23+$0x4830] =	vst v5  }
0x1fc: {  	v5 =	vld [tilespmem:$0x4740];
	_ =	sdelay $0x4  }
0x1fd: {  	v5 =	vmax.f32 v62, v5  }
0x1fe: {  	v63 =	vld [tilespmem:s23+$0x4850];
	[tilespmem:s23+$0x4840] =	vst v5  }
0x1ff: {  	v5 =	vld [tilespmem:$0x4750];
	_ =	sdelay $0x2  }
0x200: {  	p0 =	seq.s32 s19, $0xF  }
0x201: {  	(v2sf) =	vpush @!p0 v4, $0xF  }
0x202: {  	v5 =	vmax.f32 v63, v5  }
0x203: {  	[tilespmem:s23+$0x4850] =	vst v5;
	v5 =	vld [tilespmem:s23+$0x4860]  }
0x204: {  	v4 =	vld [tilespmem:$0x4760];
	_ =	sdelay $0x4  }
0x205: {  	v4 =	vmax.f32 v5, v4  }
0x206: {  	v5 =	vld [tilespmem:s23+$0x4870];
	[tilespmem:s23+$0x4860] =	vst v4  }
0x207: {  	v4 =	vld [tilespmem:$0x4770];
	_ =	sdelay $0x4  }
0x208: {  	s24 =	spop @!p0 (v2sf);
	v4 =	vmax.f32 v5, v4  }
0x209: {  	[tilespmem:s23+$0x4870] =	vst v4;
	s23 =	sshll.u32 @!p0 s24, $0x9  }
0x20a: {  	v4 =	vld @!p0 [tilespmem:$0x4780];
	s23 =	sshra.s32 @!p0 s23, $0x2  }
0x20b: {  	v5 =	vld @!p0 [tilespmem:s23+$0x4800];
	_ =	sdelay $0x4  }
0x20c: {  	v4 =	vmax.f32 @!p0 v5, v4  }
0x20d: {  	v5 =	vld @!p0 [tilespmem:s23+$0x4810];
	[tilespmem:s23+$0x4800] =	vst @!p0 v4  }
0x20e: {  	v4 =	vld @!p0 [tilespmem:$0x4790];
	_ =	sdelay $0x4  }
0x20f: {  	v4 =	vmax.f32 @!p0 v5, v4  }
0x210: {  	v5 =	vld @!p0 [tilespmem:s23+$0x4820];
	[tilespmem:s23+$0x4810] =	vst @!p0 v4  }
0x211: {  	v4 =	vld @!p0 [tilespmem:$0x47A0];
	_ =	sdelay $0x4  }
0x212: {  	v4 =	vmax.f32 @!p0 v5, v4  }
0x213: {  	v5 =	vld @!p0 [tilespmem:s23+$0x4830];
	[tilespmem:s23+$0x4820] =	vst @!p0 v4  }
0x214: {  	v4 =	vld @!p0 [tilespmem:$0x47B0];
	_ =	sdelay $0x4  }
0x215: {  	v4 =	vmax.f32 @!p0 v5, v4  }
0x216: {  	v5 =	vld @!p0 [tilespmem:s23+$0x4840];
	[tilespmem:s23+$0x4830] =	vst @!p0 v4  }
0x217: {  	v4 =	vld @!p0 [tilespmem:$0x47C0];
	_ =	sdelay $0x4  }
0x218: {  	v4 =	vmax.f32 @!p0 v5, v4  }
0x219: {  	v5 =	vld @!p0 [tilespmem:s23+$0x4850];
	[tilespmem:s23+$0x4840] =	vst @!p0 v4  }
0x21a: {  	v4 =	vld @!p0 [tilespmem:$0x47D0];
	_ =	sdelay $0x4  }
0x21b: {  	v4 =	vmax.f32 @!p0 v5, v4  }
0x21c: {  	v5 =	vld @!p0 [tilespmem:s23+$0x4860];
	[tilespmem:s23+$0x4850] =	vst @!p0 v4  }
0x21d: {  	v4 =	vld @!p0 [tilespmem:$0x47E0];
	_ =	sdelay $0x4  }
0x21e: {  	v4 =	vmax.f32 @!p0 v5, v4  }
0x21f: {  	v5 =	vld @!p0 [tilespmem:s23+$0x4870];
	[tilespmem:s23+$0x4860] =	vst @!p0 v4  }
0x220: {  	v4 =	vld @!p0 [tilespmem:$0x47F0];
	_ =	sdelay $0x1  }
.Ltmp10:
0x221: {  	_ = 	snop;
	(pc) =	sbr.rel .LBB2_10-.Ltmp10, $3  }
0x222: {  	_ =	sdelay $0x1  }
0x223: {  	v4 =	vmax.f32 @!p0 v5, v4  }
0x224: {  	[tilespmem:s23+$0x4870] =	vst @!p0 v4  }
.LBB2_13:
0x225: {  	_ =	sfence.sel $0x180000  }
0x226: {  	[bflag:$0x0] =	sbarrier.arrive $0xFFFF  }
0x227: {  	p0 =	sne.s32 s0, $0x0;
	_ =	strace $0x90000047  }
0x228: {  	s0 =	sadd.s32 @!p0 $0x100000, s3;
	[bflag:$0x2] =	sbarrier.arrive $0xFFFF  }
0x229: {  	[sflag:s0] =	ssyncadd.tile.s32 @!p0 $0x1;
	_ =	shalt  }
.Lfunc_end2:
_tile_overlayer_lowered:
.L_overlay_start_2:
0x22a: {  	(tag) =	ssettag $0x2  }
0x22b: {  	s0 =	rddreg [dreg:$0x0];
	s2 =	stileid.u32  }
0x22c: {  	s1 =	rddreg [dreg:$0x1];
	p0 =	sne.s32 s2, $0x0  }
0x22d: {  	s3 =	rddreg [dreg:$0x2];
	[bflag:$0x3] =	sbarrier.arrive $0xFFFF;
	s2 =	simm.s32 @!p0 $0x1C02  }
0x22e: {  	[timem:s3], [sflag:s2] =	dma.local @!p0 [hbm:s0], s1  }
0x22f: {  	s0 =	simm.s32 @!p0 $0x2  }
0x230: {  	_ =	swait.ge @!p0 [sflag:s0], s1  }
0x231: {  	s1 =	ssub.s32 @!p0 $0x0, s1;
	[sflag:s0] =	ssyncset.done @!p0 $0x0  }
0x232: {  	[sflag:s0] =	ssyncadd.s32 @!p0 s1  }
0x233: {  	[bflag:$0x3] =	sbarrier.arrive $0xFFFF  }
0x234: {  	_ =	shalt  }

</sc_bundles>
